<compile_context>
chip_gen: v7x
topology: tpu7x:2x2x1
jax: 0.10.2.dev20260603
libtpu: 0.0.44.dev20260713+nightly
codegen_flags: <defaults>
</compile_context>

<pallas_src>
import jax
import jax.numpy as jnp
from jax import lax
from jax.experimental import pallas as pl
from jax.experimental.pallas import tpu as pltpu
from jax.experimental.pallas import tpu_sc as plsc

_N = 10000
_D = 128
_E = 320000
_STEPS = 16
_HH = 64
_NS = 16
_NC = 2
_SCH = 128
_GCH = 256
_EPT = _E // _NS
_NGCH = 80
_NSCH = 2 * _NGCH
_EPADN = _NGCH * _GCH - _EPT
_TRASH = 112
_NPAD = _N + _TRASH
_RPT = _N // _NS
_RCH = 125
_NRCH = _RPT // _RCH
_G2 = _NGCH // 2
_ZPT = _NPAD // _NS
_ZSZ = (128, 128, 128, 128, 120)
_UA = (0, 375)
_UW = (125, 500)
_UY = (250, 625)


def _body(xs, srcs, dsts, ones_h, zeros_h, yh, wv,
          acc, idx_s, idx_d, bufs, gsem, ssem):
    c = lax.axis_index("c")
    s = lax.axis_index("s")
    yh_c = yh.at[c]
    wv_c = wv.at[c]
    xs_c = xs.at[c]

    pltpu.sync_copy(srcs.at[s], idx_s)
    pltpu.sync_copy(dsts.at[s], idx_d)
    pltpu.sync_copy(ones_h, bufs.at[pl.ds(0, _SCH)])

    z0 = s * _ZPT
    zoff = 0
    for zs in _ZSZ:
        pltpu.sync_copy(zeros_h.at[pl.ds(0, zs)],
                        acc.at[pl.ds(z0 + zoff, zs)])
        zoff += zs
    plsc.subcore_barrier()

    def deg_body(i, carry):
        sd = []
        for q in range(4):
            sd.append(pltpu.async_copy(bufs.at[pl.ds(0, _SCH)],
                                       acc.at[idx_d.at[4 * i + q]],
                                       ssem.at[q], add=True))
        for d in sd:
            d.wait()
        return carry
    lax.fori_loop(0, _NSCH // 4, deg_body, None)
    plsc.subcore_barrier()

    r0 = s * _RPT
    for k in range(_NRCH):
        rows = pl.ds(r0 + k * _RCH, _RCH)
        pltpu.sync_copy(acc.at[rows], bufs.at[pl.ds(0, _RCH)])

        def init_row(r, carry):
            for jj in range(_HH // 16):
                sl = pl.ds(jj * 16, 16)
                bufs[r, sl] = 0.5 / (1.0 + bufs[r, sl])
            return carry
        lax.fori_loop(0, _RCH, init_row, None)

        pltpu.sync_copy(bufs.at[pl.ds(0, _RCH)], wv_c.at[rows])
        pltpu.sync_copy(xs_c.at[rows], bufs.at[pl.ds(_RCH, _RCH)])
        pltpu.sync_copy(bufs.at[pl.ds(_RCH, _RCH)], yh_c.at[rows])
        pltpu.sync_copy(bufs.at[pl.ds(_RCH, _RCH)], acc.at[rows])
    plsc.subcore_barrier()

    def step(t, carry):
        pltpu.async_copy(yh_c.at[idx_s.at[0]],
                         bufs.at[pl.ds(0, _GCH)], gsem.at[0])

        def group2(gg, gcarry):
            g1 = pltpu.async_copy(yh_c.at[idx_s.at[2 * gg + 1]],
                                  bufs.at[pl.ds(_GCH, _GCH)], gsem.at[1])
            pltpu.make_async_copy(yh_c.at[idx_s.at[2 * gg]],
                                  bufs.at[pl.ds(0, _GCH)], gsem.at[0]).wait()
            s0 = []
            for q in range(2):
                j = 4 * gg + q
                s0.append(pltpu.async_copy(
                    bufs.at[pl.ds(q * _SCH, _SCH)],
                    acc.at[idx_d.at[j]], ssem.at[q], add=True))
            for d in s0:
                d.wait()

            @pl.when(gg < _G2 - 1)
            def _refill():
                pltpu.async_copy(yh_c.at[idx_s.at[2 * gg + 2]],
                                 bufs.at[pl.ds(0, _GCH)], gsem.at[0])

            g1.wait()
            s1 = []
            for q in range(2):
                j = 4 * gg + 2 + q
                s1.append(pltpu.async_copy(
                    bufs.at[pl.ds(_GCH + q * _SCH, _SCH)],
                    acc.at[idx_d.at[j]], ssem.at[2 + q], add=True))
            for d in s1:
                d.wait()
            return gcarry
        lax.fori_loop(0, _G2, group2, None)
        plsc.subcore_barrier()

        def fire_loads(k, p):
            rows = pl.ds(r0 + k * _RCH, _RCH)
            pltpu.async_copy(acc.at[rows],
                             bufs.at[pl.ds(_UA[p], _RCH)], gsem.at[3 * p])
            pltpu.async_copy(wv_c.at[rows],
                             bufs.at[pl.ds(_UW[p], _RCH)],
                             gsem.at[3 * p + 1])
            pltpu.async_copy(yh_c.at[rows],
                             bufs.at[pl.ds(_UY[p], _RCH)],
                             gsem.at[3 * p + 2])

        def wait_loads(k, p):
            rows = pl.ds(r0 + k * _RCH, _RCH)
            pltpu.make_async_copy(acc.at[rows],
                                  bufs.at[pl.ds(_UA[p], _RCH)],
                                  gsem.at[3 * p]).wait()
            pltpu.make_async_copy(wv_c.at[rows],
                                  bufs.at[pl.ds(_UW[p], _RCH)],
                                  gsem.at[3 * p + 1]).wait()
            pltpu.make_async_copy(yh_c.at[rows],
                                  bufs.at[pl.ds(_UY[p], _RCH)],
                                  gsem.at[3 * p + 2]).wait()

        fire_loads(0, 0)
        for k in range(_NRCH):
            p = k % 2
            rows = pl.ds(r0 + k * _RCH, _RCH)
            wait_loads(k, p)
            if k > 0:
                pltpu.make_async_copy(xs_c.at[rows], acc.at[rows],
                                      ssem.at[6]).wait()
            pltpu.async_copy(xs_c.at[rows], acc.at[rows], ssem.at[6])
            if k + 1 < _NRCH:
                if k >= 1:
                    pltpu.make_async_copy(
                        bufs.at[pl.ds(_UY[1 - p], _RCH)],
                        yh_c.at[rows], ssem.at[7 + (1 - p)]).wait()
                fire_loads(k + 1, 1 - p)

            uy = _UY[p]
            ua = _UA[p]
            uw = _UW[p]

            def upd_row(r, ucarry):
                for jj in range(_HH // 16):
                    sl = pl.ds(jj * 16, 16)
                    bufs[uy + r, sl] = (0.5 * bufs[uy + r, sl]
                                        + bufs[uw + r, sl]
                                        * bufs[ua + r, sl])
                return ucarry
            lax.fori_loop(0, _RCH, upd_row, None)

            pltpu.async_copy(bufs.at[pl.ds(uy, _RCH)], yh_c.at[rows],
                             ssem.at[7 + p])
        pltpu.make_async_copy(bufs.at[pl.ds(_UY[0], _RCH)],
                              yh_c.at[pl.ds(r0, _RCH)], ssem.at[7]).wait()
        pltpu.make_async_copy(bufs.at[pl.ds(_UY[1], _RCH)],
                              yh_c.at[pl.ds(r0, _RCH)], ssem.at[8]).wait()
        pltpu.make_async_copy(xs_c.at[pl.ds(r0, _RCH)],
                              acc.at[pl.ds(r0, _RCH)], ssem.at[6]).wait()
        plsc.subcore_barrier()
        return carry
    lax.fori_loop(0, _STEPS, step, None)


_sc_fn = pl.kernel(
    _body,
    out_type=[
        jax.ShapeDtypeStruct((_NC, _N, _HH), jnp.float32),
        jax.ShapeDtypeStruct((_NC, _N, _HH), jnp.float32),
    ],
    mesh=plsc.VectorSubcoreMesh(core_axis_name="c", subcore_axis_name="s"),
    compiler_params=pltpu.CompilerParams(use_tc_tiling_on_sc=False),
    scratch_types=[
        pltpu.VMEM_SHARED((_NPAD, _HH), jnp.float32),
        pltpu.VMEM((_NGCH, _GCH), jnp.int32),
        pltpu.VMEM((_NSCH, _SCH), jnp.int32),
        pltpu.VMEM((3 * _GCH, _HH), jnp.float32),
        pltpu.SemaphoreType.DMA((6,)),
        pltpu.SemaphoreType.DMA((9,)),
    ],
)


def kernel(x, edge_index):
    src = edge_index[0].astype(jnp.int32)
    dst = edge_index[1].astype(jnp.int32)

    src_t = src.reshape(_NS, _EPT)
    dst_t = dst.reshape(_NS, _EPT)
    pad_i = jnp.arange(_EPADN, dtype=jnp.int32)
    pad_src = jnp.broadcast_to((pad_i * 397) % _N, (_NS, _EPADN))
    pad_dst = jnp.broadcast_to(_N + pad_i % _TRASH, (_NS, _EPADN))
    srcs = jnp.concatenate([src_t, pad_src], axis=1)
    srcs = srcs.reshape(_NS, _NGCH, _GCH)
    dsts = jnp.concatenate([dst_t, pad_dst], axis=1)
    dsts = dsts.reshape(_NS, _NSCH, _SCH)

    xs = jnp.stack([x[:, :_HH], x[:, _HH:]])
    ones_h = jnp.ones((_SCH, _HH), jnp.float32)
    zeros_h = jnp.zeros((_SCH, _HH), jnp.float32)

    yh, _wv = _sc_fn(xs, srcs, dsts, ones_h, zeros_h)
    return jnp.concatenate([yh[0], yh[1]], axis=1)

# --- scband reference (transcript-rebuilt; emitter-appended) ---
"""Pipeline reference for scband-unfoldind-and-attention-40381282517564 (READ-ONLY COPY).

The authoritative reference and input builder live on the scoring server;
editing this copy changes nothing except your own understanding.
"""

import jax, jax.numpy as jnp
import numpy as np

N = 10000
D = 128
E = 320000
PROP_STEP = 16
LAM = 1.0
ALP = 1.0 / (LAM + 1.0)  # module uses alp=0 -> alp := 1/(lam+1)


def setup_inputs(seed: int = 0) -> dict:
    key = jax.random.key(seed)
    k1, k2 = jax.random.split(key)
    x = jax.random.normal(k1, (N, D), dtype=jnp.float32)
    edge_index = jax.random.randint(k2, (2, E), 0, N, dtype=jnp.int32)
    return {"x": x, "edge_index": edge_index}


def reference(x, edge_index):
    # UnfoldindAndAttention (TWIRLS) with init_att=False, attn_aft=-1, use_eta=False:
    # edge weights w = 1, deg = in-degrees, prop_step iterations of the
    # preconditioned unfolded update:
    #   Y <- (1-alp)*Y + alp*lam/(1+lam*deg) * (A Y) + alp/(1+lam*deg) * X
    src = edge_index[0]
    dst = edge_index[1]
    # g.in_degrees().float(): count of incoming edges per dst node
    deg = jnp.zeros((N,), dtype=jnp.float32).at[dst].add(1.0)
    deg_col = deg[:, None]  # [N, 1]
    inv = 1.0 / (1.0 + LAM * deg_col)

    def prop(Y):
        # u_mul_e('h','w') with w==1, then sum at dst: scatter-add of source feats
        msgs = jnp.take(Y, src, axis=0)  # gather [E, D]
        return jax.ops.segment_sum(msgs, dst, num_segments=N)

    Y = x
    for _ in range(PROP_STEP):
        Y = (1.0 - ALP) * Y + ALP * LAM * inv * prop(Y) + ALP * inv * x
    return Y

if __name__ == "__main__":
    import jax
    _d = setup_inputs()
    print(jax.jit(kernel)(*tuple(_d.values())))

</pallas_src>

<mosaic_0001>
#map = affine_map<(d0, d1) -> (0, 0, 0)>
#map1 = affine_map<(d0, d1) -> (0, 0)>
module attributes {stable_mosaic.version = 14 : i64} {
  func.func @_body(%arg0: i32, %arg1: i32, %arg2: memref<2x10000x64xf32, #tpu.memory_space<hbm>>, %arg3: memref<16x80x256xi32, #tpu.memory_space<hbm>>, %arg4: memref<16x160x128xi32, #tpu.memory_space<hbm>>, %arg5: memref<128x64xf32, #tpu.memory_space<hbm>>, %arg6: memref<128x64xf32, #tpu.memory_space<hbm>>, %arg7: memref<2x10000x64xf32, #tpu.memory_space<hbm>>, %arg8: memref<2x10000x64xf32, #tpu.memory_space<hbm>>, %arg9: memref<10112x64xf32, #tpu.memory_space<vmem_shared>>, %arg10: memref<80x256xi32, #tpu.memory_space<vmem>>, %arg11: memref<160x128xi32, #tpu.memory_space<vmem>>, %arg12: memref<768x64xf32, #tpu.memory_space<vmem>>, %arg13: memref<6x!tpu.dma_semaphore, #tpu.memory_space<semaphore_mem>>, %arg14: memref<9x!tpu.dma_semaphore, #tpu.memory_space<semaphore_mem>>) attributes {dimension_semantics = [#tpu.dimension_semantics<core_parallel>, #tpu.dimension_semantics<subcore_parallel>], iteration_bounds = array<i64: 2, 16>, scalar_prefetch = 0 : i64, scratch_operands = 6 : i64, tpu.core_type = #tpu.core_type<sc_vector_subcore>, window_params = [{transform_indices = #map}, {transform_indices = #map}, {transform_indices = #map}, {transform_indices = #map1}, {transform_indices = #map1}, {transform_indices = #map}, {transform_indices = #map}]} {
    "tpu.region"() ({
      %run_scoped3A = tpu.sem_alloc : memref<!tpu.dma_semaphore, #tpu.memory_space<semaphore_mem>>
      %dma_start3A = arith.constant 0 : i32
      %dma_start3A_58 = arith.constant 0 : i32
      %dma_start3A_59 = tpu.memref_slice %arg3[%arg1, %dma_start3A, %dma_start3A_58] : memref<16x80x256xi32, #tpu.memory_space<hbm>> -> memref<1x80x256xi32, #tpu.memory_space<hbm>>
      %dma_start3A_60 = tpu.memref_squeeze %dma_start3A_59 : memref<1x80x256xi32, #tpu.memory_space<hbm>> -> memref<80x256xi32, #tpu.memory_space<hbm>>
      %dma_start3A_61 = arith.constant 0 : i32
      %dma_start3A_62 = arith.constant 0 : i32
      %dma_start3A_63 = tpu.memref_slice %arg3[%arg1, %dma_start3A_61, %dma_start3A_62] : memref<16x80x256xi32, #tpu.memory_space<hbm>> -> memref<1x80x256xi32, #tpu.memory_space<hbm>>
      %dma_start3A_64 = tpu.memref_squeeze %dma_start3A_63 : memref<1x80x256xi32, #tpu.memory_space<hbm>> -> memref<80x256xi32, #tpu.memory_space<hbm>>
      tpu.enqueue_dma source(%dma_start3A_64 : memref<80x256xi32, #tpu.memory_space<hbm>>) target(%arg10 : memref<80x256xi32, #tpu.memory_space<vmem>>) target_semaphore(%run_scoped3A : memref<!tpu.dma_semaphore, #tpu.memory_space<semaphore_mem>>)
      %dma_wait3A = arith.constant 0 : i32
      %dma_wait3A_65 = arith.constant 0 : i32
      %dma_wait3A_66 = tpu.memref_slice %arg3[%arg1, %dma_wait3A, %dma_wait3A_65] : memref<16x80x256xi32, #tpu.memory_space<hbm>> -> memref<1x80x256xi32, #tpu.memory_space<hbm>>
      %dma_wait3A_67 = tpu.memref_squeeze %dma_wait3A_66 : memref<1x80x256xi32, #tpu.memory_space<hbm>> -> memref<80x256xi32, #tpu.memory_space<hbm>>
      %dma_wait3A_68 = arith.constant 0 : i32
      %dma_wait3A_69 = arith.constant 0 : i32
      %dma_wait3A_70 = tpu.memref_slice %arg3[%arg1, %dma_wait3A_68, %dma_wait3A_69] : memref<16x80x256xi32, #tpu.memory_space<hbm>> -> memref<1x80x256xi32, #tpu.memory_space<hbm>>
      %dma_wait3A_71 = tpu.memref_squeeze %dma_wait3A_70 : memref<1x80x256xi32, #tpu.memory_space<hbm>> -> memref<80x256xi32, #tpu.memory_space<hbm>>
      tpu.wait_dma2 semaphore(%run_scoped3A : memref<!tpu.dma_semaphore, #tpu.memory_space<semaphore_mem>>) src(%dma_wait3A_71 : memref<80x256xi32, #tpu.memory_space<hbm>>) dst(%arg10 : memref<80x256xi32, #tpu.memory_space<vmem>>)
      tpu.yield
    }) : () -> ()
    "tpu.region"() ({
      %run_scoped3A = tpu.sem_alloc : memref<!tpu.dma_semaphore, #tpu.memory_space<semaphore_mem>>
      %dma_start3A = arith.constant 0 : i32
      %dma_start3A_58 = arith.constant 0 : i32
      %dma_start3A_59 = tpu.memref_slice %arg4[%arg1, %dma_start3A, %dma_start3A_58] : memref<16x160x128xi32, #tpu.memory_space<hbm>> -> memref<1x160x128xi32, #tpu.memory_space<hbm>>
      %dma_start3A_60 = tpu.memref_squeeze %dma_start3A_59 : memref<1x160x128xi32, #tpu.memory_space<hbm>> -> memref<160x128xi32, #tpu.memory_space<hbm>>
      %dma_start3A_61 = arith.constant 0 : i32
      %dma_start3A_62 = arith.constant 0 : i32
      %dma_start3A_63 = tpu.memref_slice %arg4[%arg1, %dma_start3A_61, %dma_start3A_62] : memref<16x160x128xi32, #tpu.memory_space<hbm>> -> memref<1x160x128xi32, #tpu.memory_space<hbm>>
      %dma_start3A_64 = tpu.memref_squeeze %dma_start3A_63 : memref<1x160x128xi32, #tpu.memory_space<hbm>> -> memref<160x128xi32, #tpu.memory_space<hbm>>
      tpu.enqueue_dma source(%dma_start3A_64 : memref<160x128xi32, #tpu.memory_space<hbm>>) target(%arg11 : memref<160x128xi32, #tpu.memory_space<vmem>>) target_semaphore(%run_scoped3A : memref<!tpu.dma_semaphore, #tpu.memory_space<semaphore_mem>>)
      %dma_wait3A = arith.constant 0 : i32
      %dma_wait3A_65 = arith.constant 0 : i32
      %dma_wait3A_66 = tpu.memref_slice %arg4[%arg1, %dma_wait3A, %dma_wait3A_65] : memref<16x160x128xi32, #tpu.memory_space<hbm>> -> memref<1x160x128xi32, #tpu.memory_space<hbm>>
      %dma_wait3A_67 = tpu.memref_squeeze %dma_wait3A_66 : memref<1x160x128xi32, #tpu.memory_space<hbm>> -> memref<160x128xi32, #tpu.memory_space<hbm>>
      %dma_wait3A_68 = arith.constant 0 : i32
      %dma_wait3A_69 = arith.constant 0 : i32
      %dma_wait3A_70 = tpu.memref_slice %arg4[%arg1, %dma_wait3A_68, %dma_wait3A_69] : memref<16x160x128xi32, #tpu.memory_space<hbm>> -> memref<1x160x128xi32, #tpu.memory_space<hbm>>
      %dma_wait3A_71 = tpu.memref_squeeze %dma_wait3A_70 : memref<1x160x128xi32, #tpu.memory_space<hbm>> -> memref<160x128xi32, #tpu.memory_space<hbm>>
      tpu.wait_dma2 semaphore(%run_scoped3A : memref<!tpu.dma_semaphore, #tpu.memory_space<semaphore_mem>>) src(%dma_wait3A_71 : memref<160x128xi32, #tpu.memory_space<hbm>>) dst(%arg11 : memref<160x128xi32, #tpu.memory_space<vmem>>)
      tpu.yield
    }) : () -> ()
    "tpu.region"() ({
      %run_scoped3A = tpu.sem_alloc : memref<!tpu.dma_semaphore, #tpu.memory_space<semaphore_mem>>
      %dma_start3A = arith.constant 0 : i32
      %dma_start3A_58 = arith.constant 0 : i32
      %dma_start3A_59 = tpu.memref_slice %arg12[%dma_start3A, %dma_start3A_58] : memref<768x64xf32, #tpu.memory_space<vmem>> -> memref<128x64xf32, #tpu.memory_space<vmem>>
      %dma_start3A_60 = arith.constant 0 : i32
      %dma_start3A_61 = arith.constant 0 : i32
      %dma_start3A_62 = tpu.memref_slice %arg12[%dma_start3A_60, %dma_start3A_61] : memref<768x64xf32, #tpu.memory_space<vmem>> -> memref<128x64xf32, #tpu.memory_space<vmem>>
      tpu.enqueue_dma source(%arg5 : memref<128x64xf32, #tpu.memory_space<hbm>>) target(%dma_start3A_62 : memref<128x64xf32, #tpu.memory_space<vmem>>) target_semaphore(%run_scoped3A : memref<!tpu.dma_semaphore, #tpu.memory_space<semaphore_mem>>)
      %dma_wait3A = arith.constant 0 : i32
      %dma_wait3A_63 = arith.constant 0 : i32
      %dma_wait3A_64 = tpu.memref_slice %arg12[%dma_wait3A, %dma_wait3A_63] : memref<768x64xf32, #tpu.memory_space<vmem>> -> memref<128x64xf32, #tpu.memory_space<vmem>>
      %dma_wait3A_65 = arith.constant 0 : i32
      %dma_wait3A_66 = arith.constant 0 : i32
      %dma_wait3A_67 = tpu.memref_slice %arg12[%dma_wait3A_65, %dma_wait3A_66] : memref<768x64xf32, #tpu.memory_space<vmem>> -> memref<128x64xf32, #tpu.memory_space<vmem>>
      tpu.wait_dma2 semaphore(%run_scoped3A : memref<!tpu.dma_semaphore, #tpu.memory_space<semaphore_mem>>) src(%arg5 : memref<128x64xf32, #tpu.memory_space<hbm>>) dst(%dma_wait3A_67 : memref<128x64xf32, #tpu.memory_space<vmem>>)
      tpu.yield
    }) : () -> ()
    %mul3A = arith.constant 632 : i32
    %mul3A_0 = arith.muli %arg1, %mul3A : i32
    %add3A = arith.constant 0 : i32
    %add3A_1 = arith.addi %mul3A_0, %add3A : i32
    "tpu.region"() ({
      %run_scoped3A = tpu.sem_alloc : memref<!tpu.dma_semaphore, #tpu.memory_space<semaphore_mem>>
      %dma_start3A = arith.constant 0 : i32
      %dma_start3A_58 = tpu.memref_slice %arg9[%add3A_1, %dma_start3A] : memref<10112x64xf32, #tpu.memory_space<vmem_shared>> -> memref<128x64xf32, #tpu.memory_space<vmem_shared>>
      %dma_start3A_59 = arith.constant 0 : i32
      %dma_start3A_60 = arith.constant 0 : i32
      %dma_start3A_61 = tpu.memref_slice %arg6[%dma_start3A_59, %dma_start3A_60] : memref<128x64xf32, #tpu.memory_space<hbm>> -> memref<128x64xf32, #tpu.memory_space<hbm>>
      tpu.enqueue_dma source(%dma_start3A_61 : memref<128x64xf32, #tpu.memory_space<hbm>>) target(%dma_start3A_58 : memref<128x64xf32, #tpu.memory_space<vmem_shared>>) target_semaphore(%run_scoped3A : memref<!tpu.dma_semaphore, #tpu.memory_space<semaphore_mem>>)
      %dma_wait3A = arith.constant 0 : i32
      %dma_wait3A_62 = tpu.memref_slice %arg9[%add3A_1, %dma_wait3A] : memref<10112x64xf32, #tpu.memory_space<vmem_shared>> -> memref<128x64xf32, #tpu.memory_space<vmem_shared>>
      %dma_wait3A_63 = arith.constant 0 : i32
      %dma_wait3A_64 = arith.constant 0 : i32
      %dma_wait3A_65 = tpu.memref_slice %arg6[%dma_wait3A_63, %dma_wait3A_64] : memref<128x64xf32, #tpu.memory_space<hbm>> -> memref<128x64xf32, #tpu.memory_space<hbm>>
      tpu.wait_dma2 semaphore(%run_scoped3A : memref<!tpu.dma_semaphore, #tpu.memory_space<semaphore_mem>>) src(%dma_wait3A_65 : memref<128x64xf32, #tpu.memory_space<hbm>>) dst(%dma_wait3A_62 : memref<128x64xf32, #tpu.memory_space<vmem_shared>>)
      tpu.yield
    }) : () -> ()
    %add3A_2 = arith.constant 128 : i32
    %add3A_3 = arith.addi %mul3A_0, %add3A_2 : i32
    "tpu.region"() ({
      %run_scoped3A = tpu.sem_alloc : memref<!tpu.dma_semaphore, #tpu.memory_space<semaphore_mem>>
      %dma_start3A = arith.constant 0 : i32
      %dma_start3A_58 = tpu.memref_slice %arg9[%add3A_3, %dma_start3A] : memref<10112x64xf32, #tpu.memory_space<vmem_shared>> -> memref<128x64xf32, #tpu.memory_space<vmem_shared>>
      %dma_start3A_59 = arith.constant 0 : i32
      %dma_start3A_60 = arith.constant 0 : i32
      %dma_start3A_61 = tpu.memref_slice %arg6[%dma_start3A_59, %dma_start3A_60] : memref<128x64xf32, #tpu.memory_space<hbm>> -> memref<128x64xf32, #tpu.memory_space<hbm>>
      tpu.enqueue_dma source(%dma_start3A_61 : memref<128x64xf32, #tpu.memory_space<hbm>>) target(%dma_start3A_58 : memref<128x64xf32, #tpu.memory_space<vmem_shared>>) target_semaphore(%run_scoped3A : memref<!tpu.dma_semaphore, #tpu.memory_space<semaphore_mem>>)
      %dma_wait3A = arith.constant 0 : i32
      %dma_wait3A_62 = tpu.memref_slice %arg9[%add3A_3, %dma_wait3A] : memref<10112x64xf32, #tpu.memory_space<vmem_shared>> -> memref<128x64xf32, #tpu.memory_space<vmem_shared>>
      %dma_wait3A_63 = arith.constant 0 : i32
      %dma_wait3A_64 = arith.constant 0 : i32
      %dma_wait3A_65 = tpu.memref_slice %arg6[%dma_wait3A_63, %dma_wait3A_64] : memref<128x64xf32, #tpu.memory_space<hbm>> -> memref<128x64xf32, #tpu.memory_space<hbm>>
      tpu.wait_dma2 semaphore(%run_scoped3A : memref<!tpu.dma_semaphore, #tpu.memory_space<semaphore_mem>>) src(%dma_wait3A_65 : memref<128x64xf32, #tpu.memory_space<hbm>>) dst(%dma_wait3A_62 : memref<128x64xf32, #tpu.memory_space<vmem_shared>>)
      tpu.yield
    }) : () -> ()
    %add3A_4 = arith.constant 256 : i32
    %add3A_5 = arith.addi %mul3A_0, %add3A_4 : i32
    "tpu.region"() ({
      %run_scoped3A = tpu.sem_alloc : memref<!tpu.dma_semaphore, #tpu.memory_space<semaphore_mem>>
      %dma_start3A = arith.constant 0 : i32
      %dma_start3A_58 = tpu.memref_slice %arg9[%add3A_5, %dma_start3A] : memref<10112x64xf32, #tpu.memory_space<vmem_shared>> -> memref<128x64xf32, #tpu.memory_space<vmem_shared>>
      %dma_start3A_59 = arith.constant 0 : i32
      %dma_start3A_60 = arith.constant 0 : i32
      %dma_start3A_61 = tpu.memref_slice %arg6[%dma_start3A_59, %dma_start3A_60] : memref<128x64xf32, #tpu.memory_space<hbm>> -> memref<128x64xf32, #tpu.memory_space<hbm>>
      tpu.enqueue_dma source(%dma_start3A_61 : memref<128x64xf32, #tpu.memory_space<hbm>>) target(%dma_start3A_58 : memref<128x64xf32, #tpu.memory_space<vmem_shared>>) target_semaphore(%run_scoped3A : memref<!tpu.dma_semaphore, #tpu.memory_space<semaphore_mem>>)
      %dma_wait3A = arith.constant 0 : i32
      %dma_wait3A_62 = tpu.memref_slice %arg9[%add3A_5, %dma_wait3A] : memref<10112x64xf32, #tpu.memory_space<vmem_shared>> -> memref<128x64xf32, #tpu.memory_space<vmem_shared>>
      %dma_wait3A_63 = arith.constant 0 : i32
      %dma_wait3A_64 = arith.constant 0 : i32
      %dma_wait3A_65 = tpu.memref_slice %arg6[%dma_wait3A_63, %dma_wait3A_64] : memref<128x64xf32, #tpu.memory_space<hbm>> -> memref<128x64xf32, #tpu.memory_space<hbm>>
      tpu.wait_dma2 semaphore(%run_scoped3A : memref<!tpu.dma_semaphore, #tpu.memory_space<semaphore_mem>>) src(%dma_wait3A_65 : memref<128x64xf32, #tpu.memory_space<hbm>>) dst(%dma_wait3A_62 : memref<128x64xf32, #tpu.memory_space<vmem_shared>>)
      tpu.yield
    }) : () -> ()
    %add3A_6 = arith.constant 384 : i32
    %add3A_7 = arith.addi %mul3A_0, %add3A_6 : i32
    "tpu.region"() ({
      %run_scoped3A = tpu.sem_alloc : memref<!tpu.dma_semaphore, #tpu.memory_space<semaphore_mem>>
      %dma_start3A = arith.constant 0 : i32
      %dma_start3A_58 = tpu.memref_slice %arg9[%add3A_7, %dma_start3A] : memref<10112x64xf32, #tpu.memory_space<vmem_shared>> -> memref<128x64xf32, #tpu.memory_space<vmem_shared>>
      %dma_start3A_59 = arith.constant 0 : i32
      %dma_start3A_60 = arith.constant 0 : i32
      %dma_start3A_61 = tpu.memref_slice %arg6[%dma_start3A_59, %dma_start3A_60] : memref<128x64xf32, #tpu.memory_space<hbm>> -> memref<128x64xf32, #tpu.memory_space<hbm>>
      tpu.enqueue_dma source(%dma_start3A_61 : memref<128x64xf32, #tpu.memory_space<hbm>>) target(%dma_start3A_58 : memref<128x64xf32, #tpu.memory_space<vmem_shared>>) target_semaphore(%run_scoped3A : memref<!tpu.dma_semaphore, #tpu.memory_space<semaphore_mem>>)
      %dma_wait3A = arith.constant 0 : i32
      %dma_wait3A_62 = tpu.memref_slice %arg9[%add3A_7, %dma_wait3A] : memref<10112x64xf32, #tpu.memory_space<vmem_shared>> -> memref<128x64xf32, #tpu.memory_space<vmem_shared>>
      %dma_wait3A_63 = arith.constant 0 : i32
      %dma_wait3A_64 = arith.constant 0 : i32
      %dma_wait3A_65 = tpu.memref_slice %arg6[%dma_wait3A_63, %dma_wait3A_64] : memref<128x64xf32, #tpu.memory_space<hbm>> -> memref<128x64xf32, #tpu.memory_space<hbm>>
      tpu.wait_dma2 semaphore(%run_scoped3A : memref<!tpu.dma_semaphore, #tpu.memory_space<semaphore_mem>>) src(%dma_wait3A_65 : memref<128x64xf32, #tpu.memory_space<hbm>>) dst(%dma_wait3A_62 : memref<128x64xf32, #tpu.memory_space<vmem_shared>>)
      tpu.yield
    }) : () -> ()
    %add3A_8 = arith.constant 512 : i32
    %add3A_9 = arith.addi %mul3A_0, %add3A_8 : i32
    "tpu.region"() ({
      %run_scoped3A = tpu.sem_alloc : memref<!tpu.dma_semaphore, #tpu.memory_space<semaphore_mem>>
      %dma_start3A = arith.constant 0 : i32
      %dma_start3A_58 = tpu.memref_slice %arg9[%add3A_9, %dma_start3A] : memref<10112x64xf32, #tpu.memory_space<vmem_shared>> -> memref<120x64xf32, #tpu.memory_space<vmem_shared>>
      %dma_start3A_59 = arith.constant 0 : i32
      %dma_start3A_60 = arith.constant 0 : i32
      %dma_start3A_61 = tpu.memref_slice %arg6[%dma_start3A_59, %dma_start3A_60] : memref<128x64xf32, #tpu.memory_space<hbm>> -> memref<120x64xf32, #tpu.memory_space<hbm>>
      tpu.enqueue_dma source(%dma_start3A_61 : memref<120x64xf32, #tpu.memory_space<hbm>>) target(%dma_start3A_58 : memref<120x64xf32, #tpu.memory_space<vmem_shared>>) target_semaphore(%run_scoped3A : memref<!tpu.dma_semaphore, #tpu.memory_space<semaphore_mem>>)
      %dma_wait3A = arith.constant 0 : i32
      %dma_wait3A_62 = tpu.memref_slice %arg9[%add3A_9, %dma_wait3A] : memref<10112x64xf32, #tpu.memory_space<vmem_shared>> -> memref<120x64xf32, #tpu.memory_space<vmem_shared>>
      %dma_wait3A_63 = arith.constant 0 : i32
      %dma_wait3A_64 = arith.constant 0 : i32
      %dma_wait3A_65 = tpu.memref_slice %arg6[%dma_wait3A_63, %dma_wait3A_64] : memref<128x64xf32, #tpu.memory_space<hbm>> -> memref<120x64xf32, #tpu.memory_space<hbm>>
      tpu.wait_dma2 semaphore(%run_scoped3A : memref<!tpu.dma_semaphore, #tpu.memory_space<semaphore_mem>>) src(%dma_wait3A_65 : memref<120x64xf32, #tpu.memory_space<hbm>>) dst(%dma_wait3A_62 : memref<120x64xf32, #tpu.memory_space<vmem_shared>>)
      tpu.yield
    }) : () -> ()
    %barrier3A = arith.constant 0 : index
    tpu.barrier barrier_id(%barrier3A)
    %scan3A = arith.constant 0 : i32
    %scan3A_10 = arith.constant 40 : i32
    %scan3A_11 = arith.addi %scan3A, %scan3A_10 : i32
    %scan3A_12 = arith.constant 1 : i32
    scf.for %scan3A_58 = %scan3A to %scan3A_11 step %scan3A_12  : i32 {
      %mul3A_59 = arith.constant 4 : i32
      %mul3A_60 = arith.muli %mul3A_59, %scan3A_58 : i32
      %add3A_61 = arith.constant 0 : i32
      %add3A_62 = arith.addi %mul3A_60, %add3A_61 : i32
      %dma_start3A = arith.constant 0 : i32
      %dma_start3A_63 = arith.constant 0 : i32
      %dma_start3A_64 = arith.constant 0 : i32
      %dma_start3A_65 = tpu.memref_slice %arg12[%dma_start3A_63, %dma_start3A_64] : memref<768x64xf32, #tpu.memory_space<vmem>> -> memref<128x64xf32, #tpu.memory_space<vmem>>
      %dma_start3A_66 = arith.constant 0 : i32
      %dma_start3A_67 = tpu.memref_slice %arg11[%add3A_62, %dma_start3A_66] : memref<160x128xi32, #tpu.memory_space<vmem>> -> memref<1x128xi32, #tpu.memory_space<vmem>>
      %dma_start3A_68 = tpu.memref_squeeze %dma_start3A_67 : memref<1x128xi32, #tpu.memory_space<vmem>> -> memref<128xi32, #tpu.memory_space<vmem>>
      %dma_start3A_69 = arith.constant 0 : i32
      %dma_start3A_70 = arith.constant 0 : i32
      %dma_start3A_71 = tpu.memref_slice %arg9[%dma_start3A_69, %dma_start3A_70] : memref<10112x64xf32, #tpu.memory_space<vmem_shared>> -> memref<10112x64xf32, #tpu.memory_space<vmem_shared>>
      %dma_start3A_72 = tpu.memref_slice %arg14[%dma_start3A] : memref<9x!tpu.dma_semaphore, #tpu.memory_space<semaphore_mem>> -> memref<1x!tpu.dma_semaphore, #tpu.memory_space<semaphore_mem>>
      %dma_start3A_73 = tpu.memref_squeeze %dma_start3A_72 : memref<1x!tpu.dma_semaphore, #tpu.memory_space<semaphore_mem>> -> memref<!tpu.dma_semaphore, #tpu.memory_space<semaphore_mem>>
      tpu.enqueue_indirect_dma source(%dma_start3A_65 : memref<128x64xf32, #tpu.memory_space<vmem>>) target(%dma_start3A_71 : memref<10112x64xf32, #tpu.memory_space<vmem_shared>>) offsets(%dma_start3A_68 : memref<128xi32, #tpu.memory_space<vmem>>) semaphore(%dma_start3A_73 : memref<!tpu.dma_semaphore, #tpu.memory_space<semaphore_mem>>) {add = true}
      %mul3A_74 = arith.constant 4 : i32
      %mul3A_75 = arith.muli %mul3A_74, %scan3A_58 : i32
      %add3A_76 = arith.constant 1 : i32
      %add3A_77 = arith.addi %mul3A_75, %add3A_76 : i32
      %dma_start3A_78 = arith.constant 1 : i32
      %dma_start3A_79 = arith.constant 0 : i32
      %dma_start3A_80 = arith.constant 0 : i32
      %dma_start3A_81 = tpu.memref_slice %arg12[%dma_start3A_79, %dma_start3A_80] : memref<768x64xf32, #tpu.memory_space<vmem>> -> memref<128x64xf32, #tpu.memory_space<vmem>>
      %dma_start3A_82 = arith.constant 0 : i32
      %dma_start3A_83 = tpu.memref_slice %arg11[%add3A_77, %dma_start3A_82] : memref<160x128xi32, #tpu.memory_space<vmem>> -> memref<1x128xi32, #tpu.memory_space<vmem>>
      %dma_start3A_84 = tpu.memref_squeeze %dma_start3A_83 : memref<1x128xi32, #tpu.memory_space<vmem>> -> memref<128xi32, #tpu.memory_space<vmem>>
      %dma_start3A_85 = arith.constant 0 : i32
      %dma_start3A_86 = arith.constant 0 : i32
      %dma_start3A_87 = tpu.memref_slice %arg9[%dma_start3A_85, %dma_start3A_86] : memref<10112x64xf32, #tpu.memory_space<vmem_shared>> -> memref<10112x64xf32, #tpu.memory_space<vmem_shared>>
      %dma_start3A_88 = tpu.memref_slice %arg14[%dma_start3A_78] : memref<9x!tpu.dma_semaphore, #tpu.memory_space<semaphore_mem>> -> memref<1x!tpu.dma_semaphore, #tpu.memory_space<semaphore_mem>>
      %dma_start3A_89 = tpu.memref_squeeze %dma_start3A_88 : memref<1x!tpu.dma_semaphore, #tpu.memory_space<semaphore_mem>> -> memref<!tpu.dma_semaphore, #tpu.memory_space<semaphore_mem>>
      tpu.enqueue_indirect_dma source(%dma_start3A_81 : memref<128x64xf32, #tpu.memory_space<vmem>>) target(%dma_start3A_87 : memref<10112x64xf32, #tpu.memory_space<vmem_shared>>) offsets(%dma_start3A_84 : memref<128xi32, #tpu.memory_space<vmem>>) semaphore(%dma_start3A_89 : memref<!tpu.dma_semaphore, #tpu.memory_space<semaphore_mem>>) {add = true}
      %mul3A_90 = arith.constant 4 : i32
      %mul3A_91 = arith.muli %mul3A_90, %scan3A_58 : i32
      %add3A_92 = arith.constant 2 : i32
      %add3A_93 = arith.addi %mul3A_91, %add3A_92 : i32
      %dma_start3A_94 = arith.constant 2 : i32
      %dma_start3A_95 = arith.constant 0 : i32
      %dma_start3A_96 = arith.constant 0 : i32
      %dma_start3A_97 = tpu.memref_slice %arg12[%dma_start3A_95, %dma_start3A_96] : memref<768x64xf32, #tpu.memory_space<vmem>> -> memref<128x64xf32, #tpu.memory_space<vmem>>
      %dma_start3A_98 = arith.constant 0 : i32
      %dma_start3A_99 = tpu.memref_slice %arg11[%add3A_93, %dma_start3A_98] : memref<160x128xi32, #tpu.memory_space<vmem>> -> memref<1x128xi32, #tpu.memory_space<vmem>>
      %dma_start3A_100 = tpu.memref_squeeze %dma_start3A_99 : memref<1x128xi32, #tpu.memory_space<vmem>> -> memref<128xi32, #tpu.memory_space<vmem>>
      %dma_start3A_101 = arith.constant 0 : i32
      %dma_start3A_102 = arith.constant 0 : i32
      %dma_start3A_103 = tpu.memref_slice %arg9[%dma_start3A_101, %dma_start3A_102] : memref<10112x64xf32, #tpu.memory_space<vmem_shared>> -> memref<10112x64xf32, #tpu.memory_space<vmem_shared>>
      %dma_start3A_104 = tpu.memref_slice %arg14[%dma_start3A_94] : memref<9x!tpu.dma_semaphore, #tpu.memory_space<semaphore_mem>> -> memref<1x!tpu.dma_semaphore, #tpu.memory_space<semaphore_mem>>
      %dma_start3A_105 = tpu.memref_squeeze %dma_start3A_104 : memref<1x!tpu.dma_semaphore, #tpu.memory_space<semaphore_mem>> -> memref<!tpu.dma_semaphore, #tpu.memory_space<semaphore_mem>>
      tpu.enqueue_indirect_dma source(%dma_start3A_97 : memref<128x64xf32, #tpu.memory_space<vmem>>) target(%dma_start3A_103 : memref<10112x64xf32, #tpu.memory_space<vmem_shared>>) offsets(%dma_start3A_100 : memref<128xi32, #tpu.memory_space<vmem>>) semaphore(%dma_start3A_105 : memref<!tpu.dma_semaphore, #tpu.memory_space<semaphore_mem>>) {add = true}
      %mul3A_106 = arith.constant 4 : i32
      %mul3A_107 = arith.muli %mul3A_106, %scan3A_58 : i32
      %add3A_108 = arith.constant 3 : i32
      %add3A_109 = arith.addi %mul3A_107, %add3A_108 : i32
      %dma_start3A_110 = arith.constant 3 : i32
      %dma_start3A_111 = arith.constant 0 : i32
      %dma_start3A_112 = arith.constant 0 : i32
      %dma_start3A_113 = tpu.memref_slice %arg12[%dma_start3A_111, %dma_start3A_112] : memref<768x64xf32, #tpu.memory_space<vmem>> -> memref<128x64xf32, #tpu.memory_space<vmem>>
      %dma_start3A_114 = arith.constant 0 : i32
      %dma_start3A_115 = tpu.memref_slice %arg11[%add3A_109, %dma_start3A_114] : memref<160x128xi32, #tpu.memory_space<vmem>> -> memref<1x128xi32, #tpu.memory_space<vmem>>
      %dma_start3A_116 = tpu.memref_squeeze %dma_start3A_115 : memref<1x128xi32, #tpu.memory_space<vmem>> -> memref<128xi32, #tpu.memory_space<vmem>>
      %dma_start3A_117 = arith.constant 0 : i32
      %dma_start3A_118 = arith.constant 0 : i32
      %dma_start3A_119 = tpu.memref_slice %arg9[%dma_start3A_117, %dma_start3A_118] : memref<10112x64xf32, #tpu.memory_space<vmem_shared>> -> memref<10112x64xf32, #tpu.memory_space<vmem_shared>>
      %dma_start3A_120 = tpu.memref_slice %arg14[%dma_start3A_110] : memref<9x!tpu.dma_semaphore, #tpu.memory_space<semaphore_mem>> -> memref<1x!tpu.dma_semaphore, #tpu.memory_space<semaphore_mem>>
      %dma_start3A_121 = tpu.memref_squeeze %dma_start3A_120 : memref<1x!tpu.dma_semaphore, #tpu.memory_space<semaphore_mem>> -> memref<!tpu.dma_semaphore, #tpu.memory_space<semaphore_mem>>
      tpu.enqueue_indirect_dma source(%dma_start3A_113 : memref<128x64xf32, #tpu.memory_space<vmem>>) target(%dma_start3A_119 : memref<10112x64xf32, #tpu.memory_space<vmem_shared>>) offsets(%dma_start3A_116 : memref<128xi32, #tpu.memory_space<vmem>>) semaphore(%dma_start3A_121 : memref<!tpu.dma_semaphore, #tpu.memory_space<semaphore_mem>>) {add = true}
      %dma_wait3A = arith.constant 0 : i32
      %dma_wait3A_122 = arith.constant 0 : i32
      %dma_wait3A_123 = arith.constant 0 : i32
      %dma_wait3A_124 = tpu.memref_slice %arg12[%dma_wait3A_122, %dma_wait3A_123] : memref<768x64xf32, #tpu.memory_space<vmem>> -> memref<128x64xf32, #tpu.memory_space<vmem>>
      %dma_wait3A_125 = arith.constant 0 : i32
      %dma_wait3A_126 = tpu.memref_slice %arg11[%add3A_62, %dma_wait3A_125] : memref<160x128xi32, #tpu.memory_space<vmem>> -> memref<1x128xi32, #tpu.memory_space<vmem>>
      %dma_wait3A_127 = tpu.memref_squeeze %dma_wait3A_126 : memref<1x128xi32, #tpu.memory_space<vmem>> -> memref<128xi32, #tpu.memory_space<vmem>>
      %dma_wait3A_128 = arith.constant 0 : i32
      %dma_wait3A_129 = arith.constant 0 : i32
      %dma_wait3A_130 = tpu.memref_slice %arg9[%dma_wait3A_128, %dma_wait3A_129] : memref<10112x64xf32, #tpu.memory_space<vmem_shared>> -> memref<10112x64xf32, #tpu.memory_space<vmem_shared>>
      %dma_wait3A_131 = tpu.memref_slice %arg14[%dma_wait3A] : memref<9x!tpu.dma_semaphore, #tpu.memory_space<semaphore_mem>> -> memref<1x!tpu.dma_semaphore, #tpu.memory_space<semaphore_mem>>
      %dma_wait3A_132 = tpu.memref_squeeze %dma_wait3A_131 : memref<1x!tpu.dma_semaphore, #tpu.memory_space<semaphore_mem>> -> memref<!tpu.dma_semaphore, #tpu.memory_space<semaphore_mem>>
      tpu.wait_indirect_dma semaphore(%dma_wait3A_132 : memref<!tpu.dma_semaphore, #tpu.memory_space<semaphore_mem>>) src(%dma_wait3A_124 : memref<128x64xf32, #tpu.memory_space<vmem>>) dst(%dma_wait3A_130 : memref<10112x64xf32, #tpu.memory_space<vmem_shared>>)
      %dma_wait3A_133 = arith.constant 1 : i32
      %dma_wait3A_134 = arith.constant 0 : i32
      %dma_wait3A_135 = arith.constant 0 : i32
      %dma_wait3A_136 = tpu.memref_slice %arg12[%dma_wait3A_134, %dma_wait3A_135] : memref<768x64xf32, #tpu.memory_space<vmem>> -> memref<128x64xf32, #tpu.memory_space<vmem>>
      %dma_wait3A_137 = arith.constant 0 : i32
      %dma_wait3A_138 = tpu.memref_slice %arg11[%add3A_77, %dma_wait3A_137] : memref<160x128xi32, #tpu.memory_space<vmem>> -> memref<1x128xi32, #tpu.memory_space<vmem>>
      %dma_wait3A_139 = tpu.memref_squeeze %dma_wait3A_138 : memref<1x128xi32, #tpu.memory_space<vmem>> -> memref<128xi32, #tpu.memory_space<vmem>>
      %dma_wait3A_140 = arith.constant 0 : i32
      %dma_wait3A_141 = arith.constant 0 : i32
      %dma_wait3A_142 = tpu.memref_slice %arg9[%dma_wait3A_140, %dma_wait3A_141] : memref<10112x64xf32, #tpu.memory_space<vmem_shared>> -> memref<10112x64xf32, #tpu.memory_space<vmem_shared>>
      %dma_wait3A_143 = tpu.memref_slice %arg14[%dma_wait3A_133] : memref<9x!tpu.dma_semaphore, #tpu.memory_space<semaphore_mem>> -> memref<1x!tpu.dma_semaphore, #tpu.memory_space<semaphore_mem>>
      %dma_wait3A_144 = tpu.memref_squeeze %dma_wait3A_143 : memref<1x!tpu.dma_semaphore, #tpu.memory_space<semaphore_mem>> -> memref<!tpu.dma_semaphore, #tpu.memory_space<semaphore_mem>>
      tpu.wait_indirect_dma semaphore(%dma_wait3A_144 : memref<!tpu.dma_semaphore, #tpu.memory_space<semaphore_mem>>) src(%dma_wait3A_136 : memref<128x64xf32, #tpu.memory_space<vmem>>) dst(%dma_wait3A_142 : memref<10112x64xf32, #tpu.memory_space<vmem_shared>>)
      %dma_wait3A_145 = arith.constant 2 : i32
      %dma_wait3A_146 = arith.constant 0 : i32
      %dma_wait3A_147 = arith.constant 0 : i32
      %dma_wait3A_148 = tpu.memref_slice %arg12[%dma_wait3A_146, %dma_wait3A_147] : memref<768x64xf32, #tpu.memory_space<vmem>> -> memref<128x64xf32, #tpu.memory_space<vmem>>
      %dma_wait3A_149 = arith.constant 0 : i32
      %dma_wait3A_150 = tpu.memref_slice %arg11[%add3A_93, %dma_wait3A_149] : memref<160x128xi32, #tpu.memory_space<vmem>> -> memref<1x128xi32, #tpu.memory_space<vmem>>
      %dma_wait3A_151 = tpu.memref_squeeze %dma_wait3A_150 : memref<1x128xi32, #tpu.memory_space<vmem>> -> memref<128xi32, #tpu.memory_space<vmem>>
      %dma_wait3A_152 = arith.constant 0 : i32
      %dma_wait3A_153 = arith.constant 0 : i32
      %dma_wait3A_154 = tpu.memref_slice %arg9[%dma_wait3A_152, %dma_wait3A_153] : memref<10112x64xf32, #tpu.memory_space<vmem_shared>> -> memref<10112x64xf32, #tpu.memory_space<vmem_shared>>
      %dma_wait3A_155 = tpu.memref_slice %arg14[%dma_wait3A_145] : memref<9x!tpu.dma_semaphore, #tpu.memory_space<semaphore_mem>> -> memref<1x!tpu.dma_semaphore, #tpu.memory_space<semaphore_mem>>
      %dma_wait3A_156 = tpu.memref_squeeze %dma_wait3A_155 : memref<1x!tpu.dma_semaphore, #tpu.memory_space<semaphore_mem>> -> memref<!tpu.dma_semaphore, #tpu.memory_space<semaphore_mem>>
      tpu.wait_indirect_dma semaphore(%dma_wait3A_156 : memref<!tpu.dma_semaphore, #tpu.memory_space<semaphore_mem>>) src(%dma_wait3A_148 : memref<128x64xf32, #tpu.memory_space<vmem>>) dst(%dma_wait3A_154 : memref<10112x64xf32, #tpu.memory_space<vmem_shared>>)
      %dma_wait3A_157 = arith.constant 3 : i32
      %dma_wait3A_158 = arith.constant 0 : i32
      %dma_wait3A_159 = arith.constant 0 : i32
      %dma_wait3A_160 = tpu.memref_slice %arg12[%dma_wait3A_158, %dma_wait3A_159] : memref<768x64xf32, #tpu.memory_space<vmem>> -> memref<128x64xf32, #tpu.memory_space<vmem>>
      %dma_wait3A_161 = arith.constant 0 : i32
      %dma_wait3A_162 = tpu.memref_slice %arg11[%add3A_109, %dma_wait3A_161] : memref<160x128xi32, #tpu.memory_space<vmem>> -> memref<1x128xi32, #tpu.memory_space<vmem>>
      %dma_wait3A_163 = tpu.memref_squeeze %dma_wait3A_162 : memref<1x128xi32, #tpu.memory_space<vmem>> -> memref<128xi32, #tpu.memory_space<vmem>>
      %dma_wait3A_164 = arith.constant 0 : i32
      %dma_wait3A_165 = arith.constant 0 : i32
      %dma_wait3A_166 = tpu.memref_slice %arg9[%dma_wait3A_164, %dma_wait3A_165] : memref<10112x64xf32, #tpu.memory_space<vmem_shared>> -> memref<10112x64xf32, #tpu.memory_space<vmem_shared>>
      %dma_wait3A_167 = tpu.memref_slice %arg14[%dma_wait3A_157] : memref<9x!tpu.dma_semaphore, #tpu.memory_space<semaphore_mem>> -> memref<1x!tpu.dma_semaphore, #tpu.memory_space<semaphore_mem>>
      %dma_wait3A_168 = tpu.memref_squeeze %dma_wait3A_167 : memref<1x!tpu.dma_semaphore, #tpu.memory_space<semaphore_mem>> -> memref<!tpu.dma_semaphore, #tpu.memory_space<semaphore_mem>>
      tpu.wait_indirect_dma semaphore(%dma_wait3A_168 : memref<!tpu.dma_semaphore, #tpu.memory_space<semaphore_mem>>) src(%dma_wait3A_160 : memref<128x64xf32, #tpu.memory_space<vmem>>) dst(%dma_wait3A_166 : memref<10112x64xf32, #tpu.memory_space<vmem_shared>>)
    }
    %scan3A_13 = arith.constant 40 : i32
    %barrier3A_14 = arith.constant 0 : index
    tpu.barrier barrier_id(%barrier3A_14)
    %mul3A_15 = arith.constant 625 : i32
    %mul3A_16 = arith.muli %arg1, %mul3A_15 : i32
    %add3A_17 = arith.constant 0 : i32
    %add3A_18 = arith.addi %mul3A_16, %add3A_17 : i32
    "tpu.region"() ({
      %run_scoped3A = tpu.sem_alloc : memref<!tpu.dma_semaphore, #tpu.memory_space<semaphore_mem>>
      %dma_start3A = arith.constant 0 : i32
      %dma_start3A_58 = arith.constant 0 : i32
      %dma_start3A_59 = tpu.memref_slice %arg12[%dma_start3A, %dma_start3A_58] : memref<768x64xf32, #tpu.memory_space<vmem>> -> memref<125x64xf32, #tpu.memory_space<vmem>>
      %dma_start3A_60 = arith.constant 0 : i32
      %dma_start3A_61 = tpu.memref_slice %arg9[%add3A_18, %dma_start3A_60] : memref<10112x64xf32, #tpu.memory_space<vmem_shared>> -> memref<125x64xf32, #tpu.memory_space<vmem_shared>>
      %dma_start3A_62 = arith.constant 0 : i32
      %dma_start3A_63 = arith.constant 0 : i32
      %dma_start3A_64 = tpu.memref_slice %arg12[%dma_start3A_62, %dma_start3A_63] : memref<768x64xf32, #tpu.memory_space<vmem>> -> memref<125x64xf32, #tpu.memory_space<vmem>>
      %dma_start3A_65 = arith.constant 0 : i32
      %dma_start3A_66 = tpu.memref_slice %arg9[%add3A_18, %dma_start3A_65] : memref<10112x64xf32, #tpu.memory_space<vmem_shared>> -> memref<125x64xf32, #tpu.memory_space<vmem_shared>>
      tpu.enqueue_dma source(%dma_start3A_66 : memref<125x64xf32, #tpu.memory_space<vmem_shared>>) target(%dma_start3A_64 : memref<125x64xf32, #tpu.memory_space<vmem>>) target_semaphore(%run_scoped3A : memref<!tpu.dma_semaphore, #tpu.memory_space<semaphore_mem>>)
      %dma_wait3A = arith.constant 0 : i32
      %dma_wait3A_67 = arith.constant 0 : i32
      %dma_wait3A_68 = tpu.memref_slice %arg12[%dma_wait3A, %dma_wait3A_67] : memref<768x64xf32, #tpu.memory_space<vmem>> -> memref<125x64xf32, #tpu.memory_space<vmem>>
      %dma_wait3A_69 = arith.constant 0 : i32
      %dma_wait3A_70 = tpu.memref_slice %arg9[%add3A_18, %dma_wait3A_69] : memref<10112x64xf32, #tpu.memory_space<vmem_shared>> -> memref<125x64xf32, #tpu.memory_space<vmem_shared>>
      %dma_wait3A_71 = arith.constant 0 : i32
      %dma_wait3A_72 = arith.constant 0 : i32
      %dma_wait3A_73 = tpu.memref_slice %arg12[%dma_wait3A_71, %dma_wait3A_72] : memref<768x64xf32, #tpu.memory_space<vmem>> -> memref<125x64xf32, #tpu.memory_space<vmem>>
      %dma_wait3A_74 = arith.constant 0 : i32
      %dma_wait3A_75 = tpu.memref_slice %arg9[%add3A_18, %dma_wait3A_74] : memref<10112x64xf32, #tpu.memory_space<vmem_shared>> -> memref<125x64xf32, #tpu.memory_space<vmem_shared>>
      tpu.wait_dma2 semaphore(%run_scoped3A : memref<!tpu.dma_semaphore, #tpu.memory_space<semaphore_mem>>) src(%dma_wait3A_75 : memref<125x64xf32, #tpu.memory_space<vmem_shared>>) dst(%dma_wait3A_73 : memref<125x64xf32, #tpu.memory_space<vmem>>)
      tpu.yield
    }) : () -> ()
    %scan3A_19 = arith.constant 0 : i32
    %scan3A_20 = arith.constant 125 : i32
    %scan3A_21 = arith.addi %scan3A_19, %scan3A_20 : i32
    %scan3A_22 = arith.constant 1 : i32
    scf.for %scan3A_58 = %scan3A_19 to %scan3A_21 step %scan3A_22  : i32 {
      %get3A = arith.index_cast %scan3A_58 : i32 to index
      %get3A_59 = arith.constant 0 : index
      %get3A_60 = tpu.vector_load %arg12[%get3A, %get3A_59] {strides = array<i32>} : memref<768x64xf32, #tpu.memory_space<vmem>>, vector<1x16xf32>,
      %get3A_61 = vector.shape_cast %get3A_60 : vector<1x16xf32> to vector<16xf32>
      %add3A_62 = arith.constant 1.000000e+00 : f32
      %add3A_63 = vector.broadcast %add3A_62 : f32 to vector<16xf32>
      %add3A_64 = arith.addf %add3A_63, %get3A_61 : vector<16xf32>
      %div3A = arith.constant 5.000000e-01 : f32
      %div3A_65 = vector.broadcast %div3A : f32 to vector<16xf32>
      %div3A_66 = arith.divf %div3A_65, %add3A_64 : vector<16xf32>
      %swap3A = arith.index_cast %scan3A_58 : i32 to index
      %swap3A_67 = arith.constant 0 : index
      %swap3A_68 = tpu.vector_load %arg12[%swap3A, %swap3A_67] {strides = array<i32>} : memref<768x64xf32, #tpu.memory_space<vmem>>, vector<1x16xf32>,
      %swap3A_69 = vector.shape_cast %swap3A_68 : vector<1x16xf32> to vector<16xf32>
      %swap3A_70 = vector.shape_cast %div3A_66 : vector<16xf32> to vector<1x16xf32>
      tpu.vector_store %arg12[%swap3A, %swap3A_67], %swap3A_70 {strides = array<i32>} : memref<768x64xf32, #tpu.memory_space<vmem>>, vector<1x16xf32>,
      %get3A_71 = arith.index_cast %scan3A_58 : i32 to index
      %get3A_72 = arith.constant 16 : index
      %get3A_73 = tpu.vector_load %arg12[%get3A_71, %get3A_72] {strides = array<i32>} : memref<768x64xf32, #tpu.memory_space<vmem>>, vector<1x16xf32>,
      %get3A_74 = vector.shape_cast %get3A_73 : vector<1x16xf32> to vector<16xf32>
      %add3A_75 = arith.constant 1.000000e+00 : f32
      %add3A_76 = vector.broadcast %add3A_75 : f32 to vector<16xf32>
      %add3A_77 = arith.addf %add3A_76, %get3A_74 : vector<16xf32>
      %div3A_78 = arith.constant 5.000000e-01 : f32
      %div3A_79 = vector.broadcast %div3A_78 : f32 to vector<16xf32>
      %div3A_80 = arith.divf %div3A_79, %add3A_77 : vector<16xf32>
      %swap3A_81 = arith.index_cast %scan3A_58 : i32 to index
      %swap3A_82 = arith.constant 16 : index
      %swap3A_83 = tpu.vector_load %arg12[%swap3A_81, %swap3A_82] {strides = array<i32>} : memref<768x64xf32, #tpu.memory_space<vmem>>, vector<1x16xf32>,
      %swap3A_84 = vector.shape_cast %swap3A_83 : vector<1x16xf32> to vector<16xf32>
      %swap3A_85 = vector.shape_cast %div3A_80 : vector<16xf32> to vector<1x16xf32>
      tpu.vector_store %arg12[%swap3A_81, %swap3A_82], %swap3A_85 {strides = array<i32>} : memref<768x64xf32, #tpu.memory_space<vmem>>, vector<1x16xf32>,
      %get3A_86 = arith.index_cast %scan3A_58 : i32 to index
      %get3A_87 = arith.constant 32 : index
      %get3A_88 = tpu.vector_load %arg12[%get3A_86, %get3A_87] {strides = array<i32>} : memref<768x64xf32, #tpu.memory_space<vmem>>, vector<1x16xf32>,
      %get3A_89 = vector.shape_cast %get3A_88 : vector<1x16xf32> to vector<16xf32>
      %add3A_90 = arith.constant 1.000000e+00 : f32
      %add3A_91 = vector.broadcast %add3A_90 : f32 to vector<16xf32>
      %add3A_92 = arith.addf %add3A_91, %get3A_89 : vector<16xf32>
      %div3A_93 = arith.constant 5.000000e-01 : f32
      %div3A_94 = vector.broadcast %div3A_93 : f32 to vector<16xf32>
      %div3A_95 = arith.divf %div3A_94, %add3A_92 : vector<16xf32>
      %swap3A_96 = arith.index_cast %scan3A_58 : i32 to index
      %swap3A_97 = arith.constant 32 : index
      %swap3A_98 = tpu.vector_load %arg12[%swap3A_96, %swap3A_97] {strides = array<i32>} : memref<768x64xf32, #tpu.memory_space<vmem>>, vector<1x16xf32>,
      %swap3A_99 = vector.shape_cast %swap3A_98 : vector<1x16xf32> to vector<16xf32>
      %swap3A_100 = vector.shape_cast %div3A_95 : vector<16xf32> to vector<1x16xf32>
      tpu.vector_store %arg12[%swap3A_96, %swap3A_97], %swap3A_100 {strides = array<i32>} : memref<768x64xf32, #tpu.memory_space<vmem>>, vector<1x16xf32>,
      %get3A_101 = arith.index_cast %scan3A_58 : i32 to index
      %get3A_102 = arith.constant 48 : index
      %get3A_103 = tpu.vector_load %arg12[%get3A_101, %get3A_102] {strides = array<i32>} : memref<768x64xf32, #tpu.memory_space<vmem>>, vector<1x16xf32>,
      %get3A_104 = vector.shape_cast %get3A_103 : vector<1x16xf32> to vector<16xf32>
      %add3A_105 = arith.constant 1.000000e+00 : f32
      %add3A_106 = vector.broadcast %add3A_105 : f32 to vector<16xf32>
      %add3A_107 = arith.addf %add3A_106, %get3A_104 : vector<16xf32>
      %div3A_108 = arith.constant 5.000000e-01 : f32
      %div3A_109 = vector.broadcast %div3A_108 : f32 to vector<16xf32>
      %div3A_110 = arith.divf %div3A_109, %add3A_107 : vector<16xf32>
      %swap3A_111 = arith.index_cast %scan3A_58 : i32 to index
      %swap3A_112 = arith.constant 48 : index
      %swap3A_113 = tpu.vector_load %arg12[%swap3A_111, %swap3A_112] {strides = array<i32>} : memref<768x64xf32, #tpu.memory_space<vmem>>, vector<1x16xf32>,
      %swap3A_114 = vector.shape_cast %swap3A_113 : vector<1x16xf32> to vector<16xf32>
      %swap3A_115 = vector.shape_cast %div3A_110 : vector<16xf32> to vector<1x16xf32>
      tpu.vector_store %arg12[%swap3A_111, %swap3A_112], %swap3A_115 {strides = array<i32>} : memref<768x64xf32, #tpu.memory_space<vmem>>, vector<1x16xf32>,
    }
    %scan3A_23 = arith.constant 125 : i32
    "tpu.region"() ({
      %run_scoped3A = tpu.sem_alloc : memref<!tpu.dma_semaphore, #tpu.memory_space<semaphore_mem>>
      %dma_start3A = arith.constant 0 : i32
      %dma_start3A_58 = arith.constant 0 : i32
      %dma_start3A_59 = tpu.memref_slice %arg12[%dma_start3A, %dma_start3A_58] : memref<768x64xf32, #tpu.memory_space<vmem>> -> memref<125x64xf32, #tpu.memory_space<vmem>>
      %dma_start3A_60 = arith.constant 0 : i32
      %dma_start3A_61 = arith.constant 0 : i32
      %dma_start3A_62 = tpu.memref_slice %arg8[%arg0, %dma_start3A_60, %dma_start3A_61] : memref<2x10000x64xf32, #tpu.memory_space<hbm>> -> memref<1x10000x64xf32, #tpu.memory_space<hbm>>
      %dma_start3A_63 = tpu.memref_squeeze %dma_start3A_62 : memref<1x10000x64xf32, #tpu.memory_space<hbm>> -> memref<10000x64xf32, #tpu.memory_space<hbm>>
      %dma_start3A_64 = arith.constant 0 : i32
      %dma_start3A_65 = tpu.memref_slice %dma_start3A_63[%add3A_18, %dma_start3A_64] : memref<10000x64xf32, #tpu.memory_space<hbm>> -> memref<125x64xf32, #tpu.memory_space<hbm>>
      %dma_start3A_66 = arith.constant 0 : i32
      %dma_start3A_67 = arith.constant 0 : i32
      %dma_start3A_68 = tpu.memref_slice %arg8[%arg0, %dma_start3A_66, %dma_start3A_67] : memref<2x10000x64xf32, #tpu.memory_space<hbm>> -> memref<1x10000x64xf32, #tpu.memory_space<hbm>>
      %dma_start3A_69 = tpu.memref_squeeze %dma_start3A_68 : memref<1x10000x64xf32, #tpu.memory_space<hbm>> -> memref<10000x64xf32, #tpu.memory_space<hbm>>
      %dma_start3A_70 = arith.constant 0 : i32
      %dma_start3A_71 = tpu.memref_slice %dma_start3A_69[%add3A_18, %dma_start3A_70] : memref<10000x64xf32, #tpu.memory_space<hbm>> -> memref<125x64xf32, #tpu.memory_space<hbm>>
      %dma_start3A_72 = arith.constant 0 : i32
      %dma_start3A_73 = arith.constant 0 : i32
      %dma_start3A_74 = tpu.memref_slice %arg12[%dma_start3A_72, %dma_start3A_73] : memref<768x64xf32, #tpu.memory_space<vmem>> -> memref<125x64xf32, #tpu.memory_space<vmem>>
      tpu.enqueue_dma source(%dma_start3A_74 : memref<125x64xf32, #tpu.memory_space<vmem>>) target(%dma_start3A_71 : memref<125x64xf32, #tpu.memory_space<hbm>>) target_semaphore(%run_scoped3A : memref<!tpu.dma_semaphore, #tpu.memory_space<semaphore_mem>>)
      %dma_wait3A = arith.constant 0 : i32
      %dma_wait3A_75 = arith.constant 0 : i32
      %dma_wait3A_76 = tpu.memref_slice %arg12[%dma_wait3A, %dma_wait3A_75] : memref<768x64xf32, #tpu.memory_space<vmem>> -> memref<125x64xf32, #tpu.memory_space<vmem>>
      %dma_wait3A_77 = arith.constant 0 : i32
      %dma_wait3A_78 = arith.constant 0 : i32
      %dma_wait3A_79 = tpu.memref_slice %arg8[%arg0, %dma_wait3A_77, %dma_wait3A_78] : memref<2x10000x64xf32, #tpu.memory_space<hbm>> -> memref<1x10000x64xf32, #tpu.memory_space<hbm>>
      %dma_wait3A_80 = tpu.memref_squeeze %dma_wait3A_79 : memref<1x10000x64xf32, #tpu.memory_space<hbm>> -> memref<10000x64xf32, #tpu.memory_space<hbm>>
      %dma_wait3A_81 = arith.constant 0 : i32
      %dma_wait3A_82 = tpu.memref_slice %dma_wait3A_80[%add3A_18, %dma_wait3A_81] : memref<10000x64xf32, #tpu.memory_space<hbm>> -> memref<125x64xf32, #tpu.memory_space<hbm>>
      %dma_wait3A_83 = arith.constant 0 : i32
      %dma_wait3A_84 = arith.constant 0 : i32
      %dma_wait3A_85 = tpu.memref_slice %arg8[%arg0, %dma_wait3A_83, %dma_wait3A_84] : memref<2x10000x64xf32, #tpu.memory_space<hbm>> -> memref<1x10000x64xf32, #tpu.memory_space<hbm>>
      %dma_wait3A_86 = tpu.memref_squeeze %dma_wait3A_85 : memref<1x10000x64xf32, #tpu.memory_space<hbm>> -> memref<10000x64xf32, #tpu.memory_space<hbm>>
      %dma_wait3A_87 = arith.constant 0 : i32
      %dma_wait3A_88 = tpu.memref_slice %dma_wait3A_86[%add3A_18, %dma_wait3A_87] : memref<10000x64xf32, #tpu.memory_space<hbm>> -> memref<125x64xf32, #tpu.memory_space<hbm>>
      %dma_wait3A_89 = arith.constant 0 : i32
      %dma_wait3A_90 = arith.constant 0 : i32
      %dma_wait3A_91 = tpu.memref_slice %arg12[%dma_wait3A_89, %dma_wait3A_90] : memref<768x64xf32, #tpu.memory_space<vmem>> -> memref<125x64xf32, #tpu.memory_space<vmem>>
      tpu.wait_dma2 semaphore(%run_scoped3A : memref<!tpu.dma_semaphore, #tpu.memory_space<semaphore_mem>>) src(%dma_wait3A_91 : memref<125x64xf32, #tpu.memory_space<vmem>>) dst(%dma_wait3A_88 : memref<125x64xf32, #tpu.memory_space<hbm>>)
      tpu.yield
    }) : () -> ()
    "tpu.region"() ({
      %run_scoped3A = tpu.sem_alloc : memref<!tpu.dma_semaphore, #tpu.memory_space<semaphore_mem>>
      %dma_start3A = arith.constant 125 : i32
      %dma_start3A_58 = arith.constant 0 : i32
      %dma_start3A_59 = tpu.memref_slice %arg12[%dma_start3A, %dma_start3A_58] : memref<768x64xf32, #tpu.memory_space<vmem>> -> memref<125x64xf32, #tpu.memory_space<vmem>>
      %dma_start3A_60 = arith.constant 0 : i32
      %dma_start3A_61 = arith.constant 0 : i32
      %dma_start3A_62 = tpu.memref_slice %arg2[%arg0, %dma_start3A_60, %dma_start3A_61] : memref<2x10000x64xf32, #tpu.memory_space<hbm>> -> memref<1x10000x64xf32, #tpu.memory_space<hbm>>
      %dma_start3A_63 = tpu.memref_squeeze %dma_start3A_62 : memref<1x10000x64xf32, #tpu.memory_space<hbm>> -> memref<10000x64xf32, #tpu.memory_space<hbm>>
      %dma_start3A_64 = arith.constant 0 : i32
      %dma_start3A_65 = tpu.memref_slice %dma_start3A_63[%add3A_18, %dma_start3A_64] : memref<10000x64xf32, #tpu.memory_space<hbm>> -> memref<125x64xf32, #tpu.memory_space<hbm>>
      %dma_start3A_66 = arith.constant 125 : i32
      %dma_start3A_67 = arith.constant 0 : i32
      %dma_start3A_68 = tpu.memref_slice %arg12[%dma_start3A_66, %dma_start3A_67] : memref<768x64xf32, #tpu.memory_space<vmem>> -> memref<125x64xf32, #tpu.memory_space<vmem>>
      %dma_start3A_69 = arith.constant 0 : i32
      %dma_start3A_70 = arith.constant 0 : i32
      %dma_start3A_71 = tpu.memref_slice %arg2[%arg0, %dma_start3A_69, %dma_start3A_70] : memref<2x10000x64xf32, #tpu.memory_space<hbm>> -> memref<1x10000x64xf32, #tpu.memory_space<hbm>>
      %dma_start3A_72 = tpu.memref_squeeze %dma_start3A_71 : memref<1x10000x64xf32, #tpu.memory_space<hbm>> -> memref<10000x64xf32, #tpu.memory_space<hbm>>
      %dma_start3A_73 = arith.constant 0 : i32
      %dma_start3A_74 = tpu.memref_slice %dma_start3A_72[%add3A_18, %dma_start3A_73] : memref<10000x64xf32, #tpu.memory_space<hbm>> -> memref<125x64xf32, #tpu.memory_space<hbm>>
      tpu.enqueue_dma source(%dma_start3A_74 : memref<125x64xf32, #tpu.memory_space<hbm>>) target(%dma_start3A_68 : memref<125x64xf32, #tpu.memory_space<vmem>>) target_semaphore(%run_scoped3A : memref<!tpu.dma_semaphore, #tpu.memory_space<semaphore_mem>>)
      %dma_wait3A = arith.constant 125 : i32
      %dma_wait3A_75 = arith.constant 0 : i32
      %dma_wait3A_76 = tpu.memref_slice %arg12[%dma_wait3A, %dma_wait3A_75] : memref<768x64xf32, #tpu.memory_space<vmem>> -> memref<125x64xf32, #tpu.memory_space<vmem>>
      %dma_wait3A_77 = arith.constant 0 : i32
      %dma_wait3A_78 = arith.constant 0 : i32
      %dma_wait3A_79 = tpu.memref_slice %arg2[%arg0, %dma_wait3A_77, %dma_wait3A_78] : memref<2x10000x64xf32, #tpu.memory_space<hbm>> -> memref<1x10000x64xf32, #tpu.memory_space<hbm>>
      %dma_wait3A_80 = tpu.memref_squeeze %dma_wait3A_79 : memref<1x10000x64xf32, #tpu.memory_space<hbm>> -> memref<10000x64xf32, #tpu.memory_space<hbm>>
      %dma_wait3A_81 = arith.constant 0 : i32
      %dma_wait3A_82 = tpu.memref_slice %dma_wait3A_80[%add3A_18, %dma_wait3A_81] : memref<10000x64xf32, #tpu.memory_space<hbm>> -> memref<125x64xf32, #tpu.memory_space<hbm>>
      %dma_wait3A_83 = arith.constant 125 : i32
      %dma_wait3A_84 = arith.constant 0 : i32
      %dma_wait3A_85 = tpu.memref_slice %arg12[%dma_wait3A_83, %dma_wait3A_84] : memref<768x64xf32, #tpu.memory_space<vmem>> -> memref<125x64xf32, #tpu.memory_space<vmem>>
      %dma_wait3A_86 = arith.constant 0 : i32
      %dma_wait3A_87 = arith.constant 0 : i32
      %dma_wait3A_88 = tpu.memref_slice %arg2[%arg0, %dma_wait3A_86, %dma_wait3A_87] : memref<2x10000x64xf32, #tpu.memory_space<hbm>> -> memref<1x10000x64xf32, #tpu.memory_space<hbm>>
      %dma_wait3A_89 = tpu.memref_squeeze %dma_wait3A_88 : memref<1x10000x64xf32, #tpu.memory_space<hbm>> -> memref<10000x64xf32, #tpu.memory_space<hbm>>
      %dma_wait3A_90 = arith.constant 0 : i32
      %dma_wait3A_91 = tpu.memref_slice %dma_wait3A_89[%add3A_18, %dma_wait3A_90] : memref<10000x64xf32, #tpu.memory_space<hbm>> -> memref<125x64xf32, #tpu.memory_space<hbm>>
      tpu.wait_dma2 semaphore(%run_scoped3A : memref<!tpu.dma_semaphore, #tpu.memory_space<semaphore_mem>>) src(%dma_wait3A_91 : memref<125x64xf32, #tpu.memory_space<hbm>>) dst(%dma_wait3A_85 : memref<125x64xf32, #tpu.memory_space<vmem>>)
      tpu.yield
    }) : () -> ()
    "tpu.region"() ({
      %run_scoped3A = tpu.sem_alloc : memref<!tpu.dma_semaphore, #tpu.memory_space<semaphore_mem>>
      %dma_start3A = arith.constant 125 : i32
      %dma_start3A_58 = arith.constant 0 : i32
      %dma_start3A_59 = tpu.memref_slice %arg12[%dma_start3A, %dma_start3A_58] : memref<768x64xf32, #tpu.memory_space<vmem>> -> memref<125x64xf32, #tpu.memory_space<vmem>>
      %dma_start3A_60 = arith.constant 0 : i32
      %dma_start3A_61 = arith.constant 0 : i32
      %dma_start3A_62 = tpu.memref_slice %arg7[%arg0, %dma_start3A_60, %dma_start3A_61] : memref<2x10000x64xf32, #tpu.memory_space<hbm>> -> memref<1x10000x64xf32, #tpu.memory_space<hbm>>
      %dma_start3A_63 = tpu.memref_squeeze %dma_start3A_62 : memref<1x10000x64xf32, #tpu.memory_space<hbm>> -> memref<10000x64xf32, #tpu.memory_space<hbm>>
      %dma_start3A_64 = arith.constant 0 : i32
      %dma_start3A_65 = tpu.memref_slice %dma_start3A_63[%add3A_18, %dma_start3A_64] : memref<10000x64xf32, #tpu.memory_space<hbm>> -> memref<125x64xf32, #tpu.memory_space<hbm>>
      %dma_start3A_66 = arith.constant 0 : i32
      %dma_start3A_67 = arith.constant 0 : i32
      %dma_start3A_68 = tpu.memref_slice %arg7[%arg0, %dma_start3A_66, %dma_start3A_67] : memref<2x10000x64xf32, #tpu.memory_space<hbm>> -> memref<1x10000x64xf32, #tpu.memory_space<hbm>>
      %dma_start3A_69 = tpu.memref_squeeze %dma_start3A_68 : memref<1x10000x64xf32, #tpu.memory_space<hbm>> -> memref<10000x64xf32, #tpu.memory_space<hbm>>
      %dma_start3A_70 = arith.constant 0 : i32
      %dma_start3A_71 = tpu.memref_slice %dma_start3A_69[%add3A_18, %dma_start3A_70] : memref<10000x64xf32, #tpu.memory_space<hbm>> -> memref<125x64xf32, #tpu.memory_space<hbm>>
      %dma_start3A_72 = arith.constant 125 : i32
      %dma_start3A_73 = arith.constant 0 : i32
      %dma_start3A_74 = tpu.memref_slice %arg12[%dma_start3A_72, %dma_start3A_73] : memref<768x64xf32, #tpu.memory_space<vmem>> -> memref<125x64xf32, #tpu.memory_space<vmem>>
      tpu.enqueue_dma source(%dma_start3A_74 : memref<125x64xf32, #tpu.memory_space<vmem>>) target(%dma_start3A_71 : memref<125x64xf32, #tpu.memory_space<hbm>>) target_semaphore(%run_scoped3A : memref<!tpu.dma_semaphore, #tpu.memory_space<semaphore_mem>>)
      %dma_wait3A = arith.constant 125 : i32
      %dma_wait3A_75 = arith.constant 0 : i32
      %dma_wait3A_76 = tpu.memref_slice %arg12[%dma_wait3A, %dma_wait3A_75] : memref<768x64xf32, #tpu.memory_space<vmem>> -> memref<125x64xf32, #tpu.memory_space<vmem>>
      %dma_wait3A_77 = arith.constant 0 : i32
      %dma_wait3A_78 = arith.constant 0 : i32
      %dma_wait3A_79 = tpu.memref_slice %arg7[%arg0, %dma_wait3A_77, %dma_wait3A_78] : memref<2x10000x64xf32, #tpu.memory_space<hbm>> -> memref<1x10000x64xf32, #tpu.memory_space<hbm>>
      %dma_wait3A_80 = tpu.memref_squeeze %dma_wait3A_79 : memref<1x10000x64xf32, #tpu.memory_space<hbm>> -> memref<10000x64xf32, #tpu.memory_space<hbm>>
      %dma_wait3A_81 = arith.constant 0 : i32
      %dma_wait3A_82 = tpu.memref_slice %dma_wait3A_80[%add3A_18, %dma_wait3A_81] : memref<10000x64xf32, #tpu.memory_space<hbm>> -> memref<125x64xf32, #tpu.memory_space<hbm>>
      %dma_wait3A_83 = arith.constant 0 : i32
      %dma_wait3A_84 = arith.constant 0 : i32
      %dma_wait3A_85 = tpu.memref_slice %arg7[%arg0, %dma_wait3A_83, %dma_wait3A_84] : memref<2x10000x64xf32, #tpu.memory_space<hbm>> -> memref<1x10000x64xf32, #tpu.memory_space<hbm>>
      %dma_wait3A_86 = tpu.memref_squeeze %dma_wait3A_85 : memref<1x10000x64xf32, #tpu.memory_space<hbm>> -> memref<10000x64xf32, #tpu.memory_space<hbm>>
      %dma_wait3A_87 = arith.constant 0 : i32
      %dma_wait3A_88 = tpu.memref_slice %dma_wait3A_86[%add3A_18, %dma_wait3A_87] : memref<10000x64xf32, #tpu.memory_space<hbm>> -> memref<125x64xf32, #tpu.memory_space<hbm>>
      %dma_wait3A_89 = arith.constant 125 : i32
      %dma_wait3A_90 = arith.constant 0 : i32
      %dma_wait3A_91 = tpu.memref_slice %arg12[%dma_wait3A_89, %dma_wait3A_90] : memref<768x64xf32, #tpu.memory_space<vmem>> -> memref<125x64xf32, #tpu.memory_space<vmem>>
      tpu.wait_dma2 semaphore(%run_scoped3A : memref<!tpu.dma_semaphore, #tpu.memory_space<semaphore_mem>>) src(%dma_wait3A_91 : memref<125x64xf32, #tpu.memory_space<vmem>>) dst(%dma_wait3A_88 : memref<125x64xf32, #tpu.memory_space<hbm>>)
      tpu.yield
    }) : () -> ()
    "tpu.region"() ({
      %run_scoped3A = tpu.sem_alloc : memref<!tpu.dma_semaphore, #tpu.memory_space<semaphore_mem>>
      %dma_start3A = arith.constant 125 : i32
      %dma_start3A_58 = arith.constant 0 : i32
      %dma_start3A_59 = tpu.memref_slice %arg12[%dma_start3A, %dma_start3A_58] : memref<768x64xf32, #tpu.memory_space<vmem>> -> memref<125x64xf32, #tpu.memory_space<vmem>>
      %dma_start3A_60 = arith.constant 0 : i32
      %dma_start3A_61 = tpu.memref_slice %arg9[%add3A_18, %dma_start3A_60] : memref<10112x64xf32, #tpu.memory_space<vmem_shared>> -> memref<125x64xf32, #tpu.memory_space<vmem_shared>>
      %dma_start3A_62 = arith.constant 0 : i32
      %dma_start3A_63 = tpu.memref_slice %arg9[%add3A_18, %dma_start3A_62] : memref<10112x64xf32, #tpu.memory_space<vmem_shared>> -> memref<125x64xf32, #tpu.memory_space<vmem_shared>>
      %dma_start3A_64 = arith.constant 125 : i32
      %dma_start3A_65 = arith.constant 0 : i32
      %dma_start3A_66 = tpu.memref_slice %arg12[%dma_start3A_64, %dma_start3A_65] : memref<768x64xf32, #tpu.memory_space<vmem>> -> memref<125x64xf32, #tpu.memory_space<vmem>>
      tpu.enqueue_dma source(%dma_start3A_66 : memref<125x64xf32, #tpu.memory_space<vmem>>) target(%dma_start3A_63 : memref<125x64xf32, #tpu.memory_space<vmem_shared>>) target_semaphore(%run_scoped3A : memref<!tpu.dma_semaphore, #tpu.memory_space<semaphore_mem>>)
      %dma_wait3A = arith.constant 125 : i32
      %dma_wait3A_67 = arith.constant 0 : i32
      %dma_wait3A_68 = tpu.memref_slice %arg12[%dma_wait3A, %dma_wait3A_67] : memref<768x64xf32, #tpu.memory_space<vmem>> -> memref<125x64xf32, #tpu.memory_space<vmem>>
      %dma_wait3A_69 = arith.constant 0 : i32
      %dma_wait3A_70 = tpu.memref_slice %arg9[%add3A_18, %dma_wait3A_69] : memref<10112x64xf32, #tpu.memory_space<vmem_shared>> -> memref<125x64xf32, #tpu.memory_space<vmem_shared>>
      %dma_wait3A_71 = arith.constant 0 : i32
      %dma_wait3A_72 = tpu.memref_slice %arg9[%add3A_18, %dma_wait3A_71] : memref<10112x64xf32, #tpu.memory_space<vmem_shared>> -> memref<125x64xf32, #tpu.memory_space<vmem_shared>>
      %dma_wait3A_73 = arith.constant 125 : i32
      %dma_wait3A_74 = arith.constant 0 : i32
      %dma_wait3A_75 = tpu.memref_slice %arg12[%dma_wait3A_73, %dma_wait3A_74] : memref<768x64xf32, #tpu.memory_space<vmem>> -> memref<125x64xf32, #tpu.memory_space<vmem>>
      tpu.wait_dma2 semaphore(%run_scoped3A : memref<!tpu.dma_semaphore, #tpu.memory_space<semaphore_mem>>) src(%dma_wait3A_75 : memref<125x64xf32, #tpu.memory_space<vmem>>) dst(%dma_wait3A_72 : memref<125x64xf32, #tpu.memory_space<vmem_shared>>)
      tpu.yield
    }) : () -> ()
    %add3A_24 = arith.constant 125 : i32
    %add3A_25 = arith.addi %mul3A_16, %add3A_24 : i32
    "tpu.region"() ({
      %run_scoped3A = tpu.sem_alloc : memref<!tpu.dma_semaphore, #tpu.memory_space<semaphore_mem>>
      %dma_start3A = arith.constant 0 : i32
      %dma_start3A_58 = arith.constant 0 : i32
      %dma_start3A_59 = tpu.memref_slice %arg12[%dma_start3A, %dma_start3A_58] : memref<768x64xf32, #tpu.memory_space<vmem>> -> memref<125x64xf32, #tpu.memory_space<vmem>>
      %dma_start3A_60 = arith.constant 0 : i32
      %dma_start3A_61 = tpu.memref_slice %arg9[%add3A_25, %dma_start3A_60] : memref<10112x64xf32, #tpu.memory_space<vmem_shared>> -> memref<125x64xf32, #tpu.memory_space<vmem_shared>>
      %dma_start3A_62 = arith.constant 0 : i32
      %dma_start3A_63 = arith.constant 0 : i32
      %dma_start3A_64 = tpu.memref_slice %arg12[%dma_start3A_62, %dma_start3A_63] : memref<768x64xf32, #tpu.memory_space<vmem>> -> memref<125x64xf32, #tpu.memory_space<vmem>>
      %dma_start3A_65 = arith.constant 0 : i32
      %dma_start3A_66 = tpu.memref_slice %arg9[%add3A_25, %dma_start3A_65] : memref<10112x64xf32, #tpu.memory_space<vmem_shared>> -> memref<125x64xf32, #tpu.memory_space<vmem_shared>>
      tpu.enqueue_dma source(%dma_start3A_66 : memref<125x64xf32, #tpu.memory_space<vmem_shared>>) target(%dma_start3A_64 : memref<125x64xf32, #tpu.memory_space<vmem>>) target_semaphore(%run_scoped3A : memref<!tpu.dma_semaphore, #tpu.memory_space<semaphore_mem>>)
      %dma_wait3A = arith.constant 0 : i32
      %dma_wait3A_67 = arith.constant 0 : i32
      %dma_wait3A_68 = tpu.memref_slice %arg12[%dma_wait3A, %dma_wait3A_67] : memref<768x64xf32, #tpu.memory_space<vmem>> -> memref<125x64xf32, #tpu.memory_space<vmem>>
      %dma_wait3A_69 = arith.constant 0 : i32
      %dma_wait3A_70 = tpu.memref_slice %arg9[%add3A_25, %dma_wait3A_69] : memref<10112x64xf32, #tpu.memory_space<vmem_shared>> -> memref<125x64xf32, #tpu.memory_space<vmem_shared>>
      %dma_wait3A_71 = arith.constant 0 : i32
      %dma_wait3A_72 = arith.constant 0 : i32
      %dma_wait3A_73 = tpu.memref_slice %arg12[%dma_wait3A_71, %dma_wait3A_72] : memref<768x64xf32, #tpu.memory_space<vmem>> -> memref<125x64xf32, #tpu.memory_space<vmem>>
      %dma_wait3A_74 = arith.constant 0 : i32
      %dma_wait3A_75 = tpu.memref_slice %arg9[%add3A_25, %dma_wait3A_74] : memref<10112x64xf32, #tpu.memory_space<vmem_shared>> -> memref<125x64xf32, #tpu.memory_space<vmem_shared>>
      tpu.wait_dma2 semaphore(%run_scoped3A : memref<!tpu.dma_semaphore, #tpu.memory_space<semaphore_mem>>) src(%dma_wait3A_75 : memref<125x64xf32, #tpu.memory_space<vmem_shared>>) dst(%dma_wait3A_73 : memref<125x64xf32, #tpu.memory_space<vmem>>)
      tpu.yield
    }) : () -> ()
    %scan3A_26 = arith.constant 0 : i32
    %scan3A_27 = arith.constant 125 : i32
    %scan3A_28 = arith.addi %scan3A_26, %scan3A_27 : i32
    %scan3A_29 = arith.constant 1 : i32
    scf.for %scan3A_58 = %scan3A_26 to %scan3A_28 step %scan3A_29  : i32 {
      %get3A = arith.index_cast %scan3A_58 : i32 to index
      %get3A_59 = arith.constant 0 : index
      %get3A_60 = tpu.vector_load %arg12[%get3A, %get3A_59] {strides = array<i32>} : memref<768x64xf32, #tpu.memory_space<vmem>>, vector<1x16xf32>,
      %get3A_61 = vector.shape_cast %get3A_60 : vector<1x16xf32> to vector<16xf32>
      %add3A_62 = arith.constant 1.000000e+00 : f32
      %add3A_63 = vector.broadcast %add3A_62 : f32 to vector<16xf32>
      %add3A_64 = arith.addf %add3A_63, %get3A_61 : vector<16xf32>
      %div3A = arith.constant 5.000000e-01 : f32
      %div3A_65 = vector.broadcast %div3A : f32 to vector<16xf32>
      %div3A_66 = arith.divf %div3A_65, %add3A_64 : vector<16xf32>
      %swap3A = arith.index_cast %scan3A_58 : i32 to index
      %swap3A_67 = arith.constant 0 : index
      %swap3A_68 = tpu.vector_load %arg12[%swap3A, %swap3A_67] {strides = array<i32>} : memref<768x64xf32, #tpu.memory_space<vmem>>, vector<1x16xf32>,
      %swap3A_69 = vector.shape_cast %swap3A_68 : vector<1x16xf32> to vector<16xf32>
      %swap3A_70 = vector.shape_cast %div3A_66 : vector<16xf32> to vector<1x16xf32>
      tpu.vector_store %arg12[%swap3A, %swap3A_67], %swap3A_70 {strides = array<i32>} : memref<768x64xf32, #tpu.memory_space<vmem>>, vector<1x16xf32>,
      %get3A_71 = arith.index_cast %scan3A_58 : i32 to index
      %get3A_72 = arith.constant 16 : index
      %get3A_73 = tpu.vector_load %arg12[%get3A_71, %get3A_72] {strides = array<i32>} : memref<768x64xf32, #tpu.memory_space<vmem>>, vector<1x16xf32>,
      %get3A_74 = vector.shape_cast %get3A_73 : vector<1x16xf32> to vector<16xf32>
      %add3A_75 = arith.constant 1.000000e+00 : f32
      %add3A_76 = vector.broadcast %add3A_75 : f32 to vector<16xf32>
      %add3A_77 = arith.addf %add3A_76, %get3A_74 : vector<16xf32>
      %div3A_78 = arith.constant 5.000000e-01 : f32
      %div3A_79 = vector.broadcast %div3A_78 : f32 to vector<16xf32>
      %div3A_80 = arith.divf %div3A_79, %add3A_77 : vector<16xf32>
      %swap3A_81 = arith.index_cast %scan3A_58 : i32 to index
      %swap3A_82 = arith.constant 16 : index
      %swap3A_83 = tpu.vector_load %arg12[%swap3A_81, %swap3A_82] {strides = array<i32>} : memref<768x64xf32, #tpu.memory_space<vmem>>, vector<1x16xf32>,
      %swap3A_84 = vector.shape_cast %swap3A_83 : vector<1x16xf32> to vector<16xf32>
      %swap3A_85 = vector.shape_cast %div3A_80 : vector<16xf32> to vector<1x16xf32>
      tpu.vector_store %arg12[%swap3A_81, %swap3A_82], %swap3A_85 {strides = array<i32>} : memref<768x64xf32, #tpu.memory_space<vmem>>, vector<1x16xf32>,
      %get3A_86 = arith.index_cast %scan3A_58 : i32 to index
      %get3A_87 = arith.constant 32 : index
      %get3A_88 = tpu.vector_load %arg12[%get3A_86, %get3A_87] {strides = array<i32>} : memref<768x64xf32, #tpu.memory_space<vmem>>, vector<1x16xf32>,
      %get3A_89 = vector.shape_cast %get3A_88 : vector<1x16xf32> to vector<16xf32>
      %add3A_90 = arith.constant 1.000000e+00 : f32
      %add3A_91 = vector.broadcast %add3A_90 : f32 to vector<16xf32>
      %add3A_92 = arith.addf %add3A_91, %get3A_89 : vector<16xf32>
      %div3A_93 = arith.constant 5.000000e-01 : f32
      %div3A_94 = vector.broadcast %div3A_93 : f32 to vector<16xf32>
      %div3A_95 = arith.divf %div3A_94, %add3A_92 : vector<16xf32>
      %swap3A_96 = arith.index_cast %scan3A_58 : i32 to index
      %swap3A_97 = arith.constant 32 : index
      %swap3A_98 = tpu.vector_load %arg12[%swap3A_96, %swap3A_97] {strides = array<i32>} : memref<768x64xf32, #tpu.memory_space<vmem>>, vector<1x16xf32>,
      %swap3A_99 = vector.shape_cast %swap3A_98 : vector<1x16xf32> to vector<16xf32>
      %swap3A_100 = vector.shape_cast %div3A_95 : vector<16xf32> to vector<1x16xf32>
      tpu.vector_store %arg12[%swap3A_96, %swap3A_97], %swap3A_100 {strides = array<i32>} : memref<768x64xf32, #tpu.memory_space<vmem>>, vector<1x16xf32>,
      %get3A_101 = arith.index_cast %scan3A_58 : i32 to index
      %get3A_102 = arith.constant 48 : index
      %get3A_103 = tpu.vector_load %arg12[%get3A_101, %get3A_102] {strides = array<i32>} : memref<768x64xf32, #tpu.memory_space<vmem>>, vector<1x16xf32>,
      %get3A_104 = vector.shape_cast %get3A_103 : vector<1x16xf32> to vector<16xf32>
      %add3A_105 = arith.constant 1.000000e+00 : f32
      %add3A_106 = vector.broadcast %add3A_105 : f32 to vector<16xf32>
      %add3A_107 = arith.addf %add3A_106, %get3A_104 : vector<16xf32>
      %div3A_108 = arith.constant 5.000000e-01 : f32
      %div3A_109 = vector.broadcast %div3A_108 : f32 to vector<16xf32>
      %div3A_110 = arith.divf %div3A_109, %add3A_107 : vector<16xf32>
      %swap3A_111 = arith.index_cast %scan3A_58 : i32 to index
      %swap3A_112 = arith.constant 48 : index
      %swap3A_113 = tpu.vector_load %arg12[%swap3A_111, %swap3A_112] {strides = array<i32>} : memref<768x64xf32, #tpu.memory_space<vmem>>, vector<1x16xf32>,
      %swap3A_114 = vector.shape_cast %swap3A_113 : vector<1x16xf32> to vector<16xf32>
      %swap3A_115 = vector.shape_cast %div3A_110 : vector<16xf32> to vector<1x16xf32>
      tpu.vector_store %arg12[%swap3A_111, %swap3A_112], %swap3A_115 {strides = array<i32>} : memref<768x64xf32, #tpu.memory_space<vmem>>, vector<1x16xf32>,
    }
    %scan3A_30 = arith.constant 125 : i32
    "tpu.region"() ({
      %run_scoped3A = tpu.sem_alloc : memref<!tpu.dma_semaphore, #tpu.memory_space<semaphore_mem>>
      %dma_start3A = arith.constant 0 : i32
      %dma_start3A_58 = arith.constant 0 : i32
      %dma_start3A_59 = tpu.memref_slice %arg12[%dma_start3A, %dma_start3A_58] : memref<768x64xf32, #tpu.memory_space<vmem>> -> memref<125x64xf32, #tpu.memory_space<vmem>>
      %dma_start3A_60 = arith.constant 0 : i32
      %dma_start3A_61 = arith.constant 0 : i32
      %dma_start3A_62 = tpu.memref_slice %arg8[%arg0, %dma_start3A_60, %dma_start3A_61] : memref<2x10000x64xf32, #tpu.memory_space<hbm>> -> memref<1x10000x64xf32, #tpu.memory_space<hbm>>
      %dma_start3A_63 = tpu.memref_squeeze %dma_start3A_62 : memref<1x10000x64xf32, #tpu.memory_space<hbm>> -> memref<10000x64xf32, #tpu.memory_space<hbm>>
      %dma_start3A_64 = arith.constant 0 : i32
      %dma_start3A_65 = tpu.memref_slice %dma_start3A_63[%add3A_25, %dma_start3A_64] : memref<10000x64xf32, #tpu.memory_space<hbm>> -> memref<125x64xf32, #tpu.memory_space<hbm>>
      %dma_start3A_66 = arith.constant 0 : i32
      %dma_start3A_67 = arith.constant 0 : i32
      %dma_start3A_68 = tpu.memref_slice %arg8[%arg0, %dma_start3A_66, %dma_start3A_67] : memref<2x10000x64xf32, #tpu.memory_space<hbm>> -> memref<1x10000x64xf32, #tpu.memory_space<hbm>>
      %dma_start3A_69 = tpu.memref_squeeze %dma_start3A_68 : memref<1x10000x64xf32, #tpu.memory_space<hbm>> -> memref<10000x64xf32, #tpu.memory_space<hbm>>
      %dma_start3A_70 = arith.constant 0 : i32
      %dma_start3A_71 = tpu.memref_slice %dma_start3A_69[%add3A_25, %dma_start3A_70] : memref<10000x64xf32, #tpu.memory_space<hbm>> -> memref<125x64xf32, #tpu.memory_space<hbm>>
      %dma_start3A_72 = arith.constant 0 : i32
      %dma_start3A_73 = arith.constant 0 : i32
      %dma_start3A_74 = tpu.memref_slice %arg12[%dma_start3A_72, %dma_start3A_73] : memref<768x64xf32, #tpu.memory_space<vmem>> -> memref<125x64xf32, #tpu.memory_space<vmem>>
      tpu.enqueue_dma source(%dma_start3A_74 : memref<125x64xf32, #tpu.memory_space<vmem>>) target(%dma_start3A_71 : memref<125x64xf32, #tpu.memory_space<hbm>>) target_semaphore(%run_scoped3A : memref<!tpu.dma_semaphore, #tpu.memory_space<semaphore_mem>>)
      %dma_wait3A = arith.constant 0 : i32
      %dma_wait3A_75 = arith.constant 0 : i32
      %dma_wait3A_76 = tpu.memref_slice %arg12[%dma_wait3A, %dma_wait3A_75] : memref<768x64xf32, #tpu.memory_space<vmem>> -> memref<125x64xf32, #tpu.memory_space<vmem>>
      %dma_wait3A_77 = arith.constant 0 : i32
      %dma_wait3A_78 = arith.constant 0 : i32
      %dma_wait3A_79 = tpu.memref_slice %arg8[%arg0, %dma_wait3A_77, %dma_wait3A_78] : memref<2x10000x64xf32, #tpu.memory_space<hbm>> -> memref<1x10000x64xf32, #tpu.memory_space<hbm>>
      %dma_wait3A_80 = tpu.memref_squeeze %dma_wait3A_79 : memref<1x10000x64xf32, #tpu.memory_space<hbm>> -> memref<10000x64xf32, #tpu.memory_space<hbm>>
      %dma_wait3A_81 = arith.constant 0 : i32
      %dma_wait3A_82 = tpu.memref_slice %dma_wait3A_80[%add3A_25, %dma_wait3A_81] : memref<10000x64xf32, #tpu.memory_space<hbm>> -> memref<125x64xf32, #tpu.memory_space<hbm>>
      %dma_wait3A_83 = arith.constant 0 : i32
      %dma_wait3A_84 = arith.constant 0 : i32
      %dma_wait3A_85 = tpu.memref_slice %arg8[%arg0, %dma_wait3A_83, %dma_wait3A_84] : memref<2x10000x64xf32, #tpu.memory_space<hbm>> -> memref<1x10000x64xf32, #tpu.memory_space<hbm>>
      %dma_wait3A_86 = tpu.memref_squeeze %dma_wait3A_85 : memref<1x10000x64xf32, #tpu.memory_space<hbm>> -> memref<10000x64xf32, #tpu.memory_space<hbm>>
      %dma_wait3A_87 = arith.constant 0 : i32
      %dma_wait3A_88 = tpu.memref_slice %dma_wait3A_86[%add3A_25, %dma_wait3A_87] : memref<10000x64xf32, #tpu.memory_space<hbm>> -> memref<125x64xf32, #tpu.memory_space<hbm>>
      %dma_wait3A_89 = arith.constant 0 : i32
      %dma_wait3A_90 = arith.constant 0 : i32
      %dma_wait3A_91 = tpu.memref_slice %arg12[%dma_wait3A_89, %dma_wait3A_90] : memref<768x64xf32, #tpu.memory_space<vmem>> -> memref<125x64xf32, #tpu.memory_space<vmem>>
      tpu.wait_dma2 semaphore(%run_scoped3A : memref<!tpu.dma_semaphore, #tpu.memory_space<semaphore_mem>>) src(%dma_wait3A_91 : memref<125x64xf32, #tpu.memory_space<vmem>>) dst(%dma_wait3A_88 : memref<125x64xf32, #tpu.memory_space<hbm>>)
      tpu.yield
    }) : () -> ()
    "tpu.region"() ({
      %run_scoped3A = tpu.sem_alloc : memref<!tpu.dma_semaphore, #tpu.memory_space<semaphore_mem>>
      %dma_start3A = arith.constant 125 : i32
      %dma_start3A_58 = arith.constant 0 : i32
      %dma_start3A_59 = tpu.memref_slice %arg12[%dma_start3A, %dma_start3A_58] : memref<768x64xf32, #tpu.memory_space<vmem>> -> memref<125x64xf32, #tpu.memory_space<vmem>>
      %dma_start3A_60 = arith.constant 0 : i32
      %dma_start3A_61 = arith.constant 0 : i32
      %dma_start3A_62 = tpu.memref_slice %arg2[%arg0, %dma_start3A_60, %dma_start3A_61] : memref<2x10000x64xf32, #tpu.memory_space<hbm>> -> memref<1x10000x64xf32, #tpu.memory_space<hbm>>
      %dma_start3A_63 = tpu.memref_squeeze %dma_start3A_62 : memref<1x10000x64xf32, #tpu.memory_space<hbm>> -> memref<10000x64xf32, #tpu.memory_space<hbm>>
      %dma_start3A_64 = arith.constant 0 : i32
      %dma_start3A_65 = tpu.memref_slice %dma_start3A_63[%add3A_25, %dma_start3A_64] : memref<10000x64xf32, #tpu.memory_space<hbm>> -> memref<125x64xf32, #tpu.memory_space<hbm>>
      %dma_start3A_66 = arith.constant 125 : i32
      %dma_start3A_67 = arith.constant 0 : i32
      %dma_start3A_68 = tpu.memref_slice %arg12[%dma_start3A_66, %dma_start3A_67] : memref<768x64xf32, #tpu.memory_space<vmem>> -> memref<125x64xf32, #tpu.memory_space<vmem>>
      %dma_start3A_69 = arith.constant 0 : i32
      %dma_start3A_70 = arith.constant 0 : i32
      %dma_start3A_71 = tpu.memref_slice %arg2[%arg0, %dma_start3A_69, %dma_start3A_70] : memref<2x10000x64xf32, #tpu.memory_space<hbm>> -> memref<1x10000x64xf32, #tpu.memory_space<hbm>>
      %dma_start3A_72 = tpu.memref_squeeze %dma_start3A_71 : memref<1x10000x64xf32, #tpu.memory_space<hbm>> -> memref<10000x64xf32, #tpu.memory_space<hbm>>
      %dma_start3A_73 = arith.constant 0 : i32
      %dma_start3A_74 = tpu.memref_slice %dma_start3A_72[%add3A_25, %dma_start3A_73] : memref<10000x64xf32, #tpu.memory_space<hbm>> -> memref<125x64xf32, #tpu.memory_space<hbm>>
      tpu.enqueue_dma source(%dma_start3A_74 : memref<125x64xf32, #tpu.memory_space<hbm>>) target(%dma_start3A_68 : memref<125x64xf32, #tpu.memory_space<vmem>>) target_semaphore(%run_scoped3A : memref<!tpu.dma_semaphore, #tpu.memory_space<semaphore_mem>>)
      %dma_wait3A = arith.constant 125 : i32
      %dma_wait3A_75 = arith.constant 0 : i32
      %dma_wait3A_76 = tpu.memref_slice %arg12[%dma_wait3A, %dma_wait3A_75] : memref<768x64xf32, #tpu.memory_space<vmem>> -> memref<125x64xf32, #tpu.memory_space<vmem>>
      %dma_wait3A_77 = arith.constant 0 : i32
      %dma_wait3A_78 = arith.constant 0 : i32
      %dma_wait3A_79 = tpu.memref_slice %arg2[%arg0, %dma_wait3A_77, %dma_wait3A_78] : memref<2x10000x64xf32, #tpu.memory_space<hbm>> -> memref<1x10000x64xf32, #tpu.memory_space<hbm>>
      %dma_wait3A_80 = tpu.memref_squeeze %dma_wait3A_79 : memref<1x10000x64xf32, #tpu.memory_space<hbm>> -> memref<10000x64xf32, #tpu.memory_space<hbm>>
      %dma_wait3A_81 = arith.constant 0 : i32
      %dma_wait3A_82 = tpu.memref_slice %dma_wait3A_80[%add3A_25, %dma_wait3A_81] : memref<10000x64xf32, #tpu.memory_space<hbm>> -> memref<125x64xf32, #tpu.memory_space<hbm>>
      %dma_wait3A_83 = arith.constant 125 : i32
      %dma_wait3A_84 = arith.constant 0 : i32
      %dma_wait3A_85 = tpu.memref_slice %arg12[%dma_wait3A_83, %dma_wait3A_84] : memref<768x64xf32, #tpu.memory_space<vmem>> -> memref<125x64xf32, #tpu.memory_space<vmem>>
      %dma_wait3A_86 = arith.constant 0 : i32
      %dma_wait3A_87 = arith.constant 0 : i32
      %dma_wait3A_88 = tpu.memref_slice %arg2[%arg0, %dma_wait3A_86, %dma_wait3A_87] : memref<2x10000x64xf32, #tpu.memory_space<hbm>> -> memref<1x10000x64xf32, #tpu.memory_space<hbm>>
      %dma_wait3A_89 = tpu.memref_squeeze %dma_wait3A_88 : memref<1x10000x64xf32, #tpu.memory_space<hbm>> -> memref<10000x64xf32, #tpu.memory_space<hbm>>
      %dma_wait3A_90 = arith.constant 0 : i32
      %dma_wait3A_91 = tpu.memref_slice %dma_wait3A_89[%add3A_25, %dma_wait3A_90] : memref<10000x64xf32, #tpu.memory_space<hbm>> -> memref<125x64xf32, #tpu.memory_space<hbm>>
      tpu.wait_dma2 semaphore(%run_scoped3A : memref<!tpu.dma_semaphore, #tpu.memory_space<semaphore_mem>>) src(%dma_wait3A_91 : memref<125x64xf32, #tpu.memory_space<hbm>>) dst(%dma_wait3A_85 : memref<125x64xf32, #tpu.memory_space<vmem>>)
      tpu.yield
    }) : () -> ()
    "tpu.region"() ({
      %run_scoped3A = tpu.sem_alloc : memref<!tpu.dma_semaphore, #tpu.memory_space<semaphore_mem>>
      %dma_start3A = arith.constant 125 : i32
      %dma_start3A_58 = arith.constant 0 : i32
      %dma_start3A_59 = tpu.memref_slice %arg12[%dma_start3A, %dma_start3A_58] : memref<768x64xf32, #tpu.memory_space<vmem>> -> memref<125x64xf32, #tpu.memory_space<vmem>>
      %dma_start3A_60 = arith.constant 0 : i32
      %dma_start3A_61 = arith.constant 0 : i32
      %dma_start3A_62 = tpu.memref_slice %arg7[%arg0, %dma_start3A_60, %dma_start3A_61] : memref<2x10000x64xf32, #tpu.memory_space<hbm>> -> memref<1x10000x64xf32, #tpu.memory_space<hbm>>
      %dma_start3A_63 = tpu.memref_squeeze %dma_start3A_62 : memref<1x10000x64xf32, #tpu.memory_space<hbm>> -> memref<10000x64xf32, #tpu.memory_space<hbm>>
      %dma_start3A_64 = arith.constant 0 : i32
      %dma_start3A_65 = tpu.memref_slice %dma_start3A_63[%add3A_25, %dma_start3A_64] : memref<10000x64xf32, #tpu.memory_space<hbm>> -> memref<125x64xf32, #tpu.memory_space<hbm>>
      %dma_start3A_66 = arith.constant 0 : i32
      %dma_start3A_67 = arith.constant 0 : i32
      %dma_start3A_68 = tpu.memref_slice %arg7[%arg0, %dma_start3A_66, %dma_start3A_67] : memref<2x10000x64xf32, #tpu.memory_space<hbm>> -> memref<1x10000x64xf32, #tpu.memory_space<hbm>>
      %dma_start3A_69 = tpu.memref_squeeze %dma_start3A_68 : memref<1x10000x64xf32, #tpu.memory_space<hbm>> -> memref<10000x64xf32, #tpu.memory_space<hbm>>
      %dma_start3A_70 = arith.constant 0 : i32
      %dma_start3A_71 = tpu.memref_slice %dma_start3A_69[%add3A_25, %dma_start3A_70] : memref<10000x64xf32, #tpu.memory_space<hbm>> -> memref<125x64xf32, #tpu.memory_space<hbm>>
      %dma_start3A_72 = arith.constant 125 : i32
      %dma_start3A_73 = arith.constant 0 : i32
      %dma_start3A_74 = tpu.memref_slice %arg12[%dma_start3A_72, %dma_start3A_73] : memref<768x64xf32, #tpu.memory_space<vmem>> -> memref<125x64xf32, #tpu.memory_space<vmem>>
      tpu.enqueue_dma source(%dma_start3A_74 : memref<125x64xf32, #tpu.memory_space<vmem>>) target(%dma_start3A_71 : memref<125x64xf32, #tpu.memory_space<hbm>>) target_semaphore(%run_scoped3A : memref<!tpu.dma_semaphore, #tpu.memory_space<semaphore_mem>>)
      %dma_wait3A = arith.constant 125 : i32
      %dma_wait3A_75 = arith.constant 0 : i32
      %dma_wait3A_76 = tpu.memref_slice %arg12[%dma_wait3A, %dma_wait3A_75] : memref<768x64xf32, #tpu.memory_space<vmem>> -> memref<125x64xf32, #tpu.memory_space<vmem>>
      %dma_wait3A_77 = arith.constant 0 : i32
      %dma_wait3A_78 = arith.constant 0 : i32
      %dma_wait3A_79 = tpu.memref_slice %arg7[%arg0, %dma_wait3A_77, %dma_wait3A_78] : memref<2x10000x64xf32, #tpu.memory_space<hbm>> -> memref<1x10000x64xf32, #tpu.memory_space<hbm>>
      %dma_wait3A_80 = tpu.memref_squeeze %dma_wait3A_79 : memref<1x10000x64xf32, #tpu.memory_space<hbm>> -> memref<10000x64xf32, #tpu.memory_space<hbm>>
      %dma_wait3A_81 = arith.constant 0 : i32
      %dma_wait3A_82 = tpu.memref_slice %dma_wait3A_80[%add3A_25, %dma_wait3A_81] : memref<10000x64xf32, #tpu.memory_space<hbm>> -> memref<125x64xf32, #tpu.memory_space<hbm>>
      %dma_wait3A_83 = arith.constant 0 : i32
      %dma_wait3A_84 = arith.constant 0 : i32
      %dma_wait3A_85 = tpu.memref_slice %arg7[%arg0, %dma_wait3A_83, %dma_wait3A_84] : memref<2x10000x64xf32, #tpu.memory_space<hbm>> -> memref<1x10000x64xf32, #tpu.memory_space<hbm>>
      %dma_wait3A_86 = tpu.memref_squeeze %dma_wait3A_85 : memref<1x10000x64xf32, #tpu.memory_space<hbm>> -> memref<10000x64xf32, #tpu.memory_space<hbm>>
      %dma_wait3A_87 = arith.constant 0 : i32
      %dma_wait3A_88 = tpu.memref_slice %dma_wait3A_86[%add3A_25, %dma_wait3A_87] : memref<10000x64xf32, #tpu.memory_space<hbm>> -> memref<125x64xf32, #tpu.memory_space<hbm>>
      %dma_wait3A_89 = arith.constant 125 : i32
      %dma_wait3A_90 = arith.constant 0 : i32
      %dma_wait3A_91 = tpu.memref_slice %arg12[%dma_wait3A_89, %dma_wait3A_90] : memref<768x64xf32, #tpu.memory_space<vmem>> -> memref<125x64xf32, #tpu.memory_space<vmem>>
      tpu.wait_dma2 semaphore(%run_scoped3A : memref<!tpu.dma_semaphore, #tpu.memory_space<semaphore_mem>>) src(%dma_wait3A_91 : memref<125x64xf32, #tpu.memory_space<vmem>>) dst(%dma_wait3A_88 : memref<125x64xf32, #tpu.memory_space<hbm>>)
      tpu.yield
    }) : () -> ()
    "tpu.region"() ({
      %run_scoped3A = tpu.sem_alloc : memref<!tpu.dma_semaphore, #tpu.memory_space<semaphore_mem>>
      %dma_start3A = arith.constant 125 : i32
      %dma_start3A_58 = arith.constant 0 : i32
      %dma_start3A_59 = tpu.memref_slice %arg12[%dma_start3A, %dma_start3A_58] : memref<768x64xf32, #tpu.memory_space<vmem>> -> memref<125x64xf32, #tpu.memory_space<vmem>>
      %dma_start3A_60 = arith.constant 0 : i32
      %dma_start3A_61 = tpu.memref_slice %arg9[%add3A_25, %dma_start3A_60] : memref<10112x64xf32, #tpu.memory_space<vmem_shared>> -> memref<125x64xf32, #tpu.memory_space<vmem_shared>>
      %dma_start3A_62 = arith.constant 0 : i32
      %dma_start3A_63 = tpu.memref_slice %arg9[%add3A_25, %dma_start3A_62] : memref<10112x64xf32, #tpu.memory_space<vmem_shared>> -> memref<125x64xf32, #tpu.memory_space<vmem_shared>>
      %dma_start3A_64 = arith.constant 125 : i32
      %dma_start3A_65 = arith.constant 0 : i32
      %dma_start3A_66 = tpu.memref_slice %arg12[%dma_start3A_64, %dma_start3A_65] : memref<768x64xf32, #tpu.memory_space<vmem>> -> memref<125x64xf32, #tpu.memory_space<vmem>>
      tpu.enqueue_dma source(%dma_start3A_66 : memref<125x64xf32, #tpu.memory_space<vmem>>) target(%dma_start3A_63 : memref<125x64xf32, #tpu.memory_space<vmem_shared>>) target_semaphore(%run_scoped3A : memref<!tpu.dma_semaphore, #tpu.memory_space<semaphore_mem>>)
      %dma_wait3A = arith.constant 125 : i32
      %dma_wait3A_67 = arith.constant 0 : i32
      %dma_wait3A_68 = tpu.memref_slice %arg12[%dma_wait3A, %dma_wait3A_67] : memref<768x64xf32, #tpu.memory_space<vmem>> -> memref<125x64xf32, #tpu.memory_space<vmem>>
      %dma_wait3A_69 = arith.constant 0 : i32
      %dma_wait3A_70 = tpu.memref_slice %arg9[%add3A_25, %dma_wait3A_69] : memref<10112x64xf32, #tpu.memory_space<vmem_shared>> -> memref<125x64xf32, #tpu.memory_space<vmem_shared>>
      %dma_wait3A_71 = arith.constant 0 : i32
      %dma_wait3A_72 = tpu.memref_slice %arg9[%add3A_25, %dma_wait3A_71] : memref<10112x64xf32, #tpu.memory_space<vmem_shared>> -> memref<125x64xf32, #tpu.memory_space<vmem_shared>>
      %dma_wait3A_73 = arith.constant 125 : i32
      %dma_wait3A_74 = arith.constant 0 : i32
      %dma_wait3A_75 = tpu.memref_slice %arg12[%dma_wait3A_73, %dma_wait3A_74] : memref<768x64xf32, #tpu.memory_space<vmem>> -> memref<125x64xf32, #tpu.memory_space<vmem>>
      tpu.wait_dma2 semaphore(%run_scoped3A : memref<!tpu.dma_semaphore, #tpu.memory_space<semaphore_mem>>) src(%dma_wait3A_75 : memref<125x64xf32, #tpu.memory_space<vmem>>) dst(%dma_wait3A_72 : memref<125x64xf32, #tpu.memory_space<vmem_shared>>)
      tpu.yield
    }) : () -> ()
    %add3A_31 = arith.constant 250 : i32
    %add3A_32 = arith.addi %mul3A_16, %add3A_31 : i32
    "tpu.region"() ({
      %run_scoped3A = tpu.sem_alloc : memref<!tpu.dma_semaphore, #tpu.memory_space<semaphore_mem>>
      %dma_start3A = arith.constant 0 : i32
      %dma_start3A_58 = arith.constant 0 : i32
      %dma_start3A_59 = tpu.memref_slice %arg12[%dma_start3A, %dma_start3A_58] : memref<768x64xf32, #tpu.memory_space<vmem>> -> memref<125x64xf32, #tpu.memory_space<vmem>>
      %dma_start3A_60 = arith.constant 0 : i32
      %dma_start3A_61 = tpu.memref_slice %arg9[%add3A_32, %dma_start3A_60] : memref<10112x64xf32, #tpu.memory_space<vmem_shared>> -> memref<125x64xf32, #tpu.memory_space<vmem_shared>>
      %dma_start3A_62 = arith.constant 0 : i32
      %dma_start3A_63 = arith.constant 0 : i32
      %dma_start3A_64 = tpu.memref_slice %arg12[%dma_start3A_62, %dma_start3A_63] : memref<768x64xf32, #tpu.memory_space<vmem>> -> memref<125x64xf32, #tpu.memory_space<vmem>>
      %dma_start3A_65 = arith.constant 0 : i32
      %dma_start3A_66 = tpu.memref_slice %arg9[%add3A_32, %dma_start3A_65] : memref<10112x64xf32, #tpu.memory_space<vmem_shared>> -> memref<125x64xf32, #tpu.memory_space<vmem_shared>>
      tpu.enqueue_dma source(%dma_start3A_66 : memref<125x64xf32, #tpu.memory_space<vmem_shared>>) target(%dma_start3A_64 : memref<125x64xf32, #tpu.memory_space<vmem>>) target_semaphore(%run_scoped3A : memref<!tpu.dma_semaphore, #tpu.memory_space<semaphore_mem>>)
      %dma_wait3A = arith.constant 0 : i32
      %dma_wait3A_67 = arith.constant 0 : i32
      %dma_wait3A_68 = tpu.memref_slice %arg12[%dma_wait3A, %dma_wait3A_67] : memref<768x64xf32, #tpu.memory_space<vmem>> -> memref<125x64xf32, #tpu.memory_space<vmem>>
      %dma_wait3A_69 = arith.constant 0 : i32
      %dma_wait3A_70 = tpu.memref_slice %arg9[%add3A_32, %dma_wait3A_69] : memref<10112x64xf32, #tpu.memory_space<vmem_shared>> -> memref<125x64xf32, #tpu.memory_space<vmem_shared>>
      %dma_wait3A_71 = arith.constant 0 : i32
      %dma_wait3A_72 = arith.constant 0 : i32
      %dma_wait3A_73 = tpu.memref_slice %arg12[%dma_wait3A_71, %dma_wait3A_72] : memref<768x64xf32, #tpu.memory_space<vmem>> -> memref<125x64xf32, #tpu.memory_space<vmem>>
      %dma_wait3A_74 = arith.constant 0 : i32
      %dma_wait3A_75 = tpu.memref_slice %arg9[%add3A_32, %dma_wait3A_74] : memref<10112x64xf32, #tpu.memory_space<vmem_shared>> -> memref<125x64xf32, #tpu.memory_space<vmem_shared>>
      tpu.wait_dma2 semaphore(%run_scoped3A : memref<!tpu.dma_semaphore, #tpu.memory_space<semaphore_mem>>) src(%dma_wait3A_75 : memref<125x64xf32, #tpu.memory_space<vmem_shared>>) dst(%dma_wait3A_73 : memref<125x64xf32, #tpu.memory_space<vmem>>)
      tpu.yield
    }) : () -> ()
    %scan3A_33 = arith.constant 0 : i32
    %scan3A_34 = arith.constant 125 : i32
    %scan3A_35 = arith.addi %scan3A_33, %scan3A_34 : i32
    %scan3A_36 = arith.constant 1 : i32
    scf.for %scan3A_58 = %scan3A_33 to %scan3A_35 step %scan3A_36  : i32 {
      %get3A = arith.index_cast %scan3A_58 : i32 to index
      %get3A_59 = arith.constant 0 : index
      %get3A_60 = tpu.vector_load %arg12[%get3A, %get3A_59] {strides = array<i32>} : memref<768x64xf32, #tpu.memory_space<vmem>>, vector<1x16xf32>,
      %get3A_61 = vector.shape_cast %get3A_60 : vector<1x16xf32> to vector<16xf32>
      %add3A_62 = arith.constant 1.000000e+00 : f32
      %add3A_63 = vector.broadcast %add3A_62 : f32 to vector<16xf32>
      %add3A_64 = arith.addf %add3A_63, %get3A_61 : vector<16xf32>
      %div3A = arith.constant 5.000000e-01 : f32
      %div3A_65 = vector.broadcast %div3A : f32 to vector<16xf32>
      %div3A_66 = arith.divf %div3A_65, %add3A_64 : vector<16xf32>
      %swap3A = arith.index_cast %scan3A_58 : i32 to index
      %swap3A_67 = arith.constant 0 : index
      %swap3A_68 = tpu.vector_load %arg12[%swap3A, %swap3A_67] {strides = array<i32>} : memref<768x64xf32, #tpu.memory_space<vmem>>, vector<1x16xf32>,
      %swap3A_69 = vector.shape_cast %swap3A_68 : vector<1x16xf32> to vector<16xf32>
      %swap3A_70 = vector.shape_cast %div3A_66 : vector<16xf32> to vector<1x16xf32>
      tpu.vector_store %arg12[%swap3A, %swap3A_67], %swap3A_70 {strides = array<i32>} : memref<768x64xf32, #tpu.memory_space<vmem>>, vector<1x16xf32>,
      %get3A_71 = arith.index_cast %scan3A_58 : i32 to index
      %get3A_72 = arith.constant 16 : index
      %get3A_73 = tpu.vector_load %arg12[%get3A_71, %get3A_72] {strides = array<i32>} : memref<768x64xf32, #tpu.memory_space<vmem>>, vector<1x16xf32>,
      %get3A_74 = vector.shape_cast %get3A_73 : vector<1x16xf32> to vector<16xf32>
      %add3A_75 = arith.constant 1.000000e+00 : f32
      %add3A_76 = vector.broadcast %add3A_75 : f32 to vector<16xf32>
      %add3A_77 = arith.addf %add3A_76, %get3A_74 : vector<16xf32>
      %div3A_78 = arith.constant 5.000000e-01 : f32
      %div3A_79 = vector.broadcast %div3A_78 : f32 to vector<16xf32>
      %div3A_80 = arith.divf %div3A_79, %add3A_77 : vector<16xf32>
      %swap3A_81 = arith.index_cast %scan3A_58 : i32 to index
      %swap3A_82 = arith.constant 16 : index
      %swap3A_83 = tpu.vector_load %arg12[%swap3A_81, %swap3A_82] {strides = array<i32>} : memref<768x64xf32, #tpu.memory_space<vmem>>, vector<1x16xf32>,
      %swap3A_84 = vector.shape_cast %swap3A_83 : vector<1x16xf32> to vector<16xf32>
      %swap3A_85 = vector.shape_cast %div3A_80 : vector<16xf32> to vector<1x16xf32>
      tpu.vector_store %arg12[%swap3A_81, %swap3A_82], %swap3A_85 {strides = array<i32>} : memref<768x64xf32, #tpu.memory_space<vmem>>, vector<1x16xf32>,
      %get3A_86 = arith.index_cast %scan3A_58 : i32 to index
      %get3A_87 = arith.constant 32 : index
      %get3A_88 = tpu.vector_load %arg12[%get3A_86, %get3A_87] {strides = array<i32>} : memref<768x64xf32, #tpu.memory_space<vmem>>, vector<1x16xf32>,
      %get3A_89 = vector.shape_cast %get3A_88 : vector<1x16xf32> to vector<16xf32>
      %add3A_90 = arith.constant 1.000000e+00 : f32
      %add3A_91 = vector.broadcast %add3A_90 : f32 to vector<16xf32>
      %add3A_92 = arith.addf %add3A_91, %get3A_89 : vector<16xf32>
      %div3A_93 = arith.constant 5.000000e-01 : f32
      %div3A_94 = vector.broadcast %div3A_93 : f32 to vector<16xf32>
      %div3A_95 = arith.divf %div3A_94, %add3A_92 : vector<16xf32>
      %swap3A_96 = arith.index_cast %scan3A_58 : i32 to index
      %swap3A_97 = arith.constant 32 : index
      %swap3A_98 = tpu.vector_load %arg12[%swap3A_96, %swap3A_97] {strides = array<i32>} : memref<768x64xf32, #tpu.memory_space<vmem>>, vector<1x16xf32>,
      %swap3A_99 = vector.shape_cast %swap3A_98 : vector<1x16xf32> to vector<16xf32>
      %swap3A_100 = vector.shape_cast %div3A_95 : vector<16xf32> to vector<1x16xf32>
      tpu.vector_store %arg12[%swap3A_96, %swap3A_97], %swap3A_100 {strides = array<i32>} : memref<768x64xf32, #tpu.memory_space<vmem>>, vector<1x16xf32>,
      %get3A_101 = arith.index_cast %scan3A_58 : i32 to index
      %get3A_102 = arith.constant 48 : index
      %get3A_103 = tpu.vector_load %arg12[%get3A_101, %get3A_102] {strides = array<i32>} : memref<768x64xf32, #tpu.memory_space<vmem>>, vector<1x16xf32>,
      %get3A_104 = vector.shape_cast %get3A_103 : vector<1x16xf32> to vector<16xf32>
      %add3A_105 = arith.constant 1.000000e+00 : f32
      %add3A_106 = vector.broadcast %add3A_105 : f32 to vector<16xf32>
      %add3A_107 = arith.addf %add3A_106, %get3A_104 : vector<16xf32>
      %div3A_108 = arith.constant 5.000000e-01 : f32
      %div3A_109 = vector.broadcast %div3A_108 : f32 to vector<16xf32>
      %div3A_110 = arith.divf %div3A_109, %add3A_107 : vector<16xf32>
      %swap3A_111 = arith.index_cast %scan3A_58 : i32 to index
      %swap3A_112 = arith.constant 48 : index
      %swap3A_113 = tpu.vector_load %arg12[%swap3A_111, %swap3A_112] {strides = array<i32>} : memref<768x64xf32, #tpu.memory_space<vmem>>, vector<1x16xf32>,
      %swap3A_114 = vector.shape_cast %swap3A_113 : vector<1x16xf32> to vector<16xf32>
      %swap3A_115 = vector.shape_cast %div3A_110 : vector<16xf32> to vector<1x16xf32>
      tpu.vector_store %arg12[%swap3A_111, %swap3A_112], %swap3A_115 {strides = array<i32>} : memref<768x64xf32, #tpu.memory_space<vmem>>, vector<1x16xf32>,
    }
    %scan3A_37 = arith.constant 125 : i32
    "tpu.region"() ({
      %run_scoped3A = tpu.sem_alloc : memref<!tpu.dma_semaphore, #tpu.memory_space<semaphore_mem>>
      %dma_start3A = arith.constant 0 : i32
      %dma_start3A_58 = arith.constant 0 : i32
      %dma_start3A_59 = tpu.memref_slice %arg12[%dma_start3A, %dma_start3A_58] : memref<768x64xf32, #tpu.memory_space<vmem>> -> memref<125x64xf32, #tpu.memory_space<vmem>>
      %dma_start3A_60 = arith.constant 0 : i32
      %dma_start3A_61 = arith.constant 0 : i32
      %dma_start3A_62 = tpu.memref_slice %arg8[%arg0, %dma_start3A_60, %dma_start3A_61] : memref<2x10000x64xf32, #tpu.memory_space<hbm>> -> memref<1x10000x64xf32, #tpu.memory_space<hbm>>
      %dma_start3A_63 = tpu.memref_squeeze %dma_start3A_62 : memref<1x10000x64xf32, #tpu.memory_space<hbm>> -> memref<10000x64xf32, #tpu.memory_space<hbm>>
      %dma_start3A_64 = arith.constant 0 : i32
      %dma_start3A_65 = tpu.memref_slice %dma_start3A_63[%add3A_32, %dma_start3A_64] : memref<10000x64xf32, #tpu.memory_space<hbm>> -> memref<125x64xf32, #tpu.memory_space<hbm>>
      %dma_start3A_66 = arith.constant 0 : i32
      %dma_start3A_67 = arith.constant 0 : i32
      %dma_start3A_68 = tpu.memref_slice %arg8[%arg0, %dma_start3A_66, %dma_start3A_67] : memref<2x10000x64xf32, #tpu.memory_space<hbm>> -> memref<1x10000x64xf32, #tpu.memory_space<hbm>>
      %dma_start3A_69 = tpu.memref_squeeze %dma_start3A_68 : memref<1x10000x64xf32, #tpu.memory_space<hbm>> -> memref<10000x64xf32, #tpu.memory_space<hbm>>
      %dma_start3A_70 = arith.constant 0 : i32
      %dma_start3A_71 = tpu.memref_slice %dma_start3A_69[%add3A_32, %dma_start3A_70] : memref<10000x64xf32, #tpu.memory_space<hbm>> -> memref<125x64xf32, #tpu.memory_space<hbm>>
      %dma_start3A_72 = arith.constant 0 : i32
      %dma_start3A_73 = arith.constant 0 : i32
      %dma_start3A_74 = tpu.memref_slice %arg12[%dma_start3A_72, %dma_start3A_73] : memref<768x64xf32, #tpu.memory_space<vmem>> -> memref<125x64xf32, #tpu.memory_space<vmem>>
      tpu.enqueue_dma source(%dma_start3A_74 : memref<125x64xf32, #tpu.memory_space<vmem>>) target(%dma_start3A_71 : memref<125x64xf32, #tpu.memory_space<hbm>>) target_semaphore(%run_scoped3A : memref<!tpu.dma_semaphore, #tpu.memory_space<semaphore_mem>>)
      %dma_wait3A = arith.constant 0 : i32
      %dma_wait3A_75 = arith.constant 0 : i32
      %dma_wait3A_76 = tpu.memref_slice %arg12[%dma_wait3A, %dma_wait3A_75] : memref<768x64xf32, #tpu.memory_space<vmem>> -> memref<125x64xf32, #tpu.memory_space<vmem>>
      %dma_wait3A_77 = arith.constant 0 : i32
      %dma_wait3A_78 = arith.constant 0 : i32
      %dma_wait3A_79 = tpu.memref_slice %arg8[%arg0, %dma_wait3A_77, %dma_wait3A_78] : memref<2x10000x64xf32, #tpu.memory_space<hbm>> -> memref<1x10000x64xf32, #tpu.memory_space<hbm>>
      %dma_wait3A_80 = tpu.memref_squeeze %dma_wait3A_79 : memref<1x10000x64xf32, #tpu.memory_space<hbm>> -> memref<10000x64xf32, #tpu.memory_space<hbm>>
      %dma_wait3A_81 = arith.constant 0 : i32
      %dma_wait3A_82 = tpu.memref_slice %dma_wait3A_80[%add3A_32, %dma_wait3A_81] : memref<10000x64xf32, #tpu.memory_space<hbm>> -> memref<125x64xf32, #tpu.memory_space<hbm>>
      %dma_wait3A_83 = arith.constant 0 : i32
      %dma_wait3A_84 = arith.constant 0 : i32
      %dma_wait3A_85 = tpu.memref_slice %arg8[%arg0, %dma_wait3A_83, %dma_wait3A_84] : memref<2x10000x64xf32, #tpu.memory_space<hbm>> -> memref<1x10000x64xf32, #tpu.memory_space<hbm>>
      %dma_wait3A_86 = tpu.memref_squeeze %dma_wait3A_85 : memref<1x10000x64xf32, #tpu.memory_space<hbm>> -> memref<10000x64xf32, #tpu.memory_space<hbm>>
      %dma_wait3A_87 = arith.constant 0 : i32
      %dma_wait3A_88 = tpu.memref_slice %dma_wait3A_86[%add3A_32, %dma_wait3A_87] : memref<10000x64xf32, #tpu.memory_space<hbm>> -> memref<125x64xf32, #tpu.memory_space<hbm>>
      %dma_wait3A_89 = arith.constant 0 : i32
      %dma_wait3A_90 = arith.constant 0 : i32
      %dma_wait3A_91 = tpu.memref_slice %arg12[%dma_wait3A_89, %dma_wait3A_90] : memref<768x64xf32, #tpu.memory_space<vmem>> -> memref<125x64xf32, #tpu.memory_space<vmem>>
      tpu.wait_dma2 semaphore(%run_scoped3A : memref<!tpu.dma_semaphore, #tpu.memory_space<semaphore_mem>>) src(%dma_wait3A_91 : memref<125x64xf32, #tpu.memory_space<vmem>>) dst(%dma_wait3A_88 : memref<125x64xf32, #tpu.memory_space<hbm>>)
      tpu.yield
    }) : () -> ()
    "tpu.region"() ({
      %run_scoped3A = tpu.sem_alloc : memref<!tpu.dma_semaphore, #tpu.memory_space<semaphore_mem>>
      %dma_start3A = arith.constant 125 : i32
      %dma_start3A_58 = arith.constant 0 : i32
      %dma_start3A_59 = tpu.memref_slice %arg12[%dma_start3A, %dma_start3A_58] : memref<768x64xf32, #tpu.memory_space<vmem>> -> memref<125x64xf32, #tpu.memory_space<vmem>>
      %dma_start3A_60 = arith.constant 0 : i32
      %dma_start3A_61 = arith.constant 0 : i32
      %dma_start3A_62 = tpu.memref_slice %arg2[%arg0, %dma_start3A_60, %dma_start3A_61] : memref<2x10000x64xf32, #tpu.memory_space<hbm>> -> memref<1x10000x64xf32, #tpu.memory_space<hbm>>
      %dma_start3A_63 = tpu.memref_squeeze %dma_start3A_62 : memref<1x10000x64xf32, #tpu.memory_space<hbm>> -> memref<10000x64xf32, #tpu.memory_space<hbm>>
      %dma_start3A_64 = arith.constant 0 : i32
      %dma_start3A_65 = tpu.memref_slice %dma_start3A_63[%add3A_32, %dma_start3A_64] : memref<10000x64xf32, #tpu.memory_space<hbm>> -> memref<125x64xf32, #tpu.memory_space<hbm>>
      %dma_start3A_66 = arith.constant 125 : i32
      %dma_start3A_67 = arith.constant 0 : i32
      %dma_start3A_68 = tpu.memref_slice %arg12[%dma_start3A_66, %dma_start3A_67] : memref<768x64xf32, #tpu.memory_space<vmem>> -> memref<125x64xf32, #tpu.memory_space<vmem>>
      %dma_start3A_69 = arith.constant 0 : i32
      %dma_start3A_70 = arith.constant 0 : i32
      %dma_start3A_71 = tpu.memref_slice %arg2[%arg0, %dma_start3A_69, %dma_start3A_70] : memref<2x10000x64xf32, #tpu.memory_space<hbm>> -> memref<1x10000x64xf32, #tpu.memory_space<hbm>>
      %dma_start3A_72 = tpu.memref_squeeze %dma_start3A_71 : memref<1x10000x64xf32, #tpu.memory_space<hbm>> -> memref<10000x64xf32, #tpu.memory_space<hbm>>
      %dma_start3A_73 = arith.constant 0 : i32
      %dma_start3A_74 = tpu.memref_slice %dma_start3A_72[%add3A_32, %dma_start3A_73] : memref<10000x64xf32, #tpu.memory_space<hbm>> -> memref<125x64xf32, #tpu.memory_space<hbm>>
      tpu.enqueue_dma source(%dma_start3A_74 : memref<125x64xf32, #tpu.memory_space<hbm>>) target(%dma_start3A_68 : memref<125x64xf32, #tpu.memory_space<vmem>>) target_semaphore(%run_scoped3A : memref<!tpu.dma_semaphore, #tpu.memory_space<semaphore_mem>>)
      %dma_wait3A = arith.constant 125 : i32
      %dma_wait3A_75 = arith.constant 0 : i32
      %dma_wait3A_76 = tpu.memref_slice %arg12[%dma_wait3A, %dma_wait3A_75] : memref<768x64xf32, #tpu.memory_space<vmem>> -> memref<125x64xf32, #tpu.memory_space<vmem>>
      %dma_wait3A_77 = arith.constant 0 : i32
      %dma_wait3A_78 = arith.constant 0 : i32
      %dma_wait3A_79 = tpu.memref_slice %arg2[%arg0, %dma_wait3A_77, %dma_wait3A_78] : memref<2x10000x64xf32, #tpu.memory_space<hbm>> -> memref<1x10000x64xf32, #tpu.memory_space<hbm>>
      %dma_wait3A_80 = tpu.memref_squeeze %dma_wait3A_79 : memref<1x10000x64xf32, #tpu.memory_space<hbm>> -> memref<10000x64xf32, #tpu.memory_space<hbm>>
      %dma_wait3A_81 = arith.constant 0 : i32
      %dma_wait3A_82 = tpu.memref_slice %dma_wait3A_80[%add3A_32, %dma_wait3A_81] : memref<10000x64xf32, #tpu.memory_space<hbm>> -> memref<125x64xf32, #tpu.memory_space<hbm>>
      %dma_wait3A_83 = arith.constant 125 : i32
      %dma_wait3A_84 = arith.constant 0 : i32
      %dma_wait3A_85 = tpu.memref_slice %arg12[%dma_wait3A_83, %dma_wait3A_84] : memref<768x64xf32, #tpu.memory_space<vmem>> -> memref<125x64xf32, #tpu.memory_space<vmem>>
      %dma_wait3A_86 = arith.constant 0 : i32
      %dma_wait3A_87 = arith.constant 0 : i32
      %dma_wait3A_88 = tpu.memref_slice %arg2[%arg0, %dma_wait3A_86, %dma_wait3A_87] : memref<2x10000x64xf32, #tpu.memory_space<hbm>> -> memref<1x10000x64xf32, #tpu.memory_space<hbm>>
      %dma_wait3A_89 = tpu.memref_squeeze %dma_wait3A_88 : memref<1x10000x64xf32, #tpu.memory_space<hbm>> -> memref<10000x64xf32, #tpu.memory_space<hbm>>
      %dma_wait3A_90 = arith.constant 0 : i32
      %dma_wait3A_91 = tpu.memref_slice %dma_wait3A_89[%add3A_32, %dma_wait3A_90] : memref<10000x64xf32, #tpu.memory_space<hbm>> -> memref<125x64xf32, #tpu.memory_space<hbm>>
      tpu.wait_dma2 semaphore(%run_scoped3A : memref<!tpu.dma_semaphore, #tpu.memory_space<semaphore_mem>>) src(%dma_wait3A_91 : memref<125x64xf32, #tpu.memory_space<hbm>>) dst(%dma_wait3A_85 : memref<125x64xf32, #tpu.memory_space<vmem>>)
      tpu.yield
    }) : () -> ()
    "tpu.region"() ({
      %run_scoped3A = tpu.sem_alloc : memref<!tpu.dma_semaphore, #tpu.memory_space<semaphore_mem>>
      %dma_start3A = arith.constant 125 : i32
      %dma_start3A_58 = arith.constant 0 : i32
      %dma_start3A_59 = tpu.memref_slice %arg12[%dma_start3A, %dma_start3A_58] : memref<768x64xf32, #tpu.memory_space<vmem>> -> memref<125x64xf32, #tpu.memory_space<vmem>>
      %dma_start3A_60 = arith.constant 0 : i32
      %dma_start3A_61 = arith.constant 0 : i32
      %dma_start3A_62 = tpu.memref_slice %arg7[%arg0, %dma_start3A_60, %dma_start3A_61] : memref<2x10000x64xf32, #tpu.memory_space<hbm>> -> memref<1x10000x64xf32, #tpu.memory_space<hbm>>
      %dma_start3A_63 = tpu.memref_squeeze %dma_start3A_62 : memref<1x10000x64xf32, #tpu.memory_space<hbm>> -> memref<10000x64xf32, #tpu.memory_space<hbm>>
      %dma_start3A_64 = arith.constant 0 : i32
      %dma_start3A_65 = tpu.memref_slice %dma_start3A_63[%add3A_32, %dma_start3A_64] : memref<10000x64xf32, #tpu.memory_space<hbm>> -> memref<125x64xf32, #tpu.memory_space<hbm>>
      %dma_start3A_66 = arith.constant 0 : i32
      %dma_start3A_67 = arith.constant 0 : i32
      %dma_start3A_68 = tpu.memref_slice %arg7[%arg0, %dma_start3A_66, %dma_start3A_67] : memref<2x10000x64xf32, #tpu.memory_space<hbm>> -> memref<1x10000x64xf32, #tpu.memory_space<hbm>>
      %dma_start3A_69 = tpu.memref_squeeze %dma_start3A_68 : memref<1x10000x64xf32, #tpu.memory_space<hbm>> -> memref<10000x64xf32, #tpu.memory_space<hbm>>
      %dma_start3A_70 = arith.constant 0 : i32
      %dma_start3A_71 = tpu.memref_slice %dma_start3A_69[%add3A_32, %dma_start3A_70] : memref<10000x64xf32, #tpu.memory_space<hbm>> -> memref<125x64xf32, #tpu.memory_space<hbm>>
      %dma_start3A_72 = arith.constant 125 : i32
      %dma_start3A_73 = arith.constant 0 : i32
      %dma_start3A_74 = tpu.memref_slice %arg12[%dma_start3A_72, %dma_start3A_73] : memref<768x64xf32, #tpu.memory_space<vmem>> -> memref<125x64xf32, #tpu.memory_space<vmem>>
      tpu.enqueue_dma source(%dma_start3A_74 : memref<125x64xf32, #tpu.memory_space<vmem>>) target(%dma_start3A_71 : memref<125x64xf32, #tpu.memory_space<hbm>>) target_semaphore(%run_scoped3A : memref<!tpu.dma_semaphore, #tpu.memory_space<semaphore_mem>>)
      %dma_wait3A = arith.constant 125 : i32
      %dma_wait3A_75 = arith.constant 0 : i32
      %dma_wait3A_76 = tpu.memref_slice %arg12[%dma_wait3A, %dma_wait3A_75] : memref<768x64xf32, #tpu.memory_space<vmem>> -> memref<125x64xf32, #tpu.memory_space<vmem>>
      %dma_wait3A_77 = arith.constant 0 : i32
      %dma_wait3A_78 = arith.constant 0 : i32
      %dma_wait3A_79 = tpu.memref_slice %arg7[%arg0, %dma_wait3A_77, %dma_wait3A_78] : memref<2x10000x64xf32, #tpu.memory_space<hbm>> -> memref<1x10000x64xf32, #tpu.memory_space<hbm>>
      %dma_wait3A_80 = tpu.memref_squeeze %dma_wait3A_79 : memref<1x10000x64xf32, #tpu.memory_space<hbm>> -> memref<10000x64xf32, #tpu.memory_space<hbm>>
      %dma_wait3A_81 = arith.constant 0 : i32
      %dma_wait3A_82 = tpu.memref_slice %dma_wait3A_80[%add3A_32, %dma_wait3A_81] : memref<10000x64xf32, #tpu.memory_space<hbm>> -> memref<125x64xf32, #tpu.memory_space<hbm>>
      %dma_wait3A_83 = arith.constant 0 : i32
      %dma_wait3A_84 = arith.constant 0 : i32
      %dma_wait3A_85 = tpu.memref_slice %arg7[%arg0, %dma_wait3A_83, %dma_wait3A_84] : memref<2x10000x64xf32, #tpu.memory_space<hbm>> -> memref<1x10000x64xf32, #tpu.memory_space<hbm>>
      %dma_wait3A_86 = tpu.memref_squeeze %dma_wait3A_85 : memref<1x10000x64xf32, #tpu.memory_space<hbm>> -> memref<10000x64xf32, #tpu.memory_space<hbm>>
      %dma_wait3A_87 = arith.constant 0 : i32
      %dma_wait3A_88 = tpu.memref_slice %dma_wait3A_86[%add3A_32, %dma_wait3A_87] : memref<10000x64xf32, #tpu.memory_space<hbm>> -> memref<125x64xf32, #tpu.memory_space<hbm>>
      %dma_wait3A_89 = arith.constant 125 : i32
      %dma_wait3A_90 = arith.constant 0 : i32
      %dma_wait3A_91 = tpu.memref_slice %arg12[%dma_wait3A_89, %dma_wait3A_90] : memref<768x64xf32, #tpu.memory_space<vmem>> -> memref<125x64xf32, #tpu.memory_space<vmem>>
      tpu.wait_dma2 semaphore(%run_scoped3A : memref<!tpu.dma_semaphore, #tpu.memory_space<semaphore_mem>>) src(%dma_wait3A_91 : memref<125x64xf32, #tpu.memory_space<vmem>>) dst(%dma_wait3A_88 : memref<125x64xf32, #tpu.memory_space<hbm>>)
      tpu.yield
    }) : () -> ()
    "tpu.region"() ({
      %run_scoped3A = tpu.sem_alloc : memref<!tpu.dma_semaphore, #tpu.memory_space<semaphore_mem>>
      %dma_start3A = arith.constant 125 : i32
      %dma_start3A_58 = arith.constant 0 : i32
      %dma_start3A_59 = tpu.memref_slice %arg12[%dma_start3A, %dma_start3A_58] : memref<768x64xf32, #tpu.memory_space<vmem>> -> memref<125x64xf32, #tpu.memory_space<vmem>>
      %dma_start3A_60 = arith.constant 0 : i32
      %dma_start3A_61 = tpu.memref_slice %arg9[%add3A_32, %dma_start3A_60] : memref<10112x64xf32, #tpu.memory_space<vmem_shared>> -> memref<125x64xf32, #tpu.memory_space<vmem_shared>>
      %dma_start3A_62 = arith.constant 0 : i32
      %dma_start3A_63 = tpu.memref_slice %arg9[%add3A_32, %dma_start3A_62] : memref<10112x64xf32, #tpu.memory_space<vmem_shared>> -> memref<125x64xf32, #tpu.memory_space<vmem_shared>>
      %dma_start3A_64 = arith.constant 125 : i32
      %dma_start3A_65 = arith.constant 0 : i32
      %dma_start3A_66 = tpu.memref_slice %arg12[%dma_start3A_64, %dma_start3A_65] : memref<768x64xf32, #tpu.memory_space<vmem>> -> memref<125x64xf32, #tpu.memory_space<vmem>>
      tpu.enqueue_dma source(%dma_start3A_66 : memref<125x64xf32, #tpu.memory_space<vmem>>) target(%dma_start3A_63 : memref<125x64xf32, #tpu.memory_space<vmem_shared>>) target_semaphore(%run_scoped3A : memref<!tpu.dma_semaphore, #tpu.memory_space<semaphore_mem>>)
      %dma_wait3A = arith.constant 125 : i32
      %dma_wait3A_67 = arith.constant 0 : i32
      %dma_wait3A_68 = tpu.memref_slice %arg12[%dma_wait3A, %dma_wait3A_67] : memref<768x64xf32, #tpu.memory_space<vmem>> -> memref<125x64xf32, #tpu.memory_space<vmem>>
      %dma_wait3A_69 = arith.constant 0 : i32
      %dma_wait3A_70 = tpu.memref_slice %arg9[%add3A_32, %dma_wait3A_69] : memref<10112x64xf32, #tpu.memory_space<vmem_shared>> -> memref<125x64xf32, #tpu.memory_space<vmem_shared>>
      %dma_wait3A_71 = arith.constant 0 : i32
      %dma_wait3A_72 = tpu.memref_slice %arg9[%add3A_32, %dma_wait3A_71] : memref<10112x64xf32, #tpu.memory_space<vmem_shared>> -> memref<125x64xf32, #tpu.memory_space<vmem_shared>>
      %dma_wait3A_73 = arith.constant 125 : i32
      %dma_wait3A_74 = arith.constant 0 : i32
      %dma_wait3A_75 = tpu.memref_slice %arg12[%dma_wait3A_73, %dma_wait3A_74] : memref<768x64xf32, #tpu.memory_space<vmem>> -> memref<125x64xf32, #tpu.memory_space<vmem>>
      tpu.wait_dma2 semaphore(%run_scoped3A : memref<!tpu.dma_semaphore, #tpu.memory_space<semaphore_mem>>) src(%dma_wait3A_75 : memref<125x64xf32, #tpu.memory_space<vmem>>) dst(%dma_wait3A_72 : memref<125x64xf32, #tpu.memory_space<vmem_shared>>)
      tpu.yield
    }) : () -> ()
    %add3A_38 = arith.constant 375 : i32
    %add3A_39 = arith.addi %mul3A_16, %add3A_38 : i32
    "tpu.region"() ({
      %run_scoped3A = tpu.sem_alloc : memref<!tpu.dma_semaphore, #tpu.memory_space<semaphore_mem>>
      %dma_start3A = arith.constant 0 : i32
      %dma_start3A_58 = arith.constant 0 : i32
      %dma_start3A_59 = tpu.memref_slice %arg12[%dma_start3A, %dma_start3A_58] : memref<768x64xf32, #tpu.memory_space<vmem>> -> memref<125x64xf32, #tpu.memory_space<vmem>>
      %dma_start3A_60 = arith.constant 0 : i32
      %dma_start3A_61 = tpu.memref_slice %arg9[%add3A_39, %dma_start3A_60] : memref<10112x64xf32, #tpu.memory_space<vmem_shared>> -> memref<125x64xf32, #tpu.memory_space<vmem_shared>>
      %dma_start3A_62 = arith.constant 0 : i32
      %dma_start3A_63 = arith.constant 0 : i32
      %dma_start3A_64 = tpu.memref_slice %arg12[%dma_start3A_62, %dma_start3A_63] : memref<768x64xf32, #tpu.memory_space<vmem>> -> memref<125x64xf32, #tpu.memory_space<vmem>>
      %dma_start3A_65 = arith.constant 0 : i32
      %dma_start3A_66 = tpu.memref_slice %arg9[%add3A_39, %dma_start3A_65] : memref<10112x64xf32, #tpu.memory_space<vmem_shared>> -> memref<125x64xf32, #tpu.memory_space<vmem_shared>>
      tpu.enqueue_dma source(%dma_start3A_66 : memref<125x64xf32, #tpu.memory_space<vmem_shared>>) target(%dma_start3A_64 : memref<125x64xf32, #tpu.memory_space<vmem>>) target_semaphore(%run_scoped3A : memref<!tpu.dma_semaphore, #tpu.memory_space<semaphore_mem>>)
      %dma_wait3A = arith.constant 0 : i32
      %dma_wait3A_67 = arith.constant 0 : i32
      %dma_wait3A_68 = tpu.memref_slice %arg12[%dma_wait3A, %dma_wait3A_67] : memref<768x64xf32, #tpu.memory_space<vmem>> -> memref<125x64xf32, #tpu.memory_space<vmem>>
      %dma_wait3A_69 = arith.constant 0 : i32
      %dma_wait3A_70 = tpu.memref_slice %arg9[%add3A_39, %dma_wait3A_69] : memref<10112x64xf32, #tpu.memory_space<vmem_shared>> -> memref<125x64xf32, #tpu.memory_space<vmem_shared>>
      %dma_wait3A_71 = arith.constant 0 : i32
      %dma_wait3A_72 = arith.constant 0 : i32
      %dma_wait3A_73 = tpu.memref_slice %arg12[%dma_wait3A_71, %dma_wait3A_72] : memref<768x64xf32, #tpu.memory_space<vmem>> -> memref<125x64xf32, #tpu.memory_space<vmem>>
      %dma_wait3A_74 = arith.constant 0 : i32
      %dma_wait3A_75 = tpu.memref_slice %arg9[%add3A_39, %dma_wait3A_74] : memref<10112x64xf32, #tpu.memory_space<vmem_shared>> -> memref<125x64xf32, #tpu.memory_space<vmem_shared>>
      tpu.wait_dma2 semaphore(%run_scoped3A : memref<!tpu.dma_semaphore, #tpu.memory_space<semaphore_mem>>) src(%dma_wait3A_75 : memref<125x64xf32, #tpu.memory_space<vmem_shared>>) dst(%dma_wait3A_73 : memref<125x64xf32, #tpu.memory_space<vmem>>)
      tpu.yield
    }) : () -> ()
    %scan3A_40 = arith.constant 0 : i32
    %scan3A_41 = arith.constant 125 : i32
    %scan3A_42 = arith.addi %scan3A_40, %scan3A_41 : i32
    %scan3A_43 = arith.constant 1 : i32
    scf.for %scan3A_58 = %scan3A_40 to %scan3A_42 step %scan3A_43  : i32 {
      %get3A = arith.index_cast %scan3A_58 : i32 to index
      %get3A_59 = arith.constant 0 : index
      %get3A_60 = tpu.vector_load %arg12[%get3A, %get3A_59] {strides = array<i32>} : memref<768x64xf32, #tpu.memory_space<vmem>>, vector<1x16xf32>,
      %get3A_61 = vector.shape_cast %get3A_60 : vector<1x16xf32> to vector<16xf32>
      %add3A_62 = arith.constant 1.000000e+00 : f32
      %add3A_63 = vector.broadcast %add3A_62 : f32 to vector<16xf32>
      %add3A_64 = arith.addf %add3A_63, %get3A_61 : vector<16xf32>
      %div3A = arith.constant 5.000000e-01 : f32
      %div3A_65 = vector.broadcast %div3A : f32 to vector<16xf32>
      %div3A_66 = arith.divf %div3A_65, %add3A_64 : vector<16xf32>
      %swap3A = arith.index_cast %scan3A_58 : i32 to index
      %swap3A_67 = arith.constant 0 : index
      %swap3A_68 = tpu.vector_load %arg12[%swap3A, %swap3A_67] {strides = array<i32>} : memref<768x64xf32, #tpu.memory_space<vmem>>, vector<1x16xf32>,
      %swap3A_69 = vector.shape_cast %swap3A_68 : vector<1x16xf32> to vector<16xf32>
      %swap3A_70 = vector.shape_cast %div3A_66 : vector<16xf32> to vector<1x16xf32>
      tpu.vector_store %arg12[%swap3A, %swap3A_67], %swap3A_70 {strides = array<i32>} : memref<768x64xf32, #tpu.memory_space<vmem>>, vector<1x16xf32>,
      %get3A_71 = arith.index_cast %scan3A_58 : i32 to index
      %get3A_72 = arith.constant 16 : index
      %get3A_73 = tpu.vector_load %arg12[%get3A_71, %get3A_72] {strides = array<i32>} : memref<768x64xf32, #tpu.memory_space<vmem>>, vector<1x16xf32>,
      %get3A_74 = vector.shape_cast %get3A_73 : vector<1x16xf32> to vector<16xf32>
      %add3A_75 = arith.constant 1.000000e+00 : f32
      %add3A_76 = vector.broadcast %add3A_75 : f32 to vector<16xf32>
      %add3A_77 = arith.addf %add3A_76, %get3A_74 : vector<16xf32>
      %div3A_78 = arith.constant 5.000000e-01 : f32
      %div3A_79 = vector.broadcast %div3A_78 : f32 to vector<16xf32>
      %div3A_80 = arith.divf %div3A_79, %add3A_77 : vector<16xf32>
      %swap3A_81 = arith.index_cast %scan3A_58 : i32 to index
      %swap3A_82 = arith.constant 16 : index
      %swap3A_83 = tpu.vector_load %arg12[%swap3A_81, %swap3A_82] {strides = array<i32>} : memref<768x64xf32, #tpu.memory_space<vmem>>, vector<1x16xf32>,
      %swap3A_84 = vector.shape_cast %swap3A_83 : vector<1x16xf32> to vector<16xf32>
      %swap3A_85 = vector.shape_cast %div3A_80 : vector<16xf32> to vector<1x16xf32>
      tpu.vector_store %arg12[%swap3A_81, %swap3A_82], %swap3A_85 {strides = array<i32>} : memref<768x64xf32, #tpu.memory_space<vmem>>, vector<1x16xf32>,
      %get3A_86 = arith.index_cast %scan3A_58 : i32 to index
      %get3A_87 = arith.constant 32 : index
      %get3A_88 = tpu.vector_load %arg12[%get3A_86, %get3A_87] {strides = array<i32>} : memref<768x64xf32, #tpu.memory_space<vmem>>, vector<1x16xf32>,
      %get3A_89 = vector.shape_cast %get3A_88 : vector<1x16xf32> to vector<16xf32>
      %add3A_90 = arith.constant 1.000000e+00 : f32
      %add3A_91 = vector.broadcast %add3A_90 : f32 to vector<16xf32>
      %add3A_92 = arith.addf %add3A_91, %get3A_89 : vector<16xf32>
      %div3A_93 = arith.constant 5.000000e-01 : f32
      %div3A_94 = vector.broadcast %div3A_93 : f32 to vector<16xf32>
      %div3A_95 = arith.divf %div3A_94, %add3A_92 : vector<16xf32>
      %swap3A_96 = arith.index_cast %scan3A_58 : i32 to index
      %swap3A_97 = arith.constant 32 : index
      %swap3A_98 = tpu.vector_load %arg12[%swap3A_96, %swap3A_97] {strides = array<i32>} : memref<768x64xf32, #tpu.memory_space<vmem>>, vector<1x16xf32>,
      %swap3A_99 = vector.shape_cast %swap3A_98 : vector<1x16xf32> to vector<16xf32>
      %swap3A_100 = vector.shape_cast %div3A_95 : vector<16xf32> to vector<1x16xf32>
      tpu.vector_store %arg12[%swap3A_96, %swap3A_97], %swap3A_100 {strides = array<i32>} : memref<768x64xf32, #tpu.memory_space<vmem>>, vector<1x16xf32>,
      %get3A_101 = arith.index_cast %scan3A_58 : i32 to index
      %get3A_102 = arith.constant 48 : index
      %get3A_103 = tpu.vector_load %arg12[%get3A_101, %get3A_102] {strides = array<i32>} : memref<768x64xf32, #tpu.memory_space<vmem>>, vector<1x16xf32>,
      %get3A_104 = vector.shape_cast %get3A_103 : vector<1x16xf32> to vector<16xf32>
      %add3A_105 = arith.constant 1.000000e+00 : f32
      %add3A_106 = vector.broadcast %add3A_105 : f32 to vector<16xf32>
      %add3A_107 = arith.addf %add3A_106, %get3A_104 : vector<16xf32>
      %div3A_108 = arith.constant 5.000000e-01 : f32
      %div3A_109 = vector.broadcast %div3A_108 : f32 to vector<16xf32>
      %div3A_110 = arith.divf %div3A_109, %add3A_107 : vector<16xf32>
      %swap3A_111 = arith.index_cast %scan3A_58 : i32 to index
      %swap3A_112 = arith.constant 48 : index
      %swap3A_113 = tpu.vector_load %arg12[%swap3A_111, %swap3A_112] {strides = array<i32>} : memref<768x64xf32, #tpu.memory_space<vmem>>, vector<1x16xf32>,
      %swap3A_114 = vector.shape_cast %swap3A_113 : vector<1x16xf32> to vector<16xf32>
      %swap3A_115 = vector.shape_cast %div3A_110 : vector<16xf32> to vector<1x16xf32>
      tpu.vector_store %arg12[%swap3A_111, %swap3A_112], %swap3A_115 {strides = array<i32>} : memref<768x64xf32, #tpu.memory_space<vmem>>, vector<1x16xf32>,
    }
    %scan3A_44 = arith.constant 125 : i32
    "tpu.region"() ({
      %run_scoped3A = tpu.sem_alloc : memref<!tpu.dma_semaphore, #tpu.memory_space<semaphore_mem>>
      %dma_start3A = arith.constant 0 : i32
      %dma_start3A_58 = arith.constant 0 : i32
      %dma_start3A_59 = tpu.memref_slice %arg12[%dma_start3A, %dma_start3A_58] : memref<768x64xf32, #tpu.memory_space<vmem>> -> memref<125x64xf32, #tpu.memory_space<vmem>>
      %dma_start3A_60 = arith.constant 0 : i32
      %dma_start3A_61 = arith.constant 0 : i32
      %dma_start3A_62 = tpu.memref_slice %arg8[%arg0, %dma_start3A_60, %dma_start3A_61] : memref<2x10000x64xf32, #tpu.memory_space<hbm>> -> memref<1x10000x64xf32, #tpu.memory_space<hbm>>
      %dma_start3A_63 = tpu.memref_squeeze %dma_start3A_62 : memref<1x10000x64xf32, #tpu.memory_space<hbm>> -> memref<10000x64xf32, #tpu.memory_space<hbm>>
      %dma_start3A_64 = arith.constant 0 : i32
      %dma_start3A_65 = tpu.memref_slice %dma_start3A_63[%add3A_39, %dma_start3A_64] : memref<10000x64xf32, #tpu.memory_space<hbm>> -> memref<125x64xf32, #tpu.memory_space<hbm>>
      %dma_start3A_66 = arith.constant 0 : i32
      %dma_start3A_67 = arith.constant 0 : i32
      %dma_start3A_68 = tpu.memref_slice %arg8[%arg0, %dma_start3A_66, %dma_start3A_67] : memref<2x10000x64xf32, #tpu.memory_space<hbm>> -> memref<1x10000x64xf32, #tpu.memory_space<hbm>>
      %dma_start3A_69 = tpu.memref_squeeze %dma_start3A_68 : memref<1x10000x64xf32, #tpu.memory_space<hbm>> -> memref<10000x64xf32, #tpu.memory_space<hbm>>
      %dma_start3A_70 = arith.constant 0 : i32
      %dma_start3A_71 = tpu.memref_slice %dma_start3A_69[%add3A_39, %dma_start3A_70] : memref<10000x64xf32, #tpu.memory_space<hbm>> -> memref<125x64xf32, #tpu.memory_space<hbm>>
      %dma_start3A_72 = arith.constant 0 : i32
      %dma_start3A_73 = arith.constant 0 : i32
      %dma_start3A_74 = tpu.memref_slice %arg12[%dma_start3A_72, %dma_start3A_73] : memref<768x64xf32, #tpu.memory_space<vmem>> -> memref<125x64xf32, #tpu.memory_space<vmem>>
      tpu.enqueue_dma source(%dma_start3A_74 : memref<125x64xf32, #tpu.memory_space<vmem>>) target(%dma_start3A_71 : memref<125x64xf32, #tpu.memory_space<hbm>>) target_semaphore(%run_scoped3A : memref<!tpu.dma_semaphore, #tpu.memory_space<semaphore_mem>>)
      %dma_wait3A = arith.constant 0 : i32
      %dma_wait3A_75 = arith.constant 0 : i32
      %dma_wait3A_76 = tpu.memref_slice %arg12[%dma_wait3A, %dma_wait3A_75] : memref<768x64xf32, #tpu.memory_space<vmem>> -> memref<125x64xf32, #tpu.memory_space<vmem>>
      %dma_wait3A_77 = arith.constant 0 : i32
      %dma_wait3A_78 = arith.constant 0 : i32
      %dma_wait3A_79 = tpu.memref_slice %arg8[%arg0, %dma_wait3A_77, %dma_wait3A_78] : memref<2x10000x64xf32, #tpu.memory_space<hbm>> -> memref<1x10000x64xf32, #tpu.memory_space<hbm>>
      %dma_wait3A_80 = tpu.memref_squeeze %dma_wait3A_79 : memref<1x10000x64xf32, #tpu.memory_space<hbm>> -> memref<10000x64xf32, #tpu.memory_space<hbm>>
      %dma_wait3A_81 = arith.constant 0 : i32
      %dma_wait3A_82 = tpu.memref_slice %dma_wait3A_80[%add3A_39, %dma_wait3A_81] : memref<10000x64xf32, #tpu.memory_space<hbm>> -> memref<125x64xf32, #tpu.memory_space<hbm>>
      %dma_wait3A_83 = arith.constant 0 : i32
      %dma_wait3A_84 = arith.constant 0 : i32
      %dma_wait3A_85 = tpu.memref_slice %arg8[%arg0, %dma_wait3A_83, %dma_wait3A_84] : memref<2x10000x64xf32, #tpu.memory_space<hbm>> -> memref<1x10000x64xf32, #tpu.memory_space<hbm>>
      %dma_wait3A_86 = tpu.memref_squeeze %dma_wait3A_85 : memref<1x10000x64xf32, #tpu.memory_space<hbm>> -> memref<10000x64xf32, #tpu.memory_space<hbm>>
      %dma_wait3A_87 = arith.constant 0 : i32
      %dma_wait3A_88 = tpu.memref_slice %dma_wait3A_86[%add3A_39, %dma_wait3A_87] : memref<10000x64xf32, #tpu.memory_space<hbm>> -> memref<125x64xf32, #tpu.memory_space<hbm>>
      %dma_wait3A_89 = arith.constant 0 : i32
      %dma_wait3A_90 = arith.constant 0 : i32
      %dma_wait3A_91 = tpu.memref_slice %arg12[%dma_wait3A_89, %dma_wait3A_90] : memref<768x64xf32, #tpu.memory_space<vmem>> -> memref<125x64xf32, #tpu.memory_space<vmem>>
      tpu.wait_dma2 semaphore(%run_scoped3A : memref<!tpu.dma_semaphore, #tpu.memory_space<semaphore_mem>>) src(%dma_wait3A_91 : memref<125x64xf32, #tpu.memory_space<vmem>>) dst(%dma_wait3A_88 : memref<125x64xf32, #tpu.memory_space<hbm>>)
      tpu.yield
    }) : () -> ()
    "tpu.region"() ({
      %run_scoped3A = tpu.sem_alloc : memref<!tpu.dma_semaphore, #tpu.memory_space<semaphore_mem>>
      %dma_start3A = arith.constant 125 : i32
      %dma_start3A_58 = arith.constant 0 : i32
      %dma_start3A_59 = tpu.memref_slice %arg12[%dma_start3A, %dma_start3A_58] : memref<768x64xf32, #tpu.memory_space<vmem>> -> memref<125x64xf32, #tpu.memory_space<vmem>>
      %dma_start3A_60 = arith.constant 0 : i32
      %dma_start3A_61 = arith.constant 0 : i32
      %dma_start3A_62 = tpu.memref_slice %arg2[%arg0, %dma_start3A_60, %dma_start3A_61] : memref<2x10000x64xf32, #tpu.memory_space<hbm>> -> memref<1x10000x64xf32, #tpu.memory_space<hbm>>
      %dma_start3A_63 = tpu.memref_squeeze %dma_start3A_62 : memref<1x10000x64xf32, #tpu.memory_space<hbm>> -> memref<10000x64xf32, #tpu.memory_space<hbm>>
      %dma_start3A_64 = arith.constant 0 : i32
      %dma_start3A_65 = tpu.memref_slice %dma_start3A_63[%add3A_39, %dma_start3A_64] : memref<10000x64xf32, #tpu.memory_space<hbm>> -> memref<125x64xf32, #tpu.memory_space<hbm>>
      %dma_start3A_66 = arith.constant 125 : i32
      %dma_start3A_67 = arith.constant 0 : i32
      %dma_start3A_68 = tpu.memref_slice %arg12[%dma_start3A_66, %dma_start3A_67] : memref<768x64xf32, #tpu.memory_space<vmem>> -> memref<125x64xf32, #tpu.memory_space<vmem>>
      %dma_start3A_69 = arith.constant 0 : i32
      %dma_start3A_70 = arith.constant 0 : i32
      %dma_start3A_71 = tpu.memref_slice %arg2[%arg0, %dma_start3A_69, %dma_start3A_70] : memref<2x10000x64xf32, #tpu.memory_space<hbm>> -> memref<1x10000x64xf32, #tpu.memory_space<hbm>>
      %dma_start3A_72 = tpu.memref_squeeze %dma_start3A_71 : memref<1x10000x64xf32, #tpu.memory_space<hbm>> -> memref<10000x64xf32, #tpu.memory_space<hbm>>
      %dma_start3A_73 = arith.constant 0 : i32
      %dma_start3A_74 = tpu.memref_slice %dma_start3A_72[%add3A_39, %dma_start3A_73] : memref<10000x64xf32, #tpu.memory_space<hbm>> -> memref<125x64xf32, #tpu.memory_space<hbm>>
      tpu.enqueue_dma source(%dma_start3A_74 : memref<125x64xf32, #tpu.memory_space<hbm>>) target(%dma_start3A_68 : memref<125x64xf32, #tpu.memory_space<vmem>>) target_semaphore(%run_scoped3A : memref<!tpu.dma_semaphore, #tpu.memory_space<semaphore_mem>>)
      %dma_wait3A = arith.constant 125 : i32
      %dma_wait3A_75 = arith.constant 0 : i32
      %dma_wait3A_76 = tpu.memref_slice %arg12[%dma_wait3A, %dma_wait3A_75] : memref<768x64xf32, #tpu.memory_space<vmem>> -> memref<125x64xf32, #tpu.memory_space<vmem>>
      %dma_wait3A_77 = arith.constant 0 : i32
      %dma_wait3A_78 = arith.constant 0 : i32
      %dma_wait3A_79 = tpu.memref_slice %arg2[%arg0, %dma_wait3A_77, %dma_wait3A_78] : memref<2x10000x64xf32, #tpu.memory_space<hbm>> -> memref<1x10000x64xf32, #tpu.memory_space<hbm>>
      %dma_wait3A_80 = tpu.memref_squeeze %dma_wait3A_79 : memref<1x10000x64xf32, #tpu.memory_space<hbm>> -> memref<10000x64xf32, #tpu.memory_space<hbm>>
      %dma_wait3A_81 = arith.constant 0 : i32
      %dma_wait3A_82 = tpu.memref_slice %dma_wait3A_80[%add3A_39, %dma_wait3A_81] : memref<10000x64xf32, #tpu.memory_space<hbm>> -> memref<125x64xf32, #tpu.memory_space<hbm>>
      %dma_wait3A_83 = arith.constant 125 : i32
      %dma_wait3A_84 = arith.constant 0 : i32
      %dma_wait3A_85 = tpu.memref_slice %arg12[%dma_wait3A_83, %dma_wait3A_84] : memref<768x64xf32, #tpu.memory_space<vmem>> -> memref<125x64xf32, #tpu.memory_space<vmem>>
      %dma_wait3A_86 = arith.constant 0 : i32
      %dma_wait3A_87 = arith.constant 0 : i32
      %dma_wait3A_88 = tpu.memref_slice %arg2[%arg0, %dma_wait3A_86, %dma_wait3A_87] : memref<2x10000x64xf32, #tpu.memory_space<hbm>> -> memref<1x10000x64xf32, #tpu.memory_space<hbm>>
      %dma_wait3A_89 = tpu.memref_squeeze %dma_wait3A_88 : memref<1x10000x64xf32, #tpu.memory_space<hbm>> -> memref<10000x64xf32, #tpu.memory_space<hbm>>
      %dma_wait3A_90 = arith.constant 0 : i32
      %dma_wait3A_91 = tpu.memref_slice %dma_wait3A_89[%add3A_39, %dma_wait3A_90] : memref<10000x64xf32, #tpu.memory_space<hbm>> -> memref<125x64xf32, #tpu.memory_space<hbm>>
      tpu.wait_dma2 semaphore(%run_scoped3A : memref<!tpu.dma_semaphore, #tpu.memory_space<semaphore_mem>>) src(%dma_wait3A_91 : memref<125x64xf32, #tpu.memory_space<hbm>>) dst(%dma_wait3A_85 : memref<125x64xf32, #tpu.memory_space<vmem>>)
      tpu.yield
    }) : () -> ()
    "tpu.region"() ({
      %run_scoped3A = tpu.sem_alloc : memref<!tpu.dma_semaphore, #tpu.memory_space<semaphore_mem>>
      %dma_start3A = arith.constant 125 : i32
      %dma_start3A_58 = arith.constant 0 : i32
      %dma_start3A_59 = tpu.memref_slice %arg12[%dma_start3A, %dma_start3A_58] : memref<768x64xf32, #tpu.memory_space<vmem>> -> memref<125x64xf32, #tpu.memory_space<vmem>>
      %dma_start3A_60 = arith.constant 0 : i32
      %dma_start3A_61 = arith.constant 0 : i32
      %dma_start3A_62 = tpu.memref_slice %arg7[%arg0, %dma_start3A_60, %dma_start3A_61] : memref<2x10000x64xf32, #tpu.memory_space<hbm>> -> memref<1x10000x64xf32, #tpu.memory_space<hbm>>
      %dma_start3A_63 = tpu.memref_squeeze %dma_start3A_62 : memref<1x10000x64xf32, #tpu.memory_space<hbm>> -> memref<10000x64xf32, #tpu.memory_space<hbm>>
      %dma_start3A_64 = arith.constant 0 : i32
      %dma_start3A_65 = tpu.memref_slice %dma_start3A_63[%add3A_39, %dma_start3A_64] : memref<10000x64xf32, #tpu.memory_space<hbm>> -> memref<125x64xf32, #tpu.memory_space<hbm>>
      %dma_start3A_66 = arith.constant 0 : i32
      %dma_start3A_67 = arith.constant 0 : i32
      %dma_start3A_68 = tpu.memref_slice %arg7[%arg0, %dma_start3A_66, %dma_start3A_67] : memref<2x10000x64xf32, #tpu.memory_space<hbm>> -> memref<1x10000x64xf32, #tpu.memory_space<hbm>>
      %dma_start3A_69 = tpu.memref_squeeze %dma_start3A_68 : memref<1x10000x64xf32, #tpu.memory_space<hbm>> -> memref<10000x64xf32, #tpu.memory_space<hbm>>
      %dma_start3A_70 = arith.constant 0 : i32
      %dma_start3A_71 = tpu.memref_slice %dma_start3A_69[%add3A_39, %dma_start3A_70] : memref<10000x64xf32, #tpu.memory_space<hbm>> -> memref<125x64xf32, #tpu.memory_space<hbm>>
      %dma_start3A_72 = arith.constant 125 : i32
      %dma_start3A_73 = arith.constant 0 : i32
      %dma_start3A_74 = tpu.memref_slice %arg12[%dma_start3A_72, %dma_start3A_73] : memref<768x64xf32, #tpu.memory_space<vmem>> -> memref<125x64xf32, #tpu.memory_space<vmem>>
      tpu.enqueue_dma source(%dma_start3A_74 : memref<125x64xf32, #tpu.memory_space<vmem>>) target(%dma_start3A_71 : memref<125x64xf32, #tpu.memory_space<hbm>>) target_semaphore(%run_scoped3A : memref<!tpu.dma_semaphore, #tpu.memory_space<semaphore_mem>>)
      %dma_wait3A = arith.constant 125 : i32
      %dma_wait3A_75 = arith.constant 0 : i32
      %dma_wait3A_76 = tpu.memref_slice %arg12[%dma_wait3A, %dma_wait3A_75] : memref<768x64xf32, #tpu.memory_space<vmem>> -> memref<125x64xf32, #tpu.memory_space<vmem>>
      %dma_wait3A_77 = arith.constant 0 : i32
      %dma_wait3A_78 = arith.constant 0 : i32
      %dma_wait3A_79 = tpu.memref_slice %arg7[%arg0, %dma_wait3A_77, %dma_wait3A_78] : memref<2x10000x64xf32, #tpu.memory_space<hbm>> -> memref<1x10000x64xf32, #tpu.memory_space<hbm>>
      %dma_wait3A_80 = tpu.memref_squeeze %dma_wait3A_79 : memref<1x10000x64xf32, #tpu.memory_space<hbm>> -> memref<10000x64xf32, #tpu.memory_space<hbm>>
      %dma_wait3A_81 = arith.constant 0 : i32
      %dma_wait3A_82 = tpu.memref_slice %dma_wait3A_80[%add3A_39, %dma_wait3A_81] : memref<10000x64xf32, #tpu.memory_space<hbm>> -> memref<125x64xf32, #tpu.memory_space<hbm>>
      %dma_wait3A_83 = arith.constant 0 : i32
      %dma_wait3A_84 = arith.constant 0 : i32
      %dma_wait3A_85 = tpu.memref_slice %arg7[%arg0, %dma_wait3A_83, %dma_wait3A_84] : memref<2x10000x64xf32, #tpu.memory_space<hbm>> -> memref<1x10000x64xf32, #tpu.memory_space<hbm>>
      %dma_wait3A_86 = tpu.memref_squeeze %dma_wait3A_85 : memref<1x10000x64xf32, #tpu.memory_space<hbm>> -> memref<10000x64xf32, #tpu.memory_space<hbm>>
      %dma_wait3A_87 = arith.constant 0 : i32
      %dma_wait3A_88 = tpu.memref_slice %dma_wait3A_86[%add3A_39, %dma_wait3A_87] : memref<10000x64xf32, #tpu.memory_space<hbm>> -> memref<125x64xf32, #tpu.memory_space<hbm>>
      %dma_wait3A_89 = arith.constant 125 : i32
      %dma_wait3A_90 = arith.constant 0 : i32
      %dma_wait3A_91 = tpu.memref_slice %arg12[%dma_wait3A_89, %dma_wait3A_90] : memref<768x64xf32, #tpu.memory_space<vmem>> -> memref<125x64xf32, #tpu.memory_space<vmem>>
      tpu.wait_dma2 semaphore(%run_scoped3A : memref<!tpu.dma_semaphore, #tpu.memory_space<semaphore_mem>>) src(%dma_wait3A_91 : memref<125x64xf32, #tpu.memory_space<vmem>>) dst(%dma_wait3A_88 : memref<125x64xf32, #tpu.memory_space<hbm>>)
      tpu.yield
    }) : () -> ()
    "tpu.region"() ({
      %run_scoped3A = tpu.sem_alloc : memref<!tpu.dma_semaphore, #tpu.memory_space<semaphore_mem>>
      %dma_start3A = arith.constant 125 : i32
      %dma_start3A_58 = arith.constant 0 : i32
      %dma_start3A_59 = tpu.memref_slice %arg12[%dma_start3A, %dma_start3A_58] : memref<768x64xf32, #tpu.memory_space<vmem>> -> memref<125x64xf32, #tpu.memory_space<vmem>>
      %dma_start3A_60 = arith.constant 0 : i32
      %dma_start3A_61 = tpu.memref_slice %arg9[%add3A_39, %dma_start3A_60] : memref<10112x64xf32, #tpu.memory_space<vmem_shared>> -> memref<125x64xf32, #tpu.memory_space<vmem_shared>>
      %dma_start3A_62 = arith.constant 0 : i32
      %dma_start3A_63 = tpu.memref_slice %arg9[%add3A_39, %dma_start3A_62] : memref<10112x64xf32, #tpu.memory_space<vmem_shared>> -> memref<125x64xf32, #tpu.memory_space<vmem_shared>>
      %dma_start3A_64 = arith.constant 125 : i32
      %dma_start3A_65 = arith.constant 0 : i32
      %dma_start3A_66 = tpu.memref_slice %arg12[%dma_start3A_64, %dma_start3A_65] : memref<768x64xf32, #tpu.memory_space<vmem>> -> memref<125x64xf32, #tpu.memory_space<vmem>>
      tpu.enqueue_dma source(%dma_start3A_66 : memref<125x64xf32, #tpu.memory_space<vmem>>) target(%dma_start3A_63 : memref<125x64xf32, #tpu.memory_space<vmem_shared>>) target_semaphore(%run_scoped3A : memref<!tpu.dma_semaphore, #tpu.memory_space<semaphore_mem>>)
      %dma_wait3A = arith.constant 125 : i32
      %dma_wait3A_67 = arith.constant 0 : i32
      %dma_wait3A_68 = tpu.memref_slice %arg12[%dma_wait3A, %dma_wait3A_67] : memref<768x64xf32, #tpu.memory_space<vmem>> -> memref<125x64xf32, #tpu.memory_space<vmem>>
      %dma_wait3A_69 = arith.constant 0 : i32
      %dma_wait3A_70 = tpu.memref_slice %arg9[%add3A_39, %dma_wait3A_69] : memref<10112x64xf32, #tpu.memory_space<vmem_shared>> -> memref<125x64xf32, #tpu.memory_space<vmem_shared>>
      %dma_wait3A_71 = arith.constant 0 : i32
      %dma_wait3A_72 = tpu.memref_slice %arg9[%add3A_39, %dma_wait3A_71] : memref<10112x64xf32, #tpu.memory_space<vmem_shared>> -> memref<125x64xf32, #tpu.memory_space<vmem_shared>>
      %dma_wait3A_73 = arith.constant 125 : i32
      %dma_wait3A_74 = arith.constant 0 : i32
      %dma_wait3A_75 = tpu.memref_slice %arg12[%dma_wait3A_73, %dma_wait3A_74] : memref<768x64xf32, #tpu.memory_space<vmem>> -> memref<125x64xf32, #tpu.memory_space<vmem>>
      tpu.wait_dma2 semaphore(%run_scoped3A : memref<!tpu.dma_semaphore, #tpu.memory_space<semaphore_mem>>) src(%dma_wait3A_75 : memref<125x64xf32, #tpu.memory_space<vmem>>) dst(%dma_wait3A_72 : memref<125x64xf32, #tpu.memory_space<vmem_shared>>)
      tpu.yield
    }) : () -> ()
    %add3A_45 = arith.constant 500 : i32
    %add3A_46 = arith.addi %mul3A_16, %add3A_45 : i32
    "tpu.region"() ({
      %run_scoped3A = tpu.sem_alloc : memref<!tpu.dma_semaphore, #tpu.memory_space<semaphore_mem>>
      %dma_start3A = arith.constant 0 : i32
      %dma_start3A_58 = arith.constant 0 : i32
      %dma_start3A_59 = tpu.memref_slice %arg12[%dma_start3A, %dma_start3A_58] : memref<768x64xf32, #tpu.memory_space<vmem>> -> memref<125x64xf32, #tpu.memory_space<vmem>>
      %dma_start3A_60 = arith.constant 0 : i32
      %dma_start3A_61 = tpu.memref_slice %arg9[%add3A_46, %dma_start3A_60] : memref<10112x64xf32, #tpu.memory_space<vmem_shared>> -> memref<125x64xf32, #tpu.memory_space<vmem_shared>>
      %dma_start3A_62 = arith.constant 0 : i32
      %dma_start3A_63 = arith.constant 0 : i32
      %dma_start3A_64 = tpu.memref_slice %arg12[%dma_start3A_62, %dma_start3A_63] : memref<768x64xf32, #tpu.memory_space<vmem>> -> memref<125x64xf32, #tpu.memory_space<vmem>>
      %dma_start3A_65 = arith.constant 0 : i32
      %dma_start3A_66 = tpu.memref_slice %arg9[%add3A_46, %dma_start3A_65] : memref<10112x64xf32, #tpu.memory_space<vmem_shared>> -> memref<125x64xf32, #tpu.memory_space<vmem_shared>>
      tpu.enqueue_dma source(%dma_start3A_66 : memref<125x64xf32, #tpu.memory_space<vmem_shared>>) target(%dma_start3A_64 : memref<125x64xf32, #tpu.memory_space<vmem>>) target_semaphore(%run_scoped3A : memref<!tpu.dma_semaphore, #tpu.memory_space<semaphore_mem>>)
      %dma_wait3A = arith.constant 0 : i32
      %dma_wait3A_67 = arith.constant 0 : i32
      %dma_wait3A_68 = tpu.memref_slice %arg12[%dma_wait3A, %dma_wait3A_67] : memref<768x64xf32, #tpu.memory_space<vmem>> -> memref<125x64xf32, #tpu.memory_space<vmem>>
      %dma_wait3A_69 = arith.constant 0 : i32
      %dma_wait3A_70 = tpu.memref_slice %arg9[%add3A_46, %dma_wait3A_69] : memref<10112x64xf32, #tpu.memory_space<vmem_shared>> -> memref<125x64xf32, #tpu.memory_space<vmem_shared>>
      %dma_wait3A_71 = arith.constant 0 : i32
      %dma_wait3A_72 = arith.constant 0 : i32
      %dma_wait3A_73 = tpu.memref_slice %arg12[%dma_wait3A_71, %dma_wait3A_72] : memref<768x64xf32, #tpu.memory_space<vmem>> -> memref<125x64xf32, #tpu.memory_space<vmem>>
      %dma_wait3A_74 = arith.constant 0 : i32
      %dma_wait3A_75 = tpu.memref_slice %arg9[%add3A_46, %dma_wait3A_74] : memref<10112x64xf32, #tpu.memory_space<vmem_shared>> -> memref<125x64xf32, #tpu.memory_space<vmem_shared>>
      tpu.wait_dma2 semaphore(%run_scoped3A : memref<!tpu.dma_semaphore, #tpu.memory_space<semaphore_mem>>) src(%dma_wait3A_75 : memref<125x64xf32, #tpu.memory_space<vmem_shared>>) dst(%dma_wait3A_73 : memref<125x64xf32, #tpu.memory_space<vmem>>)
      tpu.yield
    }) : () -> ()
    %scan3A_47 = arith.constant 0 : i32
    %scan3A_48 = arith.constant 125 : i32
    %scan3A_49 = arith.addi %scan3A_47, %scan3A_48 : i32
    %scan3A_50 = arith.constant 1 : i32
    scf.for %scan3A_58 = %scan3A_47 to %scan3A_49 step %scan3A_50  : i32 {
      %get3A = arith.index_cast %scan3A_58 : i32 to index
      %get3A_59 = arith.constant 0 : index
      %get3A_60 = tpu.vector_load %arg12[%get3A, %get3A_59] {strides = array<i32>} : memref<768x64xf32, #tpu.memory_space<vmem>>, vector<1x16xf32>,
      %get3A_61 = vector.shape_cast %get3A_60 : vector<1x16xf32> to vector<16xf32>
      %add3A_62 = arith.constant 1.000000e+00 : f32
      %add3A_63 = vector.broadcast %add3A_62 : f32 to vector<16xf32>
      %add3A_64 = arith.addf %add3A_63, %get3A_61 : vector<16xf32>
      %div3A = arith.constant 5.000000e-01 : f32
      %div3A_65 = vector.broadcast %div3A : f32 to vector<16xf32>
      %div3A_66 = arith.divf %div3A_65, %add3A_64 : vector<16xf32>
      %swap3A = arith.index_cast %scan3A_58 : i32 to index
      %swap3A_67 = arith.constant 0 : index
      %swap3A_68 = tpu.vector_load %arg12[%swap3A, %swap3A_67] {strides = array<i32>} : memref<768x64xf32, #tpu.memory_space<vmem>>, vector<1x16xf32>,
      %swap3A_69 = vector.shape_cast %swap3A_68 : vector<1x16xf32> to vector<16xf32>
      %swap3A_70 = vector.shape_cast %div3A_66 : vector<16xf32> to vector<1x16xf32>
      tpu.vector_store %arg12[%swap3A, %swap3A_67], %swap3A_70 {strides = array<i32>} : memref<768x64xf32, #tpu.memory_space<vmem>>, vector<1x16xf32>,
      %get3A_71 = arith.index_cast %scan3A_58 : i32 to index
      %get3A_72 = arith.constant 16 : index
      %get3A_73 = tpu.vector_load %arg12[%get3A_71, %get3A_72] {strides = array<i32>} : memref<768x64xf32, #tpu.memory_space<vmem>>, vector<1x16xf32>,
      %get3A_74 = vector.shape_cast %get3A_73 : vector<1x16xf32> to vector<16xf32>
      %add3A_75 = arith.constant 1.000000e+00 : f32
      %add3A_76 = vector.broadcast %add3A_75 : f32 to vector<16xf32>
      %add3A_77 = arith.addf %add3A_76, %get3A_74 : vector<16xf32>
      %div3A_78 = arith.constant 5.000000e-01 : f32
      %div3A_79 = vector.broadcast %div3A_78 : f32 to vector<16xf32>
      %div3A_80 = arith.divf %div3A_79, %add3A_77 : vector<16xf32>
      %swap3A_81 = arith.index_cast %scan3A_58 : i32 to index
      %swap3A_82 = arith.constant 16 : index
      %swap3A_83 = tpu.vector_load %arg12[%swap3A_81, %swap3A_82] {strides = array<i32>} : memref<768x64xf32, #tpu.memory_space<vmem>>, vector<1x16xf32>,
      %swap3A_84 = vector.shape_cast %swap3A_83 : vector<1x16xf32> to vector<16xf32>
      %swap3A_85 = vector.shape_cast %div3A_80 : vector<16xf32> to vector<1x16xf32>
      tpu.vector_store %arg12[%swap3A_81, %swap3A_82], %swap3A_85 {strides = array<i32>} : memref<768x64xf32, #tpu.memory_space<vmem>>, vector<1x16xf32>,
      %get3A_86 = arith.index_cast %scan3A_58 : i32 to index
      %get3A_87 = arith.constant 32 : index
      %get3A_88 = tpu.vector_load %arg12[%get3A_86, %get3A_87] {strides = array<i32>} : memref<768x64xf32, #tpu.memory_space<vmem>>, vector<1x16xf32>,
      %get3A_89 = vector.shape_cast %get3A_88 : vector<1x16xf32> to vector<16xf32>
      %add3A_90 = arith.constant 1.000000e+00 : f32
      %add3A_91 = vector.broadcast %add3A_90 : f32 to vector<16xf32>
      %add3A_92 = arith.addf %add3A_91, %get3A_89 : vector<16xf32>
      %div3A_93 = arith.constant 5.000000e-01 : f32
      %div3A_94 = vector.broadcast %div3A_93 : f32 to vector<16xf32>
      %div3A_95 = arith.divf %div3A_94, %add3A_92 : vector<16xf32>
      %swap3A_96 = arith.index_cast %scan3A_58 : i32 to index
      %swap3A_97 = arith.constant 32 : index
      %swap3A_98 = tpu.vector_load %arg12[%swap3A_96, %swap3A_97] {strides = array<i32>} : memref<768x64xf32, #tpu.memory_space<vmem>>, vector<1x16xf32>,
      %swap3A_99 = vector.shape_cast %swap3A_98 : vector<1x16xf32> to vector<16xf32>
      %swap3A_100 = vector.shape_cast %div3A_95 : vector<16xf32> to vector<1x16xf32>
      tpu.vector_store %arg12[%swap3A_96, %swap3A_97], %swap3A_100 {strides = array<i32>} : memref<768x64xf32, #tpu.memory_space<vmem>>, vector<1x16xf32>,
      %get3A_101 = arith.index_cast %scan3A_58 : i32 to index
      %get3A_102 = arith.constant 48 : index
      %get3A_103 = tpu.vector_load %arg12[%get3A_101, %get3A_102] {strides = array<i32>} : memref<768x64xf32, #tpu.memory_space<vmem>>, vector<1x16xf32>,
      %get3A_104 = vector.shape_cast %get3A_103 : vector<1x16xf32> to vector<16xf32>
      %add3A_105 = arith.constant 1.000000e+00 : f32
      %add3A_106 = vector.broadcast %add3A_105 : f32 to vector<16xf32>
      %add3A_107 = arith.addf %add3A_106, %get3A_104 : vector<16xf32>
      %div3A_108 = arith.constant 5.000000e-01 : f32
      %div3A_109 = vector.broadcast %div3A_108 : f32 to vector<16xf32>
      %div3A_110 = arith.divf %div3A_109, %add3A_107 : vector<16xf32>
      %swap3A_111 = arith.index_cast %scan3A_58 : i32 to index
      %swap3A_112 = arith.constant 48 : index
      %swap3A_113 = tpu.vector_load %arg12[%swap3A_111, %swap3A_112] {strides = array<i32>} : memref<768x64xf32, #tpu.memory_space<vmem>>, vector<1x16xf32>,
      %swap3A_114 = vector.shape_cast %swap3A_113 : vector<1x16xf32> to vector<16xf32>
      %swap3A_115 = vector.shape_cast %div3A_110 : vector<16xf32> to vector<1x16xf32>
      tpu.vector_store %arg12[%swap3A_111, %swap3A_112], %swap3A_115 {strides = array<i32>} : memref<768x64xf32, #tpu.memory_space<vmem>>, vector<1x16xf32>,
    }
    %scan3A_51 = arith.constant 125 : i32
    "tpu.region"() ({
      %run_scoped3A = tpu.sem_alloc : memref<!tpu.dma_semaphore, #tpu.memory_space<semaphore_mem>>
      %dma_start3A = arith.constant 0 : i32
      %dma_start3A_58 = arith.constant 0 : i32
      %dma_start3A_59 = tpu.memref_slice %arg12[%dma_start3A, %dma_start3A_58] : memref<768x64xf32, #tpu.memory_space<vmem>> -> memref<125x64xf32, #tpu.memory_space<vmem>>
      %dma_start3A_60 = arith.constant 0 : i32
      %dma_start3A_61 = arith.constant 0 : i32
      %dma_start3A_62 = tpu.memref_slice %arg8[%arg0, %dma_start3A_60, %dma_start3A_61] : memref<2x10000x64xf32, #tpu.memory_space<hbm>> -> memref<1x10000x64xf32, #tpu.memory_space<hbm>>
      %dma_start3A_63 = tpu.memref_squeeze %dma_start3A_62 : memref<1x10000x64xf32, #tpu.memory_space<hbm>> -> memref<10000x64xf32, #tpu.memory_space<hbm>>
      %dma_start3A_64 = arith.constant 0 : i32
      %dma_start3A_65 = tpu.memref_slice %dma_start3A_63[%add3A_46, %dma_start3A_64] : memref<10000x64xf32, #tpu.memory_space<hbm>> -> memref<125x64xf32, #tpu.memory_space<hbm>>
      %dma_start3A_66 = arith.constant 0 : i32
      %dma_start3A_67 = arith.constant 0 : i32
      %dma_start3A_68 = tpu.memref_slice %arg8[%arg0, %dma_start3A_66, %dma_start3A_67] : memref<2x10000x64xf32, #tpu.memory_space<hbm>> -> memref<1x10000x64xf32, #tpu.memory_space<hbm>>
      %dma_start3A_69 = tpu.memref_squeeze %dma_start3A_68 : memref<1x10000x64xf32, #tpu.memory_space<hbm>> -> memref<10000x64xf32, #tpu.memory_space<hbm>>
      %dma_start3A_70 = arith.constant 0 : i32
      %dma_start3A_71 = tpu.memref_slice %dma_start3A_69[%add3A_46, %dma_start3A_70] : memref<10000x64xf32, #tpu.memory_space<hbm>> -> memref<125x64xf32, #tpu.memory_space<hbm>>
      %dma_start3A_72 = arith.constant 0 : i32
      %dma_start3A_73 = arith.constant 0 : i32
      %dma_start3A_74 = tpu.memref_slice %arg12[%dma_start3A_72, %dma_start3A_73] : memref<768x64xf32, #tpu.memory_space<vmem>> -> memref<125x64xf32, #tpu.memory_space<vmem>>
      tpu.enqueue_dma source(%dma_start3A_74 : memref<125x64xf32, #tpu.memory_space<vmem>>) target(%dma_start3A_71 : memref<125x64xf32, #tpu.memory_space<hbm>>) target_semaphore(%run_scoped3A : memref<!tpu.dma_semaphore, #tpu.memory_space<semaphore_mem>>)
      %dma_wait3A = arith.constant 0 : i32
      %dma_wait3A_75 = arith.constant 0 : i32
      %dma_wait3A_76 = tpu.memref_slice %arg12[%dma_wait3A, %dma_wait3A_75] : memref<768x64xf32, #tpu.memory_space<vmem>> -> memref<125x64xf32, #tpu.memory_space<vmem>>
      %dma_wait3A_77 = arith.constant 0 : i32
      %dma_wait3A_78 = arith.constant 0 : i32
      %dma_wait3A_79 = tpu.memref_slice %arg8[%arg0, %dma_wait3A_77, %dma_wait3A_78] : memref<2x10000x64xf32, #tpu.memory_space<hbm>> -> memref<1x10000x64xf32, #tpu.memory_space<hbm>>
      %dma_wait3A_80 = tpu.memref_squeeze %dma_wait3A_79 : memref<1x10000x64xf32, #tpu.memory_space<hbm>> -> memref<10000x64xf32, #tpu.memory_space<hbm>>
      %dma_wait3A_81 = arith.constant 0 : i32
      %dma_wait3A_82 = tpu.memref_slice %dma_wait3A_80[%add3A_46, %dma_wait3A_81] : memref<10000x64xf32, #tpu.memory_space<hbm>> -> memref<125x64xf32, #tpu.memory_space<hbm>>
      %dma_wait3A_83 = arith.constant 0 : i32
      %dma_wait3A_84 = arith.constant 0 : i32
      %dma_wait3A_85 = tpu.memref_slice %arg8[%arg0, %dma_wait3A_83, %dma_wait3A_84] : memref<2x10000x64xf32, #tpu.memory_space<hbm>> -> memref<1x10000x64xf32, #tpu.memory_space<hbm>>
      %dma_wait3A_86 = tpu.memref_squeeze %dma_wait3A_85 : memref<1x10000x64xf32, #tpu.memory_space<hbm>> -> memref<10000x64xf32, #tpu.memory_space<hbm>>
      %dma_wait3A_87 = arith.constant 0 : i32
      %dma_wait3A_88 = tpu.memref_slice %dma_wait3A_86[%add3A_46, %dma_wait3A_87] : memref<10000x64xf32, #tpu.memory_space<hbm>> -> memref<125x64xf32, #tpu.memory_space<hbm>>
      %dma_wait3A_89 = arith.constant 0 : i32
      %dma_wait3A_90 = arith.constant 0 : i32
      %dma_wait3A_91 = tpu.memref_slice %arg12[%dma_wait3A_89, %dma_wait3A_90] : memref<768x64xf32, #tpu.memory_space<vmem>> -> memref<125x64xf32, #tpu.memory_space<vmem>>
      tpu.wait_dma2 semaphore(%run_scoped3A : memref<!tpu.dma_semaphore, #tpu.memory_space<semaphore_mem>>) src(%dma_wait3A_91 : memref<125x64xf32, #tpu.memory_space<vmem>>) dst(%dma_wait3A_88 : memref<125x64xf32, #tpu.memory_space<hbm>>)
      tpu.yield
    }) : () -> ()
    "tpu.region"() ({
      %run_scoped3A = tpu.sem_alloc : memref<!tpu.dma_semaphore, #tpu.memory_space<semaphore_mem>>
      %dma_start3A = arith.constant 125 : i32
      %dma_start3A_58 = arith.constant 0 : i32
      %dma_start3A_59 = tpu.memref_slice %arg12[%dma_start3A, %dma_start3A_58] : memref<768x64xf32, #tpu.memory_space<vmem>> -> memref<125x64xf32, #tpu.memory_space<vmem>>
      %dma_start3A_60 = arith.constant 0 : i32
      %dma_start3A_61 = arith.constant 0 : i32
      %dma_start3A_62 = tpu.memref_slice %arg2[%arg0, %dma_start3A_60, %dma_start3A_61] : memref<2x10000x64xf32, #tpu.memory_space<hbm>> -> memref<1x10000x64xf32, #tpu.memory_space<hbm>>
      %dma_start3A_63 = tpu.memref_squeeze %dma_start3A_62 : memref<1x10000x64xf32, #tpu.memory_space<hbm>> -> memref<10000x64xf32, #tpu.memory_space<hbm>>
      %dma_start3A_64 = arith.constant 0 : i32
      %dma_start3A_65 = tpu.memref_slice %dma_start3A_63[%add3A_46, %dma_start3A_64] : memref<10000x64xf32, #tpu.memory_space<hbm>> -> memref<125x64xf32, #tpu.memory_space<hbm>>
      %dma_start3A_66 = arith.constant 125 : i32
      %dma_start3A_67 = arith.constant 0 : i32
      %dma_start3A_68 = tpu.memref_slice %arg12[%dma_start3A_66, %dma_start3A_67] : memref<768x64xf32, #tpu.memory_space<vmem>> -> memref<125x64xf32, #tpu.memory_space<vmem>>
      %dma_start3A_69 = arith.constant 0 : i32
      %dma_start3A_70 = arith.constant 0 : i32
      %dma_start3A_71 = tpu.memref_slice %arg2[%arg0, %dma_start3A_69, %dma_start3A_70] : memref<2x10000x64xf32, #tpu.memory_space<hbm>> -> memref<1x10000x64xf32, #tpu.memory_space<hbm>>
      %dma_start3A_72 = tpu.memref_squeeze %dma_start3A_71 : memref<1x10000x64xf32, #tpu.memory_space<hbm>> -> memref<10000x64xf32, #tpu.memory_space<hbm>>
      %dma_start3A_73 = arith.constant 0 : i32
      %dma_start3A_74 = tpu.memref_slice %dma_start3A_72[%add3A_46, %dma_start3A_73] : memref<10000x64xf32, #tpu.memory_space<hbm>> -> memref<125x64xf32, #tpu.memory_space<hbm>>
      tpu.enqueue_dma source(%dma_start3A_74 : memref<125x64xf32, #tpu.memory_space<hbm>>) target(%dma_start3A_68 : memref<125x64xf32, #tpu.memory_space<vmem>>) target_semaphore(%run_scoped3A : memref<!tpu.dma_semaphore, #tpu.memory_space<semaphore_mem>>)
      %dma_wait3A = arith.constant 125 : i32
      %dma_wait3A_75 = arith.constant 0 : i32
      %dma_wait3A_76 = tpu.memref_slice %arg12[%dma_wait3A, %dma_wait3A_75] : memref<768x64xf32, #tpu.memory_space<vmem>> -> memref<125x64xf32, #tpu.memory_space<vmem>>
      %dma_wait3A_77 = arith.constant 0 : i32
      %dma_wait3A_78 = arith.constant 0 : i32
      %dma_wait3A_79 = tpu.memref_slice %arg2[%arg0, %dma_wait3A_77, %dma_wait3A_78] : memref<2x10000x64xf32, #tpu.memory_space<hbm>> -> memref<1x10000x64xf32, #tpu.memory_space<hbm>>
      %dma_wait3A_80 = tpu.memref_squeeze %dma_wait3A_79 : memref<1x10000x64xf32, #tpu.memory_space<hbm>> -> memref<10000x64xf32, #tpu.memory_space<hbm>>
      %dma_wait3A_81 = arith.constant 0 : i32
      %dma_wait3A_82 = tpu.memref_slice %dma_wait3A_80[%add3A_46, %dma_wait3A_81] : memref<10000x64xf32, #tpu.memory_space<hbm>> -> memref<125x64xf32, #tpu.memory_space<hbm>>
      %dma_wait3A_83 = arith.constant 125 : i32
      %dma_wait3A_84 = arith.constant 0 : i32
      %dma_wait3A_85 = tpu.memref_slice %arg12[%dma_wait3A_83, %dma_wait3A_84] : memref<768x64xf32, #tpu.memory_space<vmem>> -> memref<125x64xf32, #tpu.memory_space<vmem>>
      %dma_wait3A_86 = arith.constant 0 : i32
      %dma_wait3A_87 = arith.constant 0 : i32
      %dma_wait3A_88 = tpu.memref_slice %arg2[%arg0, %dma_wait3A_86, %dma_wait3A_87] : memref<2x10000x64xf32, #tpu.memory_space<hbm>> -> memref<1x10000x64xf32, #tpu.memory_space<hbm>>
      %dma_wait3A_89 = tpu.memref_squeeze %dma_wait3A_88 : memref<1x10000x64xf32, #tpu.memory_space<hbm>> -> memref<10000x64xf32, #tpu.memory_space<hbm>>
      %dma_wait3A_90 = arith.constant 0 : i32
      %dma_wait3A_91 = tpu.memref_slice %dma_wait3A_89[%add3A_46, %dma_wait3A_90] : memref<10000x64xf32, #tpu.memory_space<hbm>> -> memref<125x64xf32, #tpu.memory_space<hbm>>
      tpu.wait_dma2 semaphore(%run_scoped3A : memref<!tpu.dma_semaphore, #tpu.memory_space<semaphore_mem>>) src(%dma_wait3A_91 : memref<125x64xf32, #tpu.memory_space<hbm>>) dst(%dma_wait3A_85 : memref<125x64xf32, #tpu.memory_space<vmem>>)
      tpu.yield
    }) : () -> ()
    "tpu.region"() ({
      %run_scoped3A = tpu.sem_alloc : memref<!tpu.dma_semaphore, #tpu.memory_space<semaphore_mem>>
      %dma_start3A = arith.constant 125 : i32
      %dma_start3A_58 = arith.constant 0 : i32
      %dma_start3A_59 = tpu.memref_slice %arg12[%dma_start3A, %dma_start3A_58] : memref<768x64xf32, #tpu.memory_space<vmem>> -> memref<125x64xf32, #tpu.memory_space<vmem>>
      %dma_start3A_60 = arith.constant 0 : i32
      %dma_start3A_61 = arith.constant 0 : i32
      %dma_start3A_62 = tpu.memref_slice %arg7[%arg0, %dma_start3A_60, %dma_start3A_61] : memref<2x10000x64xf32, #tpu.memory_space<hbm>> -> memref<1x10000x64xf32, #tpu.memory_space<hbm>>
      %dma_start3A_63 = tpu.memref_squeeze %dma_start3A_62 : memref<1x10000x64xf32, #tpu.memory_space<hbm>> -> memref<10000x64xf32, #tpu.memory_space<hbm>>
      %dma_start3A_64 = arith.constant 0 : i32
      %dma_start3A_65 = tpu.memref_slice %dma_start3A_63[%add3A_46, %dma_start3A_64] : memref<10000x64xf32, #tpu.memory_space<hbm>> -> memref<125x64xf32, #tpu.memory_space<hbm>>
      %dma_start3A_66 = arith.constant 0 : i32
      %dma_start3A_67 = arith.constant 0 : i32
      %dma_start3A_68 = tpu.memref_slice %arg7[%arg0, %dma_start3A_66, %dma_start3A_67] : memref<2x10000x64xf32, #tpu.memory_space<hbm>> -> memref<1x10000x64xf32, #tpu.memory_space<hbm>>
      %dma_start3A_69 = tpu.memref_squeeze %dma_start3A_68 : memref<1x10000x64xf32, #tpu.memory_space<hbm>> -> memref<10000x64xf32, #tpu.memory_space<hbm>>
      %dma_start3A_70 = arith.constant 0 : i32
      %dma_start3A_71 = tpu.memref_slice %dma_start3A_69[%add3A_46, %dma_start3A_70] : memref<10000x64xf32, #tpu.memory_space<hbm>> -> memref<125x64xf32, #tpu.memory_space<hbm>>
      %dma_start3A_72 = arith.constant 125 : i32
      %dma_start3A_73 = arith.constant 0 : i32
      %dma_start3A_74 = tpu.memref_slice %arg12[%dma_start3A_72, %dma_start3A_73] : memref<768x64xf32, #tpu.memory_space<vmem>> -> memref<125x64xf32, #tpu.memory_space<vmem>>
      tpu.enqueue_dma source(%dma_start3A_74 : memref<125x64xf32, #tpu.memory_space<vmem>>) target(%dma_start3A_71 : memref<125x64xf32, #tpu.memory_space<hbm>>) target_semaphore(%run_scoped3A : memref<!tpu.dma_semaphore, #tpu.memory_space<semaphore_mem>>)
      %dma_wait3A = arith.constant 125 : i32
      %dma_wait3A_75 = arith.constant 0 : i32
      %dma_wait3A_76 = tpu.memref_slice %arg12[%dma_wait3A, %dma_wait3A_75] : memref<768x64xf32, #tpu.memory_space<vmem>> -> memref<125x64xf32, #tpu.memory_space<vmem>>
      %dma_wait3A_77 = arith.constant 0 : i32
      %dma_wait3A_78 = arith.constant 0 : i32
      %dma_wait3A_79 = tpu.memref_slice %arg7[%arg0, %dma_wait3A_77, %dma_wait3A_78] : memref<2x10000x64xf32, #tpu.memory_space<hbm>> -> memref<1x10000x64xf32, #tpu.memory_space<hbm>>
      %dma_wait3A_80 = tpu.memref_squeeze %dma_wait3A_79 : memref<1x10000x64xf32, #tpu.memory_space<hbm>> -> memref<10000x64xf32, #tpu.memory_space<hbm>>
      %dma_wait3A_81 = arith.constant 0 : i32
      %dma_wait3A_82 = tpu.memref_slice %dma_wait3A_80[%add3A_46, %dma_wait3A_81] : memref<10000x64xf32, #tpu.memory_space<hbm>> -> memref<125x64xf32, #tpu.memory_space<hbm>>
      %dma_wait3A_83 = arith.constant 0 : i32
      %dma_wait3A_84 = arith.constant 0 : i32
      %dma_wait3A_85 = tpu.memref_slice %arg7[%arg0, %dma_wait3A_83, %dma_wait3A_84] : memref<2x10000x64xf32, #tpu.memory_space<hbm>> -> memref<1x10000x64xf32, #tpu.memory_space<hbm>>
      %dma_wait3A_86 = tpu.memref_squeeze %dma_wait3A_85 : memref<1x10000x64xf32, #tpu.memory_space<hbm>> -> memref<10000x64xf32, #tpu.memory_space<hbm>>
      %dma_wait3A_87 = arith.constant 0 : i32
      %dma_wait3A_88 = tpu.memref_slice %dma_wait3A_86[%add3A_46, %dma_wait3A_87] : memref<10000x64xf32, #tpu.memory_space<hbm>> -> memref<125x64xf32, #tpu.memory_space<hbm>>
      %dma_wait3A_89 = arith.constant 125 : i32
      %dma_wait3A_90 = arith.constant 0 : i32
      %dma_wait3A_91 = tpu.memref_slice %arg12[%dma_wait3A_89, %dma_wait3A_90] : memref<768x64xf32, #tpu.memory_space<vmem>> -> memref<125x64xf32, #tpu.memory_space<vmem>>
      tpu.wait_dma2 semaphore(%run_scoped3A : memref<!tpu.dma_semaphore, #tpu.memory_space<semaphore_mem>>) src(%dma_wait3A_91 : memref<125x64xf32, #tpu.memory_space<vmem>>) dst(%dma_wait3A_88 : memref<125x64xf32, #tpu.memory_space<hbm>>)
      tpu.yield
    }) : () -> ()
    "tpu.region"() ({
      %run_scoped3A = tpu.sem_alloc : memref<!tpu.dma_semaphore, #tpu.memory_space<semaphore_mem>>
      %dma_start3A = arith.constant 125 : i32
      %dma_start3A_58 = arith.constant 0 : i32
      %dma_start3A_59 = tpu.memref_slice %arg12[%dma_start3A, %dma_start3A_58] : memref<768x64xf32, #tpu.memory_space<vmem>> -> memref<125x64xf32, #tpu.memory_space<vmem>>
      %dma_start3A_60 = arith.constant 0 : i32
      %dma_start3A_61 = tpu.memref_slice %arg9[%add3A_46, %dma_start3A_60] : memref<10112x64xf32, #tpu.memory_space<vmem_shared>> -> memref<125x64xf32, #tpu.memory_space<vmem_shared>>
      %dma_start3A_62 = arith.constant 0 : i32
      %dma_start3A_63 = tpu.memref_slice %arg9[%add3A_46, %dma_start3A_62] : memref<10112x64xf32, #tpu.memory_space<vmem_shared>> -> memref<125x64xf32, #tpu.memory_space<vmem_shared>>
      %dma_start3A_64 = arith.constant 125 : i32
      %dma_start3A_65 = arith.constant 0 : i32
      %dma_start3A_66 = tpu.memref_slice %arg12[%dma_start3A_64, %dma_start3A_65] : memref<768x64xf32, #tpu.memory_space<vmem>> -> memref<125x64xf32, #tpu.memory_space<vmem>>
      tpu.enqueue_dma source(%dma_start3A_66 : memref<125x64xf32, #tpu.memory_space<vmem>>) target(%dma_start3A_63 : memref<125x64xf32, #tpu.memory_space<vmem_shared>>) target_semaphore(%run_scoped3A : memref<!tpu.dma_semaphore, #tpu.memory_space<semaphore_mem>>)
      %dma_wait3A = arith.constant 125 : i32
      %dma_wait3A_67 = arith.constant 0 : i32
      %dma_wait3A_68 = tpu.memref_slice %arg12[%dma_wait3A, %dma_wait3A_67] : memref<768x64xf32, #tpu.memory_space<vmem>> -> memref<125x64xf32, #tpu.memory_space<vmem>>
      %dma_wait3A_69 = arith.constant 0 : i32
      %dma_wait3A_70 = tpu.memref_slice %arg9[%add3A_46, %dma_wait3A_69] : memref<10112x64xf32, #tpu.memory_space<vmem_shared>> -> memref<125x64xf32, #tpu.memory_space<vmem_shared>>
      %dma_wait3A_71 = arith.constant 0 : i32
      %dma_wait3A_72 = tpu.memref_slice %arg9[%add3A_46, %dma_wait3A_71] : memref<10112x64xf32, #tpu.memory_space<vmem_shared>> -> memref<125x64xf32, #tpu.memory_space<vmem_shared>>
      %dma_wait3A_73 = arith.constant 125 : i32
      %dma_wait3A_74 = arith.constant 0 : i32
      %dma_wait3A_75 = tpu.memref_slice %arg12[%dma_wait3A_73, %dma_wait3A_74] : memref<768x64xf32, #tpu.memory_space<vmem>> -> memref<125x64xf32, #tpu.memory_space<vmem>>
      tpu.wait_dma2 semaphore(%run_scoped3A : memref<!tpu.dma_semaphore, #tpu.memory_space<semaphore_mem>>) src(%dma_wait3A_75 : memref<125x64xf32, #tpu.memory_space<vmem>>) dst(%dma_wait3A_72 : memref<125x64xf32, #tpu.memory_space<vmem_shared>>)
      tpu.yield
    }) : () -> ()
    %barrier3A_52 = arith.constant 0 : index
    tpu.barrier barrier_id(%barrier3A_52)
    %scan3A_53 = arith.constant 0 : i32
    %scan3A_54 = arith.constant 16 : i32
    %scan3A_55 = arith.addi %scan3A_53, %scan3A_54 : i32
    %scan3A_56 = arith.constant 1 : i32
    scf.for %scan3A_58 = %scan3A_53 to %scan3A_55 step %scan3A_56  : i32 {
      %dma_start3A = arith.constant 0 : i32
      %dma_start3A_59 = arith.constant 0 : i32
      %dma_start3A_60 = arith.constant 0 : i32
      %dma_start3A_61 = arith.constant 0 : i32
      %dma_start3A_62 = tpu.memref_slice %arg12[%dma_start3A_60, %dma_start3A_61] : memref<768x64xf32, #tpu.memory_space<vmem>> -> memref<256x64xf32, #tpu.memory_space<vmem>>
      %dma_start3A_63 = arith.constant 0 : i32
      %dma_start3A_64 = tpu.memref_slice %arg10[%dma_start3A, %dma_start3A_63] : memref<80x256xi32, #tpu.memory_space<vmem>> -> memref<1x256xi32, #tpu.memory_space<vmem>>
      %dma_start3A_65 = tpu.memref_squeeze %dma_start3A_64 : memref<1x256xi32, #tpu.memory_space<vmem>> -> memref<256xi32, #tpu.memory_space<vmem>>
      %dma_start3A_66 = arith.constant 0 : i32
      %dma_start3A_67 = arith.constant 0 : i32
      %dma_start3A_68 = tpu.memref_slice %arg7[%arg0, %dma_start3A_66, %dma_start3A_67] : memref<2x10000x64xf32, #tpu.memory_space<hbm>> -> memref<1x10000x64xf32, #tpu.memory_space<hbm>>
      %dma_start3A_69 = tpu.memref_squeeze %dma_start3A_68 : memref<1x10000x64xf32, #tpu.memory_space<hbm>> -> memref<10000x64xf32, #tpu.memory_space<hbm>>
      %dma_start3A_70 = arith.constant 0 : i32
      %dma_start3A_71 = arith.constant 0 : i32
      %dma_start3A_72 = tpu.memref_slice %dma_start3A_69[%dma_start3A_70, %dma_start3A_71] : memref<10000x64xf32, #tpu.memory_space<hbm>> -> memref<10000x64xf32, #tpu.memory_space<hbm>>
      %dma_start3A_73 = tpu.memref_slice %arg13[%dma_start3A_59] : memref<6x!tpu.dma_semaphore, #tpu.memory_space<semaphore_mem>> -> memref<1x!tpu.dma_semaphore, #tpu.memory_space<semaphore_mem>>
      %dma_start3A_74 = tpu.memref_squeeze %dma_start3A_73 : memref<1x!tpu.dma_semaphore, #tpu.memory_space<semaphore_mem>> -> memref<!tpu.dma_semaphore, #tpu.memory_space<semaphore_mem>>
      tpu.enqueue_indirect_dma source(%dma_start3A_72 : memref<10000x64xf32, #tpu.memory_space<hbm>>) target(%dma_start3A_62 : memref<256x64xf32, #tpu.memory_space<vmem>>) offsets(%dma_start3A_65 : memref<256xi32, #tpu.memory_space<vmem>>) semaphore(%dma_start3A_74 : memref<!tpu.dma_semaphore, #tpu.memory_space<semaphore_mem>>)
      %scan3A_75 = arith.constant 0 : i32
      %scan3A_76 = arith.constant 40 : i32
      %scan3A_77 = arith.addi %scan3A_75, %scan3A_76 : i32
      %scan3A_78 = arith.constant 1 : i32
      scf.for %scan3A_1006 = %scan3A_75 to %scan3A_77 step %scan3A_78  : i32 {
        %mul3A_1007 = arith.constant 2 : i32
        %mul3A_1008 = arith.muli %mul3A_1007, %scan3A_1006 : i32
        %add3A_1009 = arith.constant 1 : i32
        %add3A_1010 = arith.addi %mul3A_1008, %add3A_1009 : i32
        %dma_start3A_1011 = arith.constant 1 : i32
        %dma_start3A_1012 = arith.constant 256 : i32
        %dma_start3A_1013 = arith.constant 0 : i32
        %dma_start3A_1014 = tpu.memref_slice %arg12[%dma_start3A_1012, %dma_start3A_1013] : memref<768x64xf32, #tpu.memory_space<vmem>> -> memref<256x64xf32, #tpu.memory_space<vmem>>
        %dma_start3A_1015 = arith.constant 0 : i32
        %dma_start3A_1016 = tpu.memref_slice %arg10[%add3A_1010, %dma_start3A_1015] : memref<80x256xi32, #tpu.memory_space<vmem>> -> memref<1x256xi32, #tpu.memory_space<vmem>>
        %dma_start3A_1017 = tpu.memref_squeeze %dma_start3A_1016 : memref<1x256xi32, #tpu.memory_space<vmem>> -> memref<256xi32, #tpu.memory_space<vmem>>
        %dma_start3A_1018 = arith.constant 0 : i32
        %dma_start3A_1019 = arith.constant 0 : i32
        %dma_start3A_1020 = tpu.memref_slice %arg7[%arg0, %dma_start3A_1018, %dma_start3A_1019] : memref<2x10000x64xf32, #tpu.memory_space<hbm>> -> memref<1x10000x64xf32, #tpu.memory_space<hbm>>
        %dma_start3A_1021 = tpu.memref_squeeze %dma_start3A_1020 : memref<1x10000x64xf32, #tpu.memory_space<hbm>> -> memref<10000x64xf32, #tpu.memory_space<hbm>>
        %dma_start3A_1022 = arith.constant 0 : i32
        %dma_start3A_1023 = arith.constant 0 : i32
        %dma_start3A_1024 = tpu.memref_slice %dma_start3A_1021[%dma_start3A_1022, %dma_start3A_1023] : memref<10000x64xf32, #tpu.memory_space<hbm>> -> memref<10000x64xf32, #tpu.memory_space<hbm>>
        %dma_start3A_1025 = tpu.memref_slice %arg13[%dma_start3A_1011] : memref<6x!tpu.dma_semaphore, #tpu.memory_space<semaphore_mem>> -> memref<1x!tpu.dma_semaphore, #tpu.memory_space<semaphore_mem>>
        %dma_start3A_1026 = tpu.memref_squeeze %dma_start3A_1025 : memref<1x!tpu.dma_semaphore, #tpu.memory_space<semaphore_mem>> -> memref<!tpu.dma_semaphore, #tpu.memory_space<semaphore_mem>>
        tpu.enqueue_indirect_dma source(%dma_start3A_1024 : memref<10000x64xf32, #tpu.memory_space<hbm>>) target(%dma_start3A_1014 : memref<256x64xf32, #tpu.memory_space<vmem>>) offsets(%dma_start3A_1017 : memref<256xi32, #tpu.memory_space<vmem>>) semaphore(%dma_start3A_1026 : memref<!tpu.dma_semaphore, #tpu.memory_space<semaphore_mem>>)
        %mul3A_1027 = arith.constant 2 : i32
        %mul3A_1028 = arith.muli %mul3A_1027, %scan3A_1006 : i32
        %dma_wait3A_1029 = arith.constant 0 : i32
        %dma_wait3A_1030 = arith.constant 0 : i32
        %dma_wait3A_1031 = arith.constant 0 : i32
        %dma_wait3A_1032 = tpu.memref_slice %arg12[%dma_wait3A_1030, %dma_wait3A_1031] : memref<768x64xf32, #tpu.memory_space<vmem>> -> memref<256x64xf32, #tpu.memory_space<vmem>>
        %dma_wait3A_1033 = arith.constant 0 : i32
        %dma_wait3A_1034 = tpu.memref_slice %arg10[%mul3A_1028, %dma_wait3A_1033] : memref<80x256xi32, #tpu.memory_space<vmem>> -> memref<1x256xi32, #tpu.memory_space<vmem>>
        %dma_wait3A_1035 = tpu.memref_squeeze %dma_wait3A_1034 : memref<1x256xi32, #tpu.memory_space<vmem>> -> memref<256xi32, #tpu.memory_space<vmem>>
        %dma_wait3A_1036 = arith.constant 0 : i32
        %dma_wait3A_1037 = arith.constant 0 : i32
        %dma_wait3A_1038 = tpu.memref_slice %arg7[%arg0, %dma_wait3A_1036, %dma_wait3A_1037] : memref<2x10000x64xf32, #tpu.memory_space<hbm>> -> memref<1x10000x64xf32, #tpu.memory_space<hbm>>
        %dma_wait3A_1039 = tpu.memref_squeeze %dma_wait3A_1038 : memref<1x10000x64xf32, #tpu.memory_space<hbm>> -> memref<10000x64xf32, #tpu.memory_space<hbm>>
        %dma_wait3A_1040 = arith.constant 0 : i32
        %dma_wait3A_1041 = arith.constant 0 : i32
        %dma_wait3A_1042 = tpu.memref_slice %dma_wait3A_1039[%dma_wait3A_1040, %dma_wait3A_1041] : memref<10000x64xf32, #tpu.memory_space<hbm>> -> memref<10000x64xf32, #tpu.memory_space<hbm>>
        %dma_wait3A_1043 = tpu.memref_slice %arg13[%dma_wait3A_1029] : memref<6x!tpu.dma_semaphore, #tpu.memory_space<semaphore_mem>> -> memref<1x!tpu.dma_semaphore, #tpu.memory_space<semaphore_mem>>
        %dma_wait3A_1044 = tpu.memref_squeeze %dma_wait3A_1043 : memref<1x!tpu.dma_semaphore, #tpu.memory_space<semaphore_mem>> -> memref<!tpu.dma_semaphore, #tpu.memory_space<semaphore_mem>>
        tpu.wait_indirect_dma semaphore(%dma_wait3A_1044 : memref<!tpu.dma_semaphore, #tpu.memory_space<semaphore_mem>>) src(%dma_wait3A_1042 : memref<10000x64xf32, #tpu.memory_space<hbm>>) dst(%dma_wait3A_1032 : memref<256x64xf32, #tpu.memory_space<vmem>>)
        %mul3A_1045 = arith.constant 4 : i32
        %mul3A_1046 = arith.muli %mul3A_1045, %scan3A_1006 : i32
        %add3A_1047 = arith.constant 0 : i32
        %add3A_1048 = arith.addi %mul3A_1046, %add3A_1047 : i32
        %dma_start3A_1049 = arith.constant 0 : i32
        %dma_start3A_1050 = arith.constant 0 : i32
        %dma_start3A_1051 = arith.constant 0 : i32
        %dma_start3A_1052 = tpu.memref_slice %arg12[%dma_start3A_1050, %dma_start3A_1051] : memref<768x64xf32, #tpu.memory_space<vmem>> -> memref<128x64xf32, #tpu.memory_space<vmem>>
        %dma_start3A_1053 = arith.constant 0 : i32
        %dma_start3A_1054 = tpu.memref_slice %arg11[%add3A_1048, %dma_start3A_1053] : memref<160x128xi32, #tpu.memory_space<vmem>> -> memref<1x128xi32, #tpu.memory_space<vmem>>
        %dma_start3A_1055 = tpu.memref_squeeze %dma_start3A_1054 : memref<1x128xi32, #tpu.memory_space<vmem>> -> memref<128xi32, #tpu.memory_space<vmem>>
        %dma_start3A_1056 = arith.constant 0 : i32
        %dma_start3A_1057 = arith.constant 0 : i32
        %dma_start3A_1058 = tpu.memref_slice %arg9[%dma_start3A_1056, %dma_start3A_1057] : memref<10112x64xf32, #tpu.memory_space<vmem_shared>> -> memref<10112x64xf32, #tpu.memory_space<vmem_shared>>
        %dma_start3A_1059 = tpu.memref_slice %arg14[%dma_start3A_1049] : memref<9x!tpu.dma_semaphore, #tpu.memory_space<semaphore_mem>> -> memref<1x!tpu.dma_semaphore, #tpu.memory_space<semaphore_mem>>
        %dma_start3A_1060 = tpu.memref_squeeze %dma_start3A_1059 : memref<1x!tpu.dma_semaphore, #tpu.memory_space<semaphore_mem>> -> memref<!tpu.dma_semaphore, #tpu.memory_space<semaphore_mem>>
        tpu.enqueue_indirect_dma source(%dma_start3A_1052 : memref<128x64xf32, #tpu.memory_space<vmem>>) target(%dma_start3A_1058 : memref<10112x64xf32, #tpu.memory_space<vmem_shared>>) offsets(%dma_start3A_1055 : memref<128xi32, #tpu.memory_space<vmem>>) semaphore(%dma_start3A_1060 : memref<!tpu.dma_semaphore, #tpu.memory_space<semaphore_mem>>) {add = true}
        %mul3A_1061 = arith.constant 4 : i32
        %mul3A_1062 = arith.muli %mul3A_1061, %scan3A_1006 : i32
        %add3A_1063 = arith.constant 1 : i32
        %add3A_1064 = arith.addi %mul3A_1062, %add3A_1063 : i32
        %dma_start3A_1065 = arith.constant 1 : i32
        %dma_start3A_1066 = arith.constant 128 : i32
        %dma_start3A_1067 = arith.constant 0 : i32
        %dma_start3A_1068 = tpu.memref_slice %arg12[%dma_start3A_1066, %dma_start3A_1067] : memref<768x64xf32, #tpu.memory_space<vmem>> -> memref<128x64xf32, #tpu.memory_space<vmem>>
        %dma_start3A_1069 = arith.constant 0 : i32
        %dma_start3A_1070 = tpu.memref_slice %arg11[%add3A_1064, %dma_start3A_1069] : memref<160x128xi32, #tpu.memory_space<vmem>> -> memref<1x128xi32, #tpu.memory_space<vmem>>
        %dma_start3A_1071 = tpu.memref_squeeze %dma_start3A_1070 : memref<1x128xi32, #tpu.memory_space<vmem>> -> memref<128xi32, #tpu.memory_space<vmem>>
        %dma_start3A_1072 = arith.constant 0 : i32
        %dma_start3A_1073 = arith.constant 0 : i32
        %dma_start3A_1074 = tpu.memref_slice %arg9[%dma_start3A_1072, %dma_start3A_1073] : memref<10112x64xf32, #tpu.memory_space<vmem_shared>> -> memref<10112x64xf32, #tpu.memory_space<vmem_shared>>
        %dma_start3A_1075 = tpu.memref_slice %arg14[%dma_start3A_1065] : memref<9x!tpu.dma_semaphore, #tpu.memory_space<semaphore_mem>> -> memref<1x!tpu.dma_semaphore, #tpu.memory_space<semaphore_mem>>
        %dma_start3A_1076 = tpu.memref_squeeze %dma_start3A_1075 : memref<1x!tpu.dma_semaphore, #tpu.memory_space<semaphore_mem>> -> memref<!tpu.dma_semaphore, #tpu.memory_space<semaphore_mem>>
        tpu.enqueue_indirect_dma source(%dma_start3A_1068 : memref<128x64xf32, #tpu.memory_space<vmem>>) target(%dma_start3A_1074 : memref<10112x64xf32, #tpu.memory_space<vmem_shared>>) offsets(%dma_start3A_1071 : memref<128xi32, #tpu.memory_space<vmem>>) semaphore(%dma_start3A_1076 : memref<!tpu.dma_semaphore, #tpu.memory_space<semaphore_mem>>) {add = true}
        %dma_wait3A_1077 = arith.constant 0 : i32
        %dma_wait3A_1078 = arith.constant 0 : i32
        %dma_wait3A_1079 = arith.constant 0 : i32
        %dma_wait3A_1080 = tpu.memref_slice %arg12[%dma_wait3A_1078, %dma_wait3A_1079] : memref<768x64xf32, #tpu.memory_space<vmem>> -> memref<128x64xf32, #tpu.memory_space<vmem>>
        %dma_wait3A_1081 = arith.constant 0 : i32
        %dma_wait3A_1082 = tpu.memref_slice %arg11[%add3A_1048, %dma_wait3A_1081] : memref<160x128xi32, #tpu.memory_space<vmem>> -> memref<1x128xi32, #tpu.memory_space<vmem>>
        %dma_wait3A_1083 = tpu.memref_squeeze %dma_wait3A_1082 : memref<1x128xi32, #tpu.memory_space<vmem>> -> memref<128xi32, #tpu.memory_space<vmem>>
        %dma_wait3A_1084 = arith.constant 0 : i32
        %dma_wait3A_1085 = arith.constant 0 : i32
        %dma_wait3A_1086 = tpu.memref_slice %arg9[%dma_wait3A_1084, %dma_wait3A_1085] : memref<10112x64xf32, #tpu.memory_space<vmem_shared>> -> memref<10112x64xf32, #tpu.memory_space<vmem_shared>>
        %dma_wait3A_1087 = tpu.memref_slice %arg14[%dma_wait3A_1077] : memref<9x!tpu.dma_semaphore, #tpu.memory_space<semaphore_mem>> -> memref<1x!tpu.dma_semaphore, #tpu.memory_space<semaphore_mem>>
        %dma_wait3A_1088 = tpu.memref_squeeze %dma_wait3A_1087 : memref<1x!tpu.dma_semaphore, #tpu.memory_space<semaphore_mem>> -> memref<!tpu.dma_semaphore, #tpu.memory_space<semaphore_mem>>
        tpu.wait_indirect_dma semaphore(%dma_wait3A_1088 : memref<!tpu.dma_semaphore, #tpu.memory_space<semaphore_mem>>) src(%dma_wait3A_1080 : memref<128x64xf32, #tpu.memory_space<vmem>>) dst(%dma_wait3A_1086 : memref<10112x64xf32, #tpu.memory_space<vmem_shared>>)
        %dma_wait3A_1089 = arith.constant 1 : i32
        %dma_wait3A_1090 = arith.constant 128 : i32
        %dma_wait3A_1091 = arith.constant 0 : i32
        %dma_wait3A_1092 = tpu.memref_slice %arg12[%dma_wait3A_1090, %dma_wait3A_1091] : memref<768x64xf32, #tpu.memory_space<vmem>> -> memref<128x64xf32, #tpu.memory_space<vmem>>
        %dma_wait3A_1093 = arith.constant 0 : i32
        %dma_wait3A_1094 = tpu.memref_slice %arg11[%add3A_1064, %dma_wait3A_1093] : memref<160x128xi32, #tpu.memory_space<vmem>> -> memref<1x128xi32, #tpu.memory_space<vmem>>
        %dma_wait3A_1095 = tpu.memref_squeeze %dma_wait3A_1094 : memref<1x128xi32, #tpu.memory_space<vmem>> -> memref<128xi32, #tpu.memory_space<vmem>>
        %dma_wait3A_1096 = arith.constant 0 : i32
        %dma_wait3A_1097 = arith.constant 0 : i32
        %dma_wait3A_1098 = tpu.memref_slice %arg9[%dma_wait3A_1096, %dma_wait3A_1097] : memref<10112x64xf32, #tpu.memory_space<vmem_shared>> -> memref<10112x64xf32, #tpu.memory_space<vmem_shared>>
        %dma_wait3A_1099 = tpu.memref_slice %arg14[%dma_wait3A_1089] : memref<9x!tpu.dma_semaphore, #tpu.memory_space<semaphore_mem>> -> memref<1x!tpu.dma_semaphore, #tpu.memory_space<semaphore_mem>>
        %dma_wait3A_1100 = tpu.memref_squeeze %dma_wait3A_1099 : memref<1x!tpu.dma_semaphore, #tpu.memory_space<semaphore_mem>> -> memref<!tpu.dma_semaphore, #tpu.memory_space<semaphore_mem>>
        tpu.wait_indirect_dma semaphore(%dma_wait3A_1100 : memref<!tpu.dma_semaphore, #tpu.memory_space<semaphore_mem>>) src(%dma_wait3A_1092 : memref<128x64xf32, #tpu.memory_space<vmem>>) dst(%dma_wait3A_1098 : memref<10112x64xf32, #tpu.memory_space<vmem_shared>>)
        %lt3A = arith.constant 39 : i32
        %lt3A_1101 = arith.cmpi slt, %scan3A_1006, %lt3A : i32
        %convert_element_type3A = arith.extui %lt3A_1101 : i1 to i32
        %cond3A = arith.constant 0 : i32
        %cond3A_1102 = arith.cmpi ne, %convert_element_type3A, %cond3A : i32
        scf.if %cond3A_1102 {
          %mul3A_1179 = arith.constant 2 : i32
          %mul3A_1180 = arith.muli %mul3A_1179, %scan3A_1006 : i32
          %add3A_1181 = arith.constant 2 : i32
          %add3A_1182 = arith.addi %mul3A_1180, %add3A_1181 : i32
          %dma_start3A_1183 = arith.constant 0 : i32
          %dma_start3A_1184 = arith.constant 0 : i32
          %dma_start3A_1185 = arith.constant 0 : i32
          %dma_start3A_1186 = tpu.memref_slice %arg12[%dma_start3A_1184, %dma_start3A_1185] : memref<768x64xf32, #tpu.memory_space<vmem>> -> memref<256x64xf32, #tpu.memory_space<vmem>>
          %dma_start3A_1187 = arith.constant 0 : i32
          %dma_start3A_1188 = tpu.memref_slice %arg10[%add3A_1182, %dma_start3A_1187] : memref<80x256xi32, #tpu.memory_space<vmem>> -> memref<1x256xi32, #tpu.memory_space<vmem>>
          %dma_start3A_1189 = tpu.memref_squeeze %dma_start3A_1188 : memref<1x256xi32, #tpu.memory_space<vmem>> -> memref<256xi32, #tpu.memory_space<vmem>>
          %dma_start3A_1190 = arith.constant 0 : i32
          %dma_start3A_1191 = arith.constant 0 : i32
          %dma_start3A_1192 = tpu.memref_slice %arg7[%arg0, %dma_start3A_1190, %dma_start3A_1191] : memref<2x10000x64xf32, #tpu.memory_space<hbm>> -> memref<1x10000x64xf32, #tpu.memory_space<hbm>>
          %dma_start3A_1193 = tpu.memref_squeeze %dma_start3A_1192 : memref<1x10000x64xf32, #tpu.memory_space<hbm>> -> memref<10000x64xf32, #tpu.memory_space<hbm>>
          %dma_start3A_1194 = arith.constant 0 : i32
          %dma_start3A_1195 = arith.constant 0 : i32
          %dma_start3A_1196 = tpu.memref_slice %dma_start3A_1193[%dma_start3A_1194, %dma_start3A_1195] : memref<10000x64xf32, #tpu.memory_space<hbm>> -> memref<10000x64xf32, #tpu.memory_space<hbm>>
          %dma_start3A_1197 = tpu.memref_slice %arg13[%dma_start3A_1183] : memref<6x!tpu.dma_semaphore, #tpu.memory_space<semaphore_mem>> -> memref<1x!tpu.dma_semaphore, #tpu.memory_space<semaphore_mem>>
          %dma_start3A_1198 = tpu.memref_squeeze %dma_start3A_1197 : memref<1x!tpu.dma_semaphore, #tpu.memory_space<semaphore_mem>> -> memref<!tpu.dma_semaphore, #tpu.memory_space<semaphore_mem>>
          tpu.enqueue_indirect_dma source(%dma_start3A_1196 : memref<10000x64xf32, #tpu.memory_space<hbm>>) target(%dma_start3A_1186 : memref<256x64xf32, #tpu.memory_space<vmem>>) offsets(%dma_start3A_1189 : memref<256xi32, #tpu.memory_space<vmem>>) semaphore(%dma_start3A_1198 : memref<!tpu.dma_semaphore, #tpu.memory_space<semaphore_mem>>)
        } else {
        }
        %dma_wait3A_1103 = arith.constant 1 : i32
        %dma_wait3A_1104 = arith.constant 256 : i32
        %dma_wait3A_1105 = arith.constant 0 : i32
        %dma_wait3A_1106 = tpu.memref_slice %arg12[%dma_wait3A_1104, %dma_wait3A_1105] : memref<768x64xf32, #tpu.memory_space<vmem>> -> memref<256x64xf32, #tpu.memory_space<vmem>>
        %dma_wait3A_1107 = arith.constant 0 : i32
        %dma_wait3A_1108 = tpu.memref_slice %arg10[%add3A_1010, %dma_wait3A_1107] : memref<80x256xi32, #tpu.memory_space<vmem>> -> memref<1x256xi32, #tpu.memory_space<vmem>>
        %dma_wait3A_1109 = tpu.memref_squeeze %dma_wait3A_1108 : memref<1x256xi32, #tpu.memory_space<vmem>> -> memref<256xi32, #tpu.memory_space<vmem>>
        %dma_wait3A_1110 = arith.constant 0 : i32
        %dma_wait3A_1111 = arith.constant 0 : i32
        %dma_wait3A_1112 = tpu.memref_slice %arg7[%arg0, %dma_wait3A_1110, %dma_wait3A_1111] : memref<2x10000x64xf32, #tpu.memory_space<hbm>> -> memref<1x10000x64xf32, #tpu.memory_space<hbm>>
        %dma_wait3A_1113 = tpu.memref_squeeze %dma_wait3A_1112 : memref<1x10000x64xf32, #tpu.memory_space<hbm>> -> memref<10000x64xf32, #tpu.memory_space<hbm>>
        %dma_wait3A_1114 = arith.constant 0 : i32
        %dma_wait3A_1115 = arith.constant 0 : i32
        %dma_wait3A_1116 = tpu.memref_slice %dma_wait3A_1113[%dma_wait3A_1114, %dma_wait3A_1115] : memref<10000x64xf32, #tpu.memory_space<hbm>> -> memref<10000x64xf32, #tpu.memory_space<hbm>>
        %dma_wait3A_1117 = tpu.memref_slice %arg13[%dma_wait3A_1103] : memref<6x!tpu.dma_semaphore, #tpu.memory_space<semaphore_mem>> -> memref<1x!tpu.dma_semaphore, #tpu.memory_space<semaphore_mem>>
        %dma_wait3A_1118 = tpu.memref_squeeze %dma_wait3A_1117 : memref<1x!tpu.dma_semaphore, #tpu.memory_space<semaphore_mem>> -> memref<!tpu.dma_semaphore, #tpu.memory_space<semaphore_mem>>
        tpu.wait_indirect_dma semaphore(%dma_wait3A_1118 : memref<!tpu.dma_semaphore, #tpu.memory_space<semaphore_mem>>) src(%dma_wait3A_1116 : memref<10000x64xf32, #tpu.memory_space<hbm>>) dst(%dma_wait3A_1106 : memref<256x64xf32, #tpu.memory_space<vmem>>)
        %mul3A_1119 = arith.constant 4 : i32
        %mul3A_1120 = arith.muli %mul3A_1119, %scan3A_1006 : i32
        %add3A_1121 = arith.constant 2 : i32
        %add3A_1122 = arith.addi %mul3A_1120, %add3A_1121 : i32
        %add3A_1123 = arith.constant 0 : i32
        %add3A_1124 = arith.addi %add3A_1122, %add3A_1123 : i32
        %dma_start3A_1125 = arith.constant 2 : i32
        %dma_start3A_1126 = arith.constant 256 : i32
        %dma_start3A_1127 = arith.constant 0 : i32
        %dma_start3A_1128 = tpu.memref_slice %arg12[%dma_start3A_1126, %dma_start3A_1127] : memref<768x64xf32, #tpu.memory_space<vmem>> -> memref<128x64xf32, #tpu.memory_space<vmem>>
        %dma_start3A_1129 = arith.constant 0 : i32
        %dma_start3A_1130 = tpu.memref_slice %arg11[%add3A_1124, %dma_start3A_1129] : memref<160x128xi32, #tpu.memory_space<vmem>> -> memref<1x128xi32, #tpu.memory_space<vmem>>
        %dma_start3A_1131 = tpu.memref_squeeze %dma_start3A_1130 : memref<1x128xi32, #tpu.memory_space<vmem>> -> memref<128xi32, #tpu.memory_space<vmem>>
        %dma_start3A_1132 = arith.constant 0 : i32
        %dma_start3A_1133 = arith.constant 0 : i32
        %dma_start3A_1134 = tpu.memref_slice %arg9[%dma_start3A_1132, %dma_start3A_1133] : memref<10112x64xf32, #tpu.memory_space<vmem_shared>> -> memref<10112x64xf32, #tpu.memory_space<vmem_shared>>
        %dma_start3A_1135 = tpu.memref_slice %arg14[%dma_start3A_1125] : memref<9x!tpu.dma_semaphore, #tpu.memory_space<semaphore_mem>> -> memref<1x!tpu.dma_semaphore, #tpu.memory_space<semaphore_mem>>
        %dma_start3A_1136 = tpu.memref_squeeze %dma_start3A_1135 : memref<1x!tpu.dma_semaphore, #tpu.memory_space<semaphore_mem>> -> memref<!tpu.dma_semaphore, #tpu.memory_space<semaphore_mem>>
        tpu.enqueue_indirect_dma source(%dma_start3A_1128 : memref<128x64xf32, #tpu.memory_space<vmem>>) target(%dma_start3A_1134 : memref<10112x64xf32, #tpu.memory_space<vmem_shared>>) offsets(%dma_start3A_1131 : memref<128xi32, #tpu.memory_space<vmem>>) semaphore(%dma_start3A_1136 : memref<!tpu.dma_semaphore, #tpu.memory_space<semaphore_mem>>) {add = true}
        %mul3A_1137 = arith.constant 4 : i32
        %mul3A_1138 = arith.muli %mul3A_1137, %scan3A_1006 : i32
        %add3A_1139 = arith.constant 2 : i32
        %add3A_1140 = arith.addi %mul3A_1138, %add3A_1139 : i32
        %add3A_1141 = arith.constant 1 : i32
        %add3A_1142 = arith.addi %add3A_1140, %add3A_1141 : i32
        %dma_start3A_1143 = arith.constant 3 : i32
        %dma_start3A_1144 = arith.constant 384 : i32
        %dma_start3A_1145 = arith.constant 0 : i32
        %dma_start3A_1146 = tpu.memref_slice %arg12[%dma_start3A_1144, %dma_start3A_1145] : memref<768x64xf32, #tpu.memory_space<vmem>> -> memref<128x64xf32, #tpu.memory_space<vmem>>
        %dma_start3A_1147 = arith.constant 0 : i32
        %dma_start3A_1148 = tpu.memref_slice %arg11[%add3A_1142, %dma_start3A_1147] : memref<160x128xi32, #tpu.memory_space<vmem>> -> memref<1x128xi32, #tpu.memory_space<vmem>>
        %dma_start3A_1149 = tpu.memref_squeeze %dma_start3A_1148 : memref<1x128xi32, #tpu.memory_space<vmem>> -> memref<128xi32, #tpu.memory_space<vmem>>
        %dma_start3A_1150 = arith.constant 0 : i32
        %dma_start3A_1151 = arith.constant 0 : i32
        %dma_start3A_1152 = tpu.memref_slice %arg9[%dma_start3A_1150, %dma_start3A_1151] : memref<10112x64xf32, #tpu.memory_space<vmem_shared>> -> memref<10112x64xf32, #tpu.memory_space<vmem_shared>>
        %dma_start3A_1153 = tpu.memref_slice %arg14[%dma_start3A_1143] : memref<9x!tpu.dma_semaphore, #tpu.memory_space<semaphore_mem>> -> memref<1x!tpu.dma_semaphore, #tpu.memory_space<semaphore_mem>>
        %dma_start3A_1154 = tpu.memref_squeeze %dma_start3A_1153 : memref<1x!tpu.dma_semaphore, #tpu.memory_space<semaphore_mem>> -> memref<!tpu.dma_semaphore, #tpu.memory_space<semaphore_mem>>
        tpu.enqueue_indirect_dma source(%dma_start3A_1146 : memref<128x64xf32, #tpu.memory_space<vmem>>) target(%dma_start3A_1152 : memref<10112x64xf32, #tpu.memory_space<vmem_shared>>) offsets(%dma_start3A_1149 : memref<128xi32, #tpu.memory_space<vmem>>) semaphore(%dma_start3A_1154 : memref<!tpu.dma_semaphore, #tpu.memory_space<semaphore_mem>>) {add = true}
        %dma_wait3A_1155 = arith.constant 2 : i32
        %dma_wait3A_1156 = arith.constant 256 : i32
        %dma_wait3A_1157 = arith.constant 0 : i32
        %dma_wait3A_1158 = tpu.memref_slice %arg12[%dma_wait3A_1156, %dma_wait3A_1157] : memref<768x64xf32, #tpu.memory_space<vmem>> -> memref<128x64xf32, #tpu.memory_space<vmem>>
        %dma_wait3A_1159 = arith.constant 0 : i32
        %dma_wait3A_1160 = tpu.memref_slice %arg11[%add3A_1124, %dma_wait3A_1159] : memref<160x128xi32, #tpu.memory_space<vmem>> -> memref<1x128xi32, #tpu.memory_space<vmem>>
        %dma_wait3A_1161 = tpu.memref_squeeze %dma_wait3A_1160 : memref<1x128xi32, #tpu.memory_space<vmem>> -> memref<128xi32, #tpu.memory_space<vmem>>
        %dma_wait3A_1162 = arith.constant 0 : i32
        %dma_wait3A_1163 = arith.constant 0 : i32
        %dma_wait3A_1164 = tpu.memref_slice %arg9[%dma_wait3A_1162, %dma_wait3A_1163] : memref<10112x64xf32, #tpu.memory_space<vmem_shared>> -> memref<10112x64xf32, #tpu.memory_space<vmem_shared>>
        %dma_wait3A_1165 = tpu.memref_slice %arg14[%dma_wait3A_1155] : memref<9x!tpu.dma_semaphore, #tpu.memory_space<semaphore_mem>> -> memref<1x!tpu.dma_semaphore, #tpu.memory_space<semaphore_mem>>
        %dma_wait3A_1166 = tpu.memref_squeeze %dma_wait3A_1165 : memref<1x!tpu.dma_semaphore, #tpu.memory_space<semaphore_mem>> -> memref<!tpu.dma_semaphore, #tpu.memory_space<semaphore_mem>>
        tpu.wait_indirect_dma semaphore(%dma_wait3A_1166 : memref<!tpu.dma_semaphore, #tpu.memory_space<semaphore_mem>>) src(%dma_wait3A_1158 : memref<128x64xf32, #tpu.memory_space<vmem>>) dst(%dma_wait3A_1164 : memref<10112x64xf32, #tpu.memory_space<vmem_shared>>)
        %dma_wait3A_1167 = arith.constant 3 : i32
        %dma_wait3A_1168 = arith.constant 384 : i32
        %dma_wait3A_1169 = arith.constant 0 : i32
        %dma_wait3A_1170 = tpu.memref_slice %arg12[%dma_wait3A_1168, %dma_wait3A_1169] : memref<768x64xf32, #tpu.memory_space<vmem>> -> memref<128x64xf32, #tpu.memory_space<vmem>>
        %dma_wait3A_1171 = arith.constant 0 : i32
        %dma_wait3A_1172 = tpu.memref_slice %arg11[%add3A_1142, %dma_wait3A_1171] : memref<160x128xi32, #tpu.memory_space<vmem>> -> memref<1x128xi32, #tpu.memory_space<vmem>>
        %dma_wait3A_1173 = tpu.memref_squeeze %dma_wait3A_1172 : memref<1x128xi32, #tpu.memory_space<vmem>> -> memref<128xi32, #tpu.memory_space<vmem>>
        %dma_wait3A_1174 = arith.constant 0 : i32
        %dma_wait3A_1175 = arith.constant 0 : i32
        %dma_wait3A_1176 = tpu.memref_slice %arg9[%dma_wait3A_1174, %dma_wait3A_1175] : memref<10112x64xf32, #tpu.memory_space<vmem_shared>> -> memref<10112x64xf32, #tpu.memory_space<vmem_shared>>
        %dma_wait3A_1177 = tpu.memref_slice %arg14[%dma_wait3A_1167] : memref<9x!tpu.dma_semaphore, #tpu.memory_space<semaphore_mem>> -> memref<1x!tpu.dma_semaphore, #tpu.memory_space<semaphore_mem>>
        %dma_wait3A_1178 = tpu.memref_squeeze %dma_wait3A_1177 : memref<1x!tpu.dma_semaphore, #tpu.memory_space<semaphore_mem>> -> memref<!tpu.dma_semaphore, #tpu.memory_space<semaphore_mem>>
        tpu.wait_indirect_dma semaphore(%dma_wait3A_1178 : memref<!tpu.dma_semaphore, #tpu.memory_space<semaphore_mem>>) src(%dma_wait3A_1170 : memref<128x64xf32, #tpu.memory_space<vmem>>) dst(%dma_wait3A_1176 : memref<10112x64xf32, #tpu.memory_space<vmem_shared>>)
      }
      %scan3A_79 = arith.constant 40 : i32
      %barrier3A_80 = arith.constant 0 : index
      tpu.barrier barrier_id(%barrier3A_80)
      %add3A_81 = arith.constant 0 : i32
      %add3A_82 = arith.addi %mul3A_16, %add3A_81 : i32
      %dma_start3A_83 = arith.constant 0 : i32
      %dma_start3A_84 = arith.constant 0 : i32
      %dma_start3A_85 = arith.constant 0 : i32
      %dma_start3A_86 = tpu.memref_slice %arg12[%dma_start3A_84, %dma_start3A_85] : memref<768x64xf32, #tpu.memory_space<vmem>> -> memref<125x64xf32, #tpu.memory_space<vmem>>
      %dma_start3A_87 = arith.constant 0 : i32
      %dma_start3A_88 = tpu.memref_slice %arg9[%add3A_82, %dma_start3A_87] : memref<10112x64xf32, #tpu.memory_space<vmem_shared>> -> memref<125x64xf32, #tpu.memory_space<vmem_shared>>
      %dma_start3A_89 = tpu.memref_slice %arg13[%dma_start3A_83] : memref<6x!tpu.dma_semaphore, #tpu.memory_space<semaphore_mem>> -> memref<1x!tpu.dma_semaphore, #tpu.memory_space<semaphore_mem>>
      %dma_start3A_90 = tpu.memref_squeeze %dma_start3A_89 : memref<1x!tpu.dma_semaphore, #tpu.memory_space<semaphore_mem>> -> memref<!tpu.dma_semaphore, #tpu.memory_space<semaphore_mem>>
      %dma_start3A_91 = arith.constant 0 : i32
      %dma_start3A_92 = arith.constant 0 : i32
      %dma_start3A_93 = tpu.memref_slice %arg12[%dma_start3A_91, %dma_start3A_92] : memref<768x64xf32, #tpu.memory_space<vmem>> -> memref<125x64xf32, #tpu.memory_space<vmem>>
      %dma_start3A_94 = arith.constant 0 : i32
      %dma_start3A_95 = tpu.memref_slice %arg9[%add3A_82, %dma_start3A_94] : memref<10112x64xf32, #tpu.memory_space<vmem_shared>> -> memref<125x64xf32, #tpu.memory_space<vmem_shared>>
      tpu.enqueue_dma source(%dma_start3A_95 : memref<125x64xf32, #tpu.memory_space<vmem_shared>>) target(%dma_start3A_93 : memref<125x64xf32, #tpu.memory_space<vmem>>) target_semaphore(%dma_start3A_90 : memref<!tpu.dma_semaphore, #tpu.memory_space<semaphore_mem>>)
      %dma_start3A_96 = arith.constant 1 : i32
      %dma_start3A_97 = arith.constant 125 : i32
      %dma_start3A_98 = arith.constant 0 : i32
      %dma_start3A_99 = tpu.memref_slice %arg12[%dma_start3A_97, %dma_start3A_98] : memref<768x64xf32, #tpu.memory_space<vmem>> -> memref<125x64xf32, #tpu.memory_space<vmem>>
      %dma_start3A_100 = arith.constant 0 : i32
      %dma_start3A_101 = arith.constant 0 : i32
      %dma_start3A_102 = tpu.memref_slice %arg8[%arg0, %dma_start3A_100, %dma_start3A_101] : memref<2x10000x64xf32, #tpu.memory_space<hbm>> -> memref<1x10000x64xf32, #tpu.memory_space<hbm>>
      %dma_start3A_103 = tpu.memref_squeeze %dma_start3A_102 : memref<1x10000x64xf32, #tpu.memory_space<hbm>> -> memref<10000x64xf32, #tpu.memory_space<hbm>>
      %dma_start3A_104 = arith.constant 0 : i32
      %dma_start3A_105 = tpu.memref_slice %dma_start3A_103[%add3A_82, %dma_start3A_104] : memref<10000x64xf32, #tpu.memory_space<hbm>> -> memref<125x64xf32, #tpu.memory_space<hbm>>
      %dma_start3A_106 = tpu.memref_slice %arg13[%dma_start3A_96] : memref<6x!tpu.dma_semaphore, #tpu.memory_space<semaphore_mem>> -> memref<1x!tpu.dma_semaphore, #tpu.memory_space<semaphore_mem>>
      %dma_start3A_107 = tpu.memref_squeeze %dma_start3A_106 : memref<1x!tpu.dma_semaphore, #tpu.memory_space<semaphore_mem>> -> memref<!tpu.dma_semaphore, #tpu.memory_space<semaphore_mem>>
      %dma_start3A_108 = arith.constant 125 : i32
      %dma_start3A_109 = arith.constant 0 : i32
      %dma_start3A_110 = tpu.memref_slice %arg12[%dma_start3A_108, %dma_start3A_109] : memref<768x64xf32, #tpu.memory_space<vmem>> -> memref<125x64xf32, #tpu.memory_space<vmem>>
      %dma_start3A_111 = arith.constant 0 : i32
      %dma_start3A_112 = arith.constant 0 : i32
      %dma_start3A_113 = tpu.memref_slice %arg8[%arg0, %dma_start3A_111, %dma_start3A_112] : memref<2x10000x64xf32, #tpu.memory_space<hbm>> -> memref<1x10000x64xf32, #tpu.memory_space<hbm>>
      %dma_start3A_114 = tpu.memref_squeeze %dma_start3A_113 : memref<1x10000x64xf32, #tpu.memory_space<hbm>> -> memref<10000x64xf32, #tpu.memory_space<hbm>>
      %dma_start3A_115 = arith.constant 0 : i32
      %dma_start3A_116 = tpu.memref_slice %dma_start3A_114[%add3A_82, %dma_start3A_115] : memref<10000x64xf32, #tpu.memory_space<hbm>> -> memref<125x64xf32, #tpu.memory_space<hbm>>
      tpu.enqueue_dma source(%dma_start3A_116 : memref<125x64xf32, #tpu.memory_space<hbm>>) target(%dma_start3A_110 : memref<125x64xf32, #tpu.memory_space<vmem>>) target_semaphore(%dma_start3A_107 : memref<!tpu.dma_semaphore, #tpu.memory_space<semaphore_mem>>)
      %dma_start3A_117 = arith.constant 2 : i32
      %dma_start3A_118 = arith.constant 250 : i32
      %dma_start3A_119 = arith.constant 0 : i32
      %dma_start3A_120 = tpu.memref_slice %arg12[%dma_start3A_118, %dma_start3A_119] : memref<768x64xf32, #tpu.memory_space<vmem>> -> memref<125x64xf32, #tpu.memory_space<vmem>>
      %dma_start3A_121 = arith.constant 0 : i32
      %dma_start3A_122 = arith.constant 0 : i32
      %dma_start3A_123 = tpu.memref_slice %arg7[%arg0, %dma_start3A_121, %dma_start3A_122] : memref<2x10000x64xf32, #tpu.memory_space<hbm>> -> memref<1x10000x64xf32, #tpu.memory_space<hbm>>
      %dma_start3A_124 = tpu.memref_squeeze %dma_start3A_123 : memref<1x10000x64xf32, #tpu.memory_space<hbm>> -> memref<10000x64xf32, #tpu.memory_space<hbm>>
      %dma_start3A_125 = arith.constant 0 : i32
      %dma_start3A_126 = tpu.memref_slice %dma_start3A_124[%add3A_82, %dma_start3A_125] : memref<10000x64xf32, #tpu.memory_space<hbm>> -> memref<125x64xf32, #tpu.memory_space<hbm>>
      %dma_start3A_127 = tpu.memref_slice %arg13[%dma_start3A_117] : memref<6x!tpu.dma_semaphore, #tpu.memory_space<semaphore_mem>> -> memref<1x!tpu.dma_semaphore, #tpu.memory_space<semaphore_mem>>
      %dma_start3A_128 = tpu.memref_squeeze %dma_start3A_127 : memref<1x!tpu.dma_semaphore, #tpu.memory_space<semaphore_mem>> -> memref<!tpu.dma_semaphore, #tpu.memory_space<semaphore_mem>>
      %dma_start3A_129 = arith.constant 250 : i32
      %dma_start3A_130 = arith.constant 0 : i32
      %dma_start3A_131 = tpu.memref_slice %arg12[%dma_start3A_129, %dma_start3A_130] : memref<768x64xf32, #tpu.memory_space<vmem>> -> memref<125x64xf32, #tpu.memory_space<vmem>>
      %dma_start3A_132 = arith.constant 0 : i32
      %dma_start3A_133 = arith.constant 0 : i32
      %dma_start3A_134 = tpu.memref_slice %arg7[%arg0, %dma_start3A_132, %dma_start3A_133] : memref<2x10000x64xf32, #tpu.memory_space<hbm>> -> memref<1x10000x64xf32, #tpu.memory_space<hbm>>
      %dma_start3A_135 = tpu.memref_squeeze %dma_start3A_134 : memref<1x10000x64xf32, #tpu.memory_space<hbm>> -> memref<10000x64xf32, #tpu.memory_space<hbm>>
      %dma_start3A_136 = arith.constant 0 : i32
      %dma_start3A_137 = tpu.memref_slice %dma_start3A_135[%add3A_82, %dma_start3A_136] : memref<10000x64xf32, #tpu.memory_space<hbm>> -> memref<125x64xf32, #tpu.memory_space<hbm>>
      tpu.enqueue_dma source(%dma_start3A_137 : memref<125x64xf32, #tpu.memory_space<hbm>>) target(%dma_start3A_131 : memref<125x64xf32, #tpu.memory_space<vmem>>) target_semaphore(%dma_start3A_128 : memref<!tpu.dma_semaphore, #tpu.memory_space<semaphore_mem>>)
      %add3A_138 = arith.constant 0 : i32
      %add3A_139 = arith.addi %mul3A_16, %add3A_138 : i32
      %add3A_140 = arith.constant 0 : i32
      %add3A_141 = arith.addi %mul3A_16, %add3A_140 : i32
      %dma_wait3A = arith.constant 0 : i32
      %dma_wait3A_142 = arith.constant 0 : i32
      %dma_wait3A_143 = arith.constant 0 : i32
      %dma_wait3A_144 = tpu.memref_slice %arg12[%dma_wait3A_142, %dma_wait3A_143] : memref<768x64xf32, #tpu.memory_space<vmem>> -> memref<125x64xf32, #tpu.memory_space<vmem>>
      %dma_wait3A_145 = arith.constant 0 : i32
      %dma_wait3A_146 = tpu.memref_slice %arg9[%add3A_141, %dma_wait3A_145] : memref<10112x64xf32, #tpu.memory_space<vmem_shared>> -> memref<125x64xf32, #tpu.memory_space<vmem_shared>>
      %dma_wait3A_147 = tpu.memref_slice %arg13[%dma_wait3A] : memref<6x!tpu.dma_semaphore, #tpu.memory_space<semaphore_mem>> -> memref<1x!tpu.dma_semaphore, #tpu.memory_space<semaphore_mem>>
      %dma_wait3A_148 = tpu.memref_squeeze %dma_wait3A_147 : memref<1x!tpu.dma_semaphore, #tpu.memory_space<semaphore_mem>> -> memref<!tpu.dma_semaphore, #tpu.memory_space<semaphore_mem>>
      %dma_wait3A_149 = arith.constant 0 : i32
      %dma_wait3A_150 = arith.constant 0 : i32
      %dma_wait3A_151 = tpu.memref_slice %arg12[%dma_wait3A_149, %dma_wait3A_150] : memref<768x64xf32, #tpu.memory_space<vmem>> -> memref<125x64xf32, #tpu.memory_space<vmem>>
      %dma_wait3A_152 = arith.constant 0 : i32
      %dma_wait3A_153 = tpu.memref_slice %arg9[%add3A_141, %dma_wait3A_152] : memref<10112x64xf32, #tpu.memory_space<vmem_shared>> -> memref<125x64xf32, #tpu.memory_space<vmem_shared>>
      tpu.wait_dma2 semaphore(%dma_wait3A_148 : memref<!tpu.dma_semaphore, #tpu.memory_space<semaphore_mem>>) src(%dma_wait3A_153 : memref<125x64xf32, #tpu.memory_space<vmem_shared>>) dst(%dma_wait3A_151 : memref<125x64xf32, #tpu.memory_space<vmem>>)
      %dma_wait3A_154 = arith.constant 1 : i32
      %dma_wait3A_155 = arith.constant 125 : i32
      %dma_wait3A_156 = arith.constant 0 : i32
      %dma_wait3A_157 = tpu.memref_slice %arg12[%dma_wait3A_155, %dma_wait3A_156] : memref<768x64xf32, #tpu.memory_space<vmem>> -> memref<125x64xf32, #tpu.memory_space<vmem>>
      %dma_wait3A_158 = arith.constant 0 : i32
      %dma_wait3A_159 = arith.constant 0 : i32
      %dma_wait3A_160 = tpu.memref_slice %arg8[%arg0, %dma_wait3A_158, %dma_wait3A_159] : memref<2x10000x64xf32, #tpu.memory_space<hbm>> -> memref<1x10000x64xf32, #tpu.memory_space<hbm>>
      %dma_wait3A_161 = tpu.memref_squeeze %dma_wait3A_160 : memref<1x10000x64xf32, #tpu.memory_space<hbm>> -> memref<10000x64xf32, #tpu.memory_space<hbm>>
      %dma_wait3A_162 = arith.constant 0 : i32
      %dma_wait3A_163 = tpu.memref_slice %dma_wait3A_161[%add3A_141, %dma_wait3A_162] : memref<10000x64xf32, #tpu.memory_space<hbm>> -> memref<125x64xf32, #tpu.memory_space<hbm>>
      %dma_wait3A_164 = tpu.memref_slice %arg13[%dma_wait3A_154] : memref<6x!tpu.dma_semaphore, #tpu.memory_space<semaphore_mem>> -> memref<1x!tpu.dma_semaphore, #tpu.memory_space<semaphore_mem>>
      %dma_wait3A_165 = tpu.memref_squeeze %dma_wait3A_164 : memref<1x!tpu.dma_semaphore, #tpu.memory_space<semaphore_mem>> -> memref<!tpu.dma_semaphore, #tpu.memory_space<semaphore_mem>>
      %dma_wait3A_166 = arith.constant 125 : i32
      %dma_wait3A_167 = arith.constant 0 : i32
      %dma_wait3A_168 = tpu.memref_slice %arg12[%dma_wait3A_166, %dma_wait3A_167] : memref<768x64xf32, #tpu.memory_space<vmem>> -> memref<125x64xf32, #tpu.memory_space<vmem>>
      %dma_wait3A_169 = arith.constant 0 : i32
      %dma_wait3A_170 = arith.constant 0 : i32
      %dma_wait3A_171 = tpu.memref_slice %arg8[%arg0, %dma_wait3A_169, %dma_wait3A_170] : memref<2x10000x64xf32, #tpu.memory_space<hbm>> -> memref<1x10000x64xf32, #tpu.memory_space<hbm>>
      %dma_wait3A_172 = tpu.memref_squeeze %dma_wait3A_171 : memref<1x10000x64xf32, #tpu.memory_space<hbm>> -> memref<10000x64xf32, #tpu.memory_space<hbm>>
      %dma_wait3A_173 = arith.constant 0 : i32
      %dma_wait3A_174 = tpu.memref_slice %dma_wait3A_172[%add3A_141, %dma_wait3A_173] : memref<10000x64xf32, #tpu.memory_space<hbm>> -> memref<125x64xf32, #tpu.memory_space<hbm>>
      tpu.wait_dma2 semaphore(%dma_wait3A_165 : memref<!tpu.dma_semaphore, #tpu.memory_space<semaphore_mem>>) src(%dma_wait3A_174 : memref<125x64xf32, #tpu.memory_space<hbm>>) dst(%dma_wait3A_168 : memref<125x64xf32, #tpu.memory_space<vmem>>)
      %dma_wait3A_175 = arith.constant 2 : i32
      %dma_wait3A_176 = arith.constant 250 : i32
      %dma_wait3A_177 = arith.constant 0 : i32
      %dma_wait3A_178 = tpu.memref_slice %arg12[%dma_wait3A_176, %dma_wait3A_177] : memref<768x64xf32, #tpu.memory_space<vmem>> -> memref<125x64xf32, #tpu.memory_space<vmem>>
      %dma_wait3A_179 = arith.constant 0 : i32
      %dma_wait3A_180 = arith.constant 0 : i32
      %dma_wait3A_181 = tpu.memref_slice %arg7[%arg0, %dma_wait3A_179, %dma_wait3A_180] : memref<2x10000x64xf32, #tpu.memory_space<hbm>> -> memref<1x10000x64xf32, #tpu.memory_space<hbm>>
      %dma_wait3A_182 = tpu.memref_squeeze %dma_wait3A_181 : memref<1x10000x64xf32, #tpu.memory_space<hbm>> -> memref<10000x64xf32, #tpu.memory_space<hbm>>
      %dma_wait3A_183 = arith.constant 0 : i32
      %dma_wait3A_184 = tpu.memref_slice %dma_wait3A_182[%add3A_141, %dma_wait3A_183] : memref<10000x64xf32, #tpu.memory_space<hbm>> -> memref<125x64xf32, #tpu.memory_space<hbm>>
      %dma_wait3A_185 = tpu.memref_slice %arg13[%dma_wait3A_175] : memref<6x!tpu.dma_semaphore, #tpu.memory_space<semaphore_mem>> -> memref<1x!tpu.dma_semaphore, #tpu.memory_space<semaphore_mem>>
      %dma_wait3A_186 = tpu.memref_squeeze %dma_wait3A_185 : memref<1x!tpu.dma_semaphore, #tpu.memory_space<semaphore_mem>> -> memref<!tpu.dma_semaphore, #tpu.memory_space<semaphore_mem>>
      %dma_wait3A_187 = arith.constant 250 : i32
      %dma_wait3A_188 = arith.constant 0 : i32
      %dma_wait3A_189 = tpu.memref_slice %arg12[%dma_wait3A_187, %dma_wait3A_188] : memref<768x64xf32, #tpu.memory_space<vmem>> -> memref<125x64xf32, #tpu.memory_space<vmem>>
      %dma_wait3A_190 = arith.constant 0 : i32
      %dma_wait3A_191 = arith.constant 0 : i32
      %dma_wait3A_192 = tpu.memref_slice %arg7[%arg0, %dma_wait3A_190, %dma_wait3A_191] : memref<2x10000x64xf32, #tpu.memory_space<hbm>> -> memref<1x10000x64xf32, #tpu.memory_space<hbm>>
      %dma_wait3A_193 = tpu.memref_squeeze %dma_wait3A_192 : memref<1x10000x64xf32, #tpu.memory_space<hbm>> -> memref<10000x64xf32, #tpu.memory_space<hbm>>
      %dma_wait3A_194 = arith.constant 0 : i32
      %dma_wait3A_195 = tpu.memref_slice %dma_wait3A_193[%add3A_141, %dma_wait3A_194] : memref<10000x64xf32, #tpu.memory_space<hbm>> -> memref<125x64xf32, #tpu.memory_space<hbm>>
      tpu.wait_dma2 semaphore(%dma_wait3A_186 : memref<!tpu.dma_semaphore, #tpu.memory_space<semaphore_mem>>) src(%dma_wait3A_195 : memref<125x64xf32, #tpu.memory_space<hbm>>) dst(%dma_wait3A_189 : memref<125x64xf32, #tpu.memory_space<vmem>>)
      %dma_start3A_196 = arith.constant 6 : i32
      %dma_start3A_197 = tpu.memref_slice %arg14[%dma_start3A_196] : memref<9x!tpu.dma_semaphore, #tpu.memory_space<semaphore_mem>> -> memref<1x!tpu.dma_semaphore, #tpu.memory_space<semaphore_mem>>
      %dma_start3A_198 = tpu.memref_squeeze %dma_start3A_197 : memref<1x!tpu.dma_semaphore, #tpu.memory_space<semaphore_mem>> -> memref<!tpu.dma_semaphore, #tpu.memory_space<semaphore_mem>>
      %dma_start3A_199 = arith.constant 0 : i32
      %dma_start3A_200 = tpu.memref_slice %arg9[%add3A_139, %dma_start3A_199] : memref<10112x64xf32, #tpu.memory_space<vmem_shared>> -> memref<125x64xf32, #tpu.memory_space<vmem_shared>>
      %dma_start3A_201 = arith.constant 0 : i32
      %dma_start3A_202 = arith.constant 0 : i32
      %dma_start3A_203 = tpu.memref_slice %arg2[%arg0, %dma_start3A_201, %dma_start3A_202] : memref<2x10000x64xf32, #tpu.memory_space<hbm>> -> memref<1x10000x64xf32, #tpu.memory_space<hbm>>
      %dma_start3A_204 = tpu.memref_squeeze %dma_start3A_203 : memref<1x10000x64xf32, #tpu.memory_space<hbm>> -> memref<10000x64xf32, #tpu.memory_space<hbm>>
      %dma_start3A_205 = arith.constant 0 : i32
      %dma_start3A_206 = tpu.memref_slice %dma_start3A_204[%add3A_139, %dma_start3A_205] : memref<10000x64xf32, #tpu.memory_space<hbm>> -> memref<125x64xf32, #tpu.memory_space<hbm>>
      tpu.enqueue_dma source(%dma_start3A_206 : memref<125x64xf32, #tpu.memory_space<hbm>>) target(%dma_start3A_200 : memref<125x64xf32, #tpu.memory_space<vmem_shared>>) target_semaphore(%dma_start3A_198 : memref<!tpu.dma_semaphore, #tpu.memory_space<semaphore_mem>>)
      %add3A_207 = arith.constant 125 : i32
      %add3A_208 = arith.addi %mul3A_16, %add3A_207 : i32
      %dma_start3A_209 = arith.constant 3 : i32
      %dma_start3A_210 = arith.constant 375 : i32
      %dma_start3A_211 = arith.constant 0 : i32
      %dma_start3A_212 = tpu.memref_slice %arg12[%dma_start3A_210, %dma_start3A_211] : memref<768x64xf32, #tpu.memory_space<vmem>> -> memref<125x64xf32, #tpu.memory_space<vmem>>
      %dma_start3A_213 = arith.constant 0 : i32
      %dma_start3A_214 = tpu.memref_slice %arg9[%add3A_208, %dma_start3A_213] : memref<10112x64xf32, #tpu.memory_space<vmem_shared>> -> memref<125x64xf32, #tpu.memory_space<vmem_shared>>
      %dma_start3A_215 = tpu.memref_slice %arg13[%dma_start3A_209] : memref<6x!tpu.dma_semaphore, #tpu.memory_space<semaphore_mem>> -> memref<1x!tpu.dma_semaphore, #tpu.memory_space<semaphore_mem>>
      %dma_start3A_216 = tpu.memref_squeeze %dma_start3A_215 : memref<1x!tpu.dma_semaphore, #tpu.memory_space<semaphore_mem>> -> memref<!tpu.dma_semaphore, #tpu.memory_space<semaphore_mem>>
      %dma_start3A_217 = arith.constant 375 : i32
      %dma_start3A_218 = arith.constant 0 : i32
      %dma_start3A_219 = tpu.memref_slice %arg12[%dma_start3A_217, %dma_start3A_218] : memref<768x64xf32, #tpu.memory_space<vmem>> -> memref<125x64xf32, #tpu.memory_space<vmem>>
      %dma_start3A_220 = arith.constant 0 : i32
      %dma_start3A_221 = tpu.memref_slice %arg9[%add3A_208, %dma_start3A_220] : memref<10112x64xf32, #tpu.memory_space<vmem_shared>> -> memref<125x64xf32, #tpu.memory_space<vmem_shared>>
      tpu.enqueue_dma source(%dma_start3A_221 : memref<125x64xf32, #tpu.memory_space<vmem_shared>>) target(%dma_start3A_219 : memref<125x64xf32, #tpu.memory_space<vmem>>) target_semaphore(%dma_start3A_216 : memref<!tpu.dma_semaphore, #tpu.memory_space<semaphore_mem>>)
      %dma_start3A_222 = arith.constant 4 : i32
      %dma_start3A_223 = arith.constant 500 : i32
      %dma_start3A_224 = arith.constant 0 : i32
      %dma_start3A_225 = tpu.memref_slice %arg12[%dma_start3A_223, %dma_start3A_224] : memref<768x64xf32, #tpu.memory_space<vmem>> -> memref<125x64xf32, #tpu.memory_space<vmem>>
      %dma_start3A_226 = arith.constant 0 : i32
      %dma_start3A_227 = arith.constant 0 : i32
      %dma_start3A_228 = tpu.memref_slice %arg8[%arg0, %dma_start3A_226, %dma_start3A_227] : memref<2x10000x64xf32, #tpu.memory_space<hbm>> -> memref<1x10000x64xf32, #tpu.memory_space<hbm>>
      %dma_start3A_229 = tpu.memref_squeeze %dma_start3A_228 : memref<1x10000x64xf32, #tpu.memory_space<hbm>> -> memref<10000x64xf32, #tpu.memory_space<hbm>>
      %dma_start3A_230 = arith.constant 0 : i32
      %dma_start3A_231 = tpu.memref_slice %dma_start3A_229[%add3A_208, %dma_start3A_230] : memref<10000x64xf32, #tpu.memory_space<hbm>> -> memref<125x64xf32, #tpu.memory_space<hbm>>
      %dma_start3A_232 = tpu.memref_slice %arg13[%dma_start3A_222] : memref<6x!tpu.dma_semaphore, #tpu.memory_space<semaphore_mem>> -> memref<1x!tpu.dma_semaphore, #tpu.memory_space<semaphore_mem>>
      %dma_start3A_233 = tpu.memref_squeeze %dma_start3A_232 : memref<1x!tpu.dma_semaphore, #tpu.memory_space<semaphore_mem>> -> memref<!tpu.dma_semaphore, #tpu.memory_space<semaphore_mem>>
      %dma_start3A_234 = arith.constant 500 : i32
      %dma_start3A_235 = arith.constant 0 : i32
      %dma_start3A_236 = tpu.memref_slice %arg12[%dma_start3A_234, %dma_start3A_235] : memref<768x64xf32, #tpu.memory_space<vmem>> -> memref<125x64xf32, #tpu.memory_space<vmem>>
      %dma_start3A_237 = arith.constant 0 : i32
      %dma_start3A_238 = arith.constant 0 : i32
      %dma_start3A_239 = tpu.memref_slice %arg8[%arg0, %dma_start3A_237, %dma_start3A_238] : memref<2x10000x64xf32, #tpu.memory_space<hbm>> -> memref<1x10000x64xf32, #tpu.memory_space<hbm>>
      %dma_start3A_240 = tpu.memref_squeeze %dma_start3A_239 : memref<1x10000x64xf32, #tpu.memory_space<hbm>> -> memref<10000x64xf32, #tpu.memory_space<hbm>>
      %dma_start3A_241 = arith.constant 0 : i32
      %dma_start3A_242 = tpu.memref_slice %dma_start3A_240[%add3A_208, %dma_start3A_241] : memref<10000x64xf32, #tpu.memory_space<hbm>> -> memref<125x64xf32, #tpu.memory_space<hbm>>
      tpu.enqueue_dma source(%dma_start3A_242 : memref<125x64xf32, #tpu.memory_space<hbm>>) target(%dma_start3A_236 : memref<125x64xf32, #tpu.memory_space<vmem>>) target_semaphore(%dma_start3A_233 : memref<!tpu.dma_semaphore, #tpu.memory_space<semaphore_mem>>)
      %dma_start3A_243 = arith.constant 5 : i32
      %dma_start3A_244 = arith.constant 625 : i32
      %dma_start3A_245 = arith.constant 0 : i32
      %dma_start3A_246 = tpu.memref_slice %arg12[%dma_start3A_244, %dma_start3A_245] : memref<768x64xf32, #tpu.memory_space<vmem>> -> memref<125x64xf32, #tpu.memory_space<vmem>>
      %dma_start3A_247 = arith.constant 0 : i32
      %dma_start3A_248 = arith.constant 0 : i32
      %dma_start3A_249 = tpu.memref_slice %arg7[%arg0, %dma_start3A_247, %dma_start3A_248] : memref<2x10000x64xf32, #tpu.memory_space<hbm>> -> memref<1x10000x64xf32, #tpu.memory_space<hbm>>
      %dma_start3A_250 = tpu.memref_squeeze %dma_start3A_249 : memref<1x10000x64xf32, #tpu.memory_space<hbm>> -> memref<10000x64xf32, #tpu.memory_space<hbm>>
      %dma_start3A_251 = arith.constant 0 : i32
      %dma_start3A_252 = tpu.memref_slice %dma_start3A_250[%add3A_208, %dma_start3A_251] : memref<10000x64xf32, #tpu.memory_space<hbm>> -> memref<125x64xf32, #tpu.memory_space<hbm>>
      %dma_start3A_253 = tpu.memref_slice %arg13[%dma_start3A_243] : memref<6x!tpu.dma_semaphore, #tpu.memory_space<semaphore_mem>> -> memref<1x!tpu.dma_semaphore, #tpu.memory_space<semaphore_mem>>
      %dma_start3A_254 = tpu.memref_squeeze %dma_start3A_253 : memref<1x!tpu.dma_semaphore, #tpu.memory_space<semaphore_mem>> -> memref<!tpu.dma_semaphore, #tpu.memory_space<semaphore_mem>>
      %dma_start3A_255 = arith.constant 625 : i32
      %dma_start3A_256 = arith.constant 0 : i32
      %dma_start3A_257 = tpu.memref_slice %arg12[%dma_start3A_255, %dma_start3A_256] : memref<768x64xf32, #tpu.memory_space<vmem>> -> memref<125x64xf32, #tpu.memory_space<vmem>>
      %dma_start3A_258 = arith.constant 0 : i32
      %dma_start3A_259 = arith.constant 0 : i32
      %dma_start3A_260 = tpu.memref_slice %arg7[%arg0, %dma_start3A_258, %dma_start3A_259] : memref<2x10000x64xf32, #tpu.memory_space<hbm>> -> memref<1x10000x64xf32, #tpu.memory_space<hbm>>
      %dma_start3A_261 = tpu.memref_squeeze %dma_start3A_260 : memref<1x10000x64xf32, #tpu.memory_space<hbm>> -> memref<10000x64xf32, #tpu.memory_space<hbm>>
      %dma_start3A_262 = arith.constant 0 : i32
      %dma_start3A_263 = tpu.memref_slice %dma_start3A_261[%add3A_208, %dma_start3A_262] : memref<10000x64xf32, #tpu.memory_space<hbm>> -> memref<125x64xf32, #tpu.memory_space<hbm>>
      tpu.enqueue_dma source(%dma_start3A_263 : memref<125x64xf32, #tpu.memory_space<hbm>>) target(%dma_start3A_257 : memref<125x64xf32, #tpu.memory_space<vmem>>) target_semaphore(%dma_start3A_254 : memref<!tpu.dma_semaphore, #tpu.memory_space<semaphore_mem>>)
      %scan3A_264 = arith.constant 0 : i32
      %scan3A_265 = arith.constant 125 : i32
      %scan3A_266 = arith.addi %scan3A_264, %scan3A_265 : i32
      %scan3A_267 = arith.constant 1 : i32
      scf.for %scan3A_1006 = %scan3A_264 to %scan3A_266 step %scan3A_267  : i32 {
        %add3A_1007 = arith.constant 250 : i32
        %add3A_1008 = arith.addi %add3A_1007, %scan3A_1006 : i32
        %get3A = arith.index_cast %add3A_1008 : i32 to index
        %get3A_1009 = arith.constant 0 : index
        %get3A_1010 = tpu.vector_load %arg12[%get3A, %get3A_1009] {strides = array<i32>} : memref<768x64xf32, #tpu.memory_space<vmem>>, vector<1x16xf32>,
        %get3A_1011 = vector.shape_cast %get3A_1010 : vector<1x16xf32> to vector<16xf32>
        %mul3A_1012 = arith.constant 5.000000e-01 : f32
        %mul3A_1013 = vector.broadcast %mul3A_1012 : f32 to vector<16xf32>
        %mul3A_1014 = arith.mulf %mul3A_1013, %get3A_1011 : vector<16xf32>
        %add3A_1015 = arith.constant 125 : i32
        %add3A_1016 = arith.addi %add3A_1015, %scan3A_1006 : i32
        %get3A_1017 = arith.index_cast %add3A_1016 : i32 to index
        %get3A_1018 = arith.constant 0 : index
        %get3A_1019 = tpu.vector_load %arg12[%get3A_1017, %get3A_1018] {strides = array<i32>} : memref<768x64xf32, #tpu.memory_space<vmem>>, vector<1x16xf32>,
        %get3A_1020 = vector.shape_cast %get3A_1019 : vector<1x16xf32> to vector<16xf32>
        %add3A_1021 = arith.constant 0 : i32
        %add3A_1022 = arith.addi %add3A_1021, %scan3A_1006 : i32
        %get3A_1023 = arith.index_cast %add3A_1022 : i32 to index
        %get3A_1024 = arith.constant 0 : index
        %get3A_1025 = tpu.vector_load %arg12[%get3A_1023, %get3A_1024] {strides = array<i32>} : memref<768x64xf32, #tpu.memory_space<vmem>>, vector<1x16xf32>,
        %get3A_1026 = vector.shape_cast %get3A_1025 : vector<1x16xf32> to vector<16xf32>
        %mul3A_1027 = arith.mulf %get3A_1020, %get3A_1026 : vector<16xf32>
        %add3A_1028 = arith.addf %mul3A_1014, %mul3A_1027 : vector<16xf32>
        %add3A_1029 = arith.constant 250 : i32
        %add3A_1030 = arith.addi %add3A_1029, %scan3A_1006 : i32
        %swap3A = arith.index_cast %add3A_1030 : i32 to index
        %swap3A_1031 = arith.constant 0 : index
        %swap3A_1032 = tpu.vector_load %arg12[%swap3A, %swap3A_1031] {strides = array<i32>} : memref<768x64xf32, #tpu.memory_space<vmem>>, vector<1x16xf32>,
        %swap3A_1033 = vector.shape_cast %swap3A_1032 : vector<1x16xf32> to vector<16xf32>
        %swap3A_1034 = vector.shape_cast %add3A_1028 : vector<16xf32> to vector<1x16xf32>
        tpu.vector_store %arg12[%swap3A, %swap3A_1031], %swap3A_1034 {strides = array<i32>} : memref<768x64xf32, #tpu.memory_space<vmem>>, vector<1x16xf32>,
        %add3A_1035 = arith.constant 250 : i32
        %add3A_1036 = arith.addi %add3A_1035, %scan3A_1006 : i32
        %get3A_1037 = arith.index_cast %add3A_1036 : i32 to index
        %get3A_1038 = arith.constant 16 : index
        %get3A_1039 = tpu.vector_load %arg12[%get3A_1037, %get3A_1038] {strides = array<i32>} : memref<768x64xf32, #tpu.memory_space<vmem>>, vector<1x16xf32>,
        %get3A_1040 = vector.shape_cast %get3A_1039 : vector<1x16xf32> to vector<16xf32>
        %mul3A_1041 = arith.constant 5.000000e-01 : f32
        %mul3A_1042 = vector.broadcast %mul3A_1041 : f32 to vector<16xf32>
        %mul3A_1043 = arith.mulf %mul3A_1042, %get3A_1040 : vector<16xf32>
        %add3A_1044 = arith.constant 125 : i32
        %add3A_1045 = arith.addi %add3A_1044, %scan3A_1006 : i32
        %get3A_1046 = arith.index_cast %add3A_1045 : i32 to index
        %get3A_1047 = arith.constant 16 : index
        %get3A_1048 = tpu.vector_load %arg12[%get3A_1046, %get3A_1047] {strides = array<i32>} : memref<768x64xf32, #tpu.memory_space<vmem>>, vector<1x16xf32>,
        %get3A_1049 = vector.shape_cast %get3A_1048 : vector<1x16xf32> to vector<16xf32>
        %add3A_1050 = arith.constant 0 : i32
        %add3A_1051 = arith.addi %add3A_1050, %scan3A_1006 : i32
        %get3A_1052 = arith.index_cast %add3A_1051 : i32 to index
        %get3A_1053 = arith.constant 16 : index
        %get3A_1054 = tpu.vector_load %arg12[%get3A_1052, %get3A_1053] {strides = array<i32>} : memref<768x64xf32, #tpu.memory_space<vmem>>, vector<1x16xf32>,
        %get3A_1055 = vector.shape_cast %get3A_1054 : vector<1x16xf32> to vector<16xf32>
        %mul3A_1056 = arith.mulf %get3A_1049, %get3A_1055 : vector<16xf32>
        %add3A_1057 = arith.addf %mul3A_1043, %mul3A_1056 : vector<16xf32>
        %add3A_1058 = arith.constant 250 : i32
        %add3A_1059 = arith.addi %add3A_1058, %scan3A_1006 : i32
        %swap3A_1060 = arith.index_cast %add3A_1059 : i32 to index
        %swap3A_1061 = arith.constant 16 : index
        %swap3A_1062 = tpu.vector_load %arg12[%swap3A_1060, %swap3A_1061] {strides = array<i32>} : memref<768x64xf32, #tpu.memory_space<vmem>>, vector<1x16xf32>,
        %swap3A_1063 = vector.shape_cast %swap3A_1062 : vector<1x16xf32> to vector<16xf32>
        %swap3A_1064 = vector.shape_cast %add3A_1057 : vector<16xf32> to vector<1x16xf32>
        tpu.vector_store %arg12[%swap3A_1060, %swap3A_1061], %swap3A_1064 {strides = array<i32>} : memref<768x64xf32, #tpu.memory_space<vmem>>, vector<1x16xf32>,
        %add3A_1065 = arith.constant 250 : i32
        %add3A_1066 = arith.addi %add3A_1065, %scan3A_1006 : i32
        %get3A_1067 = arith.index_cast %add3A_1066 : i32 to index
        %get3A_1068 = arith.constant 32 : index
        %get3A_1069 = tpu.vector_load %arg12[%get3A_1067, %get3A_1068] {strides = array<i32>} : memref<768x64xf32, #tpu.memory_space<vmem>>, vector<1x16xf32>,
        %get3A_1070 = vector.shape_cast %get3A_1069 : vector<1x16xf32> to vector<16xf32>
        %mul3A_1071 = arith.constant 5.000000e-01 : f32
        %mul3A_1072 = vector.broadcast %mul3A_1071 : f32 to vector<16xf32>
        %mul3A_1073 = arith.mulf %mul3A_1072, %get3A_1070 : vector<16xf32>
        %add3A_1074 = arith.constant 125 : i32
        %add3A_1075 = arith.addi %add3A_1074, %scan3A_1006 : i32
        %get3A_1076 = arith.index_cast %add3A_1075 : i32 to index
        %get3A_1077 = arith.constant 32 : index
        %get3A_1078 = tpu.vector_load %arg12[%get3A_1076, %get3A_1077] {strides = array<i32>} : memref<768x64xf32, #tpu.memory_space<vmem>>, vector<1x16xf32>,
        %get3A_1079 = vector.shape_cast %get3A_1078 : vector<1x16xf32> to vector<16xf32>
        %add3A_1080 = arith.constant 0 : i32
        %add3A_1081 = arith.addi %add3A_1080, %scan3A_1006 : i32
        %get3A_1082 = arith.index_cast %add3A_1081 : i32 to index
        %get3A_1083 = arith.constant 32 : index
        %get3A_1084 = tpu.vector_load %arg12[%get3A_1082, %get3A_1083] {strides = array<i32>} : memref<768x64xf32, #tpu.memory_space<vmem>>, vector<1x16xf32>,
        %get3A_1085 = vector.shape_cast %get3A_1084 : vector<1x16xf32> to vector<16xf32>
        %mul3A_1086 = arith.mulf %get3A_1079, %get3A_1085 : vector<16xf32>
        %add3A_1087 = arith.addf %mul3A_1073, %mul3A_1086 : vector<16xf32>
        %add3A_1088 = arith.constant 250 : i32
        %add3A_1089 = arith.addi %add3A_1088, %scan3A_1006 : i32
        %swap3A_1090 = arith.index_cast %add3A_1089 : i32 to index
        %swap3A_1091 = arith.constant 32 : index
        %swap3A_1092 = tpu.vector_load %arg12[%swap3A_1090, %swap3A_1091] {strides = array<i32>} : memref<768x64xf32, #tpu.memory_space<vmem>>, vector<1x16xf32>,
        %swap3A_1093 = vector.shape_cast %swap3A_1092 : vector<1x16xf32> to vector<16xf32>
        %swap3A_1094 = vector.shape_cast %add3A_1087 : vector<16xf32> to vector<1x16xf32>
        tpu.vector_store %arg12[%swap3A_1090, %swap3A_1091], %swap3A_1094 {strides = array<i32>} : memref<768x64xf32, #tpu.memory_space<vmem>>, vector<1x16xf32>,
        %add3A_1095 = arith.constant 250 : i32
        %add3A_1096 = arith.addi %add3A_1095, %scan3A_1006 : i32
        %get3A_1097 = arith.index_cast %add3A_1096 : i32 to index
        %get3A_1098 = arith.constant 48 : index
        %get3A_1099 = tpu.vector_load %arg12[%get3A_1097, %get3A_1098] {strides = array<i32>} : memref<768x64xf32, #tpu.memory_space<vmem>>, vector<1x16xf32>,
        %get3A_1100 = vector.shape_cast %get3A_1099 : vector<1x16xf32> to vector<16xf32>
        %mul3A_1101 = arith.constant 5.000000e-01 : f32
        %mul3A_1102 = vector.broadcast %mul3A_1101 : f32 to vector<16xf32>
        %mul3A_1103 = arith.mulf %mul3A_1102, %get3A_1100 : vector<16xf32>
        %add3A_1104 = arith.constant 125 : i32
        %add3A_1105 = arith.addi %add3A_1104, %scan3A_1006 : i32
        %get3A_1106 = arith.index_cast %add3A_1105 : i32 to index
        %get3A_1107 = arith.constant 48 : index
        %get3A_1108 = tpu.vector_load %arg12[%get3A_1106, %get3A_1107] {strides = array<i32>} : memref<768x64xf32, #tpu.memory_space<vmem>>, vector<1x16xf32>,
        %get3A_1109 = vector.shape_cast %get3A_1108 : vector<1x16xf32> to vector<16xf32>
        %add3A_1110 = arith.constant 0 : i32
        %add3A_1111 = arith.addi %add3A_1110, %scan3A_1006 : i32
        %get3A_1112 = arith.index_cast %add3A_1111 : i32 to index
        %get3A_1113 = arith.constant 48 : index
        %get3A_1114 = tpu.vector_load %arg12[%get3A_1112, %get3A_1113] {strides = array<i32>} : memref<768x64xf32, #tpu.memory_space<vmem>>, vector<1x16xf32>,
        %get3A_1115 = vector.shape_cast %get3A_1114 : vector<1x16xf32> to vector<16xf32>
        %mul3A_1116 = arith.mulf %get3A_1109, %get3A_1115 : vector<16xf32>
        %add3A_1117 = arith.addf %mul3A_1103, %mul3A_1116 : vector<16xf32>
        %add3A_1118 = arith.constant 250 : i32
        %add3A_1119 = arith.addi %add3A_1118, %scan3A_1006 : i32
        %swap3A_1120 = arith.index_cast %add3A_1119 : i32 to index
        %swap3A_1121 = arith.constant 48 : index
        %swap3A_1122 = tpu.vector_load %arg12[%swap3A_1120, %swap3A_1121] {strides = array<i32>} : memref<768x64xf32, #tpu.memory_space<vmem>>, vector<1x16xf32>,
        %swap3A_1123 = vector.shape_cast %swap3A_1122 : vector<1x16xf32> to vector<16xf32>
        %swap3A_1124 = vector.shape_cast %add3A_1117 : vector<16xf32> to vector<1x16xf32>
        tpu.vector_store %arg12[%swap3A_1120, %swap3A_1121], %swap3A_1124 {strides = array<i32>} : memref<768x64xf32, #tpu.memory_space<vmem>>, vector<1x16xf32>,
      }
      %scan3A_268 = arith.constant 125 : i32
      %dma_start3A_269 = arith.constant 7 : i32
      %dma_start3A_270 = arith.constant 250 : i32
      %dma_start3A_271 = arith.constant 0 : i32
      %dma_start3A_272 = tpu.memref_slice %arg12[%dma_start3A_270, %dma_start3A_271] : memref<768x64xf32, #tpu.memory_space<vmem>> -> memref<125x64xf32, #tpu.memory_space<vmem>>
      %dma_start3A_273 = arith.constant 0 : i32
      %dma_start3A_274 = arith.constant 0 : i32
      %dma_start3A_275 = tpu.memref_slice %arg7[%arg0, %dma_start3A_273, %dma_start3A_274] : memref<2x10000x64xf32, #tpu.memory_space<hbm>> -> memref<1x10000x64xf32, #tpu.memory_space<hbm>>
      %dma_start3A_276 = tpu.memref_squeeze %dma_start3A_275 : memref<1x10000x64xf32, #tpu.memory_space<hbm>> -> memref<10000x64xf32, #tpu.memory_space<hbm>>
      %dma_start3A_277 = arith.constant 0 : i32
      %dma_start3A_278 = tpu.memref_slice %dma_start3A_276[%add3A_139, %dma_start3A_277] : memref<10000x64xf32, #tpu.memory_space<hbm>> -> memref<125x64xf32, #tpu.memory_space<hbm>>
      %dma_start3A_279 = tpu.memref_slice %arg14[%dma_start3A_269] : memref<9x!tpu.dma_semaphore, #tpu.memory_space<semaphore_mem>> -> memref<1x!tpu.dma_semaphore, #tpu.memory_space<semaphore_mem>>
      %dma_start3A_280 = tpu.memref_squeeze %dma_start3A_279 : memref<1x!tpu.dma_semaphore, #tpu.memory_space<semaphore_mem>> -> memref<!tpu.dma_semaphore, #tpu.memory_space<semaphore_mem>>
      %dma_start3A_281 = arith.constant 0 : i32
      %dma_start3A_282 = arith.constant 0 : i32
      %dma_start3A_283 = tpu.memref_slice %arg7[%arg0, %dma_start3A_281, %dma_start3A_282] : memref<2x10000x64xf32, #tpu.memory_space<hbm>> -> memref<1x10000x64xf32, #tpu.memory_space<hbm>>
      %dma_start3A_284 = tpu.memref_squeeze %dma_start3A_283 : memref<1x10000x64xf32, #tpu.memory_space<hbm>> -> memref<10000x64xf32, #tpu.memory_space<hbm>>
      %dma_start3A_285 = arith.constant 0 : i32
      %dma_start3A_286 = tpu.memref_slice %dma_start3A_284[%add3A_139, %dma_start3A_285] : memref<10000x64xf32, #tpu.memory_space<hbm>> -> memref<125x64xf32, #tpu.memory_space<hbm>>
      %dma_start3A_287 = arith.constant 250 : i32
      %dma_start3A_288 = arith.constant 0 : i32
      %dma_start3A_289 = tpu.memref_slice %arg12[%dma_start3A_287, %dma_start3A_288] : memref<768x64xf32, #tpu.memory_space<vmem>> -> memref<125x64xf32, #tpu.memory_space<vmem>>
      tpu.enqueue_dma source(%dma_start3A_289 : memref<125x64xf32, #tpu.memory_space<vmem>>) target(%dma_start3A_286 : memref<125x64xf32, #tpu.memory_space<hbm>>) target_semaphore(%dma_start3A_280 : memref<!tpu.dma_semaphore, #tpu.memory_space<semaphore_mem>>)
      %add3A_290 = arith.constant 125 : i32
      %add3A_291 = arith.addi %mul3A_16, %add3A_290 : i32
      %add3A_292 = arith.constant 125 : i32
      %add3A_293 = arith.addi %mul3A_16, %add3A_292 : i32
      %dma_wait3A_294 = arith.constant 3 : i32
      %dma_wait3A_295 = arith.constant 375 : i32
      %dma_wait3A_296 = arith.constant 0 : i32
      %dma_wait3A_297 = tpu.memref_slice %arg12[%dma_wait3A_295, %dma_wait3A_296] : memref<768x64xf32, #tpu.memory_space<vmem>> -> memref<125x64xf32, #tpu.memory_space<vmem>>
      %dma_wait3A_298 = arith.constant 0 : i32
      %dma_wait3A_299 = tpu.memref_slice %arg9[%add3A_293, %dma_wait3A_298] : memref<10112x64xf32, #tpu.memory_space<vmem_shared>> -> memref<125x64xf32, #tpu.memory_space<vmem_shared>>
      %dma_wait3A_300 = tpu.memref_slice %arg13[%dma_wait3A_294] : memref<6x!tpu.dma_semaphore, #tpu.memory_space<semaphore_mem>> -> memref<1x!tpu.dma_semaphore, #tpu.memory_space<semaphore_mem>>
      %dma_wait3A_301 = tpu.memref_squeeze %dma_wait3A_300 : memref<1x!tpu.dma_semaphore, #tpu.memory_space<semaphore_mem>> -> memref<!tpu.dma_semaphore, #tpu.memory_space<semaphore_mem>>
      %dma_wait3A_302 = arith.constant 375 : i32
      %dma_wait3A_303 = arith.constant 0 : i32
      %dma_wait3A_304 = tpu.memref_slice %arg12[%dma_wait3A_302, %dma_wait3A_303] : memref<768x64xf32, #tpu.memory_space<vmem>> -> memref<125x64xf32, #tpu.memory_space<vmem>>
      %dma_wait3A_305 = arith.constant 0 : i32
      %dma_wait3A_306 = tpu.memref_slice %arg9[%add3A_293, %dma_wait3A_305] : memref<10112x64xf32, #tpu.memory_space<vmem_shared>> -> memref<125x64xf32, #tpu.memory_space<vmem_shared>>
      tpu.wait_dma2 semaphore(%dma_wait3A_301 : memref<!tpu.dma_semaphore, #tpu.memory_space<semaphore_mem>>) src(%dma_wait3A_306 : memref<125x64xf32, #tpu.memory_space<vmem_shared>>) dst(%dma_wait3A_304 : memref<125x64xf32, #tpu.memory_space<vmem>>)
      %dma_wait3A_307 = arith.constant 4 : i32
      %dma_wait3A_308 = arith.constant 500 : i32
      %dma_wait3A_309 = arith.constant 0 : i32
      %dma_wait3A_310 = tpu.memref_slice %arg12[%dma_wait3A_308, %dma_wait3A_309] : memref<768x64xf32, #tpu.memory_space<vmem>> -> memref<125x64xf32, #tpu.memory_space<vmem>>
      %dma_wait3A_311 = arith.constant 0 : i32
      %dma_wait3A_312 = arith.constant 0 : i32
      %dma_wait3A_313 = tpu.memref_slice %arg8[%arg0, %dma_wait3A_311, %dma_wait3A_312] : memref<2x10000x64xf32, #tpu.memory_space<hbm>> -> memref<1x10000x64xf32, #tpu.memory_space<hbm>>
      %dma_wait3A_314 = tpu.memref_squeeze %dma_wait3A_313 : memref<1x10000x64xf32, #tpu.memory_space<hbm>> -> memref<10000x64xf32, #tpu.memory_space<hbm>>
      %dma_wait3A_315 = arith.constant 0 : i32
      %dma_wait3A_316 = tpu.memref_slice %dma_wait3A_314[%add3A_293, %dma_wait3A_315] : memref<10000x64xf32, #tpu.memory_space<hbm>> -> memref<125x64xf32, #tpu.memory_space<hbm>>
      %dma_wait3A_317 = tpu.memref_slice %arg13[%dma_wait3A_307] : memref<6x!tpu.dma_semaphore, #tpu.memory_space<semaphore_mem>> -> memref<1x!tpu.dma_semaphore, #tpu.memory_space<semaphore_mem>>
      %dma_wait3A_318 = tpu.memref_squeeze %dma_wait3A_317 : memref<1x!tpu.dma_semaphore, #tpu.memory_space<semaphore_mem>> -> memref<!tpu.dma_semaphore, #tpu.memory_space<semaphore_mem>>
      %dma_wait3A_319 = arith.constant 500 : i32
      %dma_wait3A_320 = arith.constant 0 : i32
      %dma_wait3A_321 = tpu.memref_slice %arg12[%dma_wait3A_319, %dma_wait3A_320] : memref<768x64xf32, #tpu.memory_space<vmem>> -> memref<125x64xf32, #tpu.memory_space<vmem>>
      %dma_wait3A_322 = arith.constant 0 : i32
      %dma_wait3A_323 = arith.constant 0 : i32
      %dma_wait3A_324 = tpu.memref_slice %arg8[%arg0, %dma_wait3A_322, %dma_wait3A_323] : memref<2x10000x64xf32, #tpu.memory_space<hbm>> -> memref<1x10000x64xf32, #tpu.memory_space<hbm>>
      %dma_wait3A_325 = tpu.memref_squeeze %dma_wait3A_324 : memref<1x10000x64xf32, #tpu.memory_space<hbm>> -> memref<10000x64xf32, #tpu.memory_space<hbm>>
      %dma_wait3A_326 = arith.constant 0 : i32
      %dma_wait3A_327 = tpu.memref_slice %dma_wait3A_325[%add3A_293, %dma_wait3A_326] : memref<10000x64xf32, #tpu.memory_space<hbm>> -> memref<125x64xf32, #tpu.memory_space<hbm>>
      tpu.wait_dma2 semaphore(%dma_wait3A_318 : memref<!tpu.dma_semaphore, #tpu.memory_space<semaphore_mem>>) src(%dma_wait3A_327 : memref<125x64xf32, #tpu.memory_space<hbm>>) dst(%dma_wait3A_321 : memref<125x64xf32, #tpu.memory_space<vmem>>)
      %dma_wait3A_328 = arith.constant 5 : i32
      %dma_wait3A_329 = arith.constant 625 : i32
      %dma_wait3A_330 = arith.constant 0 : i32
      %dma_wait3A_331 = tpu.memref_slice %arg12[%dma_wait3A_329, %dma_wait3A_330] : memref<768x64xf32, #tpu.memory_space<vmem>> -> memref<125x64xf32, #tpu.memory_space<vmem>>
      %dma_wait3A_332 = arith.constant 0 : i32
      %dma_wait3A_333 = arith.constant 0 : i32
      %dma_wait3A_334 = tpu.memref_slice %arg7[%arg0, %dma_wait3A_332, %dma_wait3A_333] : memref<2x10000x64xf32, #tpu.memory_space<hbm>> -> memref<1x10000x64xf32, #tpu.memory_space<hbm>>
      %dma_wait3A_335 = tpu.memref_squeeze %dma_wait3A_334 : memref<1x10000x64xf32, #tpu.memory_space<hbm>> -> memref<10000x64xf32, #tpu.memory_space<hbm>>
      %dma_wait3A_336 = arith.constant 0 : i32
      %dma_wait3A_337 = tpu.memref_slice %dma_wait3A_335[%add3A_293, %dma_wait3A_336] : memref<10000x64xf32, #tpu.memory_space<hbm>> -> memref<125x64xf32, #tpu.memory_space<hbm>>
      %dma_wait3A_338 = tpu.memref_slice %arg13[%dma_wait3A_328] : memref<6x!tpu.dma_semaphore, #tpu.memory_space<semaphore_mem>> -> memref<1x!tpu.dma_semaphore, #tpu.memory_space<semaphore_mem>>
      %dma_wait3A_339 = tpu.memref_squeeze %dma_wait3A_338 : memref<1x!tpu.dma_semaphore, #tpu.memory_space<semaphore_mem>> -> memref<!tpu.dma_semaphore, #tpu.memory_space<semaphore_mem>>
      %dma_wait3A_340 = arith.constant 625 : i32
      %dma_wait3A_341 = arith.constant 0 : i32
      %dma_wait3A_342 = tpu.memref_slice %arg12[%dma_wait3A_340, %dma_wait3A_341] : memref<768x64xf32, #tpu.memory_space<vmem>> -> memref<125x64xf32, #tpu.memory_space<vmem>>
      %dma_wait3A_343 = arith.constant 0 : i32
      %dma_wait3A_344 = arith.constant 0 : i32
      %dma_wait3A_345 = tpu.memref_slice %arg7[%arg0, %dma_wait3A_343, %dma_wait3A_344] : memref<2x10000x64xf32, #tpu.memory_space<hbm>> -> memref<1x10000x64xf32, #tpu.memory_space<hbm>>
      %dma_wait3A_346 = tpu.memref_squeeze %dma_wait3A_345 : memref<1x10000x64xf32, #tpu.memory_space<hbm>> -> memref<10000x64xf32, #tpu.memory_space<hbm>>
      %dma_wait3A_347 = arith.constant 0 : i32
      %dma_wait3A_348 = tpu.memref_slice %dma_wait3A_346[%add3A_293, %dma_wait3A_347] : memref<10000x64xf32, #tpu.memory_space<hbm>> -> memref<125x64xf32, #tpu.memory_space<hbm>>
      tpu.wait_dma2 semaphore(%dma_wait3A_339 : memref<!tpu.dma_semaphore, #tpu.memory_space<semaphore_mem>>) src(%dma_wait3A_348 : memref<125x64xf32, #tpu.memory_space<hbm>>) dst(%dma_wait3A_342 : memref<125x64xf32, #tpu.memory_space<vmem>>)
      %dma_wait3A_349 = arith.constant 6 : i32
      %dma_wait3A_350 = tpu.memref_slice %arg14[%dma_wait3A_349] : memref<9x!tpu.dma_semaphore, #tpu.memory_space<semaphore_mem>> -> memref<1x!tpu.dma_semaphore, #tpu.memory_space<semaphore_mem>>
      %dma_wait3A_351 = tpu.memref_squeeze %dma_wait3A_350 : memref<1x!tpu.dma_semaphore, #tpu.memory_space<semaphore_mem>> -> memref<!tpu.dma_semaphore, #tpu.memory_space<semaphore_mem>>
      %dma_wait3A_352 = arith.constant 0 : i32
      %dma_wait3A_353 = tpu.memref_slice %arg9[%add3A_291, %dma_wait3A_352] : memref<10112x64xf32, #tpu.memory_space<vmem_shared>> -> memref<125x64xf32, #tpu.memory_space<vmem_shared>>
      %dma_wait3A_354 = arith.constant 0 : i32
      %dma_wait3A_355 = arith.constant 0 : i32
      %dma_wait3A_356 = tpu.memref_slice %arg2[%arg0, %dma_wait3A_354, %dma_wait3A_355] : memref<2x10000x64xf32, #tpu.memory_space<hbm>> -> memref<1x10000x64xf32, #tpu.memory_space<hbm>>
      %dma_wait3A_357 = tpu.memref_squeeze %dma_wait3A_356 : memref<1x10000x64xf32, #tpu.memory_space<hbm>> -> memref<10000x64xf32, #tpu.memory_space<hbm>>
      %dma_wait3A_358 = arith.constant 0 : i32
      %dma_wait3A_359 = tpu.memref_slice %dma_wait3A_357[%add3A_291, %dma_wait3A_358] : memref<10000x64xf32, #tpu.memory_space<hbm>> -> memref<125x64xf32, #tpu.memory_space<hbm>>
      tpu.wait_dma2 semaphore(%dma_wait3A_351 : memref<!tpu.dma_semaphore, #tpu.memory_space<semaphore_mem>>) src(%dma_wait3A_359 : memref<125x64xf32, #tpu.memory_space<hbm>>) dst(%dma_wait3A_353 : memref<125x64xf32, #tpu.memory_space<vmem_shared>>)
      %dma_start3A_360 = arith.constant 6 : i32
      %dma_start3A_361 = tpu.memref_slice %arg14[%dma_start3A_360] : memref<9x!tpu.dma_semaphore, #tpu.memory_space<semaphore_mem>> -> memref<1x!tpu.dma_semaphore, #tpu.memory_space<semaphore_mem>>
      %dma_start3A_362 = tpu.memref_squeeze %dma_start3A_361 : memref<1x!tpu.dma_semaphore, #tpu.memory_space<semaphore_mem>> -> memref<!tpu.dma_semaphore, #tpu.memory_space<semaphore_mem>>
      %dma_start3A_363 = arith.constant 0 : i32
      %dma_start3A_364 = tpu.memref_slice %arg9[%add3A_291, %dma_start3A_363] : memref<10112x64xf32, #tpu.memory_space<vmem_shared>> -> memref<125x64xf32, #tpu.memory_space<vmem_shared>>
      %dma_start3A_365 = arith.constant 0 : i32
      %dma_start3A_366 = arith.constant 0 : i32
      %dma_start3A_367 = tpu.memref_slice %arg2[%arg0, %dma_start3A_365, %dma_start3A_366] : memref<2x10000x64xf32, #tpu.memory_space<hbm>> -> memref<1x10000x64xf32, #tpu.memory_space<hbm>>
      %dma_start3A_368 = tpu.memref_squeeze %dma_start3A_367 : memref<1x10000x64xf32, #tpu.memory_space<hbm>> -> memref<10000x64xf32, #tpu.memory_space<hbm>>
      %dma_start3A_369 = arith.constant 0 : i32
      %dma_start3A_370 = tpu.memref_slice %dma_start3A_368[%add3A_291, %dma_start3A_369] : memref<10000x64xf32, #tpu.memory_space<hbm>> -> memref<125x64xf32, #tpu.memory_space<hbm>>
      tpu.enqueue_dma source(%dma_start3A_370 : memref<125x64xf32, #tpu.memory_space<hbm>>) target(%dma_start3A_364 : memref<125x64xf32, #tpu.memory_space<vmem_shared>>) target_semaphore(%dma_start3A_362 : memref<!tpu.dma_semaphore, #tpu.memory_space<semaphore_mem>>)
      %dma_wait3A_371 = arith.constant 7 : i32
      %dma_wait3A_372 = arith.constant 250 : i32
      %dma_wait3A_373 = arith.constant 0 : i32
      %dma_wait3A_374 = tpu.memref_slice %arg12[%dma_wait3A_372, %dma_wait3A_373] : memref<768x64xf32, #tpu.memory_space<vmem>> -> memref<125x64xf32, #tpu.memory_space<vmem>>
      %dma_wait3A_375 = arith.constant 0 : i32
      %dma_wait3A_376 = arith.constant 0 : i32
      %dma_wait3A_377 = tpu.memref_slice %arg7[%arg0, %dma_wait3A_375, %dma_wait3A_376] : memref<2x10000x64xf32, #tpu.memory_space<hbm>> -> memref<1x10000x64xf32, #tpu.memory_space<hbm>>
      %dma_wait3A_378 = tpu.memref_squeeze %dma_wait3A_377 : memref<1x10000x64xf32, #tpu.memory_space<hbm>> -> memref<10000x64xf32, #tpu.memory_space<hbm>>
      %dma_wait3A_379 = arith.constant 0 : i32
      %dma_wait3A_380 = tpu.memref_slice %dma_wait3A_378[%add3A_291, %dma_wait3A_379] : memref<10000x64xf32, #tpu.memory_space<hbm>> -> memref<125x64xf32, #tpu.memory_space<hbm>>
      %dma_wait3A_381 = tpu.memref_slice %arg14[%dma_wait3A_371] : memref<9x!tpu.dma_semaphore, #tpu.memory_space<semaphore_mem>> -> memref<1x!tpu.dma_semaphore, #tpu.memory_space<semaphore_mem>>
      %dma_wait3A_382 = tpu.memref_squeeze %dma_wait3A_381 : memref<1x!tpu.dma_semaphore, #tpu.memory_space<semaphore_mem>> -> memref<!tpu.dma_semaphore, #tpu.memory_space<semaphore_mem>>
      %dma_wait3A_383 = arith.constant 0 : i32
      %dma_wait3A_384 = arith.constant 0 : i32
      %dma_wait3A_385 = tpu.memref_slice %arg7[%arg0, %dma_wait3A_383, %dma_wait3A_384] : memref<2x10000x64xf32, #tpu.memory_space<hbm>> -> memref<1x10000x64xf32, #tpu.memory_space<hbm>>
      %dma_wait3A_386 = tpu.memref_squeeze %dma_wait3A_385 : memref<1x10000x64xf32, #tpu.memory_space<hbm>> -> memref<10000x64xf32, #tpu.memory_space<hbm>>
      %dma_wait3A_387 = arith.constant 0 : i32
      %dma_wait3A_388 = tpu.memref_slice %dma_wait3A_386[%add3A_291, %dma_wait3A_387] : memref<10000x64xf32, #tpu.memory_space<hbm>> -> memref<125x64xf32, #tpu.memory_space<hbm>>
      %dma_wait3A_389 = arith.constant 250 : i32
      %dma_wait3A_390 = arith.constant 0 : i32
      %dma_wait3A_391 = tpu.memref_slice %arg12[%dma_wait3A_389, %dma_wait3A_390] : memref<768x64xf32, #tpu.memory_space<vmem>> -> memref<125x64xf32, #tpu.memory_space<vmem>>
      tpu.wait_dma2 semaphore(%dma_wait3A_382 : memref<!tpu.dma_semaphore, #tpu.memory_space<semaphore_mem>>) src(%dma_wait3A_391 : memref<125x64xf32, #tpu.memory_space<vmem>>) dst(%dma_wait3A_388 : memref<125x64xf32, #tpu.memory_space<hbm>>)
      %add3A_392 = arith.constant 250 : i32
      %add3A_393 = arith.addi %mul3A_16, %add3A_392 : i32
      %dma_start3A_394 = arith.constant 0 : i32
      %dma_start3A_395 = arith.constant 0 : i32
      %dma_start3A_396 = arith.constant 0 : i32
      %dma_start3A_397 = tpu.memref_slice %arg12[%dma_start3A_395, %dma_start3A_396] : memref<768x64xf32, #tpu.memory_space<vmem>> -> memref<125x64xf32, #tpu.memory_space<vmem>>
      %dma_start3A_398 = arith.constant 0 : i32
      %dma_start3A_399 = tpu.memref_slice %arg9[%add3A_393, %dma_start3A_398] : memref<10112x64xf32, #tpu.memory_space<vmem_shared>> -> memref<125x64xf32, #tpu.memory_space<vmem_shared>>
      %dma_start3A_400 = tpu.memref_slice %arg13[%dma_start3A_394] : memref<6x!tpu.dma_semaphore, #tpu.memory_space<semaphore_mem>> -> memref<1x!tpu.dma_semaphore, #tpu.memory_space<semaphore_mem>>
      %dma_start3A_401 = tpu.memref_squeeze %dma_start3A_400 : memref<1x!tpu.dma_semaphore, #tpu.memory_space<semaphore_mem>> -> memref<!tpu.dma_semaphore, #tpu.memory_space<semaphore_mem>>
      %dma_start3A_402 = arith.constant 0 : i32
      %dma_start3A_403 = arith.constant 0 : i32
      %dma_start3A_404 = tpu.memref_slice %arg12[%dma_start3A_402, %dma_start3A_403] : memref<768x64xf32, #tpu.memory_space<vmem>> -> memref<125x64xf32, #tpu.memory_space<vmem>>
      %dma_start3A_405 = arith.constant 0 : i32
      %dma_start3A_406 = tpu.memref_slice %arg9[%add3A_393, %dma_start3A_405] : memref<10112x64xf32, #tpu.memory_space<vmem_shared>> -> memref<125x64xf32, #tpu.memory_space<vmem_shared>>
      tpu.enqueue_dma source(%dma_start3A_406 : memref<125x64xf32, #tpu.memory_space<vmem_shared>>) target(%dma_start3A_404 : memref<125x64xf32, #tpu.memory_space<vmem>>) target_semaphore(%dma_start3A_401 : memref<!tpu.dma_semaphore, #tpu.memory_space<semaphore_mem>>)
      %dma_start3A_407 = arith.constant 1 : i32
      %dma_start3A_408 = arith.constant 125 : i32
      %dma_start3A_409 = arith.constant 0 : i32
      %dma_start3A_410 = tpu.memref_slice %arg12[%dma_start3A_408, %dma_start3A_409] : memref<768x64xf32, #tpu.memory_space<vmem>> -> memref<125x64xf32, #tpu.memory_space<vmem>>
      %dma_start3A_411 = arith.constant 0 : i32
      %dma_start3A_412 = arith.constant 0 : i32
      %dma_start3A_413 = tpu.memref_slice %arg8[%arg0, %dma_start3A_411, %dma_start3A_412] : memref<2x10000x64xf32, #tpu.memory_space<hbm>> -> memref<1x10000x64xf32, #tpu.memory_space<hbm>>
      %dma_start3A_414 = tpu.memref_squeeze %dma_start3A_413 : memref<1x10000x64xf32, #tpu.memory_space<hbm>> -> memref<10000x64xf32, #tpu.memory_space<hbm>>
      %dma_start3A_415 = arith.constant 0 : i32
      %dma_start3A_416 = tpu.memref_slice %dma_start3A_414[%add3A_393, %dma_start3A_415] : memref<10000x64xf32, #tpu.memory_space<hbm>> -> memref<125x64xf32, #tpu.memory_space<hbm>>
      %dma_start3A_417 = tpu.memref_slice %arg13[%dma_start3A_407] : memref<6x!tpu.dma_semaphore, #tpu.memory_space<semaphore_mem>> -> memref<1x!tpu.dma_semaphore, #tpu.memory_space<semaphore_mem>>
      %dma_start3A_418 = tpu.memref_squeeze %dma_start3A_417 : memref<1x!tpu.dma_semaphore, #tpu.memory_space<semaphore_mem>> -> memref<!tpu.dma_semaphore, #tpu.memory_space<semaphore_mem>>
      %dma_start3A_419 = arith.constant 125 : i32
      %dma_start3A_420 = arith.constant 0 : i32
      %dma_start3A_421 = tpu.memref_slice %arg12[%dma_start3A_419, %dma_start3A_420] : memref<768x64xf32, #tpu.memory_space<vmem>> -> memref<125x64xf32, #tpu.memory_space<vmem>>
      %dma_start3A_422 = arith.constant 0 : i32
      %dma_start3A_423 = arith.constant 0 : i32
      %dma_start3A_424 = tpu.memref_slice %arg8[%arg0, %dma_start3A_422, %dma_start3A_423] : memref<2x10000x64xf32, #tpu.memory_space<hbm>> -> memref<1x10000x64xf32, #tpu.memory_space<hbm>>
      %dma_start3A_425 = tpu.memref_squeeze %dma_start3A_424 : memref<1x10000x64xf32, #tpu.memory_space<hbm>> -> memref<10000x64xf32, #tpu.memory_space<hbm>>
      %dma_start3A_426 = arith.constant 0 : i32
      %dma_start3A_427 = tpu.memref_slice %dma_start3A_425[%add3A_393, %dma_start3A_426] : memref<10000x64xf32, #tpu.memory_space<hbm>> -> memref<125x64xf32, #tpu.memory_space<hbm>>
      tpu.enqueue_dma source(%dma_start3A_427 : memref<125x64xf32, #tpu.memory_space<hbm>>) target(%dma_start3A_421 : memref<125x64xf32, #tpu.memory_space<vmem>>) target_semaphore(%dma_start3A_418 : memref<!tpu.dma_semaphore, #tpu.memory_space<semaphore_mem>>)
      %dma_start3A_428 = arith.constant 2 : i32
      %dma_start3A_429 = arith.constant 250 : i32
      %dma_start3A_430 = arith.constant 0 : i32
      %dma_start3A_431 = tpu.memref_slice %arg12[%dma_start3A_429, %dma_start3A_430] : memref<768x64xf32, #tpu.memory_space<vmem>> -> memref<125x64xf32, #tpu.memory_space<vmem>>
      %dma_start3A_432 = arith.constant 0 : i32
      %dma_start3A_433 = arith.constant 0 : i32
      %dma_start3A_434 = tpu.memref_slice %arg7[%arg0, %dma_start3A_432, %dma_start3A_433] : memref<2x10000x64xf32, #tpu.memory_space<hbm>> -> memref<1x10000x64xf32, #tpu.memory_space<hbm>>
      %dma_start3A_435 = tpu.memref_squeeze %dma_start3A_434 : memref<1x10000x64xf32, #tpu.memory_space<hbm>> -> memref<10000x64xf32, #tpu.memory_space<hbm>>
      %dma_start3A_436 = arith.constant 0 : i32
      %dma_start3A_437 = tpu.memref_slice %dma_start3A_435[%add3A_393, %dma_start3A_436] : memref<10000x64xf32, #tpu.memory_space<hbm>> -> memref<125x64xf32, #tpu.memory_space<hbm>>
      %dma_start3A_438 = tpu.memref_slice %arg13[%dma_start3A_428] : memref<6x!tpu.dma_semaphore, #tpu.memory_space<semaphore_mem>> -> memref<1x!tpu.dma_semaphore, #tpu.memory_space<semaphore_mem>>
      %dma_start3A_439 = tpu.memref_squeeze %dma_start3A_438 : memref<1x!tpu.dma_semaphore, #tpu.memory_space<semaphore_mem>> -> memref<!tpu.dma_semaphore, #tpu.memory_space<semaphore_mem>>
      %dma_start3A_440 = arith.constant 250 : i32
      %dma_start3A_441 = arith.constant 0 : i32
      %dma_start3A_442 = tpu.memref_slice %arg12[%dma_start3A_440, %dma_start3A_441] : memref<768x64xf32, #tpu.memory_space<vmem>> -> memref<125x64xf32, #tpu.memory_space<vmem>>
      %dma_start3A_443 = arith.constant 0 : i32
      %dma_start3A_444 = arith.constant 0 : i32
      %dma_start3A_445 = tpu.memref_slice %arg7[%arg0, %dma_start3A_443, %dma_start3A_444] : memref<2x10000x64xf32, #tpu.memory_space<hbm>> -> memref<1x10000x64xf32, #tpu.memory_space<hbm>>
      %dma_start3A_446 = tpu.memref_squeeze %dma_start3A_445 : memref<1x10000x64xf32, #tpu.memory_space<hbm>> -> memref<10000x64xf32, #tpu.memory_space<hbm>>
      %dma_start3A_447 = arith.constant 0 : i32
      %dma_start3A_448 = tpu.memref_slice %dma_start3A_446[%add3A_393, %dma_start3A_447] : memref<10000x64xf32, #tpu.memory_space<hbm>> -> memref<125x64xf32, #tpu.memory_space<hbm>>
      tpu.enqueue_dma source(%dma_start3A_448 : memref<125x64xf32, #tpu.memory_space<hbm>>) target(%dma_start3A_442 : memref<125x64xf32, #tpu.memory_space<vmem>>) target_semaphore(%dma_start3A_439 : memref<!tpu.dma_semaphore, #tpu.memory_space<semaphore_mem>>)
      %scan3A_449 = arith.constant 0 : i32
      %scan3A_450 = arith.constant 125 : i32
      %scan3A_451 = arith.addi %scan3A_449, %scan3A_450 : i32
      %scan3A_452 = arith.constant 1 : i32
      scf.for %scan3A_1006 = %scan3A_449 to %scan3A_451 step %scan3A_452  : i32 {
        %add3A_1007 = arith.constant 625 : i32
        %add3A_1008 = arith.addi %add3A_1007, %scan3A_1006 : i32
        %get3A = arith.index_cast %add3A_1008 : i32 to index
        %get3A_1009 = arith.constant 0 : index
        %get3A_1010 = tpu.vector_load %arg12[%get3A, %get3A_1009] {strides = array<i32>} : memref<768x64xf32, #tpu.memory_space<vmem>>, vector<1x16xf32>,
        %get3A_1011 = vector.shape_cast %get3A_1010 : vector<1x16xf32> to vector<16xf32>
        %mul3A_1012 = arith.constant 5.000000e-01 : f32
        %mul3A_1013 = vector.broadcast %mul3A_1012 : f32 to vector<16xf32>
        %mul3A_1014 = arith.mulf %mul3A_1013, %get3A_1011 : vector<16xf32>
        %add3A_1015 = arith.constant 500 : i32
        %add3A_1016 = arith.addi %add3A_1015, %scan3A_1006 : i32
        %get3A_1017 = arith.index_cast %add3A_1016 : i32 to index
        %get3A_1018 = arith.constant 0 : index
        %get3A_1019 = tpu.vector_load %arg12[%get3A_1017, %get3A_1018] {strides = array<i32>} : memref<768x64xf32, #tpu.memory_space<vmem>>, vector<1x16xf32>,
        %get3A_1020 = vector.shape_cast %get3A_1019 : vector<1x16xf32> to vector<16xf32>
        %add3A_1021 = arith.constant 375 : i32
        %add3A_1022 = arith.addi %add3A_1021, %scan3A_1006 : i32
        %get3A_1023 = arith.index_cast %add3A_1022 : i32 to index
        %get3A_1024 = arith.constant 0 : index
        %get3A_1025 = tpu.vector_load %arg12[%get3A_1023, %get3A_1024] {strides = array<i32>} : memref<768x64xf32, #tpu.memory_space<vmem>>, vector<1x16xf32>,
        %get3A_1026 = vector.shape_cast %get3A_1025 : vector<1x16xf32> to vector<16xf32>
        %mul3A_1027 = arith.mulf %get3A_1020, %get3A_1026 : vector<16xf32>
        %add3A_1028 = arith.addf %mul3A_1014, %mul3A_1027 : vector<16xf32>
        %add3A_1029 = arith.constant 625 : i32
        %add3A_1030 = arith.addi %add3A_1029, %scan3A_1006 : i32
        %swap3A = arith.index_cast %add3A_1030 : i32 to index
        %swap3A_1031 = arith.constant 0 : index
        %swap3A_1032 = tpu.vector_load %arg12[%swap3A, %swap3A_1031] {strides = array<i32>} : memref<768x64xf32, #tpu.memory_space<vmem>>, vector<1x16xf32>,
        %swap3A_1033 = vector.shape_cast %swap3A_1032 : vector<1x16xf32> to vector<16xf32>
        %swap3A_1034 = vector.shape_cast %add3A_1028 : vector<16xf32> to vector<1x16xf32>
        tpu.vector_store %arg12[%swap3A, %swap3A_1031], %swap3A_1034 {strides = array<i32>} : memref<768x64xf32, #tpu.memory_space<vmem>>, vector<1x16xf32>,
        %add3A_1035 = arith.constant 625 : i32
        %add3A_1036 = arith.addi %add3A_1035, %scan3A_1006 : i32
        %get3A_1037 = arith.index_cast %add3A_1036 : i32 to index
        %get3A_1038 = arith.constant 16 : index
        %get3A_1039 = tpu.vector_load %arg12[%get3A_1037, %get3A_1038] {strides = array<i32>} : memref<768x64xf32, #tpu.memory_space<vmem>>, vector<1x16xf32>,
        %get3A_1040 = vector.shape_cast %get3A_1039 : vector<1x16xf32> to vector<16xf32>
        %mul3A_1041 = arith.constant 5.000000e-01 : f32
        %mul3A_1042 = vector.broadcast %mul3A_1041 : f32 to vector<16xf32>
        %mul3A_1043 = arith.mulf %mul3A_1042, %get3A_1040 : vector<16xf32>
        %add3A_1044 = arith.constant 500 : i32
        %add3A_1045 = arith.addi %add3A_1044, %scan3A_1006 : i32
        %get3A_1046 = arith.index_cast %add3A_1045 : i32 to index
        %get3A_1047 = arith.constant 16 : index
        %get3A_1048 = tpu.vector_load %arg12[%get3A_1046, %get3A_1047] {strides = array<i32>} : memref<768x64xf32, #tpu.memory_space<vmem>>, vector<1x16xf32>,
        %get3A_1049 = vector.shape_cast %get3A_1048 : vector<1x16xf32> to vector<16xf32>
        %add3A_1050 = arith.constant 375 : i32
        %add3A_1051 = arith.addi %add3A_1050, %scan3A_1006 : i32
        %get3A_1052 = arith.index_cast %add3A_1051 : i32 to index
        %get3A_1053 = arith.constant 16 : index
        %get3A_1054 = tpu.vector_load %arg12[%get3A_1052, %get3A_1053] {strides = array<i32>} : memref<768x64xf32, #tpu.memory_space<vmem>>, vector<1x16xf32>,
        %get3A_1055 = vector.shape_cast %get3A_1054 : vector<1x16xf32> to vector<16xf32>
        %mul3A_1056 = arith.mulf %get3A_1049, %get3A_1055 : vector<16xf32>
        %add3A_1057 = arith.addf %mul3A_1043, %mul3A_1056 : vector<16xf32>
        %add3A_1058 = arith.constant 625 : i32
        %add3A_1059 = arith.addi %add3A_1058, %scan3A_1006 : i32
        %swap3A_1060 = arith.index_cast %add3A_1059 : i32 to index
        %swap3A_1061 = arith.constant 16 : index
        %swap3A_1062 = tpu.vector_load %arg12[%swap3A_1060, %swap3A_1061] {strides = array<i32>} : memref<768x64xf32, #tpu.memory_space<vmem>>, vector<1x16xf32>,
        %swap3A_1063 = vector.shape_cast %swap3A_1062 : vector<1x16xf32> to vector<16xf32>
        %swap3A_1064 = vector.shape_cast %add3A_1057 : vector<16xf32> to vector<1x16xf32>
        tpu.vector_store %arg12[%swap3A_1060, %swap3A_1061], %swap3A_1064 {strides = array<i32>} : memref<768x64xf32, #tpu.memory_space<vmem>>, vector<1x16xf32>,
        %add3A_1065 = arith.constant 625 : i32
        %add3A_1066 = arith.addi %add3A_1065, %scan3A_1006 : i32
        %get3A_1067 = arith.index_cast %add3A_1066 : i32 to index
        %get3A_1068 = arith.constant 32 : index
        %get3A_1069 = tpu.vector_load %arg12[%get3A_1067, %get3A_1068] {strides = array<i32>} : memref<768x64xf32, #tpu.memory_space<vmem>>, vector<1x16xf32>,
        %get3A_1070 = vector.shape_cast %get3A_1069 : vector<1x16xf32> to vector<16xf32>
        %mul3A_1071 = arith.constant 5.000000e-01 : f32
        %mul3A_1072 = vector.broadcast %mul3A_1071 : f32 to vector<16xf32>
        %mul3A_1073 = arith.mulf %mul3A_1072, %get3A_1070 : vector<16xf32>
        %add3A_1074 = arith.constant 500 : i32
        %add3A_1075 = arith.addi %add3A_1074, %scan3A_1006 : i32
        %get3A_1076 = arith.index_cast %add3A_1075 : i32 to index
        %get3A_1077 = arith.constant 32 : index
        %get3A_1078 = tpu.vector_load %arg12[%get3A_1076, %get3A_1077] {strides = array<i32>} : memref<768x64xf32, #tpu.memory_space<vmem>>, vector<1x16xf32>,
        %get3A_1079 = vector.shape_cast %get3A_1078 : vector<1x16xf32> to vector<16xf32>
        %add3A_1080 = arith.constant 375 : i32
        %add3A_1081 = arith.addi %add3A_1080, %scan3A_1006 : i32
        %get3A_1082 = arith.index_cast %add3A_1081 : i32 to index
        %get3A_1083 = arith.constant 32 : index
        %get3A_1084 = tpu.vector_load %arg12[%get3A_1082, %get3A_1083] {strides = array<i32>} : memref<768x64xf32, #tpu.memory_space<vmem>>, vector<1x16xf32>,
        %get3A_1085 = vector.shape_cast %get3A_1084 : vector<1x16xf32> to vector<16xf32>
        %mul3A_1086 = arith.mulf %get3A_1079, %get3A_1085 : vector<16xf32>
        %add3A_1087 = arith.addf %mul3A_1073, %mul3A_1086 : vector<16xf32>
        %add3A_1088 = arith.constant 625 : i32
        %add3A_1089 = arith.addi %add3A_1088, %scan3A_1006 : i32
        %swap3A_1090 = arith.index_cast %add3A_1089 : i32 to index
        %swap3A_1091 = arith.constant 32 : index
        %swap3A_1092 = tpu.vector_load %arg12[%swap3A_1090, %swap3A_1091] {strides = array<i32>} : memref<768x64xf32, #tpu.memory_space<vmem>>, vector<1x16xf32>,
        %swap3A_1093 = vector.shape_cast %swap3A_1092 : vector<1x16xf32> to vector<16xf32>
        %swap3A_1094 = vector.shape_cast %add3A_1087 : vector<16xf32> to vector<1x16xf32>
        tpu.vector_store %arg12[%swap3A_1090, %swap3A_1091], %swap3A_1094 {strides = array<i32>} : memref<768x64xf32, #tpu.memory_space<vmem>>, vector<1x16xf32>,
        %add3A_1095 = arith.constant 625 : i32
        %add3A_1096 = arith.addi %add3A_1095, %scan3A_1006 : i32
        %get3A_1097 = arith.index_cast %add3A_1096 : i32 to index
        %get3A_1098 = arith.constant 48 : index
        %get3A_1099 = tpu.vector_load %arg12[%get3A_1097, %get3A_1098] {strides = array<i32>} : memref<768x64xf32, #tpu.memory_space<vmem>>, vector<1x16xf32>,
        %get3A_1100 = vector.shape_cast %get3A_1099 : vector<1x16xf32> to vector<16xf32>
        %mul3A_1101 = arith.constant 5.000000e-01 : f32
        %mul3A_1102 = vector.broadcast %mul3A_1101 : f32 to vector<16xf32>
        %mul3A_1103 = arith.mulf %mul3A_1102, %get3A_1100 : vector<16xf32>
        %add3A_1104 = arith.constant 500 : i32
        %add3A_1105 = arith.addi %add3A_1104, %scan3A_1006 : i32
        %get3A_1106 = arith.index_cast %add3A_1105 : i32 to index
        %get3A_1107 = arith.constant 48 : index
        %get3A_1108 = tpu.vector_load %arg12[%get3A_1106, %get3A_1107] {strides = array<i32>} : memref<768x64xf32, #tpu.memory_space<vmem>>, vector<1x16xf32>,
        %get3A_1109 = vector.shape_cast %get3A_1108 : vector<1x16xf32> to vector<16xf32>
        %add3A_1110 = arith.constant 375 : i32
        %add3A_1111 = arith.addi %add3A_1110, %scan3A_1006 : i32
        %get3A_1112 = arith.index_cast %add3A_1111 : i32 to index
        %get3A_1113 = arith.constant 48 : index
        %get3A_1114 = tpu.vector_load %arg12[%get3A_1112, %get3A_1113] {strides = array<i32>} : memref<768x64xf32, #tpu.memory_space<vmem>>, vector<1x16xf32>,
        %get3A_1115 = vector.shape_cast %get3A_1114 : vector<1x16xf32> to vector<16xf32>
        %mul3A_1116 = arith.mulf %get3A_1109, %get3A_1115 : vector<16xf32>
        %add3A_1117 = arith.addf %mul3A_1103, %mul3A_1116 : vector<16xf32>
        %add3A_1118 = arith.constant 625 : i32
        %add3A_1119 = arith.addi %add3A_1118, %scan3A_1006 : i32
        %swap3A_1120 = arith.index_cast %add3A_1119 : i32 to index
        %swap3A_1121 = arith.constant 48 : index
        %swap3A_1122 = tpu.vector_load %arg12[%swap3A_1120, %swap3A_1121] {strides = array<i32>} : memref<768x64xf32, #tpu.memory_space<vmem>>, vector<1x16xf32>,
        %swap3A_1123 = vector.shape_cast %swap3A_1122 : vector<1x16xf32> to vector<16xf32>
        %swap3A_1124 = vector.shape_cast %add3A_1117 : vector<16xf32> to vector<1x16xf32>
        tpu.vector_store %arg12[%swap3A_1120, %swap3A_1121], %swap3A_1124 {strides = array<i32>} : memref<768x64xf32, #tpu.memory_space<vmem>>, vector<1x16xf32>,
      }
      %scan3A_453 = arith.constant 125 : i32
      %dma_start3A_454 = arith.constant 8 : i32
      %dma_start3A_455 = arith.constant 625 : i32
      %dma_start3A_456 = arith.constant 0 : i32
      %dma_start3A_457 = tpu.memref_slice %arg12[%dma_start3A_455, %dma_start3A_456] : memref<768x64xf32, #tpu.memory_space<vmem>> -> memref<125x64xf32, #tpu.memory_space<vmem>>
      %dma_start3A_458 = arith.constant 0 : i32
      %dma_start3A_459 = arith.constant 0 : i32
      %dma_start3A_460 = tpu.memref_slice %arg7[%arg0, %dma_start3A_458, %dma_start3A_459] : memref<2x10000x64xf32, #tpu.memory_space<hbm>> -> memref<1x10000x64xf32, #tpu.memory_space<hbm>>
      %dma_start3A_461 = tpu.memref_squeeze %dma_start3A_460 : memref<1x10000x64xf32, #tpu.memory_space<hbm>> -> memref<10000x64xf32, #tpu.memory_space<hbm>>
      %dma_start3A_462 = arith.constant 0 : i32
      %dma_start3A_463 = tpu.memref_slice %dma_start3A_461[%add3A_291, %dma_start3A_462] : memref<10000x64xf32, #tpu.memory_space<hbm>> -> memref<125x64xf32, #tpu.memory_space<hbm>>
      %dma_start3A_464 = tpu.memref_slice %arg14[%dma_start3A_454] : memref<9x!tpu.dma_semaphore, #tpu.memory_space<semaphore_mem>> -> memref<1x!tpu.dma_semaphore, #tpu.memory_space<semaphore_mem>>
      %dma_start3A_465 = tpu.memref_squeeze %dma_start3A_464 : memref<1x!tpu.dma_semaphore, #tpu.memory_space<semaphore_mem>> -> memref<!tpu.dma_semaphore, #tpu.memory_space<semaphore_mem>>
      %dma_start3A_466 = arith.constant 0 : i32
      %dma_start3A_467 = arith.constant 0 : i32
      %dma_start3A_468 = tpu.memref_slice %arg7[%arg0, %dma_start3A_466, %dma_start3A_467] : memref<2x10000x64xf32, #tpu.memory_space<hbm>> -> memref<1x10000x64xf32, #tpu.memory_space<hbm>>
      %dma_start3A_469 = tpu.memref_squeeze %dma_start3A_468 : memref<1x10000x64xf32, #tpu.memory_space<hbm>> -> memref<10000x64xf32, #tpu.memory_space<hbm>>
      %dma_start3A_470 = arith.constant 0 : i32
      %dma_start3A_471 = tpu.memref_slice %dma_start3A_469[%add3A_291, %dma_start3A_470] : memref<10000x64xf32, #tpu.memory_space<hbm>> -> memref<125x64xf32, #tpu.memory_space<hbm>>
      %dma_start3A_472 = arith.constant 625 : i32
      %dma_start3A_473 = arith.constant 0 : i32
      %dma_start3A_474 = tpu.memref_slice %arg12[%dma_start3A_472, %dma_start3A_473] : memref<768x64xf32, #tpu.memory_space<vmem>> -> memref<125x64xf32, #tpu.memory_space<vmem>>
      tpu.enqueue_dma source(%dma_start3A_474 : memref<125x64xf32, #tpu.memory_space<vmem>>) target(%dma_start3A_471 : memref<125x64xf32, #tpu.memory_space<hbm>>) target_semaphore(%dma_start3A_465 : memref<!tpu.dma_semaphore, #tpu.memory_space<semaphore_mem>>)
      %add3A_475 = arith.constant 250 : i32
      %add3A_476 = arith.addi %mul3A_16, %add3A_475 : i32
      %add3A_477 = arith.constant 250 : i32
      %add3A_478 = arith.addi %mul3A_16, %add3A_477 : i32
      %dma_wait3A_479 = arith.constant 0 : i32
      %dma_wait3A_480 = arith.constant 0 : i32
      %dma_wait3A_481 = arith.constant 0 : i32
      %dma_wait3A_482 = tpu.memref_slice %arg12[%dma_wait3A_480, %dma_wait3A_481] : memref<768x64xf32, #tpu.memory_space<vmem>> -> memref<125x64xf32, #tpu.memory_space<vmem>>
      %dma_wait3A_483 = arith.constant 0 : i32
      %dma_wait3A_484 = tpu.memref_slice %arg9[%add3A_478, %dma_wait3A_483] : memref<10112x64xf32, #tpu.memory_space<vmem_shared>> -> memref<125x64xf32, #tpu.memory_space<vmem_shared>>
      %dma_wait3A_485 = tpu.memref_slice %arg13[%dma_wait3A_479] : memref<6x!tpu.dma_semaphore, #tpu.memory_space<semaphore_mem>> -> memref<1x!tpu.dma_semaphore, #tpu.memory_space<semaphore_mem>>
      %dma_wait3A_486 = tpu.memref_squeeze %dma_wait3A_485 : memref<1x!tpu.dma_semaphore, #tpu.memory_space<semaphore_mem>> -> memref<!tpu.dma_semaphore, #tpu.memory_space<semaphore_mem>>
      %dma_wait3A_487 = arith.constant 0 : i32
      %dma_wait3A_488 = arith.constant 0 : i32
      %dma_wait3A_489 = tpu.memref_slice %arg12[%dma_wait3A_487, %dma_wait3A_488] : memref<768x64xf32, #tpu.memory_space<vmem>> -> memref<125x64xf32, #tpu.memory_space<vmem>>
      %dma_wait3A_490 = arith.constant 0 : i32
      %dma_wait3A_491 = tpu.memref_slice %arg9[%add3A_478, %dma_wait3A_490] : memref<10112x64xf32, #tpu.memory_space<vmem_shared>> -> memref<125x64xf32, #tpu.memory_space<vmem_shared>>
      tpu.wait_dma2 semaphore(%dma_wait3A_486 : memref<!tpu.dma_semaphore, #tpu.memory_space<semaphore_mem>>) src(%dma_wait3A_491 : memref<125x64xf32, #tpu.memory_space<vmem_shared>>) dst(%dma_wait3A_489 : memref<125x64xf32, #tpu.memory_space<vmem>>)
      %dma_wait3A_492 = arith.constant 1 : i32
      %dma_wait3A_493 = arith.constant 125 : i32
      %dma_wait3A_494 = arith.constant 0 : i32
      %dma_wait3A_495 = tpu.memref_slice %arg12[%dma_wait3A_493, %dma_wait3A_494] : memref<768x64xf32, #tpu.memory_space<vmem>> -> memref<125x64xf32, #tpu.memory_space<vmem>>
      %dma_wait3A_496 = arith.constant 0 : i32
      %dma_wait3A_497 = arith.constant 0 : i32
      %dma_wait3A_498 = tpu.memref_slice %arg8[%arg0, %dma_wait3A_496, %dma_wait3A_497] : memref<2x10000x64xf32, #tpu.memory_space<hbm>> -> memref<1x10000x64xf32, #tpu.memory_space<hbm>>
      %dma_wait3A_499 = tpu.memref_squeeze %dma_wait3A_498 : memref<1x10000x64xf32, #tpu.memory_space<hbm>> -> memref<10000x64xf32, #tpu.memory_space<hbm>>
      %dma_wait3A_500 = arith.constant 0 : i32
      %dma_wait3A_501 = tpu.memref_slice %dma_wait3A_499[%add3A_478, %dma_wait3A_500] : memref<10000x64xf32, #tpu.memory_space<hbm>> -> memref<125x64xf32, #tpu.memory_space<hbm>>
      %dma_wait3A_502 = tpu.memref_slice %arg13[%dma_wait3A_492] : memref<6x!tpu.dma_semaphore, #tpu.memory_space<semaphore_mem>> -> memref<1x!tpu.dma_semaphore, #tpu.memory_space<semaphore_mem>>
      %dma_wait3A_503 = tpu.memref_squeeze %dma_wait3A_502 : memref<1x!tpu.dma_semaphore, #tpu.memory_space<semaphore_mem>> -> memref<!tpu.dma_semaphore, #tpu.memory_space<semaphore_mem>>
      %dma_wait3A_504 = arith.constant 125 : i32
      %dma_wait3A_505 = arith.constant 0 : i32
      %dma_wait3A_506 = tpu.memref_slice %arg12[%dma_wait3A_504, %dma_wait3A_505] : memref<768x64xf32, #tpu.memory_space<vmem>> -> memref<125x64xf32, #tpu.memory_space<vmem>>
      %dma_wait3A_507 = arith.constant 0 : i32
      %dma_wait3A_508 = arith.constant 0 : i32
      %dma_wait3A_509 = tpu.memref_slice %arg8[%arg0, %dma_wait3A_507, %dma_wait3A_508] : memref<2x10000x64xf32, #tpu.memory_space<hbm>> -> memref<1x10000x64xf32, #tpu.memory_space<hbm>>
      %dma_wait3A_510 = tpu.memref_squeeze %dma_wait3A_509 : memref<1x10000x64xf32, #tpu.memory_space<hbm>> -> memref<10000x64xf32, #tpu.memory_space<hbm>>
      %dma_wait3A_511 = arith.constant 0 : i32
      %dma_wait3A_512 = tpu.memref_slice %dma_wait3A_510[%add3A_478, %dma_wait3A_511] : memref<10000x64xf32, #tpu.memory_space<hbm>> -> memref<125x64xf32, #tpu.memory_space<hbm>>
      tpu.wait_dma2 semaphore(%dma_wait3A_503 : memref<!tpu.dma_semaphore, #tpu.memory_space<semaphore_mem>>) src(%dma_wait3A_512 : memref<125x64xf32, #tpu.memory_space<hbm>>) dst(%dma_wait3A_506 : memref<125x64xf32, #tpu.memory_space<vmem>>)
      %dma_wait3A_513 = arith.constant 2 : i32
      %dma_wait3A_514 = arith.constant 250 : i32
      %dma_wait3A_515 = arith.constant 0 : i32
      %dma_wait3A_516 = tpu.memref_slice %arg12[%dma_wait3A_514, %dma_wait3A_515] : memref<768x64xf32, #tpu.memory_space<vmem>> -> memref<125x64xf32, #tpu.memory_space<vmem>>
      %dma_wait3A_517 = arith.constant 0 : i32
      %dma_wait3A_518 = arith.constant 0 : i32
      %dma_wait3A_519 = tpu.memref_slice %arg7[%arg0, %dma_wait3A_517, %dma_wait3A_518] : memref<2x10000x64xf32, #tpu.memory_space<hbm>> -> memref<1x10000x64xf32, #tpu.memory_space<hbm>>
      %dma_wait3A_520 = tpu.memref_squeeze %dma_wait3A_519 : memref<1x10000x64xf32, #tpu.memory_space<hbm>> -> memref<10000x64xf32, #tpu.memory_space<hbm>>
      %dma_wait3A_521 = arith.constant 0 : i32
      %dma_wait3A_522 = tpu.memref_slice %dma_wait3A_520[%add3A_478, %dma_wait3A_521] : memref<10000x64xf32, #tpu.memory_space<hbm>> -> memref<125x64xf32, #tpu.memory_space<hbm>>
      %dma_wait3A_523 = tpu.memref_slice %arg13[%dma_wait3A_513] : memref<6x!tpu.dma_semaphore, #tpu.memory_space<semaphore_mem>> -> memref<1x!tpu.dma_semaphore, #tpu.memory_space<semaphore_mem>>
      %dma_wait3A_524 = tpu.memref_squeeze %dma_wait3A_523 : memref<1x!tpu.dma_semaphore, #tpu.memory_space<semaphore_mem>> -> memref<!tpu.dma_semaphore, #tpu.memory_space<semaphore_mem>>
      %dma_wait3A_525 = arith.constant 250 : i32
      %dma_wait3A_526 = arith.constant 0 : i32
      %dma_wait3A_527 = tpu.memref_slice %arg12[%dma_wait3A_525, %dma_wait3A_526] : memref<768x64xf32, #tpu.memory_space<vmem>> -> memref<125x64xf32, #tpu.memory_space<vmem>>
      %dma_wait3A_528 = arith.constant 0 : i32
      %dma_wait3A_529 = arith.constant 0 : i32
      %dma_wait3A_530 = tpu.memref_slice %arg7[%arg0, %dma_wait3A_528, %dma_wait3A_529] : memref<2x10000x64xf32, #tpu.memory_space<hbm>> -> memref<1x10000x64xf32, #tpu.memory_space<hbm>>
      %dma_wait3A_531 = tpu.memref_squeeze %dma_wait3A_530 : memref<1x10000x64xf32, #tpu.memory_space<hbm>> -> memref<10000x64xf32, #tpu.memory_space<hbm>>
      %dma_wait3A_532 = arith.constant 0 : i32
      %dma_wait3A_533 = tpu.memref_slice %dma_wait3A_531[%add3A_478, %dma_wait3A_532] : memref<10000x64xf32, #tpu.memory_space<hbm>> -> memref<125x64xf32, #tpu.memory_space<hbm>>
      tpu.wait_dma2 semaphore(%dma_wait3A_524 : memref<!tpu.dma_semaphore, #tpu.memory_space<semaphore_mem>>) src(%dma_wait3A_533 : memref<125x64xf32, #tpu.memory_space<hbm>>) dst(%dma_wait3A_527 : memref<125x64xf32, #tpu.memory_space<vmem>>)
      %dma_wait3A_534 = arith.constant 6 : i32
      %dma_wait3A_535 = tpu.memref_slice %arg14[%dma_wait3A_534] : memref<9x!tpu.dma_semaphore, #tpu.memory_space<semaphore_mem>> -> memref<1x!tpu.dma_semaphore, #tpu.memory_space<semaphore_mem>>
      %dma_wait3A_536 = tpu.memref_squeeze %dma_wait3A_535 : memref<1x!tpu.dma_semaphore, #tpu.memory_space<semaphore_mem>> -> memref<!tpu.dma_semaphore, #tpu.memory_space<semaphore_mem>>
      %dma_wait3A_537 = arith.constant 0 : i32
      %dma_wait3A_538 = tpu.memref_slice %arg9[%add3A_476, %dma_wait3A_537] : memref<10112x64xf32, #tpu.memory_space<vmem_shared>> -> memref<125x64xf32, #tpu.memory_space<vmem_shared>>
      %dma_wait3A_539 = arith.constant 0 : i32
      %dma_wait3A_540 = arith.constant 0 : i32
      %dma_wait3A_541 = tpu.memref_slice %arg2[%arg0, %dma_wait3A_539, %dma_wait3A_540] : memref<2x10000x64xf32, #tpu.memory_space<hbm>> -> memref<1x10000x64xf32, #tpu.memory_space<hbm>>
      %dma_wait3A_542 = tpu.memref_squeeze %dma_wait3A_541 : memref<1x10000x64xf32, #tpu.memory_space<hbm>> -> memref<10000x64xf32, #tpu.memory_space<hbm>>
      %dma_wait3A_543 = arith.constant 0 : i32
      %dma_wait3A_544 = tpu.memref_slice %dma_wait3A_542[%add3A_476, %dma_wait3A_543] : memref<10000x64xf32, #tpu.memory_space<hbm>> -> memref<125x64xf32, #tpu.memory_space<hbm>>
      tpu.wait_dma2 semaphore(%dma_wait3A_536 : memref<!tpu.dma_semaphore, #tpu.memory_space<semaphore_mem>>) src(%dma_wait3A_544 : memref<125x64xf32, #tpu.memory_space<hbm>>) dst(%dma_wait3A_538 : memref<125x64xf32, #tpu.memory_space<vmem_shared>>)
      %dma_start3A_545 = arith.constant 6 : i32
      %dma_start3A_546 = tpu.memref_slice %arg14[%dma_start3A_545] : memref<9x!tpu.dma_semaphore, #tpu.memory_space<semaphore_mem>> -> memref<1x!tpu.dma_semaphore, #tpu.memory_space<semaphore_mem>>
      %dma_start3A_547 = tpu.memref_squeeze %dma_start3A_546 : memref<1x!tpu.dma_semaphore, #tpu.memory_space<semaphore_mem>> -> memref<!tpu.dma_semaphore, #tpu.memory_space<semaphore_mem>>
      %dma_start3A_548 = arith.constant 0 : i32
      %dma_start3A_549 = tpu.memref_slice %arg9[%add3A_476, %dma_start3A_548] : memref<10112x64xf32, #tpu.memory_space<vmem_shared>> -> memref<125x64xf32, #tpu.memory_space<vmem_shared>>
      %dma_start3A_550 = arith.constant 0 : i32
      %dma_start3A_551 = arith.constant 0 : i32
      %dma_start3A_552 = tpu.memref_slice %arg2[%arg0, %dma_start3A_550, %dma_start3A_551] : memref<2x10000x64xf32, #tpu.memory_space<hbm>> -> memref<1x10000x64xf32, #tpu.memory_space<hbm>>
      %dma_start3A_553 = tpu.memref_squeeze %dma_start3A_552 : memref<1x10000x64xf32, #tpu.memory_space<hbm>> -> memref<10000x64xf32, #tpu.memory_space<hbm>>
      %dma_start3A_554 = arith.constant 0 : i32
      %dma_start3A_555 = tpu.memref_slice %dma_start3A_553[%add3A_476, %dma_start3A_554] : memref<10000x64xf32, #tpu.memory_space<hbm>> -> memref<125x64xf32, #tpu.memory_space<hbm>>
      tpu.enqueue_dma source(%dma_start3A_555 : memref<125x64xf32, #tpu.memory_space<hbm>>) target(%dma_start3A_549 : memref<125x64xf32, #tpu.memory_space<vmem_shared>>) target_semaphore(%dma_start3A_547 : memref<!tpu.dma_semaphore, #tpu.memory_space<semaphore_mem>>)
      %dma_wait3A_556 = arith.constant 8 : i32
      %dma_wait3A_557 = arith.constant 625 : i32
      %dma_wait3A_558 = arith.constant 0 : i32
      %dma_wait3A_559 = tpu.memref_slice %arg12[%dma_wait3A_557, %dma_wait3A_558] : memref<768x64xf32, #tpu.memory_space<vmem>> -> memref<125x64xf32, #tpu.memory_space<vmem>>
      %dma_wait3A_560 = arith.constant 0 : i32
      %dma_wait3A_561 = arith.constant 0 : i32
      %dma_wait3A_562 = tpu.memref_slice %arg7[%arg0, %dma_wait3A_560, %dma_wait3A_561] : memref<2x10000x64xf32, #tpu.memory_space<hbm>> -> memref<1x10000x64xf32, #tpu.memory_space<hbm>>
      %dma_wait3A_563 = tpu.memref_squeeze %dma_wait3A_562 : memref<1x10000x64xf32, #tpu.memory_space<hbm>> -> memref<10000x64xf32, #tpu.memory_space<hbm>>
      %dma_wait3A_564 = arith.constant 0 : i32
      %dma_wait3A_565 = tpu.memref_slice %dma_wait3A_563[%add3A_476, %dma_wait3A_564] : memref<10000x64xf32, #tpu.memory_space<hbm>> -> memref<125x64xf32, #tpu.memory_space<hbm>>
      %dma_wait3A_566 = tpu.memref_slice %arg14[%dma_wait3A_556] : memref<9x!tpu.dma_semaphore, #tpu.memory_space<semaphore_mem>> -> memref<1x!tpu.dma_semaphore, #tpu.memory_space<semaphore_mem>>
      %dma_wait3A_567 = tpu.memref_squeeze %dma_wait3A_566 : memref<1x!tpu.dma_semaphore, #tpu.memory_space<semaphore_mem>> -> memref<!tpu.dma_semaphore, #tpu.memory_space<semaphore_mem>>
      %dma_wait3A_568 = arith.constant 0 : i32
      %dma_wait3A_569 = arith.constant 0 : i32
      %dma_wait3A_570 = tpu.memref_slice %arg7[%arg0, %dma_wait3A_568, %dma_wait3A_569] : memref<2x10000x64xf32, #tpu.memory_space<hbm>> -> memref<1x10000x64xf32, #tpu.memory_space<hbm>>
      %dma_wait3A_571 = tpu.memref_squeeze %dma_wait3A_570 : memref<1x10000x64xf32, #tpu.memory_space<hbm>> -> memref<10000x64xf32, #tpu.memory_space<hbm>>
      %dma_wait3A_572 = arith.constant 0 : i32
      %dma_wait3A_573 = tpu.memref_slice %dma_wait3A_571[%add3A_476, %dma_wait3A_572] : memref<10000x64xf32, #tpu.memory_space<hbm>> -> memref<125x64xf32, #tpu.memory_space<hbm>>
      %dma_wait3A_574 = arith.constant 625 : i32
      %dma_wait3A_575 = arith.constant 0 : i32
      %dma_wait3A_576 = tpu.memref_slice %arg12[%dma_wait3A_574, %dma_wait3A_575] : memref<768x64xf32, #tpu.memory_space<vmem>> -> memref<125x64xf32, #tpu.memory_space<vmem>>
      tpu.wait_dma2 semaphore(%dma_wait3A_567 : memref<!tpu.dma_semaphore, #tpu.memory_space<semaphore_mem>>) src(%dma_wait3A_576 : memref<125x64xf32, #tpu.memory_space<vmem>>) dst(%dma_wait3A_573 : memref<125x64xf32, #tpu.memory_space<hbm>>)
      %add3A_577 = arith.constant 375 : i32
      %add3A_578 = arith.addi %mul3A_16, %add3A_577 : i32
      %dma_start3A_579 = arith.constant 3 : i32
      %dma_start3A_580 = arith.constant 375 : i32
      %dma_start3A_581 = arith.constant 0 : i32
      %dma_start3A_582 = tpu.memref_slice %arg12[%dma_start3A_580, %dma_start3A_581] : memref<768x64xf32, #tpu.memory_space<vmem>> -> memref<125x64xf32, #tpu.memory_space<vmem>>
      %dma_start3A_583 = arith.constant 0 : i32
      %dma_start3A_584 = tpu.memref_slice %arg9[%add3A_578, %dma_start3A_583] : memref<10112x64xf32, #tpu.memory_space<vmem_shared>> -> memref<125x64xf32, #tpu.memory_space<vmem_shared>>
      %dma_start3A_585 = tpu.memref_slice %arg13[%dma_start3A_579] : memref<6x!tpu.dma_semaphore, #tpu.memory_space<semaphore_mem>> -> memref<1x!tpu.dma_semaphore, #tpu.memory_space<semaphore_mem>>
      %dma_start3A_586 = tpu.memref_squeeze %dma_start3A_585 : memref<1x!tpu.dma_semaphore, #tpu.memory_space<semaphore_mem>> -> memref<!tpu.dma_semaphore, #tpu.memory_space<semaphore_mem>>
      %dma_start3A_587 = arith.constant 375 : i32
      %dma_start3A_588 = arith.constant 0 : i32
      %dma_start3A_589 = tpu.memref_slice %arg12[%dma_start3A_587, %dma_start3A_588] : memref<768x64xf32, #tpu.memory_space<vmem>> -> memref<125x64xf32, #tpu.memory_space<vmem>>
      %dma_start3A_590 = arith.constant 0 : i32
      %dma_start3A_591 = tpu.memref_slice %arg9[%add3A_578, %dma_start3A_590] : memref<10112x64xf32, #tpu.memory_space<vmem_shared>> -> memref<125x64xf32, #tpu.memory_space<vmem_shared>>
      tpu.enqueue_dma source(%dma_start3A_591 : memref<125x64xf32, #tpu.memory_space<vmem_shared>>) target(%dma_start3A_589 : memref<125x64xf32, #tpu.memory_space<vmem>>) target_semaphore(%dma_start3A_586 : memref<!tpu.dma_semaphore, #tpu.memory_space<semaphore_mem>>)
      %dma_start3A_592 = arith.constant 4 : i32
      %dma_start3A_593 = arith.constant 500 : i32
      %dma_start3A_594 = arith.constant 0 : i32
      %dma_start3A_595 = tpu.memref_slice %arg12[%dma_start3A_593, %dma_start3A_594] : memref<768x64xf32, #tpu.memory_space<vmem>> -> memref<125x64xf32, #tpu.memory_space<vmem>>
      %dma_start3A_596 = arith.constant 0 : i32
      %dma_start3A_597 = arith.constant 0 : i32
      %dma_start3A_598 = tpu.memref_slice %arg8[%arg0, %dma_start3A_596, %dma_start3A_597] : memref<2x10000x64xf32, #tpu.memory_space<hbm>> -> memref<1x10000x64xf32, #tpu.memory_space<hbm>>
      %dma_start3A_599 = tpu.memref_squeeze %dma_start3A_598 : memref<1x10000x64xf32, #tpu.memory_space<hbm>> -> memref<10000x64xf32, #tpu.memory_space<hbm>>
      %dma_start3A_600 = arith.constant 0 : i32
      %dma_start3A_601 = tpu.memref_slice %dma_start3A_599[%add3A_578, %dma_start3A_600] : memref<10000x64xf32, #tpu.memory_space<hbm>> -> memref<125x64xf32, #tpu.memory_space<hbm>>
      %dma_start3A_602 = tpu.memref_slice %arg13[%dma_start3A_592] : memref<6x!tpu.dma_semaphore, #tpu.memory_space<semaphore_mem>> -> memref<1x!tpu.dma_semaphore, #tpu.memory_space<semaphore_mem>>
      %dma_start3A_603 = tpu.memref_squeeze %dma_start3A_602 : memref<1x!tpu.dma_semaphore, #tpu.memory_space<semaphore_mem>> -> memref<!tpu.dma_semaphore, #tpu.memory_space<semaphore_mem>>
      %dma_start3A_604 = arith.constant 500 : i32
      %dma_start3A_605 = arith.constant 0 : i32
      %dma_start3A_606 = tpu.memref_slice %arg12[%dma_start3A_604, %dma_start3A_605] : memref<768x64xf32, #tpu.memory_space<vmem>> -> memref<125x64xf32, #tpu.memory_space<vmem>>
      %dma_start3A_607 = arith.constant 0 : i32
      %dma_start3A_608 = arith.constant 0 : i32
      %dma_start3A_609 = tpu.memref_slice %arg8[%arg0, %dma_start3A_607, %dma_start3A_608] : memref<2x10000x64xf32, #tpu.memory_space<hbm>> -> memref<1x10000x64xf32, #tpu.memory_space<hbm>>
      %dma_start3A_610 = tpu.memref_squeeze %dma_start3A_609 : memref<1x10000x64xf32, #tpu.memory_space<hbm>> -> memref<10000x64xf32, #tpu.memory_space<hbm>>
      %dma_start3A_611 = arith.constant 0 : i32
      %dma_start3A_612 = tpu.memref_slice %dma_start3A_610[%add3A_578, %dma_start3A_611] : memref<10000x64xf32, #tpu.memory_space<hbm>> -> memref<125x64xf32, #tpu.memory_space<hbm>>
      tpu.enqueue_dma source(%dma_start3A_612 : memref<125x64xf32, #tpu.memory_space<hbm>>) target(%dma_start3A_606 : memref<125x64xf32, #tpu.memory_space<vmem>>) target_semaphore(%dma_start3A_603 : memref<!tpu.dma_semaphore, #tpu.memory_space<semaphore_mem>>)
      %dma_start3A_613 = arith.constant 5 : i32
      %dma_start3A_614 = arith.constant 625 : i32
      %dma_start3A_615 = arith.constant 0 : i32
      %dma_start3A_616 = tpu.memref_slice %arg12[%dma_start3A_614, %dma_start3A_615] : memref<768x64xf32, #tpu.memory_space<vmem>> -> memref<125x64xf32, #tpu.memory_space<vmem>>
      %dma_start3A_617 = arith.constant 0 : i32
      %dma_start3A_618 = arith.constant 0 : i32
      %dma_start3A_619 = tpu.memref_slice %arg7[%arg0, %dma_start3A_617, %dma_start3A_618] : memref<2x10000x64xf32, #tpu.memory_space<hbm>> -> memref<1x10000x64xf32, #tpu.memory_space<hbm>>
      %dma_start3A_620 = tpu.memref_squeeze %dma_start3A_619 : memref<1x10000x64xf32, #tpu.memory_space<hbm>> -> memref<10000x64xf32, #tpu.memory_space<hbm>>
      %dma_start3A_621 = arith.constant 0 : i32
      %dma_start3A_622 = tpu.memref_slice %dma_start3A_620[%add3A_578, %dma_start3A_621] : memref<10000x64xf32, #tpu.memory_space<hbm>> -> memref<125x64xf32, #tpu.memory_space<hbm>>
      %dma_start3A_623 = tpu.memref_slice %arg13[%dma_start3A_613] : memref<6x!tpu.dma_semaphore, #tpu.memory_space<semaphore_mem>> -> memref<1x!tpu.dma_semaphore, #tpu.memory_space<semaphore_mem>>
      %dma_start3A_624 = tpu.memref_squeeze %dma_start3A_623 : memref<1x!tpu.dma_semaphore, #tpu.memory_space<semaphore_mem>> -> memref<!tpu.dma_semaphore, #tpu.memory_space<semaphore_mem>>
      %dma_start3A_625 = arith.constant 625 : i32
      %dma_start3A_626 = arith.constant 0 : i32
      %dma_start3A_627 = tpu.memref_slice %arg12[%dma_start3A_625, %dma_start3A_626] : memref<768x64xf32, #tpu.memory_space<vmem>> -> memref<125x64xf32, #tpu.memory_space<vmem>>
      %dma_start3A_628 = arith.constant 0 : i32
      %dma_start3A_629 = arith.constant 0 : i32
      %dma_start3A_630 = tpu.memref_slice %arg7[%arg0, %dma_start3A_628, %dma_start3A_629] : memref<2x10000x64xf32, #tpu.memory_space<hbm>> -> memref<1x10000x64xf32, #tpu.memory_space<hbm>>
      %dma_start3A_631 = tpu.memref_squeeze %dma_start3A_630 : memref<1x10000x64xf32, #tpu.memory_space<hbm>> -> memref<10000x64xf32, #tpu.memory_space<hbm>>
      %dma_start3A_632 = arith.constant 0 : i32
      %dma_start3A_633 = tpu.memref_slice %dma_start3A_631[%add3A_578, %dma_start3A_632] : memref<10000x64xf32, #tpu.memory_space<hbm>> -> memref<125x64xf32, #tpu.memory_space<hbm>>
      tpu.enqueue_dma source(%dma_start3A_633 : memref<125x64xf32, #tpu.memory_space<hbm>>) target(%dma_start3A_627 : memref<125x64xf32, #tpu.memory_space<vmem>>) target_semaphore(%dma_start3A_624 : memref<!tpu.dma_semaphore, #tpu.memory_space<semaphore_mem>>)
      %scan3A_634 = arith.constant 0 : i32
      %scan3A_635 = arith.constant 125 : i32
      %scan3A_636 = arith.addi %scan3A_634, %scan3A_635 : i32
      %scan3A_637 = arith.constant 1 : i32
      scf.for %scan3A_1006 = %scan3A_634 to %scan3A_636 step %scan3A_637  : i32 {
        %add3A_1007 = arith.constant 250 : i32
        %add3A_1008 = arith.addi %add3A_1007, %scan3A_1006 : i32
        %get3A = arith.index_cast %add3A_1008 : i32 to index
        %get3A_1009 = arith.constant 0 : index
        %get3A_1010 = tpu.vector_load %arg12[%get3A, %get3A_1009] {strides = array<i32>} : memref<768x64xf32, #tpu.memory_space<vmem>>, vector<1x16xf32>,
        %get3A_1011 = vector.shape_cast %get3A_1010 : vector<1x16xf32> to vector<16xf32>
        %mul3A_1012 = arith.constant 5.000000e-01 : f32
        %mul3A_1013 = vector.broadcast %mul3A_1012 : f32 to vector<16xf32>
        %mul3A_1014 = arith.mulf %mul3A_1013, %get3A_1011 : vector<16xf32>
        %add3A_1015 = arith.constant 125 : i32
        %add3A_1016 = arith.addi %add3A_1015, %scan3A_1006 : i32
        %get3A_1017 = arith.index_cast %add3A_1016 : i32 to index
        %get3A_1018 = arith.constant 0 : index
        %get3A_1019 = tpu.vector_load %arg12[%get3A_1017, %get3A_1018] {strides = array<i32>} : memref<768x64xf32, #tpu.memory_space<vmem>>, vector<1x16xf32>,
        %get3A_1020 = vector.shape_cast %get3A_1019 : vector<1x16xf32> to vector<16xf32>
        %add3A_1021 = arith.constant 0 : i32
        %add3A_1022 = arith.addi %add3A_1021, %scan3A_1006 : i32
        %get3A_1023 = arith.index_cast %add3A_1022 : i32 to index
        %get3A_1024 = arith.constant 0 : index
        %get3A_1025 = tpu.vector_load %arg12[%get3A_1023, %get3A_1024] {strides = array<i32>} : memref<768x64xf32, #tpu.memory_space<vmem>>, vector<1x16xf32>,
        %get3A_1026 = vector.shape_cast %get3A_1025 : vector<1x16xf32> to vector<16xf32>
        %mul3A_1027 = arith.mulf %get3A_1020, %get3A_1026 : vector<16xf32>
        %add3A_1028 = arith.addf %mul3A_1014, %mul3A_1027 : vector<16xf32>
        %add3A_1029 = arith.constant 250 : i32
        %add3A_1030 = arith.addi %add3A_1029, %scan3A_1006 : i32
        %swap3A = arith.index_cast %add3A_1030 : i32 to index
        %swap3A_1031 = arith.constant 0 : index
        %swap3A_1032 = tpu.vector_load %arg12[%swap3A, %swap3A_1031] {strides = array<i32>} : memref<768x64xf32, #tpu.memory_space<vmem>>, vector<1x16xf32>,
        %swap3A_1033 = vector.shape_cast %swap3A_1032 : vector<1x16xf32> to vector<16xf32>
        %swap3A_1034 = vector.shape_cast %add3A_1028 : vector<16xf32> to vector<1x16xf32>
        tpu.vector_store %arg12[%swap3A, %swap3A_1031], %swap3A_1034 {strides = array<i32>} : memref<768x64xf32, #tpu.memory_space<vmem>>, vector<1x16xf32>,
        %add3A_1035 = arith.constant 250 : i32
        %add3A_1036 = arith.addi %add3A_1035, %scan3A_1006 : i32
        %get3A_1037 = arith.index_cast %add3A_1036 : i32 to index
        %get3A_1038 = arith.constant 16 : index
        %get3A_1039 = tpu.vector_load %arg12[%get3A_1037, %get3A_1038] {strides = array<i32>} : memref<768x64xf32, #tpu.memory_space<vmem>>, vector<1x16xf32>,
        %get3A_1040 = vector.shape_cast %get3A_1039 : vector<1x16xf32> to vector<16xf32>
        %mul3A_1041 = arith.constant 5.000000e-01 : f32
        %mul3A_1042 = vector.broadcast %mul3A_1041 : f32 to vector<16xf32>
        %mul3A_1043 = arith.mulf %mul3A_1042, %get3A_1040 : vector<16xf32>
        %add3A_1044 = arith.constant 125 : i32
        %add3A_1045 = arith.addi %add3A_1044, %scan3A_1006 : i32
        %get3A_1046 = arith.index_cast %add3A_1045 : i32 to index
        %get3A_1047 = arith.constant 16 : index
        %get3A_1048 = tpu.vector_load %arg12[%get3A_1046, %get3A_1047] {strides = array<i32>} : memref<768x64xf32, #tpu.memory_space<vmem>>, vector<1x16xf32>,
        %get3A_1049 = vector.shape_cast %get3A_1048 : vector<1x16xf32> to vector<16xf32>
        %add3A_1050 = arith.constant 0 : i32
        %add3A_1051 = arith.addi %add3A_1050, %scan3A_1006 : i32
        %get3A_1052 = arith.index_cast %add3A_1051 : i32 to index
        %get3A_1053 = arith.constant 16 : index
        %get3A_1054 = tpu.vector_load %arg12[%get3A_1052, %get3A_1053] {strides = array<i32>} : memref<768x64xf32, #tpu.memory_space<vmem>>, vector<1x16xf32>,
        %get3A_1055 = vector.shape_cast %get3A_1054 : vector<1x16xf32> to vector<16xf32>
        %mul3A_1056 = arith.mulf %get3A_1049, %get3A_1055 : vector<16xf32>
        %add3A_1057 = arith.addf %mul3A_1043, %mul3A_1056 : vector<16xf32>
        %add3A_1058 = arith.constant 250 : i32
        %add3A_1059 = arith.addi %add3A_1058, %scan3A_1006 : i32
        %swap3A_1060 = arith.index_cast %add3A_1059 : i32 to index
        %swap3A_1061 = arith.constant 16 : index
        %swap3A_1062 = tpu.vector_load %arg12[%swap3A_1060, %swap3A_1061] {strides = array<i32>} : memref<768x64xf32, #tpu.memory_space<vmem>>, vector<1x16xf32>,
        %swap3A_1063 = vector.shape_cast %swap3A_1062 : vector<1x16xf32> to vector<16xf32>
        %swap3A_1064 = vector.shape_cast %add3A_1057 : vector<16xf32> to vector<1x16xf32>
        tpu.vector_store %arg12[%swap3A_1060, %swap3A_1061], %swap3A_1064 {strides = array<i32>} : memref<768x64xf32, #tpu.memory_space<vmem>>, vector<1x16xf32>,
        %add3A_1065 = arith.constant 250 : i32
        %add3A_1066 = arith.addi %add3A_1065, %scan3A_1006 : i32
        %get3A_1067 = arith.index_cast %add3A_1066 : i32 to index
        %get3A_1068 = arith.constant 32 : index
        %get3A_1069 = tpu.vector_load %arg12[%get3A_1067, %get3A_1068] {strides = array<i32>} : memref<768x64xf32, #tpu.memory_space<vmem>>, vector<1x16xf32>,
        %get3A_1070 = vector.shape_cast %get3A_1069 : vector<1x16xf32> to vector<16xf32>
        %mul3A_1071 = arith.constant 5.000000e-01 : f32
        %mul3A_1072 = vector.broadcast %mul3A_1071 : f32 to vector<16xf32>
        %mul3A_1073 = arith.mulf %mul3A_1072, %get3A_1070 : vector<16xf32>
        %add3A_1074 = arith.constant 125 : i32
        %add3A_1075 = arith.addi %add3A_1074, %scan3A_1006 : i32
        %get3A_1076 = arith.index_cast %add3A_1075 : i32 to index
        %get3A_1077 = arith.constant 32 : index
        %get3A_1078 = tpu.vector_load %arg12[%get3A_1076, %get3A_1077] {strides = array<i32>} : memref<768x64xf32, #tpu.memory_space<vmem>>, vector<1x16xf32>,
        %get3A_1079 = vector.shape_cast %get3A_1078 : vector<1x16xf32> to vector<16xf32>
        %add3A_1080 = arith.constant 0 : i32
        %add3A_1081 = arith.addi %add3A_1080, %scan3A_1006 : i32
        %get3A_1082 = arith.index_cast %add3A_1081 : i32 to index
        %get3A_1083 = arith.constant 32 : index
        %get3A_1084 = tpu.vector_load %arg12[%get3A_1082, %get3A_1083] {strides = array<i32>} : memref<768x64xf32, #tpu.memory_space<vmem>>, vector<1x16xf32>,
        %get3A_1085 = vector.shape_cast %get3A_1084 : vector<1x16xf32> to vector<16xf32>
        %mul3A_1086 = arith.mulf %get3A_1079, %get3A_1085 : vector<16xf32>
        %add3A_1087 = arith.addf %mul3A_1073, %mul3A_1086 : vector<16xf32>
        %add3A_1088 = arith.constant 250 : i32
        %add3A_1089 = arith.addi %add3A_1088, %scan3A_1006 : i32
        %swap3A_1090 = arith.index_cast %add3A_1089 : i32 to index
        %swap3A_1091 = arith.constant 32 : index
        %swap3A_1092 = tpu.vector_load %arg12[%swap3A_1090, %swap3A_1091] {strides = array<i32>} : memref<768x64xf32, #tpu.memory_space<vmem>>, vector<1x16xf32>,
        %swap3A_1093 = vector.shape_cast %swap3A_1092 : vector<1x16xf32> to vector<16xf32>
        %swap3A_1094 = vector.shape_cast %add3A_1087 : vector<16xf32> to vector<1x16xf32>
        tpu.vector_store %arg12[%swap3A_1090, %swap3A_1091], %swap3A_1094 {strides = array<i32>} : memref<768x64xf32, #tpu.memory_space<vmem>>, vector<1x16xf32>,
        %add3A_1095 = arith.constant 250 : i32
        %add3A_1096 = arith.addi %add3A_1095, %scan3A_1006 : i32
        %get3A_1097 = arith.index_cast %add3A_1096 : i32 to index
        %get3A_1098 = arith.constant 48 : index
        %get3A_1099 = tpu.vector_load %arg12[%get3A_1097, %get3A_1098] {strides = array<i32>} : memref<768x64xf32, #tpu.memory_space<vmem>>, vector<1x16xf32>,
        %get3A_1100 = vector.shape_cast %get3A_1099 : vector<1x16xf32> to vector<16xf32>
        %mul3A_1101 = arith.constant 5.000000e-01 : f32
        %mul3A_1102 = vector.broadcast %mul3A_1101 : f32 to vector<16xf32>
        %mul3A_1103 = arith.mulf %mul3A_1102, %get3A_1100 : vector<16xf32>
        %add3A_1104 = arith.constant 125 : i32
        %add3A_1105 = arith.addi %add3A_1104, %scan3A_1006 : i32
        %get3A_1106 = arith.index_cast %add3A_1105 : i32 to index
        %get3A_1107 = arith.constant 48 : index
        %get3A_1108 = tpu.vector_load %arg12[%get3A_1106, %get3A_1107] {strides = array<i32>} : memref<768x64xf32, #tpu.memory_space<vmem>>, vector<1x16xf32>,
        %get3A_1109 = vector.shape_cast %get3A_1108 : vector<1x16xf32> to vector<16xf32>
        %add3A_1110 = arith.constant 0 : i32
        %add3A_1111 = arith.addi %add3A_1110, %scan3A_1006 : i32
        %get3A_1112 = arith.index_cast %add3A_1111 : i32 to index
        %get3A_1113 = arith.constant 48 : index
        %get3A_1114 = tpu.vector_load %arg12[%get3A_1112, %get3A_1113] {strides = array<i32>} : memref<768x64xf32, #tpu.memory_space<vmem>>, vector<1x16xf32>,
        %get3A_1115 = vector.shape_cast %get3A_1114 : vector<1x16xf32> to vector<16xf32>
        %mul3A_1116 = arith.mulf %get3A_1109, %get3A_1115 : vector<16xf32>
        %add3A_1117 = arith.addf %mul3A_1103, %mul3A_1116 : vector<16xf32>
        %add3A_1118 = arith.constant 250 : i32
        %add3A_1119 = arith.addi %add3A_1118, %scan3A_1006 : i32
        %swap3A_1120 = arith.index_cast %add3A_1119 : i32 to index
        %swap3A_1121 = arith.constant 48 : index
        %swap3A_1122 = tpu.vector_load %arg12[%swap3A_1120, %swap3A_1121] {strides = array<i32>} : memref<768x64xf32, #tpu.memory_space<vmem>>, vector<1x16xf32>,
        %swap3A_1123 = vector.shape_cast %swap3A_1122 : vector<1x16xf32> to vector<16xf32>
        %swap3A_1124 = vector.shape_cast %add3A_1117 : vector<16xf32> to vector<1x16xf32>
        tpu.vector_store %arg12[%swap3A_1120, %swap3A_1121], %swap3A_1124 {strides = array<i32>} : memref<768x64xf32, #tpu.memory_space<vmem>>, vector<1x16xf32>,
      }
      %scan3A_638 = arith.constant 125 : i32
      %dma_start3A_639 = arith.constant 7 : i32
      %dma_start3A_640 = arith.constant 250 : i32
      %dma_start3A_641 = arith.constant 0 : i32
      %dma_start3A_642 = tpu.memref_slice %arg12[%dma_start3A_640, %dma_start3A_641] : memref<768x64xf32, #tpu.memory_space<vmem>> -> memref<125x64xf32, #tpu.memory_space<vmem>>
      %dma_start3A_643 = arith.constant 0 : i32
      %dma_start3A_644 = arith.constant 0 : i32
      %dma_start3A_645 = tpu.memref_slice %arg7[%arg0, %dma_start3A_643, %dma_start3A_644] : memref<2x10000x64xf32, #tpu.memory_space<hbm>> -> memref<1x10000x64xf32, #tpu.memory_space<hbm>>
      %dma_start3A_646 = tpu.memref_squeeze %dma_start3A_645 : memref<1x10000x64xf32, #tpu.memory_space<hbm>> -> memref<10000x64xf32, #tpu.memory_space<hbm>>
      %dma_start3A_647 = arith.constant 0 : i32
      %dma_start3A_648 = tpu.memref_slice %dma_start3A_646[%add3A_476, %dma_start3A_647] : memref<10000x64xf32, #tpu.memory_space<hbm>> -> memref<125x64xf32, #tpu.memory_space<hbm>>
      %dma_start3A_649 = tpu.memref_slice %arg14[%dma_start3A_639] : memref<9x!tpu.dma_semaphore, #tpu.memory_space<semaphore_mem>> -> memref<1x!tpu.dma_semaphore, #tpu.memory_space<semaphore_mem>>
      %dma_start3A_650 = tpu.memref_squeeze %dma_start3A_649 : memref<1x!tpu.dma_semaphore, #tpu.memory_space<semaphore_mem>> -> memref<!tpu.dma_semaphore, #tpu.memory_space<semaphore_mem>>
      %dma_start3A_651 = arith.constant 0 : i32
      %dma_start3A_652 = arith.constant 0 : i32
      %dma_start3A_653 = tpu.memref_slice %arg7[%arg0, %dma_start3A_651, %dma_start3A_652] : memref<2x10000x64xf32, #tpu.memory_space<hbm>> -> memref<1x10000x64xf32, #tpu.memory_space<hbm>>
      %dma_start3A_654 = tpu.memref_squeeze %dma_start3A_653 : memref<1x10000x64xf32, #tpu.memory_space<hbm>> -> memref<10000x64xf32, #tpu.memory_space<hbm>>
      %dma_start3A_655 = arith.constant 0 : i32
      %dma_start3A_656 = tpu.memref_slice %dma_start3A_654[%add3A_476, %dma_start3A_655] : memref<10000x64xf32, #tpu.memory_space<hbm>> -> memref<125x64xf32, #tpu.memory_space<hbm>>
      %dma_start3A_657 = arith.constant 250 : i32
      %dma_start3A_658 = arith.constant 0 : i32
      %dma_start3A_659 = tpu.memref_slice %arg12[%dma_start3A_657, %dma_start3A_658] : memref<768x64xf32, #tpu.memory_space<vmem>> -> memref<125x64xf32, #tpu.memory_space<vmem>>
      tpu.enqueue_dma source(%dma_start3A_659 : memref<125x64xf32, #tpu.memory_space<vmem>>) target(%dma_start3A_656 : memref<125x64xf32, #tpu.memory_space<hbm>>) target_semaphore(%dma_start3A_650 : memref<!tpu.dma_semaphore, #tpu.memory_space<semaphore_mem>>)
      %add3A_660 = arith.constant 375 : i32
      %add3A_661 = arith.addi %mul3A_16, %add3A_660 : i32
      %add3A_662 = arith.constant 375 : i32
      %add3A_663 = arith.addi %mul3A_16, %add3A_662 : i32
      %dma_wait3A_664 = arith.constant 3 : i32
      %dma_wait3A_665 = arith.constant 375 : i32
      %dma_wait3A_666 = arith.constant 0 : i32
      %dma_wait3A_667 = tpu.memref_slice %arg12[%dma_wait3A_665, %dma_wait3A_666] : memref<768x64xf32, #tpu.memory_space<vmem>> -> memref<125x64xf32, #tpu.memory_space<vmem>>
      %dma_wait3A_668 = arith.constant 0 : i32
      %dma_wait3A_669 = tpu.memref_slice %arg9[%add3A_663, %dma_wait3A_668] : memref<10112x64xf32, #tpu.memory_space<vmem_shared>> -> memref<125x64xf32, #tpu.memory_space<vmem_shared>>
      %dma_wait3A_670 = tpu.memref_slice %arg13[%dma_wait3A_664] : memref<6x!tpu.dma_semaphore, #tpu.memory_space<semaphore_mem>> -> memref<1x!tpu.dma_semaphore, #tpu.memory_space<semaphore_mem>>
      %dma_wait3A_671 = tpu.memref_squeeze %dma_wait3A_670 : memref<1x!tpu.dma_semaphore, #tpu.memory_space<semaphore_mem>> -> memref<!tpu.dma_semaphore, #tpu.memory_space<semaphore_mem>>
      %dma_wait3A_672 = arith.constant 375 : i32
      %dma_wait3A_673 = arith.constant 0 : i32
      %dma_wait3A_674 = tpu.memref_slice %arg12[%dma_wait3A_672, %dma_wait3A_673] : memref<768x64xf32, #tpu.memory_space<vmem>> -> memref<125x64xf32, #tpu.memory_space<vmem>>
      %dma_wait3A_675 = arith.constant 0 : i32
      %dma_wait3A_676 = tpu.memref_slice %arg9[%add3A_663, %dma_wait3A_675] : memref<10112x64xf32, #tpu.memory_space<vmem_shared>> -> memref<125x64xf32, #tpu.memory_space<vmem_shared>>
      tpu.wait_dma2 semaphore(%dma_wait3A_671 : memref<!tpu.dma_semaphore, #tpu.memory_space<semaphore_mem>>) src(%dma_wait3A_676 : memref<125x64xf32, #tpu.memory_space<vmem_shared>>) dst(%dma_wait3A_674 : memref<125x64xf32, #tpu.memory_space<vmem>>)
      %dma_wait3A_677 = arith.constant 4 : i32
      %dma_wait3A_678 = arith.constant 500 : i32
      %dma_wait3A_679 = arith.constant 0 : i32
      %dma_wait3A_680 = tpu.memref_slice %arg12[%dma_wait3A_678, %dma_wait3A_679] : memref<768x64xf32, #tpu.memory_space<vmem>> -> memref<125x64xf32, #tpu.memory_space<vmem>>
      %dma_wait3A_681 = arith.constant 0 : i32
      %dma_wait3A_682 = arith.constant 0 : i32
      %dma_wait3A_683 = tpu.memref_slice %arg8[%arg0, %dma_wait3A_681, %dma_wait3A_682] : memref<2x10000x64xf32, #tpu.memory_space<hbm>> -> memref<1x10000x64xf32, #tpu.memory_space<hbm>>
      %dma_wait3A_684 = tpu.memref_squeeze %dma_wait3A_683 : memref<1x10000x64xf32, #tpu.memory_space<hbm>> -> memref<10000x64xf32, #tpu.memory_space<hbm>>
      %dma_wait3A_685 = arith.constant 0 : i32
      %dma_wait3A_686 = tpu.memref_slice %dma_wait3A_684[%add3A_663, %dma_wait3A_685] : memref<10000x64xf32, #tpu.memory_space<hbm>> -> memref<125x64xf32, #tpu.memory_space<hbm>>
      %dma_wait3A_687 = tpu.memref_slice %arg13[%dma_wait3A_677] : memref<6x!tpu.dma_semaphore, #tpu.memory_space<semaphore_mem>> -> memref<1x!tpu.dma_semaphore, #tpu.memory_space<semaphore_mem>>
      %dma_wait3A_688 = tpu.memref_squeeze %dma_wait3A_687 : memref<1x!tpu.dma_semaphore, #tpu.memory_space<semaphore_mem>> -> memref<!tpu.dma_semaphore, #tpu.memory_space<semaphore_mem>>
      %dma_wait3A_689 = arith.constant 500 : i32
      %dma_wait3A_690 = arith.constant 0 : i32
      %dma_wait3A_691 = tpu.memref_slice %arg12[%dma_wait3A_689, %dma_wait3A_690] : memref<768x64xf32, #tpu.memory_space<vmem>> -> memref<125x64xf32, #tpu.memory_space<vmem>>
      %dma_wait3A_692 = arith.constant 0 : i32
      %dma_wait3A_693 = arith.constant 0 : i32
      %dma_wait3A_694 = tpu.memref_slice %arg8[%arg0, %dma_wait3A_692, %dma_wait3A_693] : memref<2x10000x64xf32, #tpu.memory_space<hbm>> -> memref<1x10000x64xf32, #tpu.memory_space<hbm>>
      %dma_wait3A_695 = tpu.memref_squeeze %dma_wait3A_694 : memref<1x10000x64xf32, #tpu.memory_space<hbm>> -> memref<10000x64xf32, #tpu.memory_space<hbm>>
      %dma_wait3A_696 = arith.constant 0 : i32
      %dma_wait3A_697 = tpu.memref_slice %dma_wait3A_695[%add3A_663, %dma_wait3A_696] : memref<10000x64xf32, #tpu.memory_space<hbm>> -> memref<125x64xf32, #tpu.memory_space<hbm>>
      tpu.wait_dma2 semaphore(%dma_wait3A_688 : memref<!tpu.dma_semaphore, #tpu.memory_space<semaphore_mem>>) src(%dma_wait3A_697 : memref<125x64xf32, #tpu.memory_space<hbm>>) dst(%dma_wait3A_691 : memref<125x64xf32, #tpu.memory_space<vmem>>)
      %dma_wait3A_698 = arith.constant 5 : i32
      %dma_wait3A_699 = arith.constant 625 : i32
      %dma_wait3A_700 = arith.constant 0 : i32
      %dma_wait3A_701 = tpu.memref_slice %arg12[%dma_wait3A_699, %dma_wait3A_700] : memref<768x64xf32, #tpu.memory_space<vmem>> -> memref<125x64xf32, #tpu.memory_space<vmem>>
      %dma_wait3A_702 = arith.constant 0 : i32
      %dma_wait3A_703 = arith.constant 0 : i32
      %dma_wait3A_704 = tpu.memref_slice %arg7[%arg0, %dma_wait3A_702, %dma_wait3A_703] : memref<2x10000x64xf32, #tpu.memory_space<hbm>> -> memref<1x10000x64xf32, #tpu.memory_space<hbm>>
      %dma_wait3A_705 = tpu.memref_squeeze %dma_wait3A_704 : memref<1x10000x64xf32, #tpu.memory_space<hbm>> -> memref<10000x64xf32, #tpu.memory_space<hbm>>
      %dma_wait3A_706 = arith.constant 0 : i32
      %dma_wait3A_707 = tpu.memref_slice %dma_wait3A_705[%add3A_663, %dma_wait3A_706] : memref<10000x64xf32, #tpu.memory_space<hbm>> -> memref<125x64xf32, #tpu.memory_space<hbm>>
      %dma_wait3A_708 = tpu.memref_slice %arg13[%dma_wait3A_698] : memref<6x!tpu.dma_semaphore, #tpu.memory_space<semaphore_mem>> -> memref<1x!tpu.dma_semaphore, #tpu.memory_space<semaphore_mem>>
      %dma_wait3A_709 = tpu.memref_squeeze %dma_wait3A_708 : memref<1x!tpu.dma_semaphore, #tpu.memory_space<semaphore_mem>> -> memref<!tpu.dma_semaphore, #tpu.memory_space<semaphore_mem>>
      %dma_wait3A_710 = arith.constant 625 : i32
      %dma_wait3A_711 = arith.constant 0 : i32
      %dma_wait3A_712 = tpu.memref_slice %arg12[%dma_wait3A_710, %dma_wait3A_711] : memref<768x64xf32, #tpu.memory_space<vmem>> -> memref<125x64xf32, #tpu.memory_space<vmem>>
      %dma_wait3A_713 = arith.constant 0 : i32
      %dma_wait3A_714 = arith.constant 0 : i32
      %dma_wait3A_715 = tpu.memref_slice %arg7[%arg0, %dma_wait3A_713, %dma_wait3A_714] : memref<2x10000x64xf32, #tpu.memory_space<hbm>> -> memref<1x10000x64xf32, #tpu.memory_space<hbm>>
      %dma_wait3A_716 = tpu.memref_squeeze %dma_wait3A_715 : memref<1x10000x64xf32, #tpu.memory_space<hbm>> -> memref<10000x64xf32, #tpu.memory_space<hbm>>
      %dma_wait3A_717 = arith.constant 0 : i32
      %dma_wait3A_718 = tpu.memref_slice %dma_wait3A_716[%add3A_663, %dma_wait3A_717] : memref<10000x64xf32, #tpu.memory_space<hbm>> -> memref<125x64xf32, #tpu.memory_space<hbm>>
      tpu.wait_dma2 semaphore(%dma_wait3A_709 : memref<!tpu.dma_semaphore, #tpu.memory_space<semaphore_mem>>) src(%dma_wait3A_718 : memref<125x64xf32, #tpu.memory_space<hbm>>) dst(%dma_wait3A_712 : memref<125x64xf32, #tpu.memory_space<vmem>>)
      %dma_wait3A_719 = arith.constant 6 : i32
      %dma_wait3A_720 = tpu.memref_slice %arg14[%dma_wait3A_719] : memref<9x!tpu.dma_semaphore, #tpu.memory_space<semaphore_mem>> -> memref<1x!tpu.dma_semaphore, #tpu.memory_space<semaphore_mem>>
      %dma_wait3A_721 = tpu.memref_squeeze %dma_wait3A_720 : memref<1x!tpu.dma_semaphore, #tpu.memory_space<semaphore_mem>> -> memref<!tpu.dma_semaphore, #tpu.memory_space<semaphore_mem>>
      %dma_wait3A_722 = arith.constant 0 : i32
      %dma_wait3A_723 = tpu.memref_slice %arg9[%add3A_661, %dma_wait3A_722] : memref<10112x64xf32, #tpu.memory_space<vmem_shared>> -> memref<125x64xf32, #tpu.memory_space<vmem_shared>>
      %dma_wait3A_724 = arith.constant 0 : i32
      %dma_wait3A_725 = arith.constant 0 : i32
      %dma_wait3A_726 = tpu.memref_slice %arg2[%arg0, %dma_wait3A_724, %dma_wait3A_725] : memref<2x10000x64xf32, #tpu.memory_space<hbm>> -> memref<1x10000x64xf32, #tpu.memory_space<hbm>>
      %dma_wait3A_727 = tpu.memref_squeeze %dma_wait3A_726 : memref<1x10000x64xf32, #tpu.memory_space<hbm>> -> memref<10000x64xf32, #tpu.memory_space<hbm>>
      %dma_wait3A_728 = arith.constant 0 : i32
      %dma_wait3A_729 = tpu.memref_slice %dma_wait3A_727[%add3A_661, %dma_wait3A_728] : memref<10000x64xf32, #tpu.memory_space<hbm>> -> memref<125x64xf32, #tpu.memory_space<hbm>>
      tpu.wait_dma2 semaphore(%dma_wait3A_721 : memref<!tpu.dma_semaphore, #tpu.memory_space<semaphore_mem>>) src(%dma_wait3A_729 : memref<125x64xf32, #tpu.memory_space<hbm>>) dst(%dma_wait3A_723 : memref<125x64xf32, #tpu.memory_space<vmem_shared>>)
      %dma_start3A_730 = arith.constant 6 : i32
      %dma_start3A_731 = tpu.memref_slice %arg14[%dma_start3A_730] : memref<9x!tpu.dma_semaphore, #tpu.memory_space<semaphore_mem>> -> memref<1x!tpu.dma_semaphore, #tpu.memory_space<semaphore_mem>>
      %dma_start3A_732 = tpu.memref_squeeze %dma_start3A_731 : memref<1x!tpu.dma_semaphore, #tpu.memory_space<semaphore_mem>> -> memref<!tpu.dma_semaphore, #tpu.memory_space<semaphore_mem>>
      %dma_start3A_733 = arith.constant 0 : i32
      %dma_start3A_734 = tpu.memref_slice %arg9[%add3A_661, %dma_start3A_733] : memref<10112x64xf32, #tpu.memory_space<vmem_shared>> -> memref<125x64xf32, #tpu.memory_space<vmem_shared>>
      %dma_start3A_735 = arith.constant 0 : i32
      %dma_start3A_736 = arith.constant 0 : i32
      %dma_start3A_737 = tpu.memref_slice %arg2[%arg0, %dma_start3A_735, %dma_start3A_736] : memref<2x10000x64xf32, #tpu.memory_space<hbm>> -> memref<1x10000x64xf32, #tpu.memory_space<hbm>>
      %dma_start3A_738 = tpu.memref_squeeze %dma_start3A_737 : memref<1x10000x64xf32, #tpu.memory_space<hbm>> -> memref<10000x64xf32, #tpu.memory_space<hbm>>
      %dma_start3A_739 = arith.constant 0 : i32
      %dma_start3A_740 = tpu.memref_slice %dma_start3A_738[%add3A_661, %dma_start3A_739] : memref<10000x64xf32, #tpu.memory_space<hbm>> -> memref<125x64xf32, #tpu.memory_space<hbm>>
      tpu.enqueue_dma source(%dma_start3A_740 : memref<125x64xf32, #tpu.memory_space<hbm>>) target(%dma_start3A_734 : memref<125x64xf32, #tpu.memory_space<vmem_shared>>) target_semaphore(%dma_start3A_732 : memref<!tpu.dma_semaphore, #tpu.memory_space<semaphore_mem>>)
      %dma_wait3A_741 = arith.constant 7 : i32
      %dma_wait3A_742 = arith.constant 250 : i32
      %dma_wait3A_743 = arith.constant 0 : i32
      %dma_wait3A_744 = tpu.memref_slice %arg12[%dma_wait3A_742, %dma_wait3A_743] : memref<768x64xf32, #tpu.memory_space<vmem>> -> memref<125x64xf32, #tpu.memory_space<vmem>>
      %dma_wait3A_745 = arith.constant 0 : i32
      %dma_wait3A_746 = arith.constant 0 : i32
      %dma_wait3A_747 = tpu.memref_slice %arg7[%arg0, %dma_wait3A_745, %dma_wait3A_746] : memref<2x10000x64xf32, #tpu.memory_space<hbm>> -> memref<1x10000x64xf32, #tpu.memory_space<hbm>>
      %dma_wait3A_748 = tpu.memref_squeeze %dma_wait3A_747 : memref<1x10000x64xf32, #tpu.memory_space<hbm>> -> memref<10000x64xf32, #tpu.memory_space<hbm>>
      %dma_wait3A_749 = arith.constant 0 : i32
      %dma_wait3A_750 = tpu.memref_slice %dma_wait3A_748[%add3A_661, %dma_wait3A_749] : memref<10000x64xf32, #tpu.memory_space<hbm>> -> memref<125x64xf32, #tpu.memory_space<hbm>>
      %dma_wait3A_751 = tpu.memref_slice %arg14[%dma_wait3A_741] : memref<9x!tpu.dma_semaphore, #tpu.memory_space<semaphore_mem>> -> memref<1x!tpu.dma_semaphore, #tpu.memory_space<semaphore_mem>>
      %dma_wait3A_752 = tpu.memref_squeeze %dma_wait3A_751 : memref<1x!tpu.dma_semaphore, #tpu.memory_space<semaphore_mem>> -> memref<!tpu.dma_semaphore, #tpu.memory_space<semaphore_mem>>
      %dma_wait3A_753 = arith.constant 0 : i32
      %dma_wait3A_754 = arith.constant 0 : i32
      %dma_wait3A_755 = tpu.memref_slice %arg7[%arg0, %dma_wait3A_753, %dma_wait3A_754] : memref<2x10000x64xf32, #tpu.memory_space<hbm>> -> memref<1x10000x64xf32, #tpu.memory_space<hbm>>
      %dma_wait3A_756 = tpu.memref_squeeze %dma_wait3A_755 : memref<1x10000x64xf32, #tpu.memory_space<hbm>> -> memref<10000x64xf32, #tpu.memory_space<hbm>>
      %dma_wait3A_757 = arith.constant 0 : i32
      %dma_wait3A_758 = tpu.memref_slice %dma_wait3A_756[%add3A_661, %dma_wait3A_757] : memref<10000x64xf32, #tpu.memory_space<hbm>> -> memref<125x64xf32, #tpu.memory_space<hbm>>
      %dma_wait3A_759 = arith.constant 250 : i32
      %dma_wait3A_760 = arith.constant 0 : i32
      %dma_wait3A_761 = tpu.memref_slice %arg12[%dma_wait3A_759, %dma_wait3A_760] : memref<768x64xf32, #tpu.memory_space<vmem>> -> memref<125x64xf32, #tpu.memory_space<vmem>>
      tpu.wait_dma2 semaphore(%dma_wait3A_752 : memref<!tpu.dma_semaphore, #tpu.memory_space<semaphore_mem>>) src(%dma_wait3A_761 : memref<125x64xf32, #tpu.memory_space<vmem>>) dst(%dma_wait3A_758 : memref<125x64xf32, #tpu.memory_space<hbm>>)
      %add3A_762 = arith.constant 500 : i32
      %add3A_763 = arith.addi %mul3A_16, %add3A_762 : i32
      %dma_start3A_764 = arith.constant 0 : i32
      %dma_start3A_765 = arith.constant 0 : i32
      %dma_start3A_766 = arith.constant 0 : i32
      %dma_start3A_767 = tpu.memref_slice %arg12[%dma_start3A_765, %dma_start3A_766] : memref<768x64xf32, #tpu.memory_space<vmem>> -> memref<125x64xf32, #tpu.memory_space<vmem>>
      %dma_start3A_768 = arith.constant 0 : i32
      %dma_start3A_769 = tpu.memref_slice %arg9[%add3A_763, %dma_start3A_768] : memref<10112x64xf32, #tpu.memory_space<vmem_shared>> -> memref<125x64xf32, #tpu.memory_space<vmem_shared>>
      %dma_start3A_770 = tpu.memref_slice %arg13[%dma_start3A_764] : memref<6x!tpu.dma_semaphore, #tpu.memory_space<semaphore_mem>> -> memref<1x!tpu.dma_semaphore, #tpu.memory_space<semaphore_mem>>
      %dma_start3A_771 = tpu.memref_squeeze %dma_start3A_770 : memref<1x!tpu.dma_semaphore, #tpu.memory_space<semaphore_mem>> -> memref<!tpu.dma_semaphore, #tpu.memory_space<semaphore_mem>>
      %dma_start3A_772 = arith.constant 0 : i32
      %dma_start3A_773 = arith.constant 0 : i32
      %dma_start3A_774 = tpu.memref_slice %arg12[%dma_start3A_772, %dma_start3A_773] : memref<768x64xf32, #tpu.memory_space<vmem>> -> memref<125x64xf32, #tpu.memory_space<vmem>>
      %dma_start3A_775 = arith.constant 0 : i32
      %dma_start3A_776 = tpu.memref_slice %arg9[%add3A_763, %dma_start3A_775] : memref<10112x64xf32, #tpu.memory_space<vmem_shared>> -> memref<125x64xf32, #tpu.memory_space<vmem_shared>>
      tpu.enqueue_dma source(%dma_start3A_776 : memref<125x64xf32, #tpu.memory_space<vmem_shared>>) target(%dma_start3A_774 : memref<125x64xf32, #tpu.memory_space<vmem>>) target_semaphore(%dma_start3A_771 : memref<!tpu.dma_semaphore, #tpu.memory_space<semaphore_mem>>)
      %dma_start3A_777 = arith.constant 1 : i32
      %dma_start3A_778 = arith.constant 125 : i32
      %dma_start3A_779 = arith.constant 0 : i32
      %dma_start3A_780 = tpu.memref_slice %arg12[%dma_start3A_778, %dma_start3A_779] : memref<768x64xf32, #tpu.memory_space<vmem>> -> memref<125x64xf32, #tpu.memory_space<vmem>>
      %dma_start3A_781 = arith.constant 0 : i32
      %dma_start3A_782 = arith.constant 0 : i32
      %dma_start3A_783 = tpu.memref_slice %arg8[%arg0, %dma_start3A_781, %dma_start3A_782] : memref<2x10000x64xf32, #tpu.memory_space<hbm>> -> memref<1x10000x64xf32, #tpu.memory_space<hbm>>
      %dma_start3A_784 = tpu.memref_squeeze %dma_start3A_783 : memref<1x10000x64xf32, #tpu.memory_space<hbm>> -> memref<10000x64xf32, #tpu.memory_space<hbm>>
      %dma_start3A_785 = arith.constant 0 : i32
      %dma_start3A_786 = tpu.memref_slice %dma_start3A_784[%add3A_763, %dma_start3A_785] : memref<10000x64xf32, #tpu.memory_space<hbm>> -> memref<125x64xf32, #tpu.memory_space<hbm>>
      %dma_start3A_787 = tpu.memref_slice %arg13[%dma_start3A_777] : memref<6x!tpu.dma_semaphore, #tpu.memory_space<semaphore_mem>> -> memref<1x!tpu.dma_semaphore, #tpu.memory_space<semaphore_mem>>
      %dma_start3A_788 = tpu.memref_squeeze %dma_start3A_787 : memref<1x!tpu.dma_semaphore, #tpu.memory_space<semaphore_mem>> -> memref<!tpu.dma_semaphore, #tpu.memory_space<semaphore_mem>>
      %dma_start3A_789 = arith.constant 125 : i32
      %dma_start3A_790 = arith.constant 0 : i32
      %dma_start3A_791 = tpu.memref_slice %arg12[%dma_start3A_789, %dma_start3A_790] : memref<768x64xf32, #tpu.memory_space<vmem>> -> memref<125x64xf32, #tpu.memory_space<vmem>>
      %dma_start3A_792 = arith.constant 0 : i32
      %dma_start3A_793 = arith.constant 0 : i32
      %dma_start3A_794 = tpu.memref_slice %arg8[%arg0, %dma_start3A_792, %dma_start3A_793] : memref<2x10000x64xf32, #tpu.memory_space<hbm>> -> memref<1x10000x64xf32, #tpu.memory_space<hbm>>
      %dma_start3A_795 = tpu.memref_squeeze %dma_start3A_794 : memref<1x10000x64xf32, #tpu.memory_space<hbm>> -> memref<10000x64xf32, #tpu.memory_space<hbm>>
      %dma_start3A_796 = arith.constant 0 : i32
      %dma_start3A_797 = tpu.memref_slice %dma_start3A_795[%add3A_763, %dma_start3A_796] : memref<10000x64xf32, #tpu.memory_space<hbm>> -> memref<125x64xf32, #tpu.memory_space<hbm>>
      tpu.enqueue_dma source(%dma_start3A_797 : memref<125x64xf32, #tpu.memory_space<hbm>>) target(%dma_start3A_791 : memref<125x64xf32, #tpu.memory_space<vmem>>) target_semaphore(%dma_start3A_788 : memref<!tpu.dma_semaphore, #tpu.memory_space<semaphore_mem>>)
      %dma_start3A_798 = arith.constant 2 : i32
      %dma_start3A_799 = arith.constant 250 : i32
      %dma_start3A_800 = arith.constant 0 : i32
      %dma_start3A_801 = tpu.memref_slice %arg12[%dma_start3A_799, %dma_start3A_800] : memref<768x64xf32, #tpu.memory_space<vmem>> -> memref<125x64xf32, #tpu.memory_space<vmem>>
      %dma_start3A_802 = arith.constant 0 : i32
      %dma_start3A_803 = arith.constant 0 : i32
      %dma_start3A_804 = tpu.memref_slice %arg7[%arg0, %dma_start3A_802, %dma_start3A_803] : memref<2x10000x64xf32, #tpu.memory_space<hbm>> -> memref<1x10000x64xf32, #tpu.memory_space<hbm>>
      %dma_start3A_805 = tpu.memref_squeeze %dma_start3A_804 : memref<1x10000x64xf32, #tpu.memory_space<hbm>> -> memref<10000x64xf32, #tpu.memory_space<hbm>>
      %dma_start3A_806 = arith.constant 0 : i32
      %dma_start3A_807 = tpu.memref_slice %dma_start3A_805[%add3A_763, %dma_start3A_806] : memref<10000x64xf32, #tpu.memory_space<hbm>> -> memref<125x64xf32, #tpu.memory_space<hbm>>
      %dma_start3A_808 = tpu.memref_slice %arg13[%dma_start3A_798] : memref<6x!tpu.dma_semaphore, #tpu.memory_space<semaphore_mem>> -> memref<1x!tpu.dma_semaphore, #tpu.memory_space<semaphore_mem>>
      %dma_start3A_809 = tpu.memref_squeeze %dma_start3A_808 : memref<1x!tpu.dma_semaphore, #tpu.memory_space<semaphore_mem>> -> memref<!tpu.dma_semaphore, #tpu.memory_space<semaphore_mem>>
      %dma_start3A_810 = arith.constant 250 : i32
      %dma_start3A_811 = arith.constant 0 : i32
      %dma_start3A_812 = tpu.memref_slice %arg12[%dma_start3A_810, %dma_start3A_811] : memref<768x64xf32, #tpu.memory_space<vmem>> -> memref<125x64xf32, #tpu.memory_space<vmem>>
      %dma_start3A_813 = arith.constant 0 : i32
      %dma_start3A_814 = arith.constant 0 : i32
      %dma_start3A_815 = tpu.memref_slice %arg7[%arg0, %dma_start3A_813, %dma_start3A_814] : memref<2x10000x64xf32, #tpu.memory_space<hbm>> -> memref<1x10000x64xf32, #tpu.memory_space<hbm>>
      %dma_start3A_816 = tpu.memref_squeeze %dma_start3A_815 : memref<1x10000x64xf32, #tpu.memory_space<hbm>> -> memref<10000x64xf32, #tpu.memory_space<hbm>>
      %dma_start3A_817 = arith.constant 0 : i32
      %dma_start3A_818 = tpu.memref_slice %dma_start3A_816[%add3A_763, %dma_start3A_817] : memref<10000x64xf32, #tpu.memory_space<hbm>> -> memref<125x64xf32, #tpu.memory_space<hbm>>
      tpu.enqueue_dma source(%dma_start3A_818 : memref<125x64xf32, #tpu.memory_space<hbm>>) target(%dma_start3A_812 : memref<125x64xf32, #tpu.memory_space<vmem>>) target_semaphore(%dma_start3A_809 : memref<!tpu.dma_semaphore, #tpu.memory_space<semaphore_mem>>)
      %scan3A_819 = arith.constant 0 : i32
      %scan3A_820 = arith.constant 125 : i32
      %scan3A_821 = arith.addi %scan3A_819, %scan3A_820 : i32
      %scan3A_822 = arith.constant 1 : i32
      scf.for %scan3A_1006 = %scan3A_819 to %scan3A_821 step %scan3A_822  : i32 {
        %add3A_1007 = arith.constant 625 : i32
        %add3A_1008 = arith.addi %add3A_1007, %scan3A_1006 : i32
        %get3A = arith.index_cast %add3A_1008 : i32 to index
        %get3A_1009 = arith.constant 0 : index
        %get3A_1010 = tpu.vector_load %arg12[%get3A, %get3A_1009] {strides = array<i32>} : memref<768x64xf32, #tpu.memory_space<vmem>>, vector<1x16xf32>,
        %get3A_1011 = vector.shape_cast %get3A_1010 : vector<1x16xf32> to vector<16xf32>
        %mul3A_1012 = arith.constant 5.000000e-01 : f32
        %mul3A_1013 = vector.broadcast %mul3A_1012 : f32 to vector<16xf32>
        %mul3A_1014 = arith.mulf %mul3A_1013, %get3A_1011 : vector<16xf32>
        %add3A_1015 = arith.constant 500 : i32
        %add3A_1016 = arith.addi %add3A_1015, %scan3A_1006 : i32
        %get3A_1017 = arith.index_cast %add3A_1016 : i32 to index
        %get3A_1018 = arith.constant 0 : index
        %get3A_1019 = tpu.vector_load %arg12[%get3A_1017, %get3A_1018] {strides = array<i32>} : memref<768x64xf32, #tpu.memory_space<vmem>>, vector<1x16xf32>,
        %get3A_1020 = vector.shape_cast %get3A_1019 : vector<1x16xf32> to vector<16xf32>
        %add3A_1021 = arith.constant 375 : i32
        %add3A_1022 = arith.addi %add3A_1021, %scan3A_1006 : i32
        %get3A_1023 = arith.index_cast %add3A_1022 : i32 to index
        %get3A_1024 = arith.constant 0 : index
        %get3A_1025 = tpu.vector_load %arg12[%get3A_1023, %get3A_1024] {strides = array<i32>} : memref<768x64xf32, #tpu.memory_space<vmem>>, vector<1x16xf32>,
        %get3A_1026 = vector.shape_cast %get3A_1025 : vector<1x16xf32> to vector<16xf32>
        %mul3A_1027 = arith.mulf %get3A_1020, %get3A_1026 : vector<16xf32>
        %add3A_1028 = arith.addf %mul3A_1014, %mul3A_1027 : vector<16xf32>
        %add3A_1029 = arith.constant 625 : i32
        %add3A_1030 = arith.addi %add3A_1029, %scan3A_1006 : i32
        %swap3A = arith.index_cast %add3A_1030 : i32 to index
        %swap3A_1031 = arith.constant 0 : index
        %swap3A_1032 = tpu.vector_load %arg12[%swap3A, %swap3A_1031] {strides = array<i32>} : memref<768x64xf32, #tpu.memory_space<vmem>>, vector<1x16xf32>,
        %swap3A_1033 = vector.shape_cast %swap3A_1032 : vector<1x16xf32> to vector<16xf32>
        %swap3A_1034 = vector.shape_cast %add3A_1028 : vector<16xf32> to vector<1x16xf32>
        tpu.vector_store %arg12[%swap3A, %swap3A_1031], %swap3A_1034 {strides = array<i32>} : memref<768x64xf32, #tpu.memory_space<vmem>>, vector<1x16xf32>,
        %add3A_1035 = arith.constant 625 : i32
        %add3A_1036 = arith.addi %add3A_1035, %scan3A_1006 : i32
        %get3A_1037 = arith.index_cast %add3A_1036 : i32 to index
        %get3A_1038 = arith.constant 16 : index
        %get3A_1039 = tpu.vector_load %arg12[%get3A_1037, %get3A_1038] {strides = array<i32>} : memref<768x64xf32, #tpu.memory_space<vmem>>, vector<1x16xf32>,
        %get3A_1040 = vector.shape_cast %get3A_1039 : vector<1x16xf32> to vector<16xf32>
        %mul3A_1041 = arith.constant 5.000000e-01 : f32
        %mul3A_1042 = vector.broadcast %mul3A_1041 : f32 to vector<16xf32>
        %mul3A_1043 = arith.mulf %mul3A_1042, %get3A_1040 : vector<16xf32>
        %add3A_1044 = arith.constant 500 : i32
        %add3A_1045 = arith.addi %add3A_1044, %scan3A_1006 : i32
        %get3A_1046 = arith.index_cast %add3A_1045 : i32 to index
        %get3A_1047 = arith.constant 16 : index
        %get3A_1048 = tpu.vector_load %arg12[%get3A_1046, %get3A_1047] {strides = array<i32>} : memref<768x64xf32, #tpu.memory_space<vmem>>, vector<1x16xf32>,
        %get3A_1049 = vector.shape_cast %get3A_1048 : vector<1x16xf32> to vector<16xf32>
        %add3A_1050 = arith.constant 375 : i32
        %add3A_1051 = arith.addi %add3A_1050, %scan3A_1006 : i32
        %get3A_1052 = arith.index_cast %add3A_1051 : i32 to index
        %get3A_1053 = arith.constant 16 : index
        %get3A_1054 = tpu.vector_load %arg12[%get3A_1052, %get3A_1053] {strides = array<i32>} : memref<768x64xf32, #tpu.memory_space<vmem>>, vector<1x16xf32>,
        %get3A_1055 = vector.shape_cast %get3A_1054 : vector<1x16xf32> to vector<16xf32>
        %mul3A_1056 = arith.mulf %get3A_1049, %get3A_1055 : vector<16xf32>
        %add3A_1057 = arith.addf %mul3A_1043, %mul3A_1056 : vector<16xf32>
        %add3A_1058 = arith.constant 625 : i32
        %add3A_1059 = arith.addi %add3A_1058, %scan3A_1006 : i32
        %swap3A_1060 = arith.index_cast %add3A_1059 : i32 to index
        %swap3A_1061 = arith.constant 16 : index
        %swap3A_1062 = tpu.vector_load %arg12[%swap3A_1060, %swap3A_1061] {strides = array<i32>} : memref<768x64xf32, #tpu.memory_space<vmem>>, vector<1x16xf32>,
        %swap3A_1063 = vector.shape_cast %swap3A_1062 : vector<1x16xf32> to vector<16xf32>
        %swap3A_1064 = vector.shape_cast %add3A_1057 : vector<16xf32> to vector<1x16xf32>
        tpu.vector_store %arg12[%swap3A_1060, %swap3A_1061], %swap3A_1064 {strides = array<i32>} : memref<768x64xf32, #tpu.memory_space<vmem>>, vector<1x16xf32>,
        %add3A_1065 = arith.constant 625 : i32
        %add3A_1066 = arith.addi %add3A_1065, %scan3A_1006 : i32
        %get3A_1067 = arith.index_cast %add3A_1066 : i32 to index
        %get3A_1068 = arith.constant 32 : index
        %get3A_1069 = tpu.vector_load %arg12[%get3A_1067, %get3A_1068] {strides = array<i32>} : memref<768x64xf32, #tpu.memory_space<vmem>>, vector<1x16xf32>,
        %get3A_1070 = vector.shape_cast %get3A_1069 : vector<1x16xf32> to vector<16xf32>
        %mul3A_1071 = arith.constant 5.000000e-01 : f32
        %mul3A_1072 = vector.broadcast %mul3A_1071 : f32 to vector<16xf32>
        %mul3A_1073 = arith.mulf %mul3A_1072, %get3A_1070 : vector<16xf32>
        %add3A_1074 = arith.constant 500 : i32
        %add3A_1075 = arith.addi %add3A_1074, %scan3A_1006 : i32
        %get3A_1076 = arith.index_cast %add3A_1075 : i32 to index
        %get3A_1077 = arith.constant 32 : index
        %get3A_1078 = tpu.vector_load %arg12[%get3A_1076, %get3A_1077] {strides = array<i32>} : memref<768x64xf32, #tpu.memory_space<vmem>>, vector<1x16xf32>,
        %get3A_1079 = vector.shape_cast %get3A_1078 : vector<1x16xf32> to vector<16xf32>
        %add3A_1080 = arith.constant 375 : i32
        %add3A_1081 = arith.addi %add3A_1080, %scan3A_1006 : i32
        %get3A_1082 = arith.index_cast %add3A_1081 : i32 to index
        %get3A_1083 = arith.constant 32 : index
        %get3A_1084 = tpu.vector_load %arg12[%get3A_1082, %get3A_1083] {strides = array<i32>} : memref<768x64xf32, #tpu.memory_space<vmem>>, vector<1x16xf32>,
        %get3A_1085 = vector.shape_cast %get3A_1084 : vector<1x16xf32> to vector<16xf32>
        %mul3A_1086 = arith.mulf %get3A_1079, %get3A_1085 : vector<16xf32>
        %add3A_1087 = arith.addf %mul3A_1073, %mul3A_1086 : vector<16xf32>
        %add3A_1088 = arith.constant 625 : i32
        %add3A_1089 = arith.addi %add3A_1088, %scan3A_1006 : i32
        %swap3A_1090 = arith.index_cast %add3A_1089 : i32 to index
        %swap3A_1091 = arith.constant 32 : index
        %swap3A_1092 = tpu.vector_load %arg12[%swap3A_1090, %swap3A_1091] {strides = array<i32>} : memref<768x64xf32, #tpu.memory_space<vmem>>, vector<1x16xf32>,
        %swap3A_1093 = vector.shape_cast %swap3A_1092 : vector<1x16xf32> to vector<16xf32>
        %swap3A_1094 = vector.shape_cast %add3A_1087 : vector<16xf32> to vector<1x16xf32>
        tpu.vector_store %arg12[%swap3A_1090, %swap3A_1091], %swap3A_1094 {strides = array<i32>} : memref<768x64xf32, #tpu.memory_space<vmem>>, vector<1x16xf32>,
        %add3A_1095 = arith.constant 625 : i32
        %add3A_1096 = arith.addi %add3A_1095, %scan3A_1006 : i32
        %get3A_1097 = arith.index_cast %add3A_1096 : i32 to index
        %get3A_1098 = arith.constant 48 : index
        %get3A_1099 = tpu.vector_load %arg12[%get3A_1097, %get3A_1098] {strides = array<i32>} : memref<768x64xf32, #tpu.memory_space<vmem>>, vector<1x16xf32>,
        %get3A_1100 = vector.shape_cast %get3A_1099 : vector<1x16xf32> to vector<16xf32>
        %mul3A_1101 = arith.constant 5.000000e-01 : f32
        %mul3A_1102 = vector.broadcast %mul3A_1101 : f32 to vector<16xf32>
        %mul3A_1103 = arith.mulf %mul3A_1102, %get3A_1100 : vector<16xf32>
        %add3A_1104 = arith.constant 500 : i32
        %add3A_1105 = arith.addi %add3A_1104, %scan3A_1006 : i32
        %get3A_1106 = arith.index_cast %add3A_1105 : i32 to index
        %get3A_1107 = arith.constant 48 : index
        %get3A_1108 = tpu.vector_load %arg12[%get3A_1106, %get3A_1107] {strides = array<i32>} : memref<768x64xf32, #tpu.memory_space<vmem>>, vector<1x16xf32>,
        %get3A_1109 = vector.shape_cast %get3A_1108 : vector<1x16xf32> to vector<16xf32>
        %add3A_1110 = arith.constant 375 : i32
        %add3A_1111 = arith.addi %add3A_1110, %scan3A_1006 : i32
        %get3A_1112 = arith.index_cast %add3A_1111 : i32 to index
        %get3A_1113 = arith.constant 48 : index
        %get3A_1114 = tpu.vector_load %arg12[%get3A_1112, %get3A_1113] {strides = array<i32>} : memref<768x64xf32, #tpu.memory_space<vmem>>, vector<1x16xf32>,
        %get3A_1115 = vector.shape_cast %get3A_1114 : vector<1x16xf32> to vector<16xf32>
        %mul3A_1116 = arith.mulf %get3A_1109, %get3A_1115 : vector<16xf32>
        %add3A_1117 = arith.addf %mul3A_1103, %mul3A_1116 : vector<16xf32>
        %add3A_1118 = arith.constant 625 : i32
        %add3A_1119 = arith.addi %add3A_1118, %scan3A_1006 : i32
        %swap3A_1120 = arith.index_cast %add3A_1119 : i32 to index
        %swap3A_1121 = arith.constant 48 : index
        %swap3A_1122 = tpu.vector_load %arg12[%swap3A_1120, %swap3A_1121] {strides = array<i32>} : memref<768x64xf32, #tpu.memory_space<vmem>>, vector<1x16xf32>,
        %swap3A_1123 = vector.shape_cast %swap3A_1122 : vector<1x16xf32> to vector<16xf32>
        %swap3A_1124 = vector.shape_cast %add3A_1117 : vector<16xf32> to vector<1x16xf32>
        tpu.vector_store %arg12[%swap3A_1120, %swap3A_1121], %swap3A_1124 {strides = array<i32>} : memref<768x64xf32, #tpu.memory_space<vmem>>, vector<1x16xf32>,
      }
      %scan3A_823 = arith.constant 125 : i32
      %dma_start3A_824 = arith.constant 8 : i32
      %dma_start3A_825 = arith.constant 625 : i32
      %dma_start3A_826 = arith.constant 0 : i32
      %dma_start3A_827 = tpu.memref_slice %arg12[%dma_start3A_825, %dma_start3A_826] : memref<768x64xf32, #tpu.memory_space<vmem>> -> memref<125x64xf32, #tpu.memory_space<vmem>>
      %dma_start3A_828 = arith.constant 0 : i32
      %dma_start3A_829 = arith.constant 0 : i32
      %dma_start3A_830 = tpu.memref_slice %arg7[%arg0, %dma_start3A_828, %dma_start3A_829] : memref<2x10000x64xf32, #tpu.memory_space<hbm>> -> memref<1x10000x64xf32, #tpu.memory_space<hbm>>
      %dma_start3A_831 = tpu.memref_squeeze %dma_start3A_830 : memref<1x10000x64xf32, #tpu.memory_space<hbm>> -> memref<10000x64xf32, #tpu.memory_space<hbm>>
      %dma_start3A_832 = arith.constant 0 : i32
      %dma_start3A_833 = tpu.memref_slice %dma_start3A_831[%add3A_661, %dma_start3A_832] : memref<10000x64xf32, #tpu.memory_space<hbm>> -> memref<125x64xf32, #tpu.memory_space<hbm>>
      %dma_start3A_834 = tpu.memref_slice %arg14[%dma_start3A_824] : memref<9x!tpu.dma_semaphore, #tpu.memory_space<semaphore_mem>> -> memref<1x!tpu.dma_semaphore, #tpu.memory_space<semaphore_mem>>
      %dma_start3A_835 = tpu.memref_squeeze %dma_start3A_834 : memref<1x!tpu.dma_semaphore, #tpu.memory_space<semaphore_mem>> -> memref<!tpu.dma_semaphore, #tpu.memory_space<semaphore_mem>>
      %dma_start3A_836 = arith.constant 0 : i32
      %dma_start3A_837 = arith.constant 0 : i32
      %dma_start3A_838 = tpu.memref_slice %arg7[%arg0, %dma_start3A_836, %dma_start3A_837] : memref<2x10000x64xf32, #tpu.memory_space<hbm>> -> memref<1x10000x64xf32, #tpu.memory_space<hbm>>
      %dma_start3A_839 = tpu.memref_squeeze %dma_start3A_838 : memref<1x10000x64xf32, #tpu.memory_space<hbm>> -> memref<10000x64xf32, #tpu.memory_space<hbm>>
      %dma_start3A_840 = arith.constant 0 : i32
      %dma_start3A_841 = tpu.memref_slice %dma_start3A_839[%add3A_661, %dma_start3A_840] : memref<10000x64xf32, #tpu.memory_space<hbm>> -> memref<125x64xf32, #tpu.memory_space<hbm>>
      %dma_start3A_842 = arith.constant 625 : i32
      %dma_start3A_843 = arith.constant 0 : i32
      %dma_start3A_844 = tpu.memref_slice %arg12[%dma_start3A_842, %dma_start3A_843] : memref<768x64xf32, #tpu.memory_space<vmem>> -> memref<125x64xf32, #tpu.memory_space<vmem>>
      tpu.enqueue_dma source(%dma_start3A_844 : memref<125x64xf32, #tpu.memory_space<vmem>>) target(%dma_start3A_841 : memref<125x64xf32, #tpu.memory_space<hbm>>) target_semaphore(%dma_start3A_835 : memref<!tpu.dma_semaphore, #tpu.memory_space<semaphore_mem>>)
      %add3A_845 = arith.constant 500 : i32
      %add3A_846 = arith.addi %mul3A_16, %add3A_845 : i32
      %add3A_847 = arith.constant 500 : i32
      %add3A_848 = arith.addi %mul3A_16, %add3A_847 : i32
      %dma_wait3A_849 = arith.constant 0 : i32
      %dma_wait3A_850 = arith.constant 0 : i32
      %dma_wait3A_851 = arith.constant 0 : i32
      %dma_wait3A_852 = tpu.memref_slice %arg12[%dma_wait3A_850, %dma_wait3A_851] : memref<768x64xf32, #tpu.memory_space<vmem>> -> memref<125x64xf32, #tpu.memory_space<vmem>>
      %dma_wait3A_853 = arith.constant 0 : i32
      %dma_wait3A_854 = tpu.memref_slice %arg9[%add3A_848, %dma_wait3A_853] : memref<10112x64xf32, #tpu.memory_space<vmem_shared>> -> memref<125x64xf32, #tpu.memory_space<vmem_shared>>
      %dma_wait3A_855 = tpu.memref_slice %arg13[%dma_wait3A_849] : memref<6x!tpu.dma_semaphore, #tpu.memory_space<semaphore_mem>> -> memref<1x!tpu.dma_semaphore, #tpu.memory_space<semaphore_mem>>
      %dma_wait3A_856 = tpu.memref_squeeze %dma_wait3A_855 : memref<1x!tpu.dma_semaphore, #tpu.memory_space<semaphore_mem>> -> memref<!tpu.dma_semaphore, #tpu.memory_space<semaphore_mem>>
      %dma_wait3A_857 = arith.constant 0 : i32
      %dma_wait3A_858 = arith.constant 0 : i32
      %dma_wait3A_859 = tpu.memref_slice %arg12[%dma_wait3A_857, %dma_wait3A_858] : memref<768x64xf32, #tpu.memory_space<vmem>> -> memref<125x64xf32, #tpu.memory_space<vmem>>
      %dma_wait3A_860 = arith.constant 0 : i32
      %dma_wait3A_861 = tpu.memref_slice %arg9[%add3A_848, %dma_wait3A_860] : memref<10112x64xf32, #tpu.memory_space<vmem_shared>> -> memref<125x64xf32, #tpu.memory_space<vmem_shared>>
      tpu.wait_dma2 semaphore(%dma_wait3A_856 : memref<!tpu.dma_semaphore, #tpu.memory_space<semaphore_mem>>) src(%dma_wait3A_861 : memref<125x64xf32, #tpu.memory_space<vmem_shared>>) dst(%dma_wait3A_859 : memref<125x64xf32, #tpu.memory_space<vmem>>)
      %dma_wait3A_862 = arith.constant 1 : i32
      %dma_wait3A_863 = arith.constant 125 : i32
      %dma_wait3A_864 = arith.constant 0 : i32
      %dma_wait3A_865 = tpu.memref_slice %arg12[%dma_wait3A_863, %dma_wait3A_864] : memref<768x64xf32, #tpu.memory_space<vmem>> -> memref<125x64xf32, #tpu.memory_space<vmem>>
      %dma_wait3A_866 = arith.constant 0 : i32
      %dma_wait3A_867 = arith.constant 0 : i32
      %dma_wait3A_868 = tpu.memref_slice %arg8[%arg0, %dma_wait3A_866, %dma_wait3A_867] : memref<2x10000x64xf32, #tpu.memory_space<hbm>> -> memref<1x10000x64xf32, #tpu.memory_space<hbm>>
      %dma_wait3A_869 = tpu.memref_squeeze %dma_wait3A_868 : memref<1x10000x64xf32, #tpu.memory_space<hbm>> -> memref<10000x64xf32, #tpu.memory_space<hbm>>
      %dma_wait3A_870 = arith.constant 0 : i32
      %dma_wait3A_871 = tpu.memref_slice %dma_wait3A_869[%add3A_848, %dma_wait3A_870] : memref<10000x64xf32, #tpu.memory_space<hbm>> -> memref<125x64xf32, #tpu.memory_space<hbm>>
      %dma_wait3A_872 = tpu.memref_slice %arg13[%dma_wait3A_862] : memref<6x!tpu.dma_semaphore, #tpu.memory_space<semaphore_mem>> -> memref<1x!tpu.dma_semaphore, #tpu.memory_space<semaphore_mem>>
      %dma_wait3A_873 = tpu.memref_squeeze %dma_wait3A_872 : memref<1x!tpu.dma_semaphore, #tpu.memory_space<semaphore_mem>> -> memref<!tpu.dma_semaphore, #tpu.memory_space<semaphore_mem>>
      %dma_wait3A_874 = arith.constant 125 : i32
      %dma_wait3A_875 = arith.constant 0 : i32
      %dma_wait3A_876 = tpu.memref_slice %arg12[%dma_wait3A_874, %dma_wait3A_875] : memref<768x64xf32, #tpu.memory_space<vmem>> -> memref<125x64xf32, #tpu.memory_space<vmem>>
      %dma_wait3A_877 = arith.constant 0 : i32
      %dma_wait3A_878 = arith.constant 0 : i32
      %dma_wait3A_879 = tpu.memref_slice %arg8[%arg0, %dma_wait3A_877, %dma_wait3A_878] : memref<2x10000x64xf32, #tpu.memory_space<hbm>> -> memref<1x10000x64xf32, #tpu.memory_space<hbm>>
      %dma_wait3A_880 = tpu.memref_squeeze %dma_wait3A_879 : memref<1x10000x64xf32, #tpu.memory_space<hbm>> -> memref<10000x64xf32, #tpu.memory_space<hbm>>
      %dma_wait3A_881 = arith.constant 0 : i32
      %dma_wait3A_882 = tpu.memref_slice %dma_wait3A_880[%add3A_848, %dma_wait3A_881] : memref<10000x64xf32, #tpu.memory_space<hbm>> -> memref<125x64xf32, #tpu.memory_space<hbm>>
      tpu.wait_dma2 semaphore(%dma_wait3A_873 : memref<!tpu.dma_semaphore, #tpu.memory_space<semaphore_mem>>) src(%dma_wait3A_882 : memref<125x64xf32, #tpu.memory_space<hbm>>) dst(%dma_wait3A_876 : memref<125x64xf32, #tpu.memory_space<vmem>>)
      %dma_wait3A_883 = arith.constant 2 : i32
      %dma_wait3A_884 = arith.constant 250 : i32
      %dma_wait3A_885 = arith.constant 0 : i32
      %dma_wait3A_886 = tpu.memref_slice %arg12[%dma_wait3A_884, %dma_wait3A_885] : memref<768x64xf32, #tpu.memory_space<vmem>> -> memref<125x64xf32, #tpu.memory_space<vmem>>
      %dma_wait3A_887 = arith.constant 0 : i32
      %dma_wait3A_888 = arith.constant 0 : i32
      %dma_wait3A_889 = tpu.memref_slice %arg7[%arg0, %dma_wait3A_887, %dma_wait3A_888] : memref<2x10000x64xf32, #tpu.memory_space<hbm>> -> memref<1x10000x64xf32, #tpu.memory_space<hbm>>
      %dma_wait3A_890 = tpu.memref_squeeze %dma_wait3A_889 : memref<1x10000x64xf32, #tpu.memory_space<hbm>> -> memref<10000x64xf32, #tpu.memory_space<hbm>>
      %dma_wait3A_891 = arith.constant 0 : i32
      %dma_wait3A_892 = tpu.memref_slice %dma_wait3A_890[%add3A_848, %dma_wait3A_891] : memref<10000x64xf32, #tpu.memory_space<hbm>> -> memref<125x64xf32, #tpu.memory_space<hbm>>
      %dma_wait3A_893 = tpu.memref_slice %arg13[%dma_wait3A_883] : memref<6x!tpu.dma_semaphore, #tpu.memory_space<semaphore_mem>> -> memref<1x!tpu.dma_semaphore, #tpu.memory_space<semaphore_mem>>
      %dma_wait3A_894 = tpu.memref_squeeze %dma_wait3A_893 : memref<1x!tpu.dma_semaphore, #tpu.memory_space<semaphore_mem>> -> memref<!tpu.dma_semaphore, #tpu.memory_space<semaphore_mem>>
      %dma_wait3A_895 = arith.constant 250 : i32
      %dma_wait3A_896 = arith.constant 0 : i32
      %dma_wait3A_897 = tpu.memref_slice %arg12[%dma_wait3A_895, %dma_wait3A_896] : memref<768x64xf32, #tpu.memory_space<vmem>> -> memref<125x64xf32, #tpu.memory_space<vmem>>
      %dma_wait3A_898 = arith.constant 0 : i32
      %dma_wait3A_899 = arith.constant 0 : i32
      %dma_wait3A_900 = tpu.memref_slice %arg7[%arg0, %dma_wait3A_898, %dma_wait3A_899] : memref<2x10000x64xf32, #tpu.memory_space<hbm>> -> memref<1x10000x64xf32, #tpu.memory_space<hbm>>
      %dma_wait3A_901 = tpu.memref_squeeze %dma_wait3A_900 : memref<1x10000x64xf32, #tpu.memory_space<hbm>> -> memref<10000x64xf32, #tpu.memory_space<hbm>>
      %dma_wait3A_902 = arith.constant 0 : i32
      %dma_wait3A_903 = tpu.memref_slice %dma_wait3A_901[%add3A_848, %dma_wait3A_902] : memref<10000x64xf32, #tpu.memory_space<hbm>> -> memref<125x64xf32, #tpu.memory_space<hbm>>
      tpu.wait_dma2 semaphore(%dma_wait3A_894 : memref<!tpu.dma_semaphore, #tpu.memory_space<semaphore_mem>>) src(%dma_wait3A_903 : memref<125x64xf32, #tpu.memory_space<hbm>>) dst(%dma_wait3A_897 : memref<125x64xf32, #tpu.memory_space<vmem>>)
      %dma_wait3A_904 = arith.constant 6 : i32
      %dma_wait3A_905 = tpu.memref_slice %arg14[%dma_wait3A_904] : memref<9x!tpu.dma_semaphore, #tpu.memory_space<semaphore_mem>> -> memref<1x!tpu.dma_semaphore, #tpu.memory_space<semaphore_mem>>
      %dma_wait3A_906 = tpu.memref_squeeze %dma_wait3A_905 : memref<1x!tpu.dma_semaphore, #tpu.memory_space<semaphore_mem>> -> memref<!tpu.dma_semaphore, #tpu.memory_space<semaphore_mem>>
      %dma_wait3A_907 = arith.constant 0 : i32
      %dma_wait3A_908 = tpu.memref_slice %arg9[%add3A_846, %dma_wait3A_907] : memref<10112x64xf32, #tpu.memory_space<vmem_shared>> -> memref<125x64xf32, #tpu.memory_space<vmem_shared>>
      %dma_wait3A_909 = arith.constant 0 : i32
      %dma_wait3A_910 = arith.constant 0 : i32
      %dma_wait3A_911 = tpu.memref_slice %arg2[%arg0, %dma_wait3A_909, %dma_wait3A_910] : memref<2x10000x64xf32, #tpu.memory_space<hbm>> -> memref<1x10000x64xf32, #tpu.memory_space<hbm>>
      %dma_wait3A_912 = tpu.memref_squeeze %dma_wait3A_911 : memref<1x10000x64xf32, #tpu.memory_space<hbm>> -> memref<10000x64xf32, #tpu.memory_space<hbm>>
      %dma_wait3A_913 = arith.constant 0 : i32
      %dma_wait3A_914 = tpu.memref_slice %dma_wait3A_912[%add3A_846, %dma_wait3A_913] : memref<10000x64xf32, #tpu.memory_space<hbm>> -> memref<125x64xf32, #tpu.memory_space<hbm>>
      tpu.wait_dma2 semaphore(%dma_wait3A_906 : memref<!tpu.dma_semaphore, #tpu.memory_space<semaphore_mem>>) src(%dma_wait3A_914 : memref<125x64xf32, #tpu.memory_space<hbm>>) dst(%dma_wait3A_908 : memref<125x64xf32, #tpu.memory_space<vmem_shared>>)
      %dma_start3A_915 = arith.constant 6 : i32
      %dma_start3A_916 = tpu.memref_slice %arg14[%dma_start3A_915] : memref<9x!tpu.dma_semaphore, #tpu.memory_space<semaphore_mem>> -> memref<1x!tpu.dma_semaphore, #tpu.memory_space<semaphore_mem>>
      %dma_start3A_917 = tpu.memref_squeeze %dma_start3A_916 : memref<1x!tpu.dma_semaphore, #tpu.memory_space<semaphore_mem>> -> memref<!tpu.dma_semaphore, #tpu.memory_space<semaphore_mem>>
      %dma_start3A_918 = arith.constant 0 : i32
      %dma_start3A_919 = tpu.memref_slice %arg9[%add3A_846, %dma_start3A_918] : memref<10112x64xf32, #tpu.memory_space<vmem_shared>> -> memref<125x64xf32, #tpu.memory_space<vmem_shared>>
      %dma_start3A_920 = arith.constant 0 : i32
      %dma_start3A_921 = arith.constant 0 : i32
      %dma_start3A_922 = tpu.memref_slice %arg2[%arg0, %dma_start3A_920, %dma_start3A_921] : memref<2x10000x64xf32, #tpu.memory_space<hbm>> -> memref<1x10000x64xf32, #tpu.memory_space<hbm>>
      %dma_start3A_923 = tpu.memref_squeeze %dma_start3A_922 : memref<1x10000x64xf32, #tpu.memory_space<hbm>> -> memref<10000x64xf32, #tpu.memory_space<hbm>>
      %dma_start3A_924 = arith.constant 0 : i32
      %dma_start3A_925 = tpu.memref_slice %dma_start3A_923[%add3A_846, %dma_start3A_924] : memref<10000x64xf32, #tpu.memory_space<hbm>> -> memref<125x64xf32, #tpu.memory_space<hbm>>
      tpu.enqueue_dma source(%dma_start3A_925 : memref<125x64xf32, #tpu.memory_space<hbm>>) target(%dma_start3A_919 : memref<125x64xf32, #tpu.memory_space<vmem_shared>>) target_semaphore(%dma_start3A_917 : memref<!tpu.dma_semaphore, #tpu.memory_space<semaphore_mem>>)
      %scan3A_926 = arith.constant 0 : i32
      %scan3A_927 = arith.constant 125 : i32
      %scan3A_928 = arith.addi %scan3A_926, %scan3A_927 : i32
      %scan3A_929 = arith.constant 1 : i32
      scf.for %scan3A_1006 = %scan3A_926 to %scan3A_928 step %scan3A_929  : i32 {
        %add3A_1007 = arith.constant 250 : i32
        %add3A_1008 = arith.addi %add3A_1007, %scan3A_1006 : i32
        %get3A = arith.index_cast %add3A_1008 : i32 to index
        %get3A_1009 = arith.constant 0 : index
        %get3A_1010 = tpu.vector_load %arg12[%get3A, %get3A_1009] {strides = array<i32>} : memref<768x64xf32, #tpu.memory_space<vmem>>, vector<1x16xf32>,
        %get3A_1011 = vector.shape_cast %get3A_1010 : vector<1x16xf32> to vector<16xf32>
        %mul3A_1012 = arith.constant 5.000000e-01 : f32
        %mul3A_1013 = vector.broadcast %mul3A_1012 : f32 to vector<16xf32>
        %mul3A_1014 = arith.mulf %mul3A_1013, %get3A_1011 : vector<16xf32>
        %add3A_1015 = arith.constant 125 : i32
        %add3A_1016 = arith.addi %add3A_1015, %scan3A_1006 : i32
        %get3A_1017 = arith.index_cast %add3A_1016 : i32 to index
        %get3A_1018 = arith.constant 0 : index
        %get3A_1019 = tpu.vector_load %arg12[%get3A_1017, %get3A_1018] {strides = array<i32>} : memref<768x64xf32, #tpu.memory_space<vmem>>, vector<1x16xf32>,
        %get3A_1020 = vector.shape_cast %get3A_1019 : vector<1x16xf32> to vector<16xf32>
        %add3A_1021 = arith.constant 0 : i32
        %add3A_1022 = arith.addi %add3A_1021, %scan3A_1006 : i32
        %get3A_1023 = arith.index_cast %add3A_1022 : i32 to index
        %get3A_1024 = arith.constant 0 : index
        %get3A_1025 = tpu.vector_load %arg12[%get3A_1023, %get3A_1024] {strides = array<i32>} : memref<768x64xf32, #tpu.memory_space<vmem>>, vector<1x16xf32>,
        %get3A_1026 = vector.shape_cast %get3A_1025 : vector<1x16xf32> to vector<16xf32>
        %mul3A_1027 = arith.mulf %get3A_1020, %get3A_1026 : vector<16xf32>
        %add3A_1028 = arith.addf %mul3A_1014, %mul3A_1027 : vector<16xf32>
        %add3A_1029 = arith.constant 250 : i32
        %add3A_1030 = arith.addi %add3A_1029, %scan3A_1006 : i32
        %swap3A = arith.index_cast %add3A_1030 : i32 to index
        %swap3A_1031 = arith.constant 0 : index
        %swap3A_1032 = tpu.vector_load %arg12[%swap3A, %swap3A_1031] {strides = array<i32>} : memref<768x64xf32, #tpu.memory_space<vmem>>, vector<1x16xf32>,
        %swap3A_1033 = vector.shape_cast %swap3A_1032 : vector<1x16xf32> to vector<16xf32>
        %swap3A_1034 = vector.shape_cast %add3A_1028 : vector<16xf32> to vector<1x16xf32>
        tpu.vector_store %arg12[%swap3A, %swap3A_1031], %swap3A_1034 {strides = array<i32>} : memref<768x64xf32, #tpu.memory_space<vmem>>, vector<1x16xf32>,
        %add3A_1035 = arith.constant 250 : i32
        %add3A_1036 = arith.addi %add3A_1035, %scan3A_1006 : i32
        %get3A_1037 = arith.index_cast %add3A_1036 : i32 to index
        %get3A_1038 = arith.constant 16 : index
        %get3A_1039 = tpu.vector_load %arg12[%get3A_1037, %get3A_1038] {strides = array<i32>} : memref<768x64xf32, #tpu.memory_space<vmem>>, vector<1x16xf32>,
        %get3A_1040 = vector.shape_cast %get3A_1039 : vector<1x16xf32> to vector<16xf32>
        %mul3A_1041 = arith.constant 5.000000e-01 : f32
        %mul3A_1042 = vector.broadcast %mul3A_1041 : f32 to vector<16xf32>
        %mul3A_1043 = arith.mulf %mul3A_1042, %get3A_1040 : vector<16xf32>
        %add3A_1044 = arith.constant 125 : i32
        %add3A_1045 = arith.addi %add3A_1044, %scan3A_1006 : i32
        %get3A_1046 = arith.index_cast %add3A_1045 : i32 to index
        %get3A_1047 = arith.constant 16 : index
        %get3A_1048 = tpu.vector_load %arg12[%get3A_1046, %get3A_1047] {strides = array<i32>} : memref<768x64xf32, #tpu.memory_space<vmem>>, vector<1x16xf32>,
        %get3A_1049 = vector.shape_cast %get3A_1048 : vector<1x16xf32> to vector<16xf32>
        %add3A_1050 = arith.constant 0 : i32
        %add3A_1051 = arith.addi %add3A_1050, %scan3A_1006 : i32
        %get3A_1052 = arith.index_cast %add3A_1051 : i32 to index
        %get3A_1053 = arith.constant 16 : index
        %get3A_1054 = tpu.vector_load %arg12[%get3A_1052, %get3A_1053] {strides = array<i32>} : memref<768x64xf32, #tpu.memory_space<vmem>>, vector<1x16xf32>,
        %get3A_1055 = vector.shape_cast %get3A_1054 : vector<1x16xf32> to vector<16xf32>
        %mul3A_1056 = arith.mulf %get3A_1049, %get3A_1055 : vector<16xf32>
        %add3A_1057 = arith.addf %mul3A_1043, %mul3A_1056 : vector<16xf32>
        %add3A_1058 = arith.constant 250 : i32
        %add3A_1059 = arith.addi %add3A_1058, %scan3A_1006 : i32
        %swap3A_1060 = arith.index_cast %add3A_1059 : i32 to index
        %swap3A_1061 = arith.constant 16 : index
        %swap3A_1062 = tpu.vector_load %arg12[%swap3A_1060, %swap3A_1061] {strides = array<i32>} : memref<768x64xf32, #tpu.memory_space<vmem>>, vector<1x16xf32>,
        %swap3A_1063 = vector.shape_cast %swap3A_1062 : vector<1x16xf32> to vector<16xf32>
        %swap3A_1064 = vector.shape_cast %add3A_1057 : vector<16xf32> to vector<1x16xf32>
        tpu.vector_store %arg12[%swap3A_1060, %swap3A_1061], %swap3A_1064 {strides = array<i32>} : memref<768x64xf32, #tpu.memory_space<vmem>>, vector<1x16xf32>,
        %add3A_1065 = arith.constant 250 : i32
        %add3A_1066 = arith.addi %add3A_1065, %scan3A_1006 : i32
        %get3A_1067 = arith.index_cast %add3A_1066 : i32 to index
        %get3A_1068 = arith.constant 32 : index
        %get3A_1069 = tpu.vector_load %arg12[%get3A_1067, %get3A_1068] {strides = array<i32>} : memref<768x64xf32, #tpu.memory_space<vmem>>, vector<1x16xf32>,
        %get3A_1070 = vector.shape_cast %get3A_1069 : vector<1x16xf32> to vector<16xf32>
        %mul3A_1071 = arith.constant 5.000000e-01 : f32
        %mul3A_1072 = vector.broadcast %mul3A_1071 : f32 to vector<16xf32>
        %mul3A_1073 = arith.mulf %mul3A_1072, %get3A_1070 : vector<16xf32>
        %add3A_1074 = arith.constant 125 : i32
        %add3A_1075 = arith.addi %add3A_1074, %scan3A_1006 : i32
        %get3A_1076 = arith.index_cast %add3A_1075 : i32 to index
        %get3A_1077 = arith.constant 32 : index
        %get3A_1078 = tpu.vector_load %arg12[%get3A_1076, %get3A_1077] {strides = array<i32>} : memref<768x64xf32, #tpu.memory_space<vmem>>, vector<1x16xf32>,
        %get3A_1079 = vector.shape_cast %get3A_1078 : vector<1x16xf32> to vector<16xf32>
        %add3A_1080 = arith.constant 0 : i32
        %add3A_1081 = arith.addi %add3A_1080, %scan3A_1006 : i32
        %get3A_1082 = arith.index_cast %add3A_1081 : i32 to index
        %get3A_1083 = arith.constant 32 : index
        %get3A_1084 = tpu.vector_load %arg12[%get3A_1082, %get3A_1083] {strides = array<i32>} : memref<768x64xf32, #tpu.memory_space<vmem>>, vector<1x16xf32>,
        %get3A_1085 = vector.shape_cast %get3A_1084 : vector<1x16xf32> to vector<16xf32>
        %mul3A_1086 = arith.mulf %get3A_1079, %get3A_1085 : vector<16xf32>
        %add3A_1087 = arith.addf %mul3A_1073, %mul3A_1086 : vector<16xf32>
        %add3A_1088 = arith.constant 250 : i32
        %add3A_1089 = arith.addi %add3A_1088, %scan3A_1006 : i32
        %swap3A_1090 = arith.index_cast %add3A_1089 : i32 to index
        %swap3A_1091 = arith.constant 32 : index
        %swap3A_1092 = tpu.vector_load %arg12[%swap3A_1090, %swap3A_1091] {strides = array<i32>} : memref<768x64xf32, #tpu.memory_space<vmem>>, vector<1x16xf32>,
        %swap3A_1093 = vector.shape_cast %swap3A_1092 : vector<1x16xf32> to vector<16xf32>
        %swap3A_1094 = vector.shape_cast %add3A_1087 : vector<16xf32> to vector<1x16xf32>
        tpu.vector_store %arg12[%swap3A_1090, %swap3A_1091], %swap3A_1094 {strides = array<i32>} : memref<768x64xf32, #tpu.memory_space<vmem>>, vector<1x16xf32>,
        %add3A_1095 = arith.constant 250 : i32
        %add3A_1096 = arith.addi %add3A_1095, %scan3A_1006 : i32
        %get3A_1097 = arith.index_cast %add3A_1096 : i32 to index
        %get3A_1098 = arith.constant 48 : index
        %get3A_1099 = tpu.vector_load %arg12[%get3A_1097, %get3A_1098] {strides = array<i32>} : memref<768x64xf32, #tpu.memory_space<vmem>>, vector<1x16xf32>,
        %get3A_1100 = vector.shape_cast %get3A_1099 : vector<1x16xf32> to vector<16xf32>
        %mul3A_1101 = arith.constant 5.000000e-01 : f32
        %mul3A_1102 = vector.broadcast %mul3A_1101 : f32 to vector<16xf32>
        %mul3A_1103 = arith.mulf %mul3A_1102, %get3A_1100 : vector<16xf32>
        %add3A_1104 = arith.constant 125 : i32
        %add3A_1105 = arith.addi %add3A_1104, %scan3A_1006 : i32
        %get3A_1106 = arith.index_cast %add3A_1105 : i32 to index
        %get3A_1107 = arith.constant 48 : index
        %get3A_1108 = tpu.vector_load %arg12[%get3A_1106, %get3A_1107] {strides = array<i32>} : memref<768x64xf32, #tpu.memory_space<vmem>>, vector<1x16xf32>,
        %get3A_1109 = vector.shape_cast %get3A_1108 : vector<1x16xf32> to vector<16xf32>
        %add3A_1110 = arith.constant 0 : i32
        %add3A_1111 = arith.addi %add3A_1110, %scan3A_1006 : i32
        %get3A_1112 = arith.index_cast %add3A_1111 : i32 to index
        %get3A_1113 = arith.constant 48 : index
        %get3A_1114 = tpu.vector_load %arg12[%get3A_1112, %get3A_1113] {strides = array<i32>} : memref<768x64xf32, #tpu.memory_space<vmem>>, vector<1x16xf32>,
        %get3A_1115 = vector.shape_cast %get3A_1114 : vector<1x16xf32> to vector<16xf32>
        %mul3A_1116 = arith.mulf %get3A_1109, %get3A_1115 : vector<16xf32>
        %add3A_1117 = arith.addf %mul3A_1103, %mul3A_1116 : vector<16xf32>
        %add3A_1118 = arith.constant 250 : i32
        %add3A_1119 = arith.addi %add3A_1118, %scan3A_1006 : i32
        %swap3A_1120 = arith.index_cast %add3A_1119 : i32 to index
        %swap3A_1121 = arith.constant 48 : index
        %swap3A_1122 = tpu.vector_load %arg12[%swap3A_1120, %swap3A_1121] {strides = array<i32>} : memref<768x64xf32, #tpu.memory_space<vmem>>, vector<1x16xf32>,
        %swap3A_1123 = vector.shape_cast %swap3A_1122 : vector<1x16xf32> to vector<16xf32>
        %swap3A_1124 = vector.shape_cast %add3A_1117 : vector<16xf32> to vector<1x16xf32>
        tpu.vector_store %arg12[%swap3A_1120, %swap3A_1121], %swap3A_1124 {strides = array<i32>} : memref<768x64xf32, #tpu.memory_space<vmem>>, vector<1x16xf32>,
      }
      %scan3A_930 = arith.constant 125 : i32
      %dma_start3A_931 = arith.constant 7 : i32
      %dma_start3A_932 = arith.constant 250 : i32
      %dma_start3A_933 = arith.constant 0 : i32
      %dma_start3A_934 = tpu.memref_slice %arg12[%dma_start3A_932, %dma_start3A_933] : memref<768x64xf32, #tpu.memory_space<vmem>> -> memref<125x64xf32, #tpu.memory_space<vmem>>
      %dma_start3A_935 = arith.constant 0 : i32
      %dma_start3A_936 = arith.constant 0 : i32
      %dma_start3A_937 = tpu.memref_slice %arg7[%arg0, %dma_start3A_935, %dma_start3A_936] : memref<2x10000x64xf32, #tpu.memory_space<hbm>> -> memref<1x10000x64xf32, #tpu.memory_space<hbm>>
      %dma_start3A_938 = tpu.memref_squeeze %dma_start3A_937 : memref<1x10000x64xf32, #tpu.memory_space<hbm>> -> memref<10000x64xf32, #tpu.memory_space<hbm>>
      %dma_start3A_939 = arith.constant 0 : i32
      %dma_start3A_940 = tpu.memref_slice %dma_start3A_938[%add3A_846, %dma_start3A_939] : memref<10000x64xf32, #tpu.memory_space<hbm>> -> memref<125x64xf32, #tpu.memory_space<hbm>>
      %dma_start3A_941 = tpu.memref_slice %arg14[%dma_start3A_931] : memref<9x!tpu.dma_semaphore, #tpu.memory_space<semaphore_mem>> -> memref<1x!tpu.dma_semaphore, #tpu.memory_space<semaphore_mem>>
      %dma_start3A_942 = tpu.memref_squeeze %dma_start3A_941 : memref<1x!tpu.dma_semaphore, #tpu.memory_space<semaphore_mem>> -> memref<!tpu.dma_semaphore, #tpu.memory_space<semaphore_mem>>
      %dma_start3A_943 = arith.constant 0 : i32
      %dma_start3A_944 = arith.constant 0 : i32
      %dma_start3A_945 = tpu.memref_slice %arg7[%arg0, %dma_start3A_943, %dma_start3A_944] : memref<2x10000x64xf32, #tpu.memory_space<hbm>> -> memref<1x10000x64xf32, #tpu.memory_space<hbm>>
      %dma_start3A_946 = tpu.memref_squeeze %dma_start3A_945 : memref<1x10000x64xf32, #tpu.memory_space<hbm>> -> memref<10000x64xf32, #tpu.memory_space<hbm>>
      %dma_start3A_947 = arith.constant 0 : i32
      %dma_start3A_948 = tpu.memref_slice %dma_start3A_946[%add3A_846, %dma_start3A_947] : memref<10000x64xf32, #tpu.memory_space<hbm>> -> memref<125x64xf32, #tpu.memory_space<hbm>>
      %dma_start3A_949 = arith.constant 250 : i32
      %dma_start3A_950 = arith.constant 0 : i32
      %dma_start3A_951 = tpu.memref_slice %arg12[%dma_start3A_949, %dma_start3A_950] : memref<768x64xf32, #tpu.memory_space<vmem>> -> memref<125x64xf32, #tpu.memory_space<vmem>>
      tpu.enqueue_dma source(%dma_start3A_951 : memref<125x64xf32, #tpu.memory_space<vmem>>) target(%dma_start3A_948 : memref<125x64xf32, #tpu.memory_space<hbm>>) target_semaphore(%dma_start3A_942 : memref<!tpu.dma_semaphore, #tpu.memory_space<semaphore_mem>>)
      %dma_wait3A_952 = arith.constant 7 : i32
      %dma_wait3A_953 = arith.constant 250 : i32
      %dma_wait3A_954 = arith.constant 0 : i32
      %dma_wait3A_955 = tpu.memref_slice %arg12[%dma_wait3A_953, %dma_wait3A_954] : memref<768x64xf32, #tpu.memory_space<vmem>> -> memref<125x64xf32, #tpu.memory_space<vmem>>
      %dma_wait3A_956 = arith.constant 0 : i32
      %dma_wait3A_957 = arith.constant 0 : i32
      %dma_wait3A_958 = tpu.memref_slice %arg7[%arg0, %dma_wait3A_956, %dma_wait3A_957] : memref<2x10000x64xf32, #tpu.memory_space<hbm>> -> memref<1x10000x64xf32, #tpu.memory_space<hbm>>
      %dma_wait3A_959 = tpu.memref_squeeze %dma_wait3A_958 : memref<1x10000x64xf32, #tpu.memory_space<hbm>> -> memref<10000x64xf32, #tpu.memory_space<hbm>>
      %dma_wait3A_960 = arith.constant 0 : i32
      %dma_wait3A_961 = tpu.memref_slice %dma_wait3A_959[%mul3A_16, %dma_wait3A_960] : memref<10000x64xf32, #tpu.memory_space<hbm>> -> memref<125x64xf32, #tpu.memory_space<hbm>>
      %dma_wait3A_962 = tpu.memref_slice %arg14[%dma_wait3A_952] : memref<9x!tpu.dma_semaphore, #tpu.memory_space<semaphore_mem>> -> memref<1x!tpu.dma_semaphore, #tpu.memory_space<semaphore_mem>>
      %dma_wait3A_963 = tpu.memref_squeeze %dma_wait3A_962 : memref<1x!tpu.dma_semaphore, #tpu.memory_space<semaphore_mem>> -> memref<!tpu.dma_semaphore, #tpu.memory_space<semaphore_mem>>
      %dma_wait3A_964 = arith.constant 0 : i32
      %dma_wait3A_965 = arith.constant 0 : i32
      %dma_wait3A_966 = tpu.memref_slice %arg7[%arg0, %dma_wait3A_964, %dma_wait3A_965] : memref<2x10000x64xf32, #tpu.memory_space<hbm>> -> memref<1x10000x64xf32, #tpu.memory_space<hbm>>
      %dma_wait3A_967 = tpu.memref_squeeze %dma_wait3A_966 : memref<1x10000x64xf32, #tpu.memory_space<hbm>> -> memref<10000x64xf32, #tpu.memory_space<hbm>>
      %dma_wait3A_968 = arith.constant 0 : i32
      %dma_wait3A_969 = tpu.memref_slice %dma_wait3A_967[%mul3A_16, %dma_wait3A_968] : memref<10000x64xf32, #tpu.memory_space<hbm>> -> memref<125x64xf32, #tpu.memory_space<hbm>>
      %dma_wait3A_970 = arith.constant 250 : i32
      %dma_wait3A_971 = arith.constant 0 : i32
      %dma_wait3A_972 = tpu.memref_slice %arg12[%dma_wait3A_970, %dma_wait3A_971] : memref<768x64xf32, #tpu.memory_space<vmem>> -> memref<125x64xf32, #tpu.memory_space<vmem>>
      tpu.wait_dma2 semaphore(%dma_wait3A_963 : memref<!tpu.dma_semaphore, #tpu.memory_space<semaphore_mem>>) src(%dma_wait3A_972 : memref<125x64xf32, #tpu.memory_space<vmem>>) dst(%dma_wait3A_969 : memref<125x64xf32, #tpu.memory_space<hbm>>)
      %dma_wait3A_973 = arith.constant 8 : i32
      %dma_wait3A_974 = arith.constant 625 : i32
      %dma_wait3A_975 = arith.constant 0 : i32
      %dma_wait3A_976 = tpu.memref_slice %arg12[%dma_wait3A_974, %dma_wait3A_975] : memref<768x64xf32, #tpu.memory_space<vmem>> -> memref<125x64xf32, #tpu.memory_space<vmem>>
      %dma_wait3A_977 = arith.constant 0 : i32
      %dma_wait3A_978 = arith.constant 0 : i32
      %dma_wait3A_979 = tpu.memref_slice %arg7[%arg0, %dma_wait3A_977, %dma_wait3A_978] : memref<2x10000x64xf32, #tpu.memory_space<hbm>> -> memref<1x10000x64xf32, #tpu.memory_space<hbm>>
      %dma_wait3A_980 = tpu.memref_squeeze %dma_wait3A_979 : memref<1x10000x64xf32, #tpu.memory_space<hbm>> -> memref<10000x64xf32, #tpu.memory_space<hbm>>
      %dma_wait3A_981 = arith.constant 0 : i32
      %dma_wait3A_982 = tpu.memref_slice %dma_wait3A_980[%mul3A_16, %dma_wait3A_981] : memref<10000x64xf32, #tpu.memory_space<hbm>> -> memref<125x64xf32, #tpu.memory_space<hbm>>
      %dma_wait3A_983 = tpu.memref_slice %arg14[%dma_wait3A_973] : memref<9x!tpu.dma_semaphore, #tpu.memory_space<semaphore_mem>> -> memref<1x!tpu.dma_semaphore, #tpu.memory_space<semaphore_mem>>
      %dma_wait3A_984 = tpu.memref_squeeze %dma_wait3A_983 : memref<1x!tpu.dma_semaphore, #tpu.memory_space<semaphore_mem>> -> memref<!tpu.dma_semaphore, #tpu.memory_space<semaphore_mem>>
      %dma_wait3A_985 = arith.constant 0 : i32
      %dma_wait3A_986 = arith.constant 0 : i32
      %dma_wait3A_987 = tpu.memref_slice %arg7[%arg0, %dma_wait3A_985, %dma_wait3A_986] : memref<2x10000x64xf32, #tpu.memory_space<hbm>> -> memref<1x10000x64xf32, #tpu.memory_space<hbm>>
      %dma_wait3A_988 = tpu.memref_squeeze %dma_wait3A_987 : memref<1x10000x64xf32, #tpu.memory_space<hbm>> -> memref<10000x64xf32, #tpu.memory_space<hbm>>
      %dma_wait3A_989 = arith.constant 0 : i32
      %dma_wait3A_990 = tpu.memref_slice %dma_wait3A_988[%mul3A_16, %dma_wait3A_989] : memref<10000x64xf32, #tpu.memory_space<hbm>> -> memref<125x64xf32, #tpu.memory_space<hbm>>
      %dma_wait3A_991 = arith.constant 625 : i32
      %dma_wait3A_992 = arith.constant 0 : i32
      %dma_wait3A_993 = tpu.memref_slice %arg12[%dma_wait3A_991, %dma_wait3A_992] : memref<768x64xf32, #tpu.memory_space<vmem>> -> memref<125x64xf32, #tpu.memory_space<vmem>>
      tpu.wait_dma2 semaphore(%dma_wait3A_984 : memref<!tpu.dma_semaphore, #tpu.memory_space<semaphore_mem>>) src(%dma_wait3A_993 : memref<125x64xf32, #tpu.memory_space<vmem>>) dst(%dma_wait3A_990 : memref<125x64xf32, #tpu.memory_space<hbm>>)
      %dma_wait3A_994 = arith.constant 6 : i32
      %dma_wait3A_995 = tpu.memref_slice %arg14[%dma_wait3A_994] : memref<9x!tpu.dma_semaphore, #tpu.memory_space<semaphore_mem>> -> memref<1x!tpu.dma_semaphore, #tpu.memory_space<semaphore_mem>>
      %dma_wait3A_996 = tpu.memref_squeeze %dma_wait3A_995 : memref<1x!tpu.dma_semaphore, #tpu.memory_space<semaphore_mem>> -> memref<!tpu.dma_semaphore, #tpu.memory_space<semaphore_mem>>
      %dma_wait3A_997 = arith.constant 0 : i32
      %dma_wait3A_998 = tpu.memref_slice %arg9[%mul3A_16, %dma_wait3A_997] : memref<10112x64xf32, #tpu.memory_space<vmem_shared>> -> memref<125x64xf32, #tpu.memory_space<vmem_shared>>
      %dma_wait3A_999 = arith.constant 0 : i32
      %dma_wait3A_1000 = arith.constant 0 : i32
      %dma_wait3A_1001 = tpu.memref_slice %arg2[%arg0, %dma_wait3A_999, %dma_wait3A_1000] : memref<2x10000x64xf32, #tpu.memory_space<hbm>> -> memref<1x10000x64xf32, #tpu.memory_space<hbm>>
      %dma_wait3A_1002 = tpu.memref_squeeze %dma_wait3A_1001 : memref<1x10000x64xf32, #tpu.memory_space<hbm>> -> memref<10000x64xf32, #tpu.memory_space<hbm>>
      %dma_wait3A_1003 = arith.constant 0 : i32
      %dma_wait3A_1004 = tpu.memref_slice %dma_wait3A_1002[%mul3A_16, %dma_wait3A_1003] : memref<10000x64xf32, #tpu.memory_space<hbm>> -> memref<125x64xf32, #tpu.memory_space<hbm>>
      tpu.wait_dma2 semaphore(%dma_wait3A_996 : memref<!tpu.dma_semaphore, #tpu.memory_space<semaphore_mem>>) src(%dma_wait3A_1004 : memref<125x64xf32, #tpu.memory_space<hbm>>) dst(%dma_wait3A_998 : memref<125x64xf32, #tpu.memory_space<vmem_shared>>)
      %barrier3A_1005 = arith.constant 0 : index
      tpu.barrier barrier_id(%barrier3A_1005)
    }
    %scan3A_57 = arith.constant 16 : i32
    return
  }
}

</mosaic_0001>

<sc_bundles>
// kernel: kernel.3.cloned.1.call-start
scs
__scs_entry_jumppad:
0x0: {  	(pc) =	sbr.rel $0x88, $3  }
0x1: {  	(tag) =	ssettag $0x0;
	lr =	simm.s32 $0x1  }
0x2: {  	[smem:$0x3F9F] =	sst lr;
	_ =	strace $0xD0000000  }
0x3: {  	_ = 	snop  }
0x4: {  	_ = 	snop  }
0x5: {  	_ = 	snop  }
0x6: {  	_ = 	snop  }
0x7: {  	_ = 	snop  }
__scs_overlays_trampoline_lowered:
0x8: {  	[smem:$0x3FAE] =	sst s0  }
0x9: {  	[smem:$0x3FAF] =	sst s1  }
0xa: {  	[smem:$0x3FB0] =	sst s2  }
0xb: {  	[smem:$0x3FB1] =	sst s3  }
0xc: {  	[smem:$0x3FB2] =	sst s4  }
0xd: {  	[smem:$0x3FB3] =	sst s5  }
0xe: {  	[smem:$0x3FB4] =	sst s6  }
0xf: {  	[smem:$0x3FB5] =	sst s7  }
0x10: {  	[smem:$0x3FB6] =	sst s8  }
0x11: {  	[smem:$0x3FB7] =	sst s9;
	s0 =	simm.s32 @!p0 $0x0  }
0x12: {  	s1 =	sld [smem:$0x3F9D];
	s0 =	simm.s32 @p0 $0x1  }
0x13: {  	[smem:$0x3FB8] =	sst s0;
	s0 =	simm.s32 @!p1 $0x0  }
0x14: {  	s2 =	sld [smem:$0x3F9C];
	s0 =	simm.s32 @p1 $0x1  }
0x15: {  	[smem:$0x3FB9] =	sst s0;
	s0 =	simm.s32 @!p2 $0x0  }
0x16: {  	s3 =	sld [smem:$0x3FDB];
	s0 =	simm.s32 @p2 $0x1  }
0x17: {  	s4 =	simm.s32 $0x1BF5;
	[smem:$0x3FBB] =	sst s0  }
0x18: {  	s0 =	sld [smem:$0x3F9E];
	_ =	swait.ge [sflag:s4], $0x0  }
0x19: {  	s7 =	sld [smem:$0x3F9F]  }
0x1a: {  	s8 =	sadd.s32 $0xFFFFE003, lr  }
0x1b: {  	s9 =	sadd.s32 $0xFFFFFEF7, lr;
	s5 =	simm.s32 $0xFFFFFFFF;
	p2 =	slt.u32 s8, $0xFFFFF086  }
0x1c: {  	p1 =	slt.u32 s9, $0xF7A;
	s5 =	simm.s32 @!p2 $0x0  }
0x1d: {  	s5 =	simm.s32 @p1 $0x1;
	p0 =	seq.s32 s7, s2  }
0x1e: {  	s7 =	smul.u32 @!p0 $0xF7A, s2;
	p2 =	seq.s32 @!p0 s5, $0x0  }
0x1f: {  	s9 =	smul.u32 $0xF7A, s1;
	s8 =	simm.s32 @!p0 $0x1BF5;
	p2 =	por !p2, p0  }
0x20: {  	[sflag:s8] =	ssyncset.s32 @!p0 $0xFFFFF086;
	s6 =	sadd.s32 @!p0 s3, s7;
	s7 =	simm.s32 @!p0 $0x108  }
0x21: {  	s3 =	sadd.s32 s3, s9;
	s6 =	sadd.s32 @!p0 $0x88, s6;
	s7 =	simm.s32 @p2 $0x1082  }
0x22: {  	[simem:s7], [sflag:s8] =	dma.local @!p0 [hbm:s6], $0xF7A  }
0x23: {  	s9 =	sor.u32 $0xD0000000, s2;
	s6 =	simm.s32 $0x108;
	_ =	swait.ge @!p0 [sflag:s8], $0x0  }
0x24: {  	s3 =	sadd.s32 $0x88, s3;
	s6 =	simm.s32 @!p1 $0x1082;
	[sflag:s4] =	ssyncset.s32 $0xFFFFF086  }
0x25: {  	[simem:s6], [sflag:s4] =	dma.local [hbm:s3], $0xF7A  }
0x26: {  	[smem:$0x3F9F] =	sst s1;
	(tag) =	ssettag s2;
	_ =	strace s9  }
0x27: {  	s1 =	sld [smem:$0x3FAF]  }
0x28: {  	s2 =	sld [smem:$0x3FB0]  }
0x29: {  	s4 =	sld [smem:$0x3FB2]  }
0x2a: {  	p0 =	seq.s32 s5, $0x0;
	s5 =	sld [smem:$0x3FB3]  }
0x2b: {  	s6 =	sld [smem:$0x3FB4]  }
0x2c: {  	s7 =	sld [smem:$0x3FB5]  }
0x2d: {  	s3 =	simm.s32 $0x108;
	s8 =	sld [smem:$0x3FB6]  }
0x2e: {  	s3 =	simm.s32 @!p0 $0x1082;
	s9 =	sld [smem:$0x3FB7]  }
0x2f: {  	lr =	sadd.s32 s0, s3;
	s0 =	sld [smem:$0x3FAE]  }
0x30: {  	s3 =	sld [smem:$0x3FB1]  }
0x31: {  	[smem:$0x3FBA] =	sst s10  }
0x32: {  	s10 =	sld [smem:$0x3FB8];
	_ =	sdelay $0x3  }
0x33: {  	p0 =	seq.s32 s10, $0x1;
	s10 =	sld [smem:$0x3FBA];
	_ =	sdelay $0x3  }
0x34: {  	[smem:$0x3FBA] =	sst s10  }
0x35: {  	s10 =	sld [smem:$0x3FB9];
	_ =	sdelay $0x3  }
0x36: {  	p1 =	seq.s32 s10, $0x1;
	s10 =	sld [smem:$0x3FBA];
	_ =	sdelay $0x3  }
0x37: {  	[smem:$0x3FBA] =	sst s10  }
0x38: {  	s10 =	sld [smem:$0x3FBB]  }
0x39: {  	_ = 	snop;
	(pc) =	sbr.ind lr, $3  }
0x3a: {  	_ = 	snop  }
0x3b: {  	_ = 	snop  }
0x3c: {  	p2 =	seq.s32 s10, $0x1;
	s10 =	sld [smem:$0x3FBA]  }
0x3d: {  	_ =	shalt  }
0x3e: {  	_ =	shalt  }
0x3f: {  	_ =	shalt  }
0x40: {  	_ =	shalt  }
0x41: {  	_ =	shalt  }
0x42: {  	_ =	shalt  }
0x43: {  	_ =	shalt  }
0x44: {  	_ =	shalt  }
0x45: {  	_ =	shalt  }
0x46: {  	_ =	shalt  }
0x47: {  	_ =	shalt  }
0x48: {  	_ =	shalt  }
0x49: {  	_ =	shalt  }
0x4a: {  	_ =	shalt  }
0x4b: {  	_ =	shalt  }
0x4c: {  	_ =	shalt  }
0x4d: {  	_ =	shalt  }
0x4e: {  	_ =	shalt  }
0x4f: {  	_ =	shalt  }
0x50: {  	_ =	shalt  }
0x51: {  	_ =	shalt  }
0x52: {  	_ =	shalt  }
0x53: {  	_ =	shalt  }
0x54: {  	_ =	shalt  }
0x55: {  	_ =	shalt  }
0x56: {  	_ =	shalt  }
0x57: {  	_ =	shalt  }
0x58: {  	_ =	shalt  }
0x59: {  	_ =	shalt  }
0x5a: {  	_ =	shalt  }
0x5b: {  	_ =	shalt  }
0x5c: {  	_ =	shalt  }
0x5d: {  	_ =	shalt  }
0x5e: {  	_ =	shalt  }
0x5f: {  	_ =	shalt  }
0x60: {  	_ =	shalt  }
0x61: {  	_ =	shalt  }
0x62: {  	_ =	shalt  }
0x63: {  	_ =	shalt  }
0x64: {  	_ =	shalt  }
0x65: {  	_ =	shalt  }
0x66: {  	_ =	shalt  }
0x67: {  	_ =	shalt  }
0x68: {  	_ =	shalt  }
0x69: {  	_ =	shalt  }
0x6a: {  	_ =	shalt  }
0x6b: {  	_ =	shalt  }
0x6c: {  	_ =	shalt  }
0x6d: {  	_ =	shalt  }
0x6e: {  	_ =	shalt  }
0x6f: {  	_ =	shalt  }
0x70: {  	_ =	shalt  }
0x71: {  	_ =	shalt  }
0x72: {  	_ =	shalt  }
0x73: {  	_ =	shalt  }
0x74: {  	_ =	shalt  }
0x75: {  	_ =	shalt  }
0x76: {  	_ =	shalt  }
0x77: {  	_ =	shalt  }
0x78: {  	_ =	shalt  }
0x79: {  	_ =	shalt  }
0x7a: {  	_ =	shalt  }
0x7b: {  	_ =	shalt  }
0x7c: {  	_ =	shalt  }
0x7d: {  	_ =	shalt  }
0x7e: {  	_ =	shalt  }
0x7f: {  	_ =	shalt  }
0x80: {  	_ =	shalt  }
0x81: {  	_ =	shalt  }
0x82: {  	_ =	shalt  }
0x83: {  	_ =	shalt  }
0x84: {  	_ =	shalt  }
0x85: {  	_ =	shalt  }
0x86: {  	_ =	shalt  }
0x87: {  	_ =	shalt  }
.Lfunc_end0:
.L_simem_size_0:
called_computation_lowered:
.L_overlay_start_0:
0x88: {  	s2 =	sld [smem:$0x3FD9]  }
0x89: {  	s3 =	sld [smem:$0x3FFE];
	_ =	sdelay $0x1  }
0x8a: {  	s1 =	srdreg.scid  }
0x8b: {  	s0 =	sand.u32 $0x1, s1  }
0x8c: {  	s17 =	sshll.u32 s0, $0xA;
	s2 =	sadd.s32 s3, s2  }
0x8d: {  	s2 =	sadd.s32 s2, s17  }
0x8e: {  	[smem:$0x3FC6] =	sst s2  }
0x8f: {  	_ = 	snop  }
0x90: {  	s2 =	sld [smem:$0x3FD0];
	(tm) =	ssettm $0x1  }
0x91: {  	s18 =	sld [smem:$0x3FFB];
	_ =	sdelay $0x3  }
0x92: {  	_ =	strace s18  }
0x93: {  	s3 =	sld [smem:$0x3FFC];
	_ =	sdelay $0x3  }
0x94: {  	_ =	strace s3  }
0x95: {  	s3 =	sld [smem:$0x3FFD];
	_ =	sdelay $0x3  }
0x96: {  	_ =	strace s3  }
0x97: {  	_ =	strace $0x8FFFFFFF  }
0x98: {  	s19 =	sld [smem:$0x3FDB];
	_ =	sdelay $0x1  }
0x99: {  	s4 =	simm.s32 $_scs_section_size  }
0x9a: {  	s5 =	simm.s32 $_size__tile_overlayer_lowered;
	s6 =	simm.s32 $_tile_overlayer_lowered  }
0x9b: {  	s22 =	simm.s32 $0x1BFF;
	s21 =	sshll.u32 s6, $0x1;
	s3 =	sadd.s32 s4, s19  }
0x9c: {  	s7 =	simm.s32 $0x0;
	s20 =	sshll.u32 s5, $0x1;
	s5 =	sadd.s32 s21, s3  }
0x9d: {  	[timem:s7], [sflag:s22] =	dma.local [hbm:s5], s20  }
0x9e: {  	_ =	swait.ge [sflag:s22], s20  }
0x9f: {  	s4 =	ssub.s32 $0x0, s20;
	[sflag:s22] =	ssyncset.done $0x0  }
0xa0: {  	[sflag:s22] =	ssyncadd.s32 s4;
	_ =	sdelay $0x1  }
0xa1: {  	s23 =	simm.s32 $0x1B8B  }
0xa2: {  	_ =	swait.ge [sflag:s23], $0x1  }
0xa3: {  	[sflag:s23] =	ssyncset.done $0x0  }
0xa4: {  	s25 =	simm.s32 $0x1B8E;
	s24 =	sld [smem:$0x3FFE];
	[sflag:s23] =	ssyncadd.s32 $0xFFFFFFFF  }
0xa5: {  	s26 =	simm.s32 $execute0_lowered;
	[smem:$0x3FD2] =	sst s25  }
0xa6: {  	s5 =	sshll.u32 s26, $0x1;
	_ =	strace $0x80000046;
	[dreg:$0x1] =	wrdreg $0xFFFFFFFF  }
0xa7: {  	s28 =	simm.s32 $_size_execute0_lowered;
	s3 =	sadd.s32 s3, s5;
	[dreg:$0x0] =	wrdreg $0x0  }
0xa8: {  	s5 =	sshll.u32 s28, $0x1;
	[dreg:$0x2] =	wrdreg s3  }
0xa9: {  	[dreg:$0x3] =	wrdreg s5  }
0xaa: {  	[dreg:$0x4] =	wrdreg $0xC0  }
0xab: {  	_ =	task [dreg:s7], $0x5FFFF  }
0xac: {  	[dreg:$0x1] =	wrdreg $0xFFFFFFFF  }
0xad: {  	[dreg:$0x0] =	wrdreg $0x60  }
0xae: {  	[dreg:$0x2] =	wrdreg s2  }
0xaf: {  	[dreg:$0x3] =	wrdreg s24  }
0xb0: {  	[dreg:$0x4] =	wrdreg $0x0  }
0xb1: {  	[dreg:$0x5] =	wrdreg $0x9  }
0xb2: {  	_ =	task.clear_ibuf [dreg:s7], $0x6FFFF;
	_ =	strace $0x90000046  }
0xb3: {  	s29 =	simm.s32 $0x9;
	_ =	strace $0x80000048  }
0xb4: {  	_ =	swait.ge [sflag:s29], $0x1  }
0xb5: {  	[sflag:s29] =	ssyncadd.s32 $0xFFFFFFFF  }
0xb6: {  	_ =	strace $0x90000048  }
0xb7: {  	_ =	sfence  }
0xb8: {  	s30 =	sld [smem:$0x0];
	_ =	sdelay $0x2  }
0xb9: {  	s31 =	sshll.u32 s1, $0xD;
	s1 =	sshrl.u32 s1, $0x2  }
0xba: {  	s3 =	sand.u32 $0x4000, s31;
	s1 =	sadd.s32 s1, s30  }
0xbb: {  	s0 =	sor.u32 s3, s0;
	s1 =	sshll.u32 s1, $0x11  }
0xbc: {  	s0 =	sor.u32 s1, s0  }
0xbd: {  	s0 =	sadd.s32 $0x8F2B, s0  }
0xbe: {  	[sflag:s0] =	ssyncadd.remote.s32 $0x1  }
0xbf: {  	_ =	sfence.sel $0xFFFF  }
0xc0: {  	[dreg:$0x0] =	wrdreg $0xFFFFFFFF;
	(pc) =	sbr.abs _section_cstart, $3  }
0xc1: {  	[dreg:$0x1] =	wrdreg $0xFFFFFFFF  }
0xc2: {  	_ =	task.clear_ibuf [dreg:s7], $0x2FFFF;
	_ =	strace $0x9FFFFFFF  }
0xc3: {  	(tm) =	ssettm $0x7FFFFFFF  }
tec
execute0_lowered:
.L_overlay_start_1:
0x0: {  	(tag) =	ssettag $0x1  }
0x1: {  	s0 =	rddreg [dreg:$0x0]  }
0x2: {  	s1 =	rddreg [dreg:$0x1]  }
0x3: {  	s2 =	rddreg [dreg:$0x2]  }
0x4: {  	s3 =	simm.s32 $0x0;
	s9 =	stileid.u32;
	s4 =	srdreg.scid  }
0x5: {  	s31 =	simm.s32 $0x13E00;
	s30 =	simm.s32 $0x7;
	s28 =	simm.s32 $0xD  }
0x6: {  	[smem:$0x7FF] =	sst s3;
	s5 =	smul.u32 $0xA00, s9;
	s4 =	sand.u32 $0x1, s4  }
0x7: {  	s7 =	smul.u32 $0x27800, s9;
	s8 =	sadd.s32 $0x14A00, s1;
	s20 =	sadd.s32 $0x14600, s1  }
0x8: {  	s23 =	smul.u32 $0x9C40, s9;
	_ =	strace $0x80000047;
	[dreg:$0x4] =	wrdreg s8  }
0x9: {  	s6 =	smul.u32 $0x13880, s4;
	s4 =	ssub.s32 $0x2, s4;
	[dreg:$0x5] =	wrdreg s20  }
0xa: {  	s8 =	simm.s32 $0x0;
	s5 =	sadd.s32 s5, s1;
	s21 =	sshrl.u32 s4, $0x1  }
0xb: {  	s7 =	sshrl.u32 s7, $0x2;
	s11 =	sadd.s32 s23, s2;
	s26 =	sshrl.u32 s23, $0x3  }
0xc: {  	s14 =	sadd.s32 $0x3E80, s23;
	s16 =	sadd.s32 $0x5DC0, s23;
	s18 =	sadd.s32 $0x7D00, s23  }
0xd: {  	s1 =	sadd.s32 s6, s1;
	s4 =	ssub.s32 s4, s21;
	[dreg:$0x9] =	wrdreg s11  }
0xe: {  	s22 =	sadd.s32 $0xA600, s5;
	s10 =	sadd.s32 s7, s2;
	[dreg:$0xb] =	wrdreg s26  }
0xf: {  	s5 =	sadd.s32 $0x600, s5;
	s29 =	sadd.s32 s0, s6;
	[dreg:$0x6] =	wrdreg s22  }
0x10: {  	s11 =	sadd.s32 $0x1F40, s23;
	s15 =	sadd.s32 s14, s2;
	[dreg:$0x8] =	wrdreg s5  }
0x11: {  	s17 =	sadd.s32 s16, s2;
	s19 =	sadd.s32 s18, s2;
	[dreg:$0xf] =	wrdreg s15  }
0x12: {  	s21 =	sshrl.u32 s18, $0x3;
	s18 =	simm.s32 $0x10;
	[dreg:$0x11] =	wrdreg s17  }
0x13: {  	s6 =	simm.s32 $0xA;
	s7 =	simm.s32 $0x19E00;
	[dreg:$0x13] =	wrdreg s19  }
0x14: {  	s24 =	sadd.s32 $0x2000, s10;
	s25 =	sadd.s32 $0x4000, s10;
	[dreg:$0x14] =	wrdreg s21  }
0x15: {  	s9 =	sadd.s32 $0x6000, s10;
	s20 =	sadd.s32 $0x14E00, s1;
	[dreg:$0x7] =	wrdreg s10  }
0x16: {  	s13 =	sadd.s32 $0x3C000, s1;
	s12 =	sadd.s32 s11, s2;
	[dreg:$0xc] =	wrdreg s29  }
0x17: {  	s0 =	sshrl.u32 s11, $0x3;
	s1 =	sshrl.u32 s14, $0x3;
	[dreg:$0xd] =	wrdreg s12  }
0x18: {  	s22 =	smax.u32 s4, $0x1;
	s4 =	simm.s32 $0x9;
	[dreg:$0xe] =	wrdreg s0  }
0x19: {  	s17 =	simm.s32 $0x17C80;
	s19 =	simm.s32 $0x1DA40;
	[dreg:$0x10] =	wrdreg s1  }
0x1a: {  	s21 =	simm.s32 $0x6;
	s11 =	simm.s32 $0xF;
	[dreg:$0x15] =	wrdreg s22  }
0x1b: {  	s0 =	sshrl.u32 s16, $0x3;
	s23 =	sshrl.u32 s24, $0x3;
	[dreg:$0xa] =	wrdreg s20  }
0x1c: {  	s24 =	sadd.s32 $0x8000, s10;
	s25 =	sshrl.u32 s25, $0x3;
	[dreg:$0x12] =	wrdreg s0  }
0x1d: {  	s26 =	sshrl.u32 s9, $0x3;
	s1 =	simm.s32 $0x8;
	[dreg:$0x16] =	wrdreg s23  }
0x1e: {  	s22 =	simm.s32 $0x100;
	s10 =	simm.s32 $0x3;
	[dreg:$0x17] =	wrdreg s25  }
0x1f: {  	s12 =	simm.s32 $0xE;
	[dreg:$0x18] =	wrdreg s26;
	s0 =	sshrl.u32 s24, $0x3  }
0x20: {  	s23 =	simm.s32 $0x17E00;
	s24 =	simm.s32 $0x1;
	s25 =	simm.s32 $0x15E00  }
0x21: {  	s26 =	simm.s32 $0x2;
	[dreg:$0x19] =	wrdreg s0;
	s0 =	simm.s32 $0x80  }
.LBB2_1:
0x22: {  	[dreg:$0x1a] =	wrdreg s8  }
0x23: {  	s5 =	rddreg [dreg:$0x6];
	s14 =	simm.s32 $0x9E00  }
0x24: {  	[tilespmem:s14], [sflag:$0x10] =	stream.linear.gather [hbm4b:s5+s3], $0x5000, $0x38;
	[tilespmem:$0x1FE00] =	vst v63  }
0x25: {  	_ =	swait.ge [sflag:s18], $0x5000  }
0x26: {  	[sflag:s18] =	ssyncset.done $0x0  }
0x27: {  	s16 =	simm.s32 $0xEE00;
	s15 =	rddreg [dreg:$0x8];
	[sflag:s18] =	ssyncadd.s32 $0xFFFFB000  }
0x28: {  	[tilespmem:s16], [sflag:$0x10] =	stream.linear.gather [hbm4b:s15+s3], $0x5000, $0x38;
	[tilespmem:$0x1FE00] =	vst v63  }
0x29: {  	_ =	swait.ge [sflag:s18], $0x5000  }
0x2a: {  	s14 =	stileid.u32;
	[sflag:s18] =	ssyncset.done $0x0  }
0x2b: {  	s5 =	sshll.u32 s14, $0x6;
	s9 =	rddreg [dreg:$0x4];
	[sflag:s18] =	ssyncadd.s32 $0xFFFFB000  }
0x2c: {  	[tilespmem:s31], [sflag:$0x10] =	stream.linear.gather [hbm4b:s9+s3], $0x2000, $0x38;
	[tilespmem:$0x1FE00] =	vst v63  }
0x2d: {  	_ =	swait.ge [sflag:s18], $0x2000;
	[dreg:$0x1b] =	wrdreg s5  }
0x2e: {  	s8 =	sor.u32 $0x1C10, s5;
	[sflag:s18] =	ssyncset.done $0x0;
	s15 =	rddreg [dreg:$0x7]  }
0x2f: {  	s5 =	rddreg [dreg:$0x5];
	[sflag:s18] =	ssyncadd.s32 $0xFFFFE000;
	s9 =	sshrl.u32 s15, $0x3  }
0x30: {  	[spmem:s9], [sflag:s8] =	dma.local [hbm:s5], $0x400  }
0x31: {  	_ =	swait.ge [sflag:s18], $0x400  }
0x32: {  	[sflag:s18] =	ssyncset.done $0x0  }
0x33: {  	s16 =	rddreg [dreg:$0x16];
	[sflag:s18] =	ssyncadd.s32 $0xFFFFFC00  }
0x34: {  	[spmem:s16], [sflag:s8] =	dma.local [hbm:s5], $0x400  }
0x35: {  	_ =	swait.ge [sflag:s18], $0x400  }
0x36: {  	[sflag:s18] =	ssyncset.done $0x0  }
0x37: {  	s14 =	rddreg [dreg:$0x17];
	[sflag:s18] =	ssyncadd.s32 $0xFFFFFC00  }
0x38: {  	[spmem:s14], [sflag:s8] =	dma.local [hbm:s5], $0x400  }
0x39: {  	_ =	swait.ge [sflag:s18], $0x400  }
0x3a: {  	[sflag:s18] =	ssyncset.done $0x0  }
0x3b: {  	s15 =	rddreg [dreg:$0x18];
	[sflag:s18] =	ssyncadd.s32 $0xFFFFFC00  }
0x3c: {  	[spmem:s15], [sflag:s8] =	dma.local [hbm:s5], $0x400  }
0x3d: {  	_ =	swait.ge [sflag:s18], $0x400  }
0x3e: {  	[sflag:s18] =	ssyncset.done $0x0  }
0x3f: {  	s16 =	rddreg [dreg:$0x19];
	[sflag:s18] =	ssyncadd.s32 $0xFFFFFC00  }
0x40: {  	[spmem:s16], [sflag:s8] =	dma.local [hbm:s5], $0x3C0  }
0x41: {  	_ =	swait.ge [sflag:s18], $0x3C0  }
0x42: {  	[sflag:s18] =	ssyncset.done $0x0  }
0x43: {  	[sflag:s18] =	ssyncadd.s32 $0xFFFFFC40  }
0x44: {  	s9 =	simm.s32 $0xEE00;
	[bflag:$0x0] =	sbarrier.arrive $0xFFFF  }
0x45: {  	[spmem:s2] =	stream.indirect.scatter.add.f32 [tilespmem:s31], [sflag:$0x7], $0x40, s9, s0, $0xb8;
	[tilespmem:$0x1FE00] =	vst v63  }
0x46: {  	s14 =	simm.s32 $0xEE80  }
0x47: {  	[spmem:s2] =	stream.indirect.scatter.add.f32 [tilespmem:s31], [sflag:$0x8], $0x40, s14, s0, $0xb8;
	[tilespmem:$0x1FE00] =	vst v63  }
0x48: {  	s15 =	simm.s32 $0xEF00  }
0x49: {  	[spmem:s2] =	stream.indirect.scatter.add.f32 [tilespmem:s31], [sflag:$0x9], $0x40, s15, s0, $0xb8;
	[tilespmem:$0x1FE00] =	vst v63  }
0x4a: {  	s16 =	simm.s32 $0xEF80  }
0x4b: {  	[spmem:s2] =	stream.indirect.scatter.add.f32 [tilespmem:s31], [sflag:$0xA], $0x40, s16, s0, $0xb8;
	[tilespmem:$0x1FE00] =	vst v63  }
0x4c: {  	_ =	swait.ge [sflag:s30], $0x2000  }
0x4d: {  	[sflag:s30] =	ssyncset.done $0x0  }
0x4e: {  	[sflag:s30] =	ssyncadd.s32 $0xFFFFE000  }
0x4f: {  	_ =	swait.ge [sflag:s1], $0x2000  }
0x50: {  	[sflag:s1] =	ssyncset.done $0x0  }
0x51: {  	[sflag:s1] =	ssyncadd.s32 $0xFFFFE000  }
0x52: {  	_ =	swait.ge [sflag:s4], $0x2000  }
0x53: {  	[sflag:s4] =	ssyncset.done $0x0  }
0x54: {  	[sflag:s4] =	ssyncadd.s32 $0xFFFFE000  }
0x55: {  	_ =	swait.ge [sflag:s6], $0x2000  }
0x56: {  	s8 =	simm.s32 $0x200;
	s9 =	simm.s32 $0x1000;
	[sflag:s6] =	ssyncset.done $0x0  }
.LBB2_2:
0x57: {  	s14 =	sadd.s32 $0xEE00, s8  }
0x58: {  	[sflag:s6] =	ssyncadd.s32 $0xFFFFE000;
	s15 =	smov.u32 s9;
	s16 =	sadd.s32 $0x800, s9  }
0x59: {  	[spmem:s2] =	stream.indirect.scatter.add.f32 [tilespmem:s31], [sflag:$0x7], $0x40, s14, s0, $0xb8;
	[tilespmem:$0x1FE00] =	vst v63  }
0x5a: {  	p0 =	sne.s32 s9, $0x13800;
	s9 =	sadd.s32 $0xEE80, s8  }
0x5b: {  	[spmem:s2] =	stream.indirect.scatter.add.f32 [tilespmem:s31], [sflag:$0x8], $0x40, s9, s0, $0xb8;
	[tilespmem:$0x1FE00] =	vst v63  }
0x5c: {  	s9 =	sadd.s32 $0xEF00, s8  }
0x5d: {  	[spmem:s2] =	stream.indirect.scatter.add.f32 [tilespmem:s31], [sflag:$0x9], $0x40, s9, s0, $0xb8;
	[tilespmem:$0x1FE00] =	vst v63  }
0x5e: {  	s8 =	sadd.s32 $0xEF80, s8  }
0x5f: {  	[spmem:s2] =	stream.indirect.scatter.add.f32 [tilespmem:s31], [sflag:$0xA], $0x40, s8, s0, $0xb8;
	[tilespmem:$0x1FE00] =	vst v63  }
0x60: {  	_ =	swait.ge [sflag:s30], $0x2000  }
0x61: {  	[sflag:s30] =	ssyncset.done $0x0  }
0x62: {  	[sflag:s30] =	ssyncadd.s32 $0xFFFFE000  }
0x63: {  	_ =	swait.ge [sflag:s1], $0x2000  }
0x64: {  	[sflag:s1] =	ssyncset.done $0x0  }
0x65: {  	[sflag:s1] =	ssyncadd.s32 $0xFFFFE000  }
.Ltmp0:
0x66: {  	_ =	swait.ge [sflag:s4], $0x2000;
	(pc) =	sbr.rel @p0 .LBB2_2-.Ltmp0, $4  }
0x67: {  	[sflag:s4] =	ssyncset.done $0x0  }
0x68: {  	[sflag:s4] =	ssyncadd.s32 $0xFFFFE000  }
0x69: {  	_ =	swait.ge [sflag:s6], $0x2000  }
0x6a: {  	s9 =	smov.u32 s16;
	s8 =	sshra.s32 s15, $0x2;
	[sflag:s6] =	ssyncset.done $0x0  }
0x6b: {  	s9 =	sadd.s32 $0xEE00, s8;
	[sflag:s6] =	ssyncadd.s32 $0xFFFFE000  }
0x6c: {  	[spmem:s2] =	stream.indirect.scatter.add.f32 [tilespmem:s31], [sflag:$0x7], $0x40, s9, s0, $0xb8;
	[tilespmem:$0x1FE00] =	vst v63  }
0x6d: {  	s14 =	sadd.s32 $0xEE80, s8  }
0x6e: {  	[spmem:s2] =	stream.indirect.scatter.add.f32 [tilespmem:s31], [sflag:$0x8], $0x40, s14, s0, $0xb8;
	[tilespmem:$0x1FE00] =	vst v63  }
0x6f: {  	s15 =	sadd.s32 $0xEF00, s8  }
0x70: {  	[spmem:s2] =	stream.indirect.scatter.add.f32 [tilespmem:s31], [sflag:$0x9], $0x40, s15, s0, $0xb8;
	[tilespmem:$0x1FE00] =	vst v63  }
0x71: {  	s16 =	sadd.s32 $0xEF80, s8  }
0x72: {  	[spmem:s2] =	stream.indirect.scatter.add.f32 [tilespmem:s31], [sflag:$0xA], $0x40, s16, s0, $0xb8;
	[tilespmem:$0x1FE00] =	vst v63  }
0x73: {  	_ =	swait.ge [sflag:s30], $0x2000  }
0x74: {  	[sflag:s30] =	ssyncset.done $0x0  }
0x75: {  	[sflag:s30] =	ssyncadd.s32 $0xFFFFE000  }
0x76: {  	_ =	swait.ge [sflag:s1], $0x2000  }
0x77: {  	[sflag:s1] =	ssyncset.done $0x0  }
0x78: {  	[sflag:s1] =	ssyncadd.s32 $0xFFFFE000  }
0x79: {  	_ =	swait.ge [sflag:s4], $0x2000  }
0x7a: {  	[sflag:s4] =	ssyncset.done $0x0  }
0x7b: {  	[sflag:s4] =	ssyncadd.s32 $0xFFFFE000  }
0x7c: {  	_ =	swait.ge [sflag:s6], $0x2000  }
0x7d: {  	[sflag:s6] =	ssyncset.done $0x0  }
0x7e: {  	[sflag:s6] =	ssyncadd.s32 $0xFFFFE000  }
0x7f: {  	[bflag:$0x0] =	sbarrier.arrive $0xFFFF  }
0x80: {  	s5 =	rddreg [dreg:$0x9]  }
0x81: {  	[tilespmem:s31], [sflag:$0x10] =	stream.linear.gather [spmem:s5], $0x1F40, $0x38;
	[tilespmem:$0x1FE00] =	vst v63  }
0x82: {  	_ =	swait.ge [sflag:s18], $0x1F40  }
0x83: {  	[sflag:s18] =	ssyncset.done $0x0  }
0x84: {  	s8 =	simm.s32 $0x0;
	[sflag:s18] =	ssyncadd.s32 $0xFFFFE0C0  }
0x85: {  	v0 =	vld [tilespmem:s8+$0x13E00]  }
0x86: {  	v1 =	vld [tilespmem:s8+$0x13E10]  }
0x87: {  	s9 =	simm.s32 $0x100;
	v2 =	vld [tilespmem:s8+$0x13E20]  }
.LBB2_4:
0x88: {  	p0 =	sne.s32 s9, $0x7C00;
	v3 =	vld [tilespmem:s8+$0x13E30];
	_ =	sdelay $0x1  }
0x89: {  	v0 =	vadd.f32 $1.000000000e+00, v0  }
0x8a: {  	v1 =	vadd.f32 $1.000000000e+00, v1  }
0x8b: {  	v2 =	vadd.f32 $1.000000000e+00, v2;
	(erf) = vrcp.f32 v0  }
0x8c: {  	v0 =	vadd.f32 $1.000000000e+00, v3;
	(erf) = vrcp.f32 v1  }
0x8d: {  	(erf) = vrcp.f32 v2  }
0x8e: {  	(erf) = vrcp.f32 v0;
	_ =	sdelay $0x5  }
0x8f: {  	v0 =	vpop (erf)  }
0x90: {  	v0 =	vmul.f32 $5.000000000e-01, v0;
	v1 =	vpop (erf)  }
.Ltmp1:
0x91: {  	v1 =	vmul.f32 $5.000000000e-01, v1;
	v2 =	vpop (erf);
	(pc) =	sbr.rel @p0 .LBB2_4-.Ltmp1, $4  }
0x92: {  	s14 =	sshra.s32 s9, $0x2;
	[tilespmem:s8+$0x13E00] =	vst v0;
	v2 =	vmul.f32 $5.000000000e-01, v2;
	v3 =	vpop (erf)  }
0x93: {  	v0 =	vld [tilespmem:s14+$0x13E00];
	[tilespmem:s8+$0x13E10] =	vst v1;
	v3 =	vmul.f32 $5.000000000e-01, v3  }
0x94: {  	v1 =	vld [tilespmem:s14+$0x13E10];
	[tilespmem:s8+$0x13E20] =	vst v2  }
0x95: {  	s9 =	sadd.s32 $0x100, s9;
	v2 =	vld [tilespmem:s14+$0x13E20];
	[tilespmem:s8+$0x13E30] =	vst v3;
	s8 =	smov.u32 s14  }
0x96: {  	v3 =	vld [tilespmem:s8+$0x13E30];
	_ =	sdelay $0x1  }
0x97: {  	v0 =	vadd.f32 $1.000000000e+00, v0  }
0x98: {  	v1 =	vadd.f32 $1.000000000e+00, v1  }
0x99: {  	v2 =	vadd.f32 $1.000000000e+00, v2;
	(erf) = vrcp.f32 v0  }
0x9a: {  	v0 =	vadd.f32 $1.000000000e+00, v3;
	(erf) = vrcp.f32 v1  }
0x9b: {  	(erf) = vrcp.f32 v2  }
0x9c: {  	(erf) = vrcp.f32 v0;
	_ =	sdelay $0x5  }
0x9d: {  	v0 =	vpop (erf)  }
0x9e: {  	v0 =	vmul.f32 $5.000000000e-01, v0;
	v1 =	vpop (erf)  }
0x9f: {  	v1 =	vmul.f32 $5.000000000e-01, v1;
	v2 =	vpop (erf)  }
0xa0: {  	[tilespmem:s8+$0x13E00] =	vst v0;
	v0 =	vmul.f32 $5.000000000e-01, v2;
	v2 =	vpop (erf)  }
0xa1: {  	s5 =	rddreg [dreg:$0xb];
	[tilespmem:s8+$0x13E10] =	vst v1;
	v1 =	vmul.f32 $5.000000000e-01, v2  }
0xa2: {  	s9 =	sadd.s32 s5, s20;
	[tilespmem:s8+$0x13E20] =	vst v0  }
0xa3: {  	s15 =	simm.s32 $0x0;
	[dreg:$0x1c] =	wrdreg s9;
	[tilespmem:s8+$0x13E30] =	vst v1  }
0xa4: {  	[hbm4b:s9+s15] =	stream.linear.scatter [tilespmem:s31], [sflag:$0x10], $0x1F40, $0x38;
	[tilespmem:$0x1FE00] =	vst v63  }
0xa5: {  	_ =	swait.ge [sflag:s18], $0x1F40  }
0xa6: {  	s14 =	sadd.s32 s5, s29;
	[sflag:s18] =	ssyncset.done $0x0  }
0xa7: {  	s16 =	simm.s32 $0x15D40;
	[dreg:$0x1d] =	wrdreg s14;
	[sflag:s18] =	ssyncadd.s32 $0xFFFFE0C0  }
0xa8: {  	[tilespmem:s16], [sflag:$0x10] =	stream.linear.gather [hbm4b:s14+s15], $0x1F40, $0x38;
	[tilespmem:$0x1FE00] =	vst v63  }
0xa9: {  	_ =	swait.ge [sflag:s18], $0x1F40  }
0xaa: {  	s5 =	sadd.s32 s5, s13;
	[sflag:s18] =	ssyncset.done $0x0  }
0xab: {  	[dreg:$0x1e] =	wrdreg s5;
	[sflag:s18] =	ssyncadd.s32 $0xFFFFE0C0  }
0xac: {  	[hbm4b:s5+s15] =	stream.linear.scatter [tilespmem:s16], [sflag:$0x10], $0x1F40, $0x38;
	[tilespmem:$0x1FE00] =	vst v63  }
0xad: {  	_ =	swait.ge [sflag:s18], $0x1F40  }
0xae: {  	[sflag:s18] =	ssyncset.done $0x0  }
0xaf: {  	s15 =	rddreg [dreg:$0x9];
	[sflag:s18] =	ssyncadd.s32 $0xFFFFE0C0  }
0xb0: {  	[spmem:s15] =	stream.linear.scatter [tilespmem:s16], [sflag:$0x10], $0x1F40, $0x38;
	[tilespmem:$0x1FE00] =	vst v63  }
0xb1: {  	_ =	swait.ge [sflag:s18], $0x1F40  }
0xb2: {  	[sflag:s18] =	ssyncset.done $0x0  }
0xb3: {  	s16 =	rddreg [dreg:$0xd];
	[sflag:s18] =	ssyncadd.s32 $0xFFFFE0C0  }
0xb4: {  	[tilespmem:s31], [sflag:$0x10] =	stream.linear.gather [spmem:s16], $0x1F40, $0x38;
	[tilespmem:$0x1FE00] =	vst v63  }
0xb5: {  	_ =	swait.ge [sflag:s18], $0x1F40  }
0xb6: {  	[sflag:s18] =	ssyncset.done $0x0  }
0xb7: {  	s8 =	simm.s32 $0x0;
	[sflag:s18] =	ssyncadd.s32 $0xFFFFE0C0  }
0xb8: {  	v0 =	vld [tilespmem:s8+$0x13E00]  }
0xb9: {  	v1 =	vld [tilespmem:s8+$0x13E10]  }
0xba: {  	s9 =	simm.s32 $0x100;
	v2 =	vld [tilespmem:s8+$0x13E20]  }
.LBB2_6:
0xbb: {  	p0 =	sne.s32 s9, $0x7C00;
	v3 =	vld [tilespmem:s8+$0x13E30];
	_ =	sdelay $0x1  }
0xbc: {  	v0 =	vadd.f32 $1.000000000e+00, v0  }
0xbd: {  	v1 =	vadd.f32 $1.000000000e+00, v1  }
0xbe: {  	v2 =	vadd.f32 $1.000000000e+00, v2;
	(erf) = vrcp.f32 v0  }
0xbf: {  	v0 =	vadd.f32 $1.000000000e+00, v3;
	(erf) = vrcp.f32 v1  }
0xc0: {  	(erf) = vrcp.f32 v2  }
0xc1: {  	(erf) = vrcp.f32 v0;
	_ =	sdelay $0x5  }
0xc2: {  	v0 =	vpop (erf)  }
0xc3: {  	v0 =	vmul.f32 $5.000000000e-01, v0;
	v1 =	vpop (erf)  }
.Ltmp2:
0xc4: {  	v1 =	vmul.f32 $5.000000000e-01, v1;
	v2 =	vpop (erf);
	(pc) =	sbr.rel @p0 .LBB2_6-.Ltmp2, $4  }
0xc5: {  	s14 =	sshra.s32 s9, $0x2;
	[tilespmem:s8+$0x13E00] =	vst v0;
	v2 =	vmul.f32 $5.000000000e-01, v2;
	v3 =	vpop (erf)  }
0xc6: {  	v0 =	vld [tilespmem:s14+$0x13E00];
	[tilespmem:s8+$0x13E10] =	vst v1;
	v3 =	vmul.f32 $5.000000000e-01, v3  }
0xc7: {  	v1 =	vld [tilespmem:s14+$0x13E10];
	[tilespmem:s8+$0x13E20] =	vst v2  }
0xc8: {  	s9 =	sadd.s32 $0x100, s9;
	v2 =	vld [tilespmem:s14+$0x13E20];
	[tilespmem:s8+$0x13E30] =	vst v3;
	s8 =	smov.u32 s14  }
0xc9: {  	v3 =	vld [tilespmem:s8+$0x13E30];
	_ =	sdelay $0x1  }
0xca: {  	v0 =	vadd.f32 $1.000000000e+00, v0  }
0xcb: {  	v1 =	vadd.f32 $1.000000000e+00, v1  }
0xcc: {  	v2 =	vadd.f32 $1.000000000e+00, v2;
	(erf) = vrcp.f32 v0  }
0xcd: {  	v0 =	vadd.f32 $1.000000000e+00, v3;
	(erf) = vrcp.f32 v1  }
0xce: {  	(erf) = vrcp.f32 v2  }
0xcf: {  	(erf) = vrcp.f32 v0;
	_ =	sdelay $0x5  }
0xd0: {  	v0 =	vpop (erf)  }
0xd1: {  	v0 =	vmul.f32 $5.000000000e-01, v0;
	v1 =	vpop (erf)  }
0xd2: {  	v1 =	vmul.f32 $5.000000000e-01, v1;
	v2 =	vpop (erf)  }
0xd3: {  	[tilespmem:s8+$0x13E00] =	vst v0;
	v0 =	vmul.f32 $5.000000000e-01, v2;
	v2 =	vpop (erf)  }
0xd4: {  	s5 =	rddreg [dreg:$0xe];
	[tilespmem:s8+$0x13E10] =	vst v1;
	v1 =	vmul.f32 $5.000000000e-01, v2  }
0xd5: {  	s15 =	sadd.s32 s5, s20;
	[tilespmem:s8+$0x13E20] =	vst v0  }
0xd6: {  	s9 =	simm.s32 $0x0;
	[dreg:$0x1f] =	wrdreg s15;
	[tilespmem:s8+$0x13E30] =	vst v1  }
0xd7: {  	[hbm4b:s15+s9] =	stream.linear.scatter [tilespmem:s31], [sflag:$0x10], $0x1F40, $0x38;
	[tilespmem:$0x1FE00] =	vst v63  }
0xd8: {  	_ =	swait.ge [sflag:s18], $0x1F40  }
0xd9: {  	s14 =	sadd.s32 s5, s29;
	[sflag:s18] =	ssyncset.done $0x0  }
0xda: {  	s16 =	simm.s32 $0x15D40;
	[smem:$0x7FC] =	sst s14;
	[sflag:s18] =	ssyncadd.s32 $0xFFFFE0C0  }
0xdb: {  	[tilespmem:s16], [sflag:$0x10] =	stream.linear.gather [hbm4b:s14+s9], $0x1F40, $0x38;
	[tilespmem:$0x1FE00] =	vst v63  }
0xdc: {  	_ =	swait.ge [sflag:s18], $0x1F40  }
0xdd: {  	s5 =	sadd.s32 s5, s13;
	[sflag:s18] =	ssyncset.done $0x0  }
0xde: {  	[smem:$0x7FD] =	sst s5;
	[sflag:s18] =	ssyncadd.s32 $0xFFFFE0C0  }
0xdf: {  	[hbm4b:s5+s9] =	stream.linear.scatter [tilespmem:s16], [sflag:$0x10], $0x1F40, $0x38;
	[tilespmem:$0x1FE00] =	vst v63  }
0xe0: {  	_ =	swait.ge [sflag:s18], $0x1F40  }
0xe1: {  	[sflag:s18] =	ssyncset.done $0x0  }
0xe2: {  	s15 =	rddreg [dreg:$0xd];
	[sflag:s18] =	ssyncadd.s32 $0xFFFFE0C0  }
0xe3: {  	[spmem:s15] =	stream.linear.scatter [tilespmem:s16], [sflag:$0x10], $0x1F40, $0x38;
	[tilespmem:$0x1FE00] =	vst v63  }
0xe4: {  	_ =	swait.ge [sflag:s18], $0x1F40  }
0xe5: {  	[sflag:s18] =	ssyncset.done $0x0  }
0xe6: {  	s16 =	rddreg [dreg:$0xf];
	[sflag:s18] =	ssyncadd.s32 $0xFFFFE0C0  }
0xe7: {  	[tilespmem:s31], [sflag:$0x10] =	stream.linear.gather [spmem:s16], $0x1F40, $0x38;
	[tilespmem:$0x1FE00] =	vst v63  }
0xe8: {  	_ =	swait.ge [sflag:s18], $0x1F40  }
0xe9: {  	[sflag:s18] =	ssyncset.done $0x0  }
0xea: {  	s9 =	simm.s32 $0x0;
	[sflag:s18] =	ssyncadd.s32 $0xFFFFE0C0  }
0xeb: {  	v0 =	vld [tilespmem:s9+$0x13E00]  }
0xec: {  	v1 =	vld [tilespmem:s9+$0x13E10]  }
0xed: {  	s14 =	simm.s32 $0x100;
	v2 =	vld [tilespmem:s9+$0x13E20]  }
.LBB2_8:
0xee: {  	p0 =	sne.s32 s14, $0x7C00;
	v3 =	vld [tilespmem:s9+$0x13E30];
	_ =	sdelay $0x1  }
0xef: {  	v0 =	vadd.f32 $1.000000000e+00, v0  }
0xf0: {  	v1 =	vadd.f32 $1.000000000e+00, v1  }
0xf1: {  	v2 =	vadd.f32 $1.000000000e+00, v2;
	(erf) = vrcp.f32 v0  }
0xf2: {  	v0 =	vadd.f32 $1.000000000e+00, v3;
	(erf) = vrcp.f32 v1  }
0xf3: {  	(erf) = vrcp.f32 v2  }
0xf4: {  	(erf) = vrcp.f32 v0;
	_ =	sdelay $0x5  }
0xf5: {  	v0 =	vpop (erf)  }
0xf6: {  	v0 =	vmul.f32 $5.000000000e-01, v0;
	v1 =	vpop (erf)  }
.Ltmp3:
0xf7: {  	v1 =	vmul.f32 $5.000000000e-01, v1;
	v2 =	vpop (erf);
	(pc) =	sbr.rel @p0 .LBB2_8-.Ltmp3, $4  }
0xf8: {  	s15 =	sshra.s32 s14, $0x2;
	[tilespmem:s9+$0x13E00] =	vst v0;
	v2 =	vmul.f32 $5.000000000e-01, v2;
	v3 =	vpop (erf)  }
0xf9: {  	v0 =	vld [tilespmem:s15+$0x13E00];
	[tilespmem:s9+$0x13E10] =	vst v1;
	v3 =	vmul.f32 $5.000000000e-01, v3  }
0xfa: {  	v1 =	vld [tilespmem:s15+$0x13E10];
	[tilespmem:s9+$0x13E20] =	vst v2  }
0xfb: {  	s14 =	sadd.s32 $0x100, s14;
	v2 =	vld [tilespmem:s15+$0x13E20];
	[tilespmem:s9+$0x13E30] =	vst v3;
	s9 =	smov.u32 s15  }
0xfc: {  	v3 =	vld [tilespmem:s9+$0x13E30];
	_ =	sdelay $0x1  }
0xfd: {  	v0 =	vadd.f32 $1.000000000e+00, v0  }
0xfe: {  	v1 =	vadd.f32 $1.000000000e+00, v1  }
0xff: {  	v2 =	vadd.f32 $1.000000000e+00, v2;
	(erf) = vrcp.f32 v0  }
0x100: {  	v0 =	vadd.f32 $1.000000000e+00, v3;
	(erf) = vrcp.f32 v1  }
0x101: {  	(erf) = vrcp.f32 v2  }
0x102: {  	(erf) = vrcp.f32 v0;
	_ =	sdelay $0x5  }
0x103: {  	v0 =	vpop (erf)  }
0x104: {  	v0 =	vmul.f32 $5.000000000e-01, v0;
	v1 =	vpop (erf)  }
0x105: {  	v1 =	vmul.f32 $5.000000000e-01, v1;
	v2 =	vpop (erf)  }
0x106: {  	[tilespmem:s9+$0x13E00] =	vst v0;
	v0 =	vmul.f32 $5.000000000e-01, v2;
	v2 =	vpop (erf)  }
0x107: {  	s5 =	rddreg [dreg:$0x10];
	[tilespmem:s9+$0x13E10] =	vst v1;
	v1 =	vmul.f32 $5.000000000e-01, v2  }
0x108: {  	s8 =	sadd.s32 s5, s20;
	[tilespmem:s9+$0x13E20] =	vst v0  }
0x109: {  	s14 =	simm.s32 $0x0;
	[smem:$0x7FA] =	sst s8;
	[tilespmem:s9+$0x13E30] =	vst v1  }
0x10a: {  	[hbm4b:s8+s14] =	stream.linear.scatter [tilespmem:s31], [sflag:$0x10], $0x1F40, $0x38;
	[tilespmem:$0x1FE00] =	vst v63  }
0x10b: {  	_ =	swait.ge [sflag:s18], $0x1F40  }
0x10c: {  	s15 =	sadd.s32 s5, s29;
	[sflag:s18] =	ssyncset.done $0x0  }
0x10d: {  	s16 =	simm.s32 $0x15D40;
	[smem:$0x7FB] =	sst s15;
	[sflag:s18] =	ssyncadd.s32 $0xFFFFE0C0  }
0x10e: {  	[tilespmem:s16], [sflag:$0x10] =	stream.linear.gather [hbm4b:s15+s14], $0x1F40, $0x38;
	[tilespmem:$0x1FE00] =	vst v63  }
0x10f: {  	_ =	swait.ge [sflag:s18], $0x1F40  }
0x110: {  	[sflag:s18] =	ssyncset.done $0x0  }
0x111: {  	s9 =	sadd.s32 s5, s13;
	[sflag:s18] =	ssyncadd.s32 $0xFFFFE0C0  }
0x112: {  	[hbm4b:s9+s14] =	stream.linear.scatter [tilespmem:s16], [sflag:$0x10], $0x1F40, $0x38;
	[tilespmem:$0x1FE00] =	vst v63  }
0x113: {  	_ =	swait.ge [sflag:s18], $0x1F40  }
0x114: {  	[sflag:s18] =	ssyncset.done $0x0  }
0x115: {  	s15 =	rddreg [dreg:$0xf];
	[sflag:s18] =	ssyncadd.s32 $0xFFFFE0C0  }
0x116: {  	[spmem:s15] =	stream.linear.scatter [tilespmem:s16], [sflag:$0x10], $0x1F40, $0x38;
	[tilespmem:$0x1FE00] =	vst v63  }
0x117: {  	_ =	swait.ge [sflag:s18], $0x1F40  }
0x118: {  	[sflag:s18] =	ssyncset.done $0x0  }
0x119: {  	s16 =	rddreg [dreg:$0x11];
	[sflag:s18] =	ssyncadd.s32 $0xFFFFE0C0  }
0x11a: {  	[tilespmem:s31], [sflag:$0x10] =	stream.linear.gather [spmem:s16], $0x1F40, $0x38;
	[tilespmem:$0x1FE00] =	vst v63  }
0x11b: {  	_ =	swait.ge [sflag:s18], $0x1F40  }
0x11c: {  	[sflag:s18] =	ssyncset.done $0x0  }
0x11d: {  	s14 =	simm.s32 $0x0;
	[sflag:s18] =	ssyncadd.s32 $0xFFFFE0C0  }
0x11e: {  	v0 =	vld [tilespmem:s14+$0x13E00]  }
0x11f: {  	v1 =	vld [tilespmem:s14+$0x13E10]  }
0x120: {  	s15 =	simm.s32 $0x100;
	v2 =	vld [tilespmem:s14+$0x13E20]  }
.LBB2_10:
0x121: {  	p0 =	sne.s32 s15, $0x7C00;
	v3 =	vld [tilespmem:s14+$0x13E30];
	_ =	sdelay $0x1  }
0x122: {  	v0 =	vadd.f32 $1.000000000e+00, v0  }
0x123: {  	v1 =	vadd.f32 $1.000000000e+00, v1  }
0x124: {  	v2 =	vadd.f32 $1.000000000e+00, v2;
	(erf) = vrcp.f32 v0  }
0x125: {  	v0 =	vadd.f32 $1.000000000e+00, v3;
	(erf) = vrcp.f32 v1  }
0x126: {  	(erf) = vrcp.f32 v2  }
0x127: {  	(erf) = vrcp.f32 v0;
	_ =	sdelay $0x5  }
0x128: {  	v0 =	vpop (erf)  }
0x129: {  	v0 =	vmul.f32 $5.000000000e-01, v0;
	v1 =	vpop (erf)  }
.Ltmp4:
0x12a: {  	v1 =	vmul.f32 $5.000000000e-01, v1;
	v2 =	vpop (erf);
	(pc) =	sbr.rel @p0 .LBB2_10-.Ltmp4, $4  }
0x12b: {  	s16 =	sshra.s32 s15, $0x2;
	[tilespmem:s14+$0x13E00] =	vst v0;
	v2 =	vmul.f32 $5.000000000e-01, v2;
	v3 =	vpop (erf)  }
0x12c: {  	v0 =	vld [tilespmem:s16+$0x13E00];
	[tilespmem:s14+$0x13E10] =	vst v1;
	v3 =	vmul.f32 $5.000000000e-01, v3  }
0x12d: {  	v1 =	vld [tilespmem:s16+$0x13E10];
	[tilespmem:s14+$0x13E20] =	vst v2  }
0x12e: {  	s15 =	sadd.s32 $0x100, s15;
	v2 =	vld [tilespmem:s16+$0x13E20];
	[tilespmem:s14+$0x13E30] =	vst v3;
	s14 =	smov.u32 s16  }
0x12f: {  	v3 =	vld [tilespmem:s14+$0x13E30];
	_ =	sdelay $0x1  }
0x130: {  	v0 =	vadd.f32 $1.000000000e+00, v0  }
0x131: {  	v1 =	vadd.f32 $1.000000000e+00, v1  }
0x132: {  	v2 =	vadd.f32 $1.000000000e+00, v2;
	(erf) = vrcp.f32 v0  }
0x133: {  	v0 =	vadd.f32 $1.000000000e+00, v3;
	(erf) = vrcp.f32 v1  }
0x134: {  	(erf) = vrcp.f32 v2  }
0x135: {  	(erf) = vrcp.f32 v0;
	_ =	sdelay $0x5  }
0x136: {  	v0 =	vpop (erf)  }
0x137: {  	v0 =	vmul.f32 $5.000000000e-01, v0;
	v1 =	vpop (erf)  }
0x138: {  	v1 =	vmul.f32 $5.000000000e-01, v1;
	v2 =	vpop (erf)  }
0x139: {  	[tilespmem:s14+$0x13E00] =	vst v0;
	v0 =	vmul.f32 $5.000000000e-01, v2;
	v2 =	vpop (erf)  }
0x13a: {  	s5 =	rddreg [dreg:$0x12];
	[tilespmem:s14+$0x13E10] =	vst v1;
	v1 =	vmul.f32 $5.000000000e-01, v2  }
0x13b: {  	s8 =	sadd.s32 s5, s20;
	[tilespmem:s14+$0x13E20] =	vst v0  }
0x13c: {  	[smem:$0x7F8] =	sst s8;
	[tilespmem:s14+$0x13E30] =	vst v1;
	s14 =	simm.s32 $0x0  }
0x13d: {  	[hbm4b:s8+s14] =	stream.linear.scatter [tilespmem:s31], [sflag:$0x10], $0x1F40, $0x38;
	[tilespmem:$0x1FE00] =	vst v63  }
0x13e: {  	_ =	swait.ge [sflag:s18], $0x1F40  }
0x13f: {  	s15 =	sadd.s32 s5, s29;
	[sflag:s18] =	ssyncset.done $0x0  }
0x140: {  	s16 =	simm.s32 $0x15D40;
	[smem:$0x7F9] =	sst s15;
	[sflag:s18] =	ssyncadd.s32 $0xFFFFE0C0  }
0x141: {  	[tilespmem:s16], [sflag:$0x10] =	stream.linear.gather [hbm4b:s15+s14], $0x1F40, $0x38;
	[tilespmem:$0x1FE00] =	vst v63  }
0x142: {  	_ =	swait.ge [sflag:s18], $0x1F40  }
0x143: {  	[sflag:s18] =	ssyncset.done $0x0  }
0x144: {  	s15 =	sadd.s32 s5, s13;
	[sflag:s18] =	ssyncadd.s32 $0xFFFFE0C0  }
0x145: {  	[hbm4b:s15+s14] =	stream.linear.scatter [tilespmem:s16], [sflag:$0x10], $0x1F40, $0x38;
	[tilespmem:$0x1FE00] =	vst v63  }
0x146: {  	_ =	swait.ge [sflag:s18], $0x1F40  }
0x147: {  	[sflag:s18] =	ssyncset.done $0x0  }
0x148: {  	s14 =	rddreg [dreg:$0x11];
	[sflag:s18] =	ssyncadd.s32 $0xFFFFE0C0  }
0x149: {  	[spmem:s14] =	stream.linear.scatter [tilespmem:s16], [sflag:$0x10], $0x1F40, $0x38;
	[tilespmem:$0x1FE00] =	vst v63  }
0x14a: {  	_ =	swait.ge [sflag:s18], $0x1F40  }
0x14b: {  	[sflag:s18] =	ssyncset.done $0x0  }
0x14c: {  	s16 =	rddreg [dreg:$0x13];
	[sflag:s18] =	ssyncadd.s32 $0xFFFFE0C0  }
0x14d: {  	[tilespmem:s31], [sflag:$0x10] =	stream.linear.gather [spmem:s16], $0x1F40, $0x38;
	[tilespmem:$0x1FE00] =	vst v63  }
0x14e: {  	_ =	swait.ge [sflag:s18], $0x1F40  }
0x14f: {  	[sflag:s18] =	ssyncset.done $0x0  }
0x150: {  	s14 =	simm.s32 $0x0;
	[sflag:s18] =	ssyncadd.s32 $0xFFFFE0C0  }
0x151: {  	v0 =	vld [tilespmem:s14+$0x13E00]  }
0x152: {  	v1 =	vld [tilespmem:s14+$0x13E10]  }
0x153: {  	s16 =	simm.s32 $0x100;
	v2 =	vld [tilespmem:s14+$0x13E20]  }
.LBB2_12:
0x154: {  	p0 =	sne.s32 s16, $0x7C00;
	v3 =	vld [tilespmem:s14+$0x13E30];
	_ =	sdelay $0x1  }
0x155: {  	v0 =	vadd.f32 $1.000000000e+00, v0  }
0x156: {  	v1 =	vadd.f32 $1.000000000e+00, v1  }
0x157: {  	v2 =	vadd.f32 $1.000000000e+00, v2;
	(erf) = vrcp.f32 v0  }
0x158: {  	v0 =	vadd.f32 $1.000000000e+00, v3;
	(erf) = vrcp.f32 v1  }
0x159: {  	(erf) = vrcp.f32 v2  }
0x15a: {  	(erf) = vrcp.f32 v0;
	_ =	sdelay $0x5  }
0x15b: {  	v0 =	vpop (erf)  }
0x15c: {  	v0 =	vmul.f32 $5.000000000e-01, v0;
	v1 =	vpop (erf)  }
.Ltmp5:
0x15d: {  	v1 =	vmul.f32 $5.000000000e-01, v1;
	v2 =	vpop (erf);
	(pc) =	sbr.rel @p0 .LBB2_12-.Ltmp5, $4  }
0x15e: {  	s18 =	sshra.s32 s16, $0x2;
	[tilespmem:s14+$0x13E00] =	vst v0;
	v2 =	vmul.f32 $5.000000000e-01, v2;
	v3 =	vpop (erf)  }
0x15f: {  	v0 =	vld [tilespmem:s18+$0x13E00];
	[tilespmem:s14+$0x13E10] =	vst v1;
	v3 =	vmul.f32 $5.000000000e-01, v3  }
0x160: {  	v1 =	vld [tilespmem:s18+$0x13E10];
	[tilespmem:s14+$0x13E20] =	vst v2  }
0x161: {  	s16 =	sadd.s32 $0x100, s16;
	v2 =	vld [tilespmem:s18+$0x13E20];
	[tilespmem:s14+$0x13E30] =	vst v3;
	s14 =	smov.u32 s18  }
0x162: {  	v3 =	vld [tilespmem:s14+$0x13E30];
	_ =	sdelay $0x1  }
0x163: {  	v0 =	vadd.f32 $1.000000000e+00, v0  }
0x164: {  	v1 =	vadd.f32 $1.000000000e+00, v1  }
0x165: {  	v2 =	vadd.f32 $1.000000000e+00, v2;
	(erf) = vrcp.f32 v0  }
0x166: {  	v59 =	vadd.f32 $1.000000000e+00, v3;
	(erf) = vrcp.f32 v1  }
0x167: {  	(erf) = vrcp.f32 v2  }
0x168: {  	(erf) = vrcp.f32 v59;
	_ =	sdelay $0x5  }
0x169: {  	v60 =	vpop (erf)  }
0x16a: {  	v0 =	vmul.f32 $5.000000000e-01, v60;
	v1 =	vpop (erf)  }
0x16b: {  	v1 =	vmul.f32 $5.000000000e-01, v1;
	v2 =	vpop (erf)  }
0x16c: {  	[tilespmem:s14+$0x13E00] =	vst v0;
	v61 =	vmul.f32 $5.000000000e-01, v2;
	v62 =	vpop (erf)  }
0x16d: {  	[tilespmem:s14+$0x13E10] =	vst v1;
	v63 =	vmul.f32 $5.000000000e-01, v62  }
0x16e: {  	s5 =	rddreg [dreg:$0x14];
	[tilespmem:s14+$0x13E20] =	vst v61  }
0x16f: {  	s16 =	simm.s32 $0x0;
	s8 =	sadd.s32 s5, s20;
	[tilespmem:s14+$0x13E30] =	vst v63  }
0x170: {  	[hbm4b:s8+s16] =	stream.linear.scatter [tilespmem:s31], [sflag:$0x10], $0x1F40, $0x38;
	[tilespmem:$0x1FE00] =	vst v63  }
0x171: {  	[smem:$0x7F6] =	sst s8;
	s8 =	simm.s32 $0x10  }
0x172: {  	_ =	swait.ge [sflag:s8], $0x1F40  }
0x173: {  	s20 =	sadd.s32 s5, s29;
	[sflag:s8] =	ssyncset.done $0x0  }
0x174: {  	s18 =	simm.s32 $0x15D40;
	[smem:$0x7F7] =	sst s20;
	[sflag:s8] =	ssyncadd.s32 $0xFFFFE0C0  }
0x175: {  	[tilespmem:s18], [sflag:$0x10] =	stream.linear.gather [hbm4b:s20+s16], $0x1F40, $0x38;
	[tilespmem:$0x1FE00] =	vst v63  }
0x176: {  	_ =	swait.ge [sflag:s8], $0x1F40  }
0x177: {  	[sflag:s8] =	ssyncset.done $0x0  }
0x178: {  	s14 =	sadd.s32 s5, s13;
	[sflag:s8] =	ssyncadd.s32 $0xFFFFE0C0  }
0x179: {  	[hbm4b:s14+s16] =	stream.linear.scatter [tilespmem:s18], [sflag:$0x10], $0x1F40, $0x38;
	[tilespmem:$0x1FE00] =	vst v63  }
0x17a: {  	_ =	swait.ge [sflag:s8], $0x1F40  }
0x17b: {  	[sflag:s8] =	ssyncset.done $0x0  }
0x17c: {  	s29 =	rddreg [dreg:$0x13];
	[sflag:s8] =	ssyncadd.s32 $0xFFFFE0C0  }
0x17d: {  	[spmem:s29] =	stream.linear.scatter [tilespmem:s18], [sflag:$0x10], $0x1F40, $0x38;
	[tilespmem:$0x1FE00] =	vst v63  }
0x17e: {  	_ =	swait.ge [sflag:s8], $0x1F40  }
0x17f: {  	[sflag:s8] =	ssyncset.done $0x0  }
0x180: {  	[sflag:s8] =	ssyncadd.s32 $0xFFFFE0C0  }
0x181: {  	[bflag:$0x0] =	sbarrier.arrive $0xFFFF  }
.LBB2_14:
0x182: {  	s5 =	simm.s32 $0x9E00  }
0x183: {  	[tilespmem:s31], [sflag:$0x1] =	stream.indirect.gather [hbm4b:s13+s22], $0x40, s5, s22, $0xb8;
	[tilespmem:$0x1FE00] =	vst v63  }
0x184: {  	s18 =	simm.s32 $0x9F00  }
0x185: {  	[tilespmem:s23], [sflag:$0x2] =	stream.indirect.gather [hbm4b:s13+s22], $0x40, s18, s22, $0xb8;
	[tilespmem:$0x1FE00] =	vst v63  }
0x186: {  	_ =	swait.ge [sflag:s24], $0x4000  }
0x187: {  	[sflag:s24] =	ssyncset.done $0x0  }
0x188: {  	s29 =	simm.s32 $0xEE00;
	[sflag:s24] =	ssyncadd.s32 $0xFFFFC000  }
0x189: {  	[spmem:s2] =	stream.indirect.scatter.add.f32 [tilespmem:s31], [sflag:$0x7], $0x40, s29, s0, $0xb8;
	[tilespmem:$0x1FE00] =	vst v63  }
0x18a: {  	s5 =	simm.s32 $0xEE80  }
0x18b: {  	[spmem:s2] =	stream.indirect.scatter.add.f32 [tilespmem:s25], [sflag:$0x8], $0x40, s5, s0, $0xb8;
	[tilespmem:$0x1FE00] =	vst v63  }
0x18c: {  	_ =	swait.ge [sflag:s30], $0x2000  }
0x18d: {  	[sflag:s30] =	ssyncset.done $0x0  }
0x18e: {  	[sflag:s30] =	ssyncadd.s32 $0xFFFFE000  }
0x18f: {  	_ =	swait.ge [sflag:s1], $0x2000  }
0x190: {  	[sflag:s1] =	ssyncset.done $0x0  }
0x191: {  	s8 =	simm.s32 $0xA000;
	[sflag:s1] =	ssyncadd.s32 $0xFFFFE000  }
0x192: {  	[tilespmem:s31], [sflag:$0x1] =	stream.indirect.gather [hbm4b:s13+s22], $0x40, s8, s22, $0xb8;
	[tilespmem:$0x1FE00] =	vst v63  }
0x193: {  	_ =	swait.ge [sflag:s26], $0x4000  }
0x194: {  	[sflag:s26] =	ssyncset.done $0x0  }
0x195: {  	s20 =	simm.s32 $0xEF00;
	[sflag:s26] =	ssyncadd.s32 $0xFFFFC000  }
0x196: {  	[spmem:s2] =	stream.indirect.scatter.add.f32 [tilespmem:s23], [sflag:$0x9], $0x40, s20, s0, $0xb8;
	[tilespmem:$0x1FE00] =	vst v63  }
0x197: {  	s29 =	simm.s32 $0xEF80  }
0x198: {  	[spmem:s2] =	stream.indirect.scatter.add.f32 [tilespmem:s7], [sflag:$0xA], $0x40, s29, s0, $0xb8;
	[tilespmem:$0x1FE00] =	vst v63  }
0x199: {  	_ =	swait.ge [sflag:s4], $0x2000  }
0x19a: {  	[sflag:s4] =	ssyncset.done $0x0  }
0x19b: {  	[sflag:s4] =	ssyncadd.s32 $0xFFFFE000  }
0x19c: {  	_ =	swait.ge [sflag:s6], $0x2000  }
0x19d: {  	s18 =	simm.s32 $0x1000;
	s20 =	simm.s32 $0x200;
	[sflag:s6] =	ssyncset.done $0x0  }
.LBB2_15:
0x19e: {  	s29 =	sadd.s32 $0x9F00, s20  }
0x19f: {  	[sflag:s6] =	ssyncadd.s32 $0xFFFFE000;
	s8 =	smov.u32 s18;
	s5 =	sadd.s32 $0x800, s18  }
0x1a0: {  	[tilespmem:s23], [sflag:$0x2] =	stream.indirect.gather [hbm4b:s13+s22], $0x40, s29, s22, $0xb8;
	[tilespmem:$0x1FE00] =	vst v63  }
0x1a1: {  	p0 =	sne.s32 s18, $0x13000;
	_ =	swait.ge [sflag:s24], $0x4000  }
0x1a2: {  	[sflag:s24] =	ssyncset.done $0x0  }
0x1a3: {  	s18 =	sadd.s32 $0xEE00, s20;
	[sflag:s24] =	ssyncadd.s32 $0xFFFFC000  }
0x1a4: {  	[spmem:s2] =	stream.indirect.scatter.add.f32 [tilespmem:s31], [sflag:$0x7], $0x40, s18, s0, $0xb8;
	[tilespmem:$0x1FE00] =	vst v63  }
0x1a5: {  	s18 =	sadd.s32 $0xEE80, s20  }
0x1a6: {  	[spmem:s2] =	stream.indirect.scatter.add.f32 [tilespmem:s25], [sflag:$0x8], $0x40, s18, s0, $0xb8;
	[tilespmem:$0x1FE00] =	vst v63  }
0x1a7: {  	_ =	swait.ge [sflag:s30], $0x2000  }
0x1a8: {  	[sflag:s30] =	ssyncset.done $0x0  }
0x1a9: {  	[sflag:s30] =	ssyncadd.s32 $0xFFFFE000  }
0x1aa: {  	_ =	swait.ge [sflag:s1], $0x2000  }
0x1ab: {  	[sflag:s1] =	ssyncset.done $0x0  }
0x1ac: {  	s18 =	sadd.s32 $0xA000, s20;
	[sflag:s1] =	ssyncadd.s32 $0xFFFFE000  }
0x1ad: {  	[tilespmem:s31], [sflag:$0x1] =	stream.indirect.gather [hbm4b:s13+s22], $0x40, s18, s22, $0xb8;
	[tilespmem:$0x1FE00] =	vst v63  }
0x1ae: {  	_ =	swait.ge [sflag:s26], $0x4000  }
0x1af: {  	[sflag:s26] =	ssyncset.done $0x0  }
0x1b0: {  	s18 =	sadd.s32 $0xEF00, s20;
	[sflag:s26] =	ssyncadd.s32 $0xFFFFC000  }
0x1b1: {  	[spmem:s2] =	stream.indirect.scatter.add.f32 [tilespmem:s23], [sflag:$0x9], $0x40, s18, s0, $0xb8;
	[tilespmem:$0x1FE00] =	vst v63  }
0x1b2: {  	s18 =	sadd.s32 $0xEF80, s20  }
0x1b3: {  	[spmem:s2] =	stream.indirect.scatter.add.f32 [tilespmem:s7], [sflag:$0xA], $0x40, s18, s0, $0xb8;
	[tilespmem:$0x1FE00] =	vst v63  }
.Ltmp6:
0x1b4: {  	_ =	swait.ge [sflag:s4], $0x2000;
	(pc) =	sbr.rel @p0 .LBB2_15-.Ltmp6, $4  }
0x1b5: {  	[sflag:s4] =	ssyncset.done $0x0  }
0x1b6: {  	[sflag:s4] =	ssyncadd.s32 $0xFFFFE000  }
0x1b7: {  	_ =	swait.ge [sflag:s6], $0x2000  }
0x1b8: {  	s20 =	sshra.s32 s8, $0x2;
	s18 =	smov.u32 s5;
	[sflag:s6] =	ssyncset.done $0x0  }
0x1b9: {  	s5 =	sadd.s32 $0x9F00, s20;
	[sflag:s6] =	ssyncadd.s32 $0xFFFFE000  }
0x1ba: {  	[tilespmem:s23], [sflag:$0x2] =	stream.indirect.gather [hbm4b:s13+s22], $0x40, s5, s22, $0xb8;
	[tilespmem:$0x1FE00] =	vst v63  }
0x1bb: {  	_ =	swait.ge [sflag:s24], $0x4000  }
0x1bc: {  	[sflag:s24] =	ssyncset.done $0x0  }
0x1bd: {  	s18 =	sadd.s32 $0xEE00, s20;
	[sflag:s24] =	ssyncadd.s32 $0xFFFFC000  }
0x1be: {  	[spmem:s2] =	stream.indirect.scatter.add.f32 [tilespmem:s31], [sflag:$0x7], $0x40, s18, s0, $0xb8;
	[tilespmem:$0x1FE00] =	vst v63  }
0x1bf: {  	s8 =	sadd.s32 $0xEE80, s20  }
0x1c0: {  	[spmem:s2] =	stream.indirect.scatter.add.f32 [tilespmem:s25], [sflag:$0x8], $0x40, s8, s0, $0xb8;
	[tilespmem:$0x1FE00] =	vst v63  }
0x1c1: {  	_ =	swait.ge [sflag:s30], $0x2000  }
0x1c2: {  	[sflag:s30] =	ssyncset.done $0x0  }
0x1c3: {  	[sflag:s30] =	ssyncadd.s32 $0xFFFFE000  }
0x1c4: {  	_ =	swait.ge [sflag:s1], $0x2000  }
0x1c5: {  	[sflag:s1] =	ssyncset.done $0x0  }
0x1c6: {  	s18 =	sadd.s32 $0xA000, s20;
	[sflag:s1] =	ssyncadd.s32 $0xFFFFE000  }
0x1c7: {  	[tilespmem:s31], [sflag:$0x1] =	stream.indirect.gather [hbm4b:s13+s22], $0x40, s18, s22, $0xb8;
	[tilespmem:$0x1FE00] =	vst v63  }
0x1c8: {  	_ =	swait.ge [sflag:s26], $0x4000  }
0x1c9: {  	[sflag:s26] =	ssyncset.done $0x0  }
0x1ca: {  	s8 =	sadd.s32 $0xEF00, s20;
	[sflag:s26] =	ssyncadd.s32 $0xFFFFC000  }
0x1cb: {  	[spmem:s2] =	stream.indirect.scatter.add.f32 [tilespmem:s23], [sflag:$0x9], $0x40, s8, s0, $0xb8;
	[tilespmem:$0x1FE00] =	vst v63  }
0x1cc: {  	s18 =	sadd.s32 $0xEF80, s20  }
0x1cd: {  	[spmem:s2] =	stream.indirect.scatter.add.f32 [tilespmem:s7], [sflag:$0xA], $0x40, s18, s0, $0xb8;
	[tilespmem:$0x1FE00] =	vst v63  }
0x1ce: {  	_ =	swait.ge [sflag:s4], $0x2000  }
0x1cf: {  	[sflag:s4] =	ssyncset.done $0x0  }
0x1d0: {  	[sflag:s4] =	ssyncadd.s32 $0xFFFFE000  }
0x1d1: {  	_ =	swait.ge [sflag:s6], $0x2000  }
0x1d2: {  	[sflag:s6] =	ssyncset.done $0x0  }
0x1d3: {  	s20 =	simm.s32 $0xED00;
	[sflag:s6] =	ssyncadd.s32 $0xFFFFE000  }
0x1d4: {  	[tilespmem:s23], [sflag:$0x2] =	stream.indirect.gather [hbm4b:s13+s22], $0x40, s20, s22, $0xb8;
	[tilespmem:$0x1FE00] =	vst v63  }
0x1d5: {  	_ =	swait.ge [sflag:s24], $0x4000  }
0x1d6: {  	[sflag:s24] =	ssyncset.done $0x0  }
0x1d7: {  	s8 =	simm.s32 $0x13C00;
	[sflag:s24] =	ssyncadd.s32 $0xFFFFC000  }
0x1d8: {  	[spmem:s2] =	stream.indirect.scatter.add.f32 [tilespmem:s31], [sflag:$0x7], $0x40, s8, s0, $0xb8;
	[tilespmem:$0x1FE00] =	vst v63  }
0x1d9: {  	s18 =	simm.s32 $0x13C80  }
0x1da: {  	[spmem:s2] =	stream.indirect.scatter.add.f32 [tilespmem:s25], [sflag:$0x8], $0x40, s18, s0, $0xb8;
	[tilespmem:$0x1FE00] =	vst v63  }
0x1db: {  	_ =	swait.ge [sflag:s30], $0x2000  }
0x1dc: {  	[sflag:s30] =	ssyncset.done $0x0  }
0x1dd: {  	[sflag:s30] =	ssyncadd.s32 $0xFFFFE000  }
0x1de: {  	_ =	swait.ge [sflag:s1], $0x2000  }
0x1df: {  	[sflag:s1] =	ssyncset.done $0x0  }
0x1e0: {  	[sflag:s1] =	ssyncadd.s32 $0xFFFFE000  }
0x1e1: {  	_ =	swait.ge [sflag:s26], $0x4000  }
0x1e2: {  	[sflag:s26] =	ssyncset.done $0x0  }
0x1e3: {  	s20 =	simm.s32 $0x13D00;
	[sflag:s26] =	ssyncadd.s32 $0xFFFFC000  }
0x1e4: {  	[spmem:s2] =	stream.indirect.scatter.add.f32 [tilespmem:s23], [sflag:$0x9], $0x40, s20, s0, $0xb8;
	[tilespmem:$0x1FE00] =	vst v63  }
0x1e5: {  	s8 =	simm.s32 $0x13D80  }
0x1e6: {  	[spmem:s2] =	stream.indirect.scatter.add.f32 [tilespmem:s7], [sflag:$0xA], $0x40, s8, s0, $0xb8;
	[tilespmem:$0x1FE00] =	vst v63  }
0x1e7: {  	_ =	swait.ge [sflag:s4], $0x2000  }
0x1e8: {  	[sflag:s4] =	ssyncset.done $0x0  }
0x1e9: {  	[sflag:s4] =	ssyncadd.s32 $0xFFFFE000  }
0x1ea: {  	_ =	swait.ge [sflag:s6], $0x2000  }
0x1eb: {  	[sflag:s6] =	ssyncset.done $0x0  }
0x1ec: {  	[sflag:s6] =	ssyncadd.s32 $0xFFFFE000  }
0x1ed: {  	[bflag:$0x0] =	sbarrier.arrive $0xFFFF  }
0x1ee: {  	s5 =	rddreg [dreg:$0x9]  }
0x1ef: {  	[tilespmem:s31], [sflag:$0x1] =	stream.linear.gather [spmem:s5], $0x1F40, $0x38;
	[tilespmem:$0x1FE00] =	vst v63  }
0x1f0: {  	s8 =	simm.s32 $0x15D40;
	s18 =	rddreg [dreg:$0x1c]  }
0x1f1: {  	[tilespmem:s8], [sflag:$0x2] =	stream.linear.gather [hbm4b:s18+s3], $0x1F40, $0x38;
	[tilespmem:$0x1FE00] =	vst v63  }
0x1f2: {  	s18 =	rddreg [dreg:$0x1e]  }
0x1f3: {  	[tilespmem:s17], [sflag:$0x3] =	stream.linear.gather [hbm4b:s18+s3], $0x1F40, $0x38;
	[tilespmem:$0x1FE00] =	vst v63  }
0x1f4: {  	_ =	swait.ge [sflag:s24], $0x1F40  }
0x1f5: {  	[sflag:s24] =	ssyncset.done $0x0  }
0x1f6: {  	[sflag:s24] =	ssyncadd.s32 $0xFFFFE0C0  }
0x1f7: {  	_ =	swait.ge [sflag:s26], $0x1F40  }
0x1f8: {  	[sflag:s26] =	ssyncset.done $0x0  }
0x1f9: {  	[sflag:s26] =	ssyncadd.s32 $0xFFFFE0C0  }
0x1fa: {  	_ =	swait.ge [sflag:s10], $0x1F40  }
0x1fb: {  	s5 =	sshrl.u32 s5, $0x3;
	[sflag:s10] =	ssyncset.done $0x0;
	s20 =	rddreg [dreg:$0x1b]  }
0x1fc: {  	s17 =	rddreg [dreg:$0x1d];
	[sflag:s10] =	ssyncadd.s32 $0xFFFFE0C0;
	s20 =	sor.u32 $0x1C0D, s20  }
0x1fd: {  	[spmem:s5], [sflag:s20] =	dma.local [hbm:s17], $0x3E8  }
0x1fe: {  	s5 =	rddreg [dreg:$0xd]  }
0x1ff: {  	s18 =	simm.s32 $0x19BC0;
	s17 =	rddreg [dreg:$0x1f]  }
0x200: {  	[tilespmem:s18], [sflag:$0x4] =	stream.linear.gather [spmem:s5], $0x1F40, $0x38;
	[tilespmem:$0x1FE00] =	vst v63  }
0x201: {  	s8 =	simm.s32 $0x1BB00;
	s18 =	sld [smem:$0x7FD]  }
0x202: {  	[tilespmem:s8], [sflag:$0x5] =	stream.linear.gather [hbm4b:s17+s3], $0x1F40, $0x38;
	[tilespmem:$0x1FE00] =	vst v63  }
0x203: {  	_ = 	snop  }
0x204: {  	[tilespmem:s19], [sflag:$0x6] =	stream.linear.gather [hbm4b:s18+s3], $0x1F40, $0x38;
	[tilespmem:$0x1FE00] =	vst v63  }
0x205: {  	s18 =	simm.s32 $0x1F40  }
0x206: {  	v7 =	vld [tilespmem:s18+$0x13E00]  }
0x207: {  	v2 =	vld [tilespmem:s18+$0x11EC0]  }
0x208: {  	v0 =	vld [tilespmem:s18+$0x13E10]  }
0x209: {  	v3 =	vld [tilespmem:s18+$0x11ED0]  }
0x20a: {  	v1 =	vld [tilespmem:s18+$0x13E20]  }
0x20b: {  	v5 =	vld [tilespmem:s18+$0x11EE0]  }
0x20c: {  	v4 =	vld [tilespmem:s18+$0x13E30]  }
0x20d: {  	v6 =	vld [tilespmem:s18+$0x11EF0]  }
0x20e: {  	v10 =	vld [tilespmem:s18+$0x15D40]  }
0x20f: {  	v9 =	vld [tilespmem:s18+$0x15D50]  }
0x210: {  	s29 =	simm.s32 $0x7E00;
	v8 =	vld [tilespmem:s18+$0x15D60]  }
.LBB2_17:
0x211: {  	s5 =	sshra.s32 s29, $0x2;
	p0 =	sne.s32 s29, $0xF900;
	v11 =	vld [tilespmem:s18+$0x15D70]  }
0x212: {  	v12 =	vld [tilespmem:s5+$0x13E00]  }
0x213: {  	v7 =	vmul.f32 v2, v7;
	v10 =	vmul.f32 $5.000000000e-01, v10;
	v2 =	vld [tilespmem:s5+$0x11EC0]  }
0x214: {  	v13 =	vmul.f32 v3, v0;
	v9 =	vmul.f32 $5.000000000e-01, v9;
	v0 =	vld [tilespmem:s5+$0x13E10]  }
0x215: {  	v3 =	vld [tilespmem:s5+$0x11ED0];
	v14 =	vadd.f32 v7, v10;
	v8 =	vmul.f32 $5.000000000e-01, v8;
	v10 =	vmul.f32 v5, v1  }
0x216: {  	v6 =	vmul.f32 v6, v4;
	v1 =	vld [tilespmem:s5+$0x13E20];
	v9 =	vadd.f32 v13, v9;
	v11 =	vmul.f32 $5.000000000e-01, v11  }
0x217: {  	v5 =	vld [tilespmem:s5+$0x11EE0];
	[tilespmem:s18+$0x15D40] =	vst v14;
	v8 =	vadd.f32 v10, v8;
	v7 =	vmov v12  }
.Ltmp7:
0x218: {  	v4 =	vld [tilespmem:s5+$0x13E30];
	[tilespmem:s18+$0x15D50] =	vst v9;
	v9 =	vadd.f32 v6, v11;
	(pc) =	sbr.rel @p0 .LBB2_17-.Ltmp7, $4  }
0x219: {  	v6 =	vld [tilespmem:s5+$0x11EF0];
	[tilespmem:s18+$0x15D60] =	vst v8  }
0x21a: {  	v10 =	vld [tilespmem:s5+$0x15D40];
	[tilespmem:s18+$0x15D70] =	vst v9;
	s18 =	smov.u32 s5  }
0x21b: {  	v9 =	vld [tilespmem:s18+$0x15D50]  }
0x21c: {  	s29 =	sadd.s32 $0x100, s29;
	v8 =	vld [tilespmem:s18+$0x15D60]  }
0x21d: {  	v11 =	vld [tilespmem:s18+$0x15D70];
	_ =	sdelay $0x1  }
0x21e: {  	v2 =	vmul.f32 v2, v7;
	v10 =	vmul.f32 $5.000000000e-01, v10  }
0x21f: {  	v0 =	vmul.f32 v3, v0;
	v7 =	vmul.f32 $5.000000000e-01, v9  }
0x220: {  	v1 =	vmul.f32 v5, v1;
	v2 =	vadd.f32 v2, v10;
	v3 =	vmul.f32 $5.000000000e-01, v8  }
0x221: {  	v4 =	vmul.f32 v6, v4;
	v0 =	vadd.f32 v0, v7;
	v5 =	vmul.f32 $5.000000000e-01, v11  }
0x222: {  	[tilespmem:s18+$0x15D40] =	vst v2;
	v1 =	vadd.f32 v1, v3  }
0x223: {  	[tilespmem:s18+$0x15D50] =	vst v0;
	v0 =	vadd.f32 v4, v5  }
0x224: {  	s5 =	simm.s32 $0x0;
	[tilespmem:s18+$0x15D60] =	vst v1  }
0x225: {  	s17 =	simm.s32 $0x17C80;
	s8 =	rddreg [dreg:$0x1e];
	[tilespmem:s18+$0x15D70] =	vst v0;
	s18 =	simm.s32 $0x4  }
0x226: {  	[hbm4b:s8+s5] =	stream.linear.scatter [tilespmem:s17], [sflag:$0xE], $0x1F40, $0x38;
	[tilespmem:$0x1FE00] =	vst v63  }
0x227: {  	_ =	swait.ge [sflag:s18], $0x1F40  }
0x228: {  	[sflag:s18] =	ssyncset.done $0x0  }
0x229: {  	s19 =	simm.s32 $0x5;
	[sflag:s18] =	ssyncadd.s32 $0xFFFFE0C0  }
0x22a: {  	_ =	swait.ge [sflag:s19], $0x1F40  }
0x22b: {  	[sflag:s19] =	ssyncset.done $0x0  }
0x22c: {  	[sflag:s19] =	ssyncadd.s32 $0xFFFFE0C0  }
0x22d: {  	_ =	swait.ge [sflag:s21], $0x1F40  }
0x22e: {  	[sflag:s21] =	ssyncset.done $0x0  }
0x22f: {  	[sflag:s21] =	ssyncadd.s32 $0xFFFFE0C0  }
0x230: {  	_ =	swait.ge [sflag:s28], $0x3E8  }
0x231: {  	s19 =	sld [smem:$0x7FC]  }
0x232: {  	[sflag:s28] =	ssyncset.done $0x0;
	s18 =	rddreg [dreg:$0xd]  }
0x233: {  	[sflag:s28] =	ssyncadd.s32 $0xFFFFFC18;
	s8 =	sshrl.u32 s18, $0x3  }
0x234: {  	[spmem:s8], [sflag:s20] =	dma.local [hbm:s19], $0x3E8  }
0x235: {  	_ =	swait.ge [sflag:s12], $0x1F40  }
0x236: {  	[sflag:s12] =	ssyncset.done $0x0  }
0x237: {  	s19 =	rddreg [dreg:$0xf];
	[sflag:s12] =	ssyncadd.s32 $0xFFFFE0C0  }
0x238: {  	[tilespmem:s31], [sflag:$0x1] =	stream.linear.gather [spmem:s19], $0x1F40, $0x38;
	[tilespmem:$0x1FE00] =	vst v63  }
0x239: {  	s19 =	sld [smem:$0x7FA];
	_ =	sdelay $0x1  }
0x23a: {  	s18 =	simm.s32 $0x15D40  }
0x23b: {  	[tilespmem:s18], [sflag:$0x2] =	stream.linear.gather [hbm4b:s19+s5], $0x1F40, $0x38;
	[tilespmem:$0x1FE00] =	vst v63  }
0x23c: {  	s18 =	simm.s32 $0x0  }
0x23d: {  	[tilespmem:s17], [sflag:$0x3] =	stream.linear.gather [hbm4b:s9+s5], $0x1F40, $0x38;
	[tilespmem:$0x1FE00] =	vst v63  }
0x23e: {  	v7 =	vld [tilespmem:s18+$0x1BB00]  }
0x23f: {  	v2 =	vld [tilespmem:s18+$0x19BC0]  }
0x240: {  	v0 =	vld [tilespmem:s18+$0x1BB10]  }
0x241: {  	v3 =	vld [tilespmem:s18+$0x19BD0]  }
0x242: {  	v1 =	vld [tilespmem:s18+$0x1BB20]  }
0x243: {  	v5 =	vld [tilespmem:s18+$0x19BE0]  }
0x244: {  	v4 =	vld [tilespmem:s18+$0x1BB30]  }
0x245: {  	v6 =	vld [tilespmem:s18+$0x19BF0]  }
0x246: {  	v10 =	vld [tilespmem:s18+$0x1DA40]  }
0x247: {  	v9 =	vld [tilespmem:s18+$0x1DA50]  }
0x248: {  	s29 =	simm.s32 $0x100;
	v8 =	vld [tilespmem:s18+$0x1DA60]  }
.LBB2_19:
0x249: {  	s5 =	sshra.s32 s29, $0x2;
	p0 =	sne.s32 s29, $0x7C00;
	v11 =	vld [tilespmem:s18+$0x1DA70]  }
0x24a: {  	v12 =	vld [tilespmem:s5+$0x1BB00]  }
0x24b: {  	v7 =	vmul.f32 v2, v7;
	v10 =	vmul.f32 $5.000000000e-01, v10;
	v2 =	vld [tilespmem:s5+$0x19BC0]  }
0x24c: {  	v13 =	vmul.f32 v3, v0;
	v9 =	vmul.f32 $5.000000000e-01, v9;
	v0 =	vld [tilespmem:s5+$0x1BB10]  }
0x24d: {  	v3 =	vld [tilespmem:s5+$0x19BD0];
	v14 =	vadd.f32 v7, v10;
	v8 =	vmul.f32 $5.000000000e-01, v8;
	v10 =	vmul.f32 v5, v1  }
0x24e: {  	v6 =	vmul.f32 v6, v4;
	v1 =	vld [tilespmem:s5+$0x1BB20];
	v9 =	vadd.f32 v13, v9;
	v11 =	vmul.f32 $5.000000000e-01, v11  }
0x24f: {  	v5 =	vld [tilespmem:s5+$0x19BE0];
	[tilespmem:s18+$0x1DA40] =	vst v14;
	v8 =	vadd.f32 v10, v8;
	v7 =	vmov v12  }
.Ltmp8:
0x250: {  	v4 =	vld [tilespmem:s5+$0x1BB30];
	[tilespmem:s18+$0x1DA50] =	vst v9;
	v9 =	vadd.f32 v6, v11;
	(pc) =	sbr.rel @p0 .LBB2_19-.Ltmp8, $4  }
0x251: {  	v6 =	vld [tilespmem:s5+$0x19BF0];
	[tilespmem:s18+$0x1DA60] =	vst v8  }
0x252: {  	v10 =	vld [tilespmem:s5+$0x1DA40];
	[tilespmem:s18+$0x1DA70] =	vst v9;
	s18 =	smov.u32 s5  }
0x253: {  	v9 =	vld [tilespmem:s18+$0x1DA50]  }
0x254: {  	s29 =	sadd.s32 $0x100, s29;
	v8 =	vld [tilespmem:s18+$0x1DA60]  }
0x255: {  	v11 =	vld [tilespmem:s18+$0x1DA70];
	_ =	sdelay $0x1  }
0x256: {  	v2 =	vmul.f32 v2, v7;
	v10 =	vmul.f32 $5.000000000e-01, v10  }
0x257: {  	v0 =	vmul.f32 v3, v0;
	v7 =	vmul.f32 $5.000000000e-01, v9  }
0x258: {  	v1 =	vmul.f32 v5, v1;
	v2 =	vadd.f32 v2, v10;
	v3 =	vmul.f32 $5.000000000e-01, v8  }
0x259: {  	v4 =	vmul.f32 v6, v4;
	v0 =	vadd.f32 v0, v7;
	v5 =	vmul.f32 $5.000000000e-01, v11  }
0x25a: {  	[tilespmem:s18+$0x1DA40] =	vst v2;
	v1 =	vadd.f32 v1, v3  }
0x25b: {  	s5 =	sld [smem:$0x7FD];
	[tilespmem:s18+$0x1DA50] =	vst v0;
	v0 =	vadd.f32 v4, v5  }
0x25c: {  	[tilespmem:s18+$0x1DA60] =	vst v1  }
0x25d: {  	s17 =	simm.s32 $0x1DA40;
	[tilespmem:s18+$0x1DA70] =	vst v0  }
0x25e: {  	[hbm4b:s5+s3] =	stream.linear.scatter [tilespmem:s17], [sflag:$0xF], $0x1F40, $0x38;
	[tilespmem:$0x1FE00] =	vst v63  }
0x25f: {  	_ =	swait.ge [sflag:s24], $0x1F40  }
0x260: {  	[sflag:s24] =	ssyncset.done $0x0  }
0x261: {  	[sflag:s24] =	ssyncadd.s32 $0xFFFFE0C0  }
0x262: {  	_ =	swait.ge [sflag:s26], $0x1F40  }
0x263: {  	[sflag:s26] =	ssyncset.done $0x0  }
0x264: {  	[sflag:s26] =	ssyncadd.s32 $0xFFFFE0C0  }
0x265: {  	_ =	swait.ge [sflag:s10], $0x1F40  }
0x266: {  	[sflag:s10] =	ssyncset.done $0x0  }
0x267: {  	[sflag:s10] =	ssyncadd.s32 $0xFFFFE0C0  }
0x268: {  	_ =	swait.ge [sflag:s28], $0x3E8  }
0x269: {  	s8 =	rddreg [dreg:$0xf]  }
0x26a: {  	s5 =	sshrl.u32 s8, $0x3;
	s8 =	sld [smem:$0x7FB]  }
0x26b: {  	[sflag:s28] =	ssyncset.done $0x0  }
0x26c: {  	[sflag:s28] =	ssyncadd.s32 $0xFFFFFC18  }
0x26d: {  	[spmem:s5], [sflag:s20] =	dma.local [hbm:s8], $0x3E8  }
0x26e: {  	_ =	swait.ge [sflag:s11], $0x1F40  }
0x26f: {  	[sflag:s11] =	ssyncset.done $0x0  }
0x270: {  	s19 =	simm.s32 $0x19BC0;
	s18 =	rddreg [dreg:$0x11];
	[sflag:s11] =	ssyncadd.s32 $0xFFFFE0C0  }
0x271: {  	[tilespmem:s19], [sflag:$0x4] =	stream.linear.gather [spmem:s18], $0x1F40, $0x38;
	[tilespmem:$0x1FE00] =	vst v63  }
0x272: {  	s19 =	sld [smem:$0x7F8];
	_ =	sdelay $0x1  }
0x273: {  	s18 =	simm.s32 $0x1BB00  }
0x274: {  	[tilespmem:s18], [sflag:$0x5] =	stream.linear.gather [hbm4b:s19+s3], $0x1F40, $0x38;
	[tilespmem:$0x1FE00] =	vst v63  }
0x275: {  	s18 =	simm.s32 $0x1F40  }
0x276: {  	[tilespmem:s17], [sflag:$0x6] =	stream.linear.gather [hbm4b:s15+s3], $0x1F40, $0x38;
	[tilespmem:$0x1FE00] =	vst v63  }
0x277: {  	v7 =	vld [tilespmem:s18+$0x13E00]  }
0x278: {  	v2 =	vld [tilespmem:s18+$0x11EC0]  }
0x279: {  	v0 =	vld [tilespmem:s18+$0x13E10]  }
0x27a: {  	v3 =	vld [tilespmem:s18+$0x11ED0]  }
0x27b: {  	v1 =	vld [tilespmem:s18+$0x13E20]  }
0x27c: {  	v5 =	vld [tilespmem:s18+$0x11EE0]  }
0x27d: {  	v4 =	vld [tilespmem:s18+$0x13E30]  }
0x27e: {  	v6 =	vld [tilespmem:s18+$0x11EF0]  }
0x27f: {  	v10 =	vld [tilespmem:s18+$0x15D40]  }
0x280: {  	v9 =	vld [tilespmem:s18+$0x15D50]  }
0x281: {  	s29 =	simm.s32 $0x7E00;
	s19 =	simm.s32 $0x1DA40;
	v8 =	vld [tilespmem:s18+$0x15D60]  }
.LBB2_21:
0x282: {  	s5 =	sshra.s32 s29, $0x2;
	p0 =	sne.s32 s29, $0xF900;
	v11 =	vld [tilespmem:s18+$0x15D70]  }
0x283: {  	v12 =	vld [tilespmem:s5+$0x13E00]  }
0x284: {  	v7 =	vmul.f32 v2, v7;
	v10 =	vmul.f32 $5.000000000e-01, v10;
	v2 =	vld [tilespmem:s5+$0x11EC0]  }
0x285: {  	v13 =	vmul.f32 v3, v0;
	v9 =	vmul.f32 $5.000000000e-01, v9;
	v0 =	vld [tilespmem:s5+$0x13E10]  }
0x286: {  	v3 =	vld [tilespmem:s5+$0x11ED0];
	v14 =	vadd.f32 v7, v10;
	v8 =	vmul.f32 $5.000000000e-01, v8;
	v10 =	vmul.f32 v5, v1  }
0x287: {  	v6 =	vmul.f32 v6, v4;
	v1 =	vld [tilespmem:s5+$0x13E20];
	v9 =	vadd.f32 v13, v9;
	v11 =	vmul.f32 $5.000000000e-01, v11  }
0x288: {  	v5 =	vld [tilespmem:s5+$0x11EE0];
	[tilespmem:s18+$0x15D40] =	vst v14;
	v8 =	vadd.f32 v10, v8;
	v7 =	vmov v12  }
.Ltmp9:
0x289: {  	v4 =	vld [tilespmem:s5+$0x13E30];
	[tilespmem:s18+$0x15D50] =	vst v9;
	v9 =	vadd.f32 v6, v11;
	(pc) =	sbr.rel @p0 .LBB2_21-.Ltmp9, $4  }
0x28a: {  	v6 =	vld [tilespmem:s5+$0x11EF0];
	[tilespmem:s18+$0x15D60] =	vst v8  }
0x28b: {  	v10 =	vld [tilespmem:s5+$0x15D40];
	[tilespmem:s18+$0x15D70] =	vst v9;
	s18 =	smov.u32 s5  }
0x28c: {  	v9 =	vld [tilespmem:s18+$0x15D50]  }
0x28d: {  	s29 =	sadd.s32 $0x100, s29;
	v8 =	vld [tilespmem:s18+$0x15D60]  }
0x28e: {  	v11 =	vld [tilespmem:s18+$0x15D70];
	_ =	sdelay $0x1  }
0x28f: {  	v2 =	vmul.f32 v2, v7;
	v10 =	vmul.f32 $5.000000000e-01, v10  }
0x290: {  	v0 =	vmul.f32 v3, v0;
	v7 =	vmul.f32 $5.000000000e-01, v9  }
0x291: {  	v1 =	vmul.f32 v5, v1;
	v2 =	vadd.f32 v2, v10;
	v3 =	vmul.f32 $5.000000000e-01, v8  }
0x292: {  	v4 =	vmul.f32 v6, v4;
	v0 =	vadd.f32 v0, v7;
	v5 =	vmul.f32 $5.000000000e-01, v11  }
0x293: {  	[tilespmem:s18+$0x15D40] =	vst v2;
	v1 =	vadd.f32 v1, v3  }
0x294: {  	[tilespmem:s18+$0x15D50] =	vst v0;
	v0 =	vadd.f32 v4, v5  }
0x295: {  	[tilespmem:s18+$0x15D60] =	vst v1  }
0x296: {  	s5 =	simm.s32 $0x0;
	s8 =	simm.s32 $0x4;
	[tilespmem:s18+$0x15D70] =	vst v0;
	s18 =	simm.s32 $0x17C80  }
0x297: {  	[hbm4b:s9+s5] =	stream.linear.scatter [tilespmem:s18], [sflag:$0xE], $0x1F40, $0x38;
	[tilespmem:$0x1FE00] =	vst v63  }
0x298: {  	_ =	swait.ge [sflag:s8], $0x1F40  }
0x299: {  	[sflag:s8] =	ssyncset.done $0x0  }
0x29a: {  	s17 =	simm.s32 $0x5;
	[sflag:s8] =	ssyncadd.s32 $0xFFFFE0C0  }
0x29b: {  	_ =	swait.ge [sflag:s17], $0x1F40  }
0x29c: {  	[sflag:s17] =	ssyncset.done $0x0  }
0x29d: {  	[sflag:s17] =	ssyncadd.s32 $0xFFFFE0C0  }
0x29e: {  	_ =	swait.ge [sflag:s21], $0x1F40  }
0x29f: {  	[sflag:s21] =	ssyncset.done $0x0  }
0x2a0: {  	[sflag:s21] =	ssyncadd.s32 $0xFFFFE0C0  }
0x2a1: {  	_ =	swait.ge [sflag:s28], $0x3E8  }
0x2a2: {  	s17 =	rddreg [dreg:$0x11]  }
0x2a3: {  	s8 =	sshrl.u32 s17, $0x3;
	s17 =	sld [smem:$0x7F9]  }
0x2a4: {  	[sflag:s28] =	ssyncset.done $0x0  }
0x2a5: {  	[sflag:s28] =	ssyncadd.s32 $0xFFFFFC18  }
0x2a6: {  	[spmem:s8], [sflag:s20] =	dma.local [hbm:s17], $0x3E8  }
0x2a7: {  	_ =	swait.ge [sflag:s12], $0x1F40  }
0x2a8: {  	[sflag:s12] =	ssyncset.done $0x0  }
0x2a9: {  	s17 =	rddreg [dreg:$0x13];
	[sflag:s12] =	ssyncadd.s32 $0xFFFFE0C0  }
0x2aa: {  	[tilespmem:s31], [sflag:$0x1] =	stream.linear.gather [spmem:s17], $0x1F40, $0x38;
	[tilespmem:$0x1FE00] =	vst v63  }
0x2ab: {  	s17 =	sld [smem:$0x7F6];
	_ =	sdelay $0x1  }
0x2ac: {  	s8 =	simm.s32 $0x15D40  }
0x2ad: {  	[tilespmem:s8], [sflag:$0x2] =	stream.linear.gather [hbm4b:s17+s5], $0x1F40, $0x38;
	[tilespmem:$0x1FE00] =	vst v63  }
0x2ae: {  	_ = 	snop  }
0x2af: {  	[tilespmem:s18], [sflag:$0x3] =	stream.linear.gather [hbm4b:s14+s5], $0x1F40, $0x38;
	[tilespmem:$0x1FE00] =	vst v63  }
0x2b0: {  	s18 =	simm.s32 $0x0  }
0x2b1: {  	v7 =	vld [tilespmem:s18+$0x1BB00]  }
0x2b2: {  	v2 =	vld [tilespmem:s18+$0x19BC0]  }
0x2b3: {  	v0 =	vld [tilespmem:s18+$0x1BB10]  }
0x2b4: {  	v3 =	vld [tilespmem:s18+$0x19BD0]  }
0x2b5: {  	v1 =	vld [tilespmem:s18+$0x1BB20]  }
0x2b6: {  	v5 =	vld [tilespmem:s18+$0x19BE0]  }
0x2b7: {  	v4 =	vld [tilespmem:s18+$0x1BB30]  }
0x2b8: {  	v6 =	vld [tilespmem:s18+$0x19BF0]  }
0x2b9: {  	v10 =	vld [tilespmem:s18+$0x1DA40]  }
0x2ba: {  	v9 =	vld [tilespmem:s18+$0x1DA50]  }
0x2bb: {  	s29 =	simm.s32 $0x100;
	s17 =	simm.s32 $0x17C80;
	v8 =	vld [tilespmem:s18+$0x1DA60]  }
.LBB2_23:
0x2bc: {  	s5 =	sshra.s32 s29, $0x2;
	p0 =	sne.s32 s29, $0x7C00;
	v11 =	vld [tilespmem:s18+$0x1DA70]  }
0x2bd: {  	v12 =	vld [tilespmem:s5+$0x1BB00]  }
0x2be: {  	v7 =	vmul.f32 v2, v7;
	v10 =	vmul.f32 $5.000000000e-01, v10;
	v2 =	vld [tilespmem:s5+$0x19BC0]  }
0x2bf: {  	v13 =	vmul.f32 v3, v0;
	v9 =	vmul.f32 $5.000000000e-01, v9;
	v0 =	vld [tilespmem:s5+$0x1BB10]  }
0x2c0: {  	v3 =	vld [tilespmem:s5+$0x19BD0];
	v14 =	vadd.f32 v7, v10;
	v8 =	vmul.f32 $5.000000000e-01, v8;
	v10 =	vmul.f32 v5, v1  }
0x2c1: {  	v6 =	vmul.f32 v6, v4;
	v1 =	vld [tilespmem:s5+$0x1BB20];
	v9 =	vadd.f32 v13, v9;
	v11 =	vmul.f32 $5.000000000e-01, v11  }
0x2c2: {  	v5 =	vld [tilespmem:s5+$0x19BE0];
	[tilespmem:s18+$0x1DA40] =	vst v14;
	v8 =	vadd.f32 v10, v8;
	v7 =	vmov v12  }
.Ltmp10:
0x2c3: {  	v4 =	vld [tilespmem:s5+$0x1BB30];
	[tilespmem:s18+$0x1DA50] =	vst v9;
	v9 =	vadd.f32 v6, v11;
	(pc) =	sbr.rel @p0 .LBB2_23-.Ltmp10, $4  }
0x2c4: {  	v6 =	vld [tilespmem:s5+$0x19BF0];
	[tilespmem:s18+$0x1DA60] =	vst v8  }
0x2c5: {  	v10 =	vld [tilespmem:s5+$0x1DA40];
	[tilespmem:s18+$0x1DA70] =	vst v9;
	s18 =	smov.u32 s5  }
0x2c6: {  	v9 =	vld [tilespmem:s18+$0x1DA50]  }
0x2c7: {  	s29 =	sadd.s32 $0x100, s29;
	v8 =	vld [tilespmem:s18+$0x1DA60]  }
0x2c8: {  	v11 =	vld [tilespmem:s18+$0x1DA70];
	_ =	sdelay $0x1  }
0x2c9: {  	v2 =	vmul.f32 v2, v7;
	v10 =	vmul.f32 $5.000000000e-01, v10  }
0x2ca: {  	v0 =	vmul.f32 v3, v0;
	v7 =	vmul.f32 $5.000000000e-01, v9  }
0x2cb: {  	v1 =	vmul.f32 v5, v1;
	v2 =	vadd.f32 v2, v10;
	v3 =	vmul.f32 $5.000000000e-01, v8  }
0x2cc: {  	v4 =	vmul.f32 v6, v4;
	v0 =	vadd.f32 v0, v7;
	v5 =	vmul.f32 $5.000000000e-01, v11  }
0x2cd: {  	[tilespmem:s18+$0x1DA40] =	vst v2;
	v1 =	vadd.f32 v1, v3  }
0x2ce: {  	[tilespmem:s18+$0x1DA50] =	vst v0;
	v0 =	vadd.f32 v4, v5  }
0x2cf: {  	[tilespmem:s18+$0x1DA60] =	vst v1  }
0x2d0: {  	[tilespmem:s18+$0x1DA70] =	vst v0  }
0x2d1: {  	[hbm4b:s15+s3] =	stream.linear.scatter [tilespmem:s19], [sflag:$0xF], $0x1F40, $0x38;
	[tilespmem:$0x1FE00] =	vst v63  }
0x2d2: {  	_ =	swait.ge [sflag:s24], $0x1F40  }
0x2d3: {  	[sflag:s24] =	ssyncset.done $0x0  }
0x2d4: {  	[sflag:s24] =	ssyncadd.s32 $0xFFFFE0C0  }
0x2d5: {  	_ =	swait.ge [sflag:s26], $0x1F40  }
0x2d6: {  	[sflag:s26] =	ssyncset.done $0x0  }
0x2d7: {  	[sflag:s26] =	ssyncadd.s32 $0xFFFFE0C0  }
0x2d8: {  	_ =	swait.ge [sflag:s10], $0x1F40  }
0x2d9: {  	[sflag:s10] =	ssyncset.done $0x0  }
0x2da: {  	[sflag:s10] =	ssyncadd.s32 $0xFFFFE0C0  }
0x2db: {  	_ =	swait.ge [sflag:s28], $0x3E8  }
0x2dc: {  	s8 =	sld [smem:$0x7F7]  }
0x2dd: {  	[sflag:s28] =	ssyncset.done $0x0;
	s5 =	rddreg [dreg:$0x13]  }
0x2de: {  	s18 =	simm.s32 $0x1F40;
	[sflag:s28] =	ssyncadd.s32 $0xFFFFFC18;
	s5 =	sshrl.u32 s5, $0x3  }
0x2df: {  	[spmem:s5], [sflag:s20] =	dma.local [hbm:s8], $0x3E8  }
0x2e0: {  	v7 =	vld [tilespmem:s18+$0x13E00]  }
0x2e1: {  	v2 =	vld [tilespmem:s18+$0x11EC0]  }
0x2e2: {  	v0 =	vld [tilespmem:s18+$0x13E10]  }
0x2e3: {  	v3 =	vld [tilespmem:s18+$0x11ED0]  }
0x2e4: {  	v1 =	vld [tilespmem:s18+$0x13E20]  }
0x2e5: {  	v5 =	vld [tilespmem:s18+$0x11EE0]  }
0x2e6: {  	v4 =	vld [tilespmem:s18+$0x13E30]  }
0x2e7: {  	v6 =	vld [tilespmem:s18+$0x11EF0]  }
0x2e8: {  	v10 =	vld [tilespmem:s18+$0x15D40]  }
0x2e9: {  	v9 =	vld [tilespmem:s18+$0x15D50]  }
0x2ea: {  	s20 =	simm.s32 $0x7E00;
	v8 =	vld [tilespmem:s18+$0x15D60]  }
.LBB2_25:
0x2eb: {  	s5 =	sshra.s32 s20, $0x2;
	p0 =	sne.s32 s20, $0xF900;
	v11 =	vld [tilespmem:s18+$0x15D70]  }
0x2ec: {  	v12 =	vld [tilespmem:s5+$0x13E00]  }
0x2ed: {  	v7 =	vmul.f32 v2, v7;
	v10 =	vmul.f32 $5.000000000e-01, v10;
	v2 =	vld [tilespmem:s5+$0x11EC0]  }
0x2ee: {  	v13 =	vmul.f32 v3, v0;
	v9 =	vmul.f32 $5.000000000e-01, v9;
	v0 =	vld [tilespmem:s5+$0x13E10]  }
0x2ef: {  	v3 =	vld [tilespmem:s5+$0x11ED0];
	v14 =	vadd.f32 v7, v10;
	v8 =	vmul.f32 $5.000000000e-01, v8;
	v10 =	vmul.f32 v5, v1  }
0x2f0: {  	v6 =	vmul.f32 v6, v4;
	v1 =	vld [tilespmem:s5+$0x13E20];
	v9 =	vadd.f32 v13, v9;
	v11 =	vmul.f32 $5.000000000e-01, v11  }
0x2f1: {  	v5 =	vld [tilespmem:s5+$0x11EE0];
	[tilespmem:s18+$0x15D40] =	vst v14;
	v8 =	vadd.f32 v10, v8;
	v7 =	vmov v12  }
.Ltmp11:
0x2f2: {  	v4 =	vld [tilespmem:s5+$0x13E30];
	[tilespmem:s18+$0x15D50] =	vst v9;
	v9 =	vadd.f32 v6, v11;
	(pc) =	sbr.rel @p0 .LBB2_25-.Ltmp11, $4  }
0x2f3: {  	v6 =	vld [tilespmem:s5+$0x11EF0];
	[tilespmem:s18+$0x15D60] =	vst v8  }
0x2f4: {  	v10 =	vld [tilespmem:s5+$0x15D40];
	[tilespmem:s18+$0x15D70] =	vst v9;
	s18 =	smov.u32 s5  }
0x2f5: {  	v9 =	vld [tilespmem:s18+$0x15D50]  }
0x2f6: {  	s20 =	sadd.s32 $0x100, s20;
	v8 =	vld [tilespmem:s18+$0x15D60]  }
0x2f7: {  	v11 =	vld [tilespmem:s18+$0x15D70];
	_ =	sdelay $0x1  }
0x2f8: {  	v2 =	vmul.f32 v2, v7;
	v10 =	vmul.f32 $5.000000000e-01, v10  }
0x2f9: {  	v0 =	vmul.f32 v3, v0;
	v60 =	vmul.f32 $5.000000000e-01, v9  }
0x2fa: {  	v1 =	vmul.f32 v5, v1;
	v2 =	vadd.f32 v2, v10;
	v61 =	vmul.f32 $5.000000000e-01, v8  }
0x2fb: {  	v4 =	vmul.f32 v6, v4;
	v0 =	vadd.f32 v0, v60;
	v62 =	vmul.f32 $5.000000000e-01, v11  }
0x2fc: {  	[tilespmem:s18+$0x15D40] =	vst v2;
	v1 =	vadd.f32 v1, v61  }
0x2fd: {  	[tilespmem:s18+$0x15D50] =	vst v0;
	v63 =	vadd.f32 v4, v62  }
0x2fe: {  	[tilespmem:s18+$0x15D60] =	vst v1  }
0x2ff: {  	[tilespmem:s18+$0x15D70] =	vst v63  }
0x300: {  	[hbm4b:s14+s3] =	stream.linear.scatter [tilespmem:s17], [sflag:$0xE], $0x1F40, $0x38;
	[tilespmem:$0x1FE00] =	vst v63  }
0x301: {  	_ =	swait.ge [sflag:s12], $0x1F40  }
0x302: {  	[sflag:s12] =	ssyncset.done $0x0  }
0x303: {  	[sflag:s12] =	ssyncadd.s32 $0xFFFFE0C0  }
0x304: {  	_ =	swait.ge [sflag:s11], $0x1F40  }
0x305: {  	s16 =	sadd.s32 $0x1, s16;
	[sflag:s11] =	ssyncset.done $0x0  }
0x306: {  	p0 =	sne.s32 s16, $0x10;
	[sflag:s11] =	ssyncadd.s32 $0xFFFFE0C0  }
.Ltmp12:
0x307: {  	_ =	swait.ge [sflag:s28], $0x3E8;
	(pc) =	sbr.rel @p0 .LBB2_14-.Ltmp12, $3  }
0x308: {  	[sflag:s28] =	ssyncset.done $0x0  }
0x309: {  	[sflag:s28] =	ssyncadd.s32 $0xFFFFFC18  }
0x30a: {  	[bflag:$0x0] =	sbarrier.arrive $0xFFFF;
	_ =	sdelay $0x1  }
0x30b: {  	s8 =	rddreg [dreg:$0x1a]  }
0x30c: {  	s5 =	rddreg [dreg:$0x15];
	s8 =	sadd.s32 $0x1, s8  }
0x30d: {  	p0 =	sne.s32 s8, s5  }
.Ltmp13:
0x30e: {  	_ = 	snop;
	(pc) =	sbr.rel @p0 .LBB2_1-.Ltmp13, $3  }
0x30f: {  	_ =	sdelay $0x1  }
0x310: {  	s20 =	rddreg [dreg:$0xa]  }
0x311: {  	s29 =	rddreg [dreg:$0xc];
	s18 =	simm.s32 $0x10  }
0x312: {  	_ =	sfence.sel $0x180000  }
0x313: {  	[bflag:$0x0] =	sbarrier.arrive $0xFFFF  }
0x314: {  	_ =	strace $0x90000047  }
0x315: {  	s0 =	stileid.u32;
	[bflag:$0x2] =	sbarrier.arrive $0xFFFF  }
0x316: {  	p0 =	sne.s32 s0, $0x0;
	s0 =	rddreg [dreg:$0x3]  }
0x317: {  	s0 =	sadd.s32 @!p0 $0x100000, s0  }
0x318: {  	[sflag:s0] =	ssyncadd.tile.s32 @!p0 $0x1;
	_ =	shalt  }
.Lfunc_end2:
_tile_overlayer_lowered:
.L_overlay_start_2:
0x319: {  	(tag) =	ssettag $0x2  }
0x31a: {  	s0 =	rddreg [dreg:$0x0];
	s2 =	stileid.u32  }
0x31b: {  	s1 =	rddreg [dreg:$0x1];
	p0 =	sne.s32 s2, $0x0  }
0x31c: {  	s3 =	rddreg [dreg:$0x2];
	[bflag:$0x3] =	sbarrier.arrive $0xFFFF;
	s2 =	simm.s32 @!p0 $0x1C10  }
0x31d: {  	[timem:s3], [sflag:s2] =	dma.local @!p0 [hbm:s0], s1  }
0x31e: {  	s0 =	simm.s32 @!p0 $0x10  }
0x31f: {  	_ =	swait.ge @!p0 [sflag:s0], s1  }
0x320: {  	s1 =	ssub.s32 @!p0 $0x0, s1;
	[sflag:s0] =	ssyncset.done @!p0 $0x0  }
0x321: {  	[sflag:s0] =	ssyncadd.s32 @!p0 s1  }
0x322: {  	[bflag:$0x3] =	sbarrier.arrive $0xFFFF  }
0x323: {  	_ =	shalt  }

</sc_bundles>
